<compile_context>
chip_gen: v7x
topology: tpu7x:2x2x1
jax: 0.10.2.dev20260603
libtpu: 0.0.44.dev20260713+nightly
codegen_flags: <defaults>
</compile_context>

<pallas_src>
import jax
import jax.numpy as jnp
from jax import lax
from jax.experimental import pallas as pl
from jax.experimental.pallas import tpu as pltpu
from jax.experimental.pallas import tpu_sc as plsc

DIM = 768
N_EXPERTS = 64
TOPK = 8
N_GROUPS = 8
GROUP_SIZE = 8
N_TOPK_GROUP = 4
ROUTED_SCALE = 2.5
T_TOTAL = 32768
NW = 32
CW = T_TOTAL // NW
LANES = 16
TBLK = 4096
WPB = TBLK // CW

_SORT8 = ((0, 1), (2, 3), (4, 5), (6, 7),
          (0, 2), (1, 3), (4, 6), (5, 7),
          (1, 2), (5, 6),
          (0, 4), (1, 5), (2, 6), (3, 7),
          (2, 4), (3, 5),
          (1, 2), (3, 4), (5, 6))
_BMERGE8 = ((0, 4), (1, 5), (2, 6), (3, 7),
            (0, 2), (1, 3), (4, 6), (5, 7),
            (0, 1), (2, 3), (4, 5), (6, 7))


def _scores_tc_kernel(x_ref, w_ref, b_ref, out_ref):
    z = lax.dot_general(w_ref[...], x_ref[...],
                        (((1,), (1,)), ((), ())),
                        preferred_element_type=jnp.float32)
    out_ref[...] = jax.nn.sigmoid(z) + b_ref[...]


def _ce(vals, idxs, a, b):
    c = vals[a] >= vals[b]
    hi = jnp.maximum(vals[a], vals[b])
    lo = jnp.minimum(vals[a], vals[b])
    ia = jnp.where(c, idxs[a], idxs[b])
    ib = jnp.where(c, idxs[b], idxs[a])
    vals[a], vals[b], idxs[a], idxs[b] = hi, lo, ia, ib


def _route_sc_kernel(scores_hbm, w_hbm, i_hbm, sv_ref, wp_ref, ip_ref):
    cid = lax.axis_index("c")
    sid = lax.axis_index("s")
    wid = sid * 2 + cid
    r0 = (wid // WPB) * N_EXPERTS
    c0 = (wid % WPB) * CW
    pltpu.sync_copy(scores_hbm.at[pl.ds(r0, N_EXPERTS), pl.ds(c0, CW)], sv_ref)

    neg = jnp.full((LANES,), -jnp.inf, jnp.float32)
    onei = jnp.full((LANES,), 1, jnp.int32)
    zeroi = jnp.full((LANES,), 0, jnp.int32)
    def step(t, carry):
        base = t * LANES

        gs = []
        for g in range(N_GROUPS):
            e0 = g * GROUP_SIZE
            v0 = sv_ref[e0, pl.ds(base, LANES)]
            v1 = sv_ref[e0 + 1, pl.ds(base, LANES)]
            m1 = jnp.maximum(v0, v1)
            m2 = jnp.minimum(v0, v1)
            for e in range(e0 + 2, e0 + GROUP_SIZE):
                v = sv_ref[e, pl.ds(base, LANES)]
                hi = jnp.maximum(m1, v)
                m2 = jnp.maximum(m2, jnp.minimum(m1, v))
                m1 = hi
            gs.append(m1 + m2)

        rank = [zeroi] * N_GROUPS
        for j in range(N_GROUPS):
            for g in range(j + 1, N_GROUPS):
                c = gs[j] >= gs[g]
                rank[g] = rank[g] + jnp.where(c, onei, zeroi)
                rank[j] = rank[j] + jnp.where(c, zeroi, onei)
        sel = [rank[g] < N_TOPK_GROUP for g in range(N_GROUPS)]

        rv = ri = None
        for g in range(N_GROUPS):
            e0 = g * GROUP_SIZE
            sv = [sv_ref[e0 + i, pl.ds(base, LANES)] for i in range(GROUP_SIZE)]
            si = [jnp.full((LANES,), e0 + i, jnp.int32) for i in range(GROUP_SIZE)]
            for (a, b) in _SORT8:
                _ce(sv, si, a, b)
            sv = [jnp.where(sel[g], val, neg) for val in sv]
            if rv is None:
                rv, ri = sv, si
            else:
                mv, mi = [], []
                for k in range(TOPK):
                    c = rv[k] >= sv[TOPK - 1 - k]
                    mv.append(jnp.maximum(rv[k], sv[TOPK - 1 - k]))
                    mi.append(jnp.where(c, ri[k], si[TOPK - 1 - k]))
                for (a, b) in _BMERGE8:
                    _ce(mv, mi, a, b)
                rv, ri = mv, mi

        total = rv[0]
        for k in range(1, TOPK):
            total = total + rv[k]
        inv = ROUTED_SCALE / total
        for k in range(TOPK):
            wp_ref[0, k, pl.ds(base, LANES)] = rv[k] * inv
            ip_ref[0, k, pl.ds(base, LANES)] = ri[k]
        return carry

    lax.fori_loop(0, CW // LANES, step, 0, unroll=False)

    pltpu.sync_copy(wp_ref, w_hbm.at[pl.ds(wid, 1)])
    pltpu.sync_copy(ip_ref, i_hbm.at[pl.ds(wid, 1)])


@jax.jit
def kernel(x, W, b):
    grid = T_TOTAL // TBLK
    scores = pl.pallas_call(
        _scores_tc_kernel,
        grid=(grid,),
        in_specs=[
            pl.BlockSpec((TBLK, DIM), lambda j: (j, 0)),
            pl.BlockSpec((N_EXPERTS, DIM), lambda j: (0, 0)),
            pl.BlockSpec((N_EXPERTS, 1), lambda j: (0, 0)),
        ],
        out_specs=pl.BlockSpec((N_EXPERTS, TBLK), lambda j: (j, 0)),
        out_shape=jax.ShapeDtypeStruct((grid * N_EXPERTS, TBLK), jnp.float32),
    )(x, W, b.reshape(N_EXPERTS, 1))

    mesh = plsc.VectorSubcoreMesh(core_axis_name="c", subcore_axis_name="s")
    route = pl.kernel(
        _route_sc_kernel,
        out_type=(
            jax.ShapeDtypeStruct((NW, TOPK, CW), jnp.float32),
            jax.ShapeDtypeStruct((NW, TOPK, CW), jnp.int32),
        ),
        mesh=mesh,
        scratch_types=[
            pltpu.VMEM((N_EXPERTS, CW), jnp.float32),
            pltpu.VMEM((1, TOPK, CW), jnp.float32),
            pltpu.VMEM((1, TOPK, CW), jnp.int32),
        ],
    )
    weights, indices = route(scores)
    weights = jnp.transpose(weights, (0, 2, 1)).reshape(T_TOTAL, TOPK)
    indices = jnp.transpose(indices, (0, 2, 1)).reshape(T_TOTAL, TOPK)
    return weights, indices

# --- scband reference (transcript-rebuilt; emitter-appended) ---
"""Pipeline reference for scband-gate-38225208934983 (READ-ONLY COPY).

The authoritative reference and input builder live on the scoring server;
editing this copy changes nothing except your own understanding.
"""

import jax, jax.numpy as jnp
import numpy as np

DIM = 768
N_ROUTED = 64
TOPK = 8
N_GROUPS = 8
N_TOPK_GROUP = 4
ROUTED_SCALE = 2.5
T = 32768  # batch 4 * seq_len 8192


def setup_inputs(seed: int = 0) -> dict:
    key = jax.random.key(seed)
    k1, k2, k3 = jax.random.split(key, 3)
    x = jax.random.normal(k1, (T, DIM), dtype=jnp.float32)
    W = jax.random.normal(k2, (N_ROUTED, DIM), dtype=jnp.float32) * 0.02
    b = jax.random.normal(k3, (N_ROUTED,), dtype=jnp.float32) * 0.01
    return {"x": x, "W": W, "b": b}


def reference(x, W, b):
    # scores = sigmoid(linear(x, W))
    scores = jax.nn.sigmoid(x @ W.T)
    # NOTE: the torch code does `scores += self.bias` IN PLACE, so
    # `original_scores` aliases the biased tensor; subsequent masked_fill_
    # also aliases. The gathered weights therefore come from the biased,
    # group-masked score tensor (finite at top-k positions).
    scores = scores + b
    n_tok = scores.shape[0]
    g = scores.reshape(n_tok, N_GROUPS, -1)
    # group score = sum of top-2 scores per group
    group_scores = jnp.sum(jax.lax.top_k(g, 2)[0], axis=-1)
    gidx = jax.lax.top_k(group_scores, N_TOPK_GROUP)[1]
    mask = jnp.ones((n_tok, N_GROUPS), dtype=bool).at[
        jnp.arange(n_tok)[:, None], gidx
    ].set(False)
    masked = jnp.where(mask[:, :, None], -jnp.inf, g).reshape(n_tok, -1)
    indices = jax.lax.top_k(masked, TOPK)[1]
    weights = jnp.take_along_axis(masked, indices, axis=1)
    weights = weights / jnp.sum(weights, axis=-1, keepdims=True)
    weights = weights * ROUTED_SCALE
    return weights.astype(x.dtype), indices

if __name__ == "__main__":
    import jax
    _d = setup_inputs()
    print(jax.jit(kernel)(*tuple(_d.values())))

</pallas_src>

<mosaic_0001>
#map = affine_map<(d0, d1) -> (0, 0)>
#map1 = affine_map<(d0, d1) -> (0, 0, 0)>
module attributes {stable_mosaic.version = 14 : i64} {
  func.func @_route_sc_kernel(%arg0: i32, %arg1: i32, %arg2: memref<512x4096xf32, #tpu.memory_space<hbm>>, %arg3: memref<32x8x1024xf32, #tpu.memory_space<hbm>>, %arg4: memref<32x8x1024xi32, #tpu.memory_space<hbm>>, %arg5: memref<64x1024xf32, #tpu.memory_space<vmem>>, %arg6: memref<1x8x1024xf32, #tpu.memory_space<vmem>>, %arg7: memref<1x8x1024xi32, #tpu.memory_space<vmem>>) attributes {dimension_semantics = [#tpu.dimension_semantics<core_parallel>, #tpu.dimension_semantics<subcore_parallel>], iteration_bounds = array<i64: 2, 16>, scalar_prefetch = 0 : i64, scratch_operands = 3 : i64, tpu.core_type = #tpu.core_type<sc_vector_subcore>, window_params = [{transform_indices = #map}, {transform_indices = #map1}, {transform_indices = #map1}]} {
    %mul3A = arith.constant 2 : i32
    %mul3A_0 = arith.muli %arg1, %mul3A : i32
    %add3A = arith.addi %mul3A_0, %arg0 : i32
    %jit3A = arith.constant 4 : i32
    %div3A = arith.divsi %add3A, %jit3A : i32
    %sign3A = arith.constant 0 : i32
    %sign3A_1 = arith.cmpi sgt, %add3A, %sign3A : i32
    %sign3A_2 = arith.extui %sign3A_1 : i1 to i32
    %sign3A_3 = arith.constant 0 : i32
    %sign3A_4 = arith.cmpi slt, %add3A, %sign3A_3 : i32
    %sign3A_5 = arith.extui %sign3A_4 : i1 to i32
    %sign3A_6 = arith.subi %sign3A_2, %sign3A_5 : i32
    %sign3A_7 = arith.constant 0 : i32
    %sign3A_8 = arith.cmpi sgt, %jit3A, %sign3A_7 : i32
    %sign3A_9 = arith.extui %sign3A_8 : i1 to i32
    %sign3A_10 = arith.constant 0 : i32
    %sign3A_11 = arith.cmpi slt, %jit3A, %sign3A_10 : i32
    %sign3A_12 = arith.extui %sign3A_11 : i1 to i32
    %sign3A_13 = arith.subi %sign3A_9, %sign3A_12 : i32
    %ne3A = arith.cmpi ne, %sign3A_6, %sign3A_13 : i32
    %rem3A = arith.remsi %add3A, %jit3A : i32
    %ne3A_14 = arith.constant 0 : i32
    %ne3A_15 = arith.cmpi ne, %rem3A, %ne3A_14 : i32
    %and3A = arith.andi %ne3A, %ne3A_15 : i1
    %sub3A = arith.constant 1 : i32
    %sub3A_16 = arith.subi %div3A, %sub3A : i32
    %select_n3A = arith.select %and3A, %sub3A_16, %div3A : i32
    %mul3A_17 = arith.constant 64 : i32
    %mul3A_18 = arith.muli %select_n3A, %mul3A_17 : i32
    %jit3A_19 = arith.constant 4 : i32
    %eq3A = arith.constant 0 : i32
    %eq3A_20 = arith.cmpi eq, %jit3A_19, %eq3A : i32
    %jit3A_21 = arith.constant 1 : i32
    %select_n3A_22 = arith.select %eq3A_20, %jit3A_21, %jit3A_19 : i32
    %rem3A_23 = arith.remsi %add3A, %select_n3A_22 : i32
    %ne3A_24 = arith.constant 0 : i32
    %ne3A_25 = arith.cmpi ne, %rem3A_23, %ne3A_24 : i32
    %lt3A = arith.constant 0 : i32
    %lt3A_26 = arith.cmpi slt, %rem3A_23, %lt3A : i32
    %lt3A_27 = arith.constant 0 : i32
    %lt3A_28 = arith.cmpi slt, %select_n3A_22, %lt3A_27 : i32
    %ne3A_29 = arith.xori %lt3A_26, %lt3A_28 : i1
    %and3A_30 = arith.andi %ne3A_29, %ne3A_25 : i1
    %add3A_31 = arith.addi %rem3A_23, %select_n3A_22 : i32
    %select_n3A_32 = arith.select %and3A_30, %add3A_31, %rem3A_23 : i32
    %mul3A_33 = arith.constant 1024 : i32
    %mul3A_34 = arith.muli %select_n3A_32, %mul3A_33 : i32
    "tpu.region"() ({
      %run_scoped3A = tpu.sem_alloc : memref<!tpu.dma_semaphore, #tpu.memory_space<semaphore_mem>>
      %dma_start3A = tpu.memref_slice %arg2[%mul3A_18, %mul3A_34] : memref<512x4096xf32, #tpu.memory_space<hbm>> -> memref<64x1024xf32, #tpu.memory_space<hbm>>
      %dma_start3A_45 = tpu.memref_slice %arg2[%mul3A_18, %mul3A_34] : memref<512x4096xf32, #tpu.memory_space<hbm>> -> memref<64x1024xf32, #tpu.memory_space<hbm>>
      tpu.enqueue_dma source(%dma_start3A_45 : memref<64x1024xf32, #tpu.memory_space<hbm>>) target(%arg5 : memref<64x1024xf32, #tpu.memory_space<vmem>>) target_semaphore(%run_scoped3A : memref<!tpu.dma_semaphore, #tpu.memory_space<semaphore_mem>>)
      %dma_wait3A = tpu.memref_slice %arg2[%mul3A_18, %mul3A_34] : memref<512x4096xf32, #tpu.memory_space<hbm>> -> memref<64x1024xf32, #tpu.memory_space<hbm>>
      %dma_wait3A_46 = tpu.memref_slice %arg2[%mul3A_18, %mul3A_34] : memref<512x4096xf32, #tpu.memory_space<hbm>> -> memref<64x1024xf32, #tpu.memory_space<hbm>>
      tpu.wait_dma2 semaphore(%run_scoped3A : memref<!tpu.dma_semaphore, #tpu.memory_space<semaphore_mem>>) src(%dma_wait3A_46 : memref<64x1024xf32, #tpu.memory_space<hbm>>) dst(%arg5 : memref<64x1024xf32, #tpu.memory_space<vmem>>)
      tpu.yield
    }) : () -> ()
    %broadcast_in_dim3A = arith.constant 0xFF800000 : f32
    %broadcast_in_dim3A_35 = vector.broadcast %broadcast_in_dim3A : f32 to vector<16xf32>
    %broadcast_in_dim3A_36 = arith.constant 1 : i32
    %broadcast_in_dim3A_37 = vector.broadcast %broadcast_in_dim3A_36 : i32 to vector<16xi32>
    %broadcast_in_dim3A_38 = arith.constant 0 : i32
    %broadcast_in_dim3A_39 = vector.broadcast %broadcast_in_dim3A_38 : i32 to vector<16xi32>
    %scan3A = arith.constant 0 : i32
    %scan3A_40 = arith.constant 0 : i32
    %scan3A_41 = arith.constant 64 : i32
    %scan3A_42 = arith.addi %scan3A_40, %scan3A_41 : i32
    %scan3A_43 = arith.constant 1 : i32
    scf.for %scan3A_45 = %scan3A_40 to %scan3A_42 step %scan3A_43  : i32 {
      %mul3A_46 = arith.constant 16 : i32
      %mul3A_47 = arith.muli %scan3A_45, %mul3A_46 : i32
      %get3A = arith.constant 0 : i32
      %get3A_48 = arith.index_cast %get3A : i32 to index
      %get3A_49 = arith.index_cast %mul3A_47 : i32 to index
      %get3A_50 = tpu.vector_load %arg5[%get3A_48, %get3A_49] {strides = array<i32>} : memref<64x1024xf32, #tpu.memory_space<vmem>>, vector<1x16xf32>,
      %get3A_51 = vector.shape_cast %get3A_50 : vector<1x16xf32> to vector<16xf32>
      %get3A_52 = arith.constant 1 : i32
      %get3A_53 = arith.index_cast %get3A_52 : i32 to index
      %get3A_54 = arith.index_cast %mul3A_47 : i32 to index
      %get3A_55 = tpu.vector_load %arg5[%get3A_53, %get3A_54] {strides = array<i32>} : memref<64x1024xf32, #tpu.memory_space<vmem>>, vector<1x16xf32>,
      %get3A_56 = vector.shape_cast %get3A_55 : vector<1x16xf32> to vector<16xf32>
      %max3A = arith.maximumf %get3A_51, %get3A_56 : vector<16xf32>
      %min3A = arith.minimumf %get3A_51, %get3A_56 : vector<16xf32>
      %get3A_57 = arith.constant 2 : i32
      %get3A_58 = arith.index_cast %get3A_57 : i32 to index
      %get3A_59 = arith.index_cast %mul3A_47 : i32 to index
      %get3A_60 = tpu.vector_load %arg5[%get3A_58, %get3A_59] {strides = array<i32>} : memref<64x1024xf32, #tpu.memory_space<vmem>>, vector<1x16xf32>,
      %get3A_61 = vector.shape_cast %get3A_60 : vector<1x16xf32> to vector<16xf32>
      %max3A_62 = arith.maximumf %max3A, %get3A_61 : vector<16xf32>
      %min3A_63 = arith.minimumf %max3A, %get3A_61 : vector<16xf32>
      %max3A_64 = arith.maximumf %min3A, %min3A_63 : vector<16xf32>
      %get3A_65 = arith.constant 3 : i32
      %get3A_66 = arith.index_cast %get3A_65 : i32 to index
      %get3A_67 = arith.index_cast %mul3A_47 : i32 to index
      %get3A_68 = tpu.vector_load %arg5[%get3A_66, %get3A_67] {strides = array<i32>} : memref<64x1024xf32, #tpu.memory_space<vmem>>, vector<1x16xf32>,
      %get3A_69 = vector.shape_cast %get3A_68 : vector<1x16xf32> to vector<16xf32>
      %max3A_70 = arith.maximumf %max3A_62, %get3A_69 : vector<16xf32>
      %min3A_71 = arith.minimumf %max3A_62, %get3A_69 : vector<16xf32>
      %max3A_72 = arith.maximumf %max3A_64, %min3A_71 : vector<16xf32>
      %get3A_73 = arith.constant 4 : i32
      %get3A_74 = arith.index_cast %get3A_73 : i32 to index
      %get3A_75 = arith.index_cast %mul3A_47 : i32 to index
      %get3A_76 = tpu.vector_load %arg5[%get3A_74, %get3A_75] {strides = array<i32>} : memref<64x1024xf32, #tpu.memory_space<vmem>>, vector<1x16xf32>,
      %get3A_77 = vector.shape_cast %get3A_76 : vector<1x16xf32> to vector<16xf32>
      %max3A_78 = arith.maximumf %max3A_70, %get3A_77 : vector<16xf32>
      %min3A_79 = arith.minimumf %max3A_70, %get3A_77 : vector<16xf32>
      %max3A_80 = arith.maximumf %max3A_72, %min3A_79 : vector<16xf32>
      %get3A_81 = arith.constant 5 : i32
      %get3A_82 = arith.index_cast %get3A_81 : i32 to index
      %get3A_83 = arith.index_cast %mul3A_47 : i32 to index
      %get3A_84 = tpu.vector_load %arg5[%get3A_82, %get3A_83] {strides = array<i32>} : memref<64x1024xf32, #tpu.memory_space<vmem>>, vector<1x16xf32>,
      %get3A_85 = vector.shape_cast %get3A_84 : vector<1x16xf32> to vector<16xf32>
      %max3A_86 = arith.maximumf %max3A_78, %get3A_85 : vector<16xf32>
      %min3A_87 = arith.minimumf %max3A_78, %get3A_85 : vector<16xf32>
      %max3A_88 = arith.maximumf %max3A_80, %min3A_87 : vector<16xf32>
      %get3A_89 = arith.constant 6 : i32
      %get3A_90 = arith.index_cast %get3A_89 : i32 to index
      %get3A_91 = arith.index_cast %mul3A_47 : i32 to index
      %get3A_92 = tpu.vector_load %arg5[%get3A_90, %get3A_91] {strides = array<i32>} : memref<64x1024xf32, #tpu.memory_space<vmem>>, vector<1x16xf32>,
      %get3A_93 = vector.shape_cast %get3A_92 : vector<1x16xf32> to vector<16xf32>
      %max3A_94 = arith.maximumf %max3A_86, %get3A_93 : vector<16xf32>
      %min3A_95 = arith.minimumf %max3A_86, %get3A_93 : vector<16xf32>
      %max3A_96 = arith.maximumf %max3A_88, %min3A_95 : vector<16xf32>
      %get3A_97 = arith.constant 7 : i32
      %get3A_98 = arith.index_cast %get3A_97 : i32 to index
      %get3A_99 = arith.index_cast %mul3A_47 : i32 to index
      %get3A_100 = tpu.vector_load %arg5[%get3A_98, %get3A_99] {strides = array<i32>} : memref<64x1024xf32, #tpu.memory_space<vmem>>, vector<1x16xf32>,
      %get3A_101 = vector.shape_cast %get3A_100 : vector<1x16xf32> to vector<16xf32>
      %max3A_102 = arith.maximumf %max3A_94, %get3A_101 : vector<16xf32>
      %min3A_103 = arith.minimumf %max3A_94, %get3A_101 : vector<16xf32>
      %max3A_104 = arith.maximumf %max3A_96, %min3A_103 : vector<16xf32>
      %add3A_105 = arith.addf %max3A_102, %max3A_104 : vector<16xf32>
      %get3A_106 = arith.constant 8 : i32
      %get3A_107 = arith.index_cast %get3A_106 : i32 to index
      %get3A_108 = arith.index_cast %mul3A_47 : i32 to index
      %get3A_109 = tpu.vector_load %arg5[%get3A_107, %get3A_108] {strides = array<i32>} : memref<64x1024xf32, #tpu.memory_space<vmem>>, vector<1x16xf32>,
      %get3A_110 = vector.shape_cast %get3A_109 : vector<1x16xf32> to vector<16xf32>
      %get3A_111 = arith.constant 9 : i32
      %get3A_112 = arith.index_cast %get3A_111 : i32 to index
      %get3A_113 = arith.index_cast %mul3A_47 : i32 to index
      %get3A_114 = tpu.vector_load %arg5[%get3A_112, %get3A_113] {strides = array<i32>} : memref<64x1024xf32, #tpu.memory_space<vmem>>, vector<1x16xf32>,
      %get3A_115 = vector.shape_cast %get3A_114 : vector<1x16xf32> to vector<16xf32>
      %max3A_116 = arith.maximumf %get3A_110, %get3A_115 : vector<16xf32>
      %min3A_117 = arith.minimumf %get3A_110, %get3A_115 : vector<16xf32>
      %get3A_118 = arith.constant 10 : i32
      %get3A_119 = arith.index_cast %get3A_118 : i32 to index
      %get3A_120 = arith.index_cast %mul3A_47 : i32 to index
      %get3A_121 = tpu.vector_load %arg5[%get3A_119, %get3A_120] {strides = array<i32>} : memref<64x1024xf32, #tpu.memory_space<vmem>>, vector<1x16xf32>,
      %get3A_122 = vector.shape_cast %get3A_121 : vector<1x16xf32> to vector<16xf32>
      %max3A_123 = arith.maximumf %max3A_116, %get3A_122 : vector<16xf32>
      %min3A_124 = arith.minimumf %max3A_116, %get3A_122 : vector<16xf32>
      %max3A_125 = arith.maximumf %min3A_117, %min3A_124 : vector<16xf32>
      %get3A_126 = arith.constant 11 : i32
      %get3A_127 = arith.index_cast %get3A_126 : i32 to index
      %get3A_128 = arith.index_cast %mul3A_47 : i32 to index
      %get3A_129 = tpu.vector_load %arg5[%get3A_127, %get3A_128] {strides = array<i32>} : memref<64x1024xf32, #tpu.memory_space<vmem>>, vector<1x16xf32>,
      %get3A_130 = vector.shape_cast %get3A_129 : vector<1x16xf32> to vector<16xf32>
      %max3A_131 = arith.maximumf %max3A_123, %get3A_130 : vector<16xf32>
      %min3A_132 = arith.minimumf %max3A_123, %get3A_130 : vector<16xf32>
      %max3A_133 = arith.maximumf %max3A_125, %min3A_132 : vector<16xf32>
      %get3A_134 = arith.constant 12 : i32
      %get3A_135 = arith.index_cast %get3A_134 : i32 to index
      %get3A_136 = arith.index_cast %mul3A_47 : i32 to index
      %get3A_137 = tpu.vector_load %arg5[%get3A_135, %get3A_136] {strides = array<i32>} : memref<64x1024xf32, #tpu.memory_space<vmem>>, vector<1x16xf32>,
      %get3A_138 = vector.shape_cast %get3A_137 : vector<1x16xf32> to vector<16xf32>
      %max3A_139 = arith.maximumf %max3A_131, %get3A_138 : vector<16xf32>
      %min3A_140 = arith.minimumf %max3A_131, %get3A_138 : vector<16xf32>
      %max3A_141 = arith.maximumf %max3A_133, %min3A_140 : vector<16xf32>
      %get3A_142 = arith.constant 13 : i32
      %get3A_143 = arith.index_cast %get3A_142 : i32 to index
      %get3A_144 = arith.index_cast %mul3A_47 : i32 to index
      %get3A_145 = tpu.vector_load %arg5[%get3A_143, %get3A_144] {strides = array<i32>} : memref<64x1024xf32, #tpu.memory_space<vmem>>, vector<1x16xf32>,
      %get3A_146 = vector.shape_cast %get3A_145 : vector<1x16xf32> to vector<16xf32>
      %max3A_147 = arith.maximumf %max3A_139, %get3A_146 : vector<16xf32>
      %min3A_148 = arith.minimumf %max3A_139, %get3A_146 : vector<16xf32>
      %max3A_149 = arith.maximumf %max3A_141, %min3A_148 : vector<16xf32>
      %get3A_150 = arith.constant 14 : i32
      %get3A_151 = arith.index_cast %get3A_150 : i32 to index
      %get3A_152 = arith.index_cast %mul3A_47 : i32 to index
      %get3A_153 = tpu.vector_load %arg5[%get3A_151, %get3A_152] {strides = array<i32>} : memref<64x1024xf32, #tpu.memory_space<vmem>>, vector<1x16xf32>,
      %get3A_154 = vector.shape_cast %get3A_153 : vector<1x16xf32> to vector<16xf32>
      %max3A_155 = arith.maximumf %max3A_147, %get3A_154 : vector<16xf32>
      %min3A_156 = arith.minimumf %max3A_147, %get3A_154 : vector<16xf32>
      %max3A_157 = arith.maximumf %max3A_149, %min3A_156 : vector<16xf32>
      %get3A_158 = arith.constant 15 : i32
      %get3A_159 = arith.index_cast %get3A_158 : i32 to index
      %get3A_160 = arith.index_cast %mul3A_47 : i32 to index
      %get3A_161 = tpu.vector_load %arg5[%get3A_159, %get3A_160] {strides = array<i32>} : memref<64x1024xf32, #tpu.memory_space<vmem>>, vector<1x16xf32>,
      %get3A_162 = vector.shape_cast %get3A_161 : vector<1x16xf32> to vector<16xf32>
      %max3A_163 = arith.maximumf %max3A_155, %get3A_162 : vector<16xf32>
      %min3A_164 = arith.minimumf %max3A_155, %get3A_162 : vector<16xf32>
      %max3A_165 = arith.maximumf %max3A_157, %min3A_164 : vector<16xf32>
      %add3A_166 = arith.addf %max3A_163, %max3A_165 : vector<16xf32>
      %get3A_167 = arith.constant 16 : i32
      %get3A_168 = arith.index_cast %get3A_167 : i32 to index
      %get3A_169 = arith.index_cast %mul3A_47 : i32 to index
      %get3A_170 = tpu.vector_load %arg5[%get3A_168, %get3A_169] {strides = array<i32>} : memref<64x1024xf32, #tpu.memory_space<vmem>>, vector<1x16xf32>,
      %get3A_171 = vector.shape_cast %get3A_170 : vector<1x16xf32> to vector<16xf32>
      %get3A_172 = arith.constant 17 : i32
      %get3A_173 = arith.index_cast %get3A_172 : i32 to index
      %get3A_174 = arith.index_cast %mul3A_47 : i32 to index
      %get3A_175 = tpu.vector_load %arg5[%get3A_173, %get3A_174] {strides = array<i32>} : memref<64x1024xf32, #tpu.memory_space<vmem>>, vector<1x16xf32>,
      %get3A_176 = vector.shape_cast %get3A_175 : vector<1x16xf32> to vector<16xf32>
      %max3A_177 = arith.maximumf %get3A_171, %get3A_176 : vector<16xf32>
      %min3A_178 = arith.minimumf %get3A_171, %get3A_176 : vector<16xf32>
      %get3A_179 = arith.constant 18 : i32
      %get3A_180 = arith.index_cast %get3A_179 : i32 to index
      %get3A_181 = arith.index_cast %mul3A_47 : i32 to index
      %get3A_182 = tpu.vector_load %arg5[%get3A_180, %get3A_181] {strides = array<i32>} : memref<64x1024xf32, #tpu.memory_space<vmem>>, vector<1x16xf32>,
      %get3A_183 = vector.shape_cast %get3A_182 : vector<1x16xf32> to vector<16xf32>
      %max3A_184 = arith.maximumf %max3A_177, %get3A_183 : vector<16xf32>
      %min3A_185 = arith.minimumf %max3A_177, %get3A_183 : vector<16xf32>
      %max3A_186 = arith.maximumf %min3A_178, %min3A_185 : vector<16xf32>
      %get3A_187 = arith.constant 19 : i32
      %get3A_188 = arith.index_cast %get3A_187 : i32 to index
      %get3A_189 = arith.index_cast %mul3A_47 : i32 to index
      %get3A_190 = tpu.vector_load %arg5[%get3A_188, %get3A_189] {strides = array<i32>} : memref<64x1024xf32, #tpu.memory_space<vmem>>, vector<1x16xf32>,
      %get3A_191 = vector.shape_cast %get3A_190 : vector<1x16xf32> to vector<16xf32>
      %max3A_192 = arith.maximumf %max3A_184, %get3A_191 : vector<16xf32>
      %min3A_193 = arith.minimumf %max3A_184, %get3A_191 : vector<16xf32>
      %max3A_194 = arith.maximumf %max3A_186, %min3A_193 : vector<16xf32>
      %get3A_195 = arith.constant 20 : i32
      %get3A_196 = arith.index_cast %get3A_195 : i32 to index
      %get3A_197 = arith.index_cast %mul3A_47 : i32 to index
      %get3A_198 = tpu.vector_load %arg5[%get3A_196, %get3A_197] {strides = array<i32>} : memref<64x1024xf32, #tpu.memory_space<vmem>>, vector<1x16xf32>,
      %get3A_199 = vector.shape_cast %get3A_198 : vector<1x16xf32> to vector<16xf32>
      %max3A_200 = arith.maximumf %max3A_192, %get3A_199 : vector<16xf32>
      %min3A_201 = arith.minimumf %max3A_192, %get3A_199 : vector<16xf32>
      %max3A_202 = arith.maximumf %max3A_194, %min3A_201 : vector<16xf32>
      %get3A_203 = arith.constant 21 : i32
      %get3A_204 = arith.index_cast %get3A_203 : i32 to index
      %get3A_205 = arith.index_cast %mul3A_47 : i32 to index
      %get3A_206 = tpu.vector_load %arg5[%get3A_204, %get3A_205] {strides = array<i32>} : memref<64x1024xf32, #tpu.memory_space<vmem>>, vector<1x16xf32>,
      %get3A_207 = vector.shape_cast %get3A_206 : vector<1x16xf32> to vector<16xf32>
      %max3A_208 = arith.maximumf %max3A_200, %get3A_207 : vector<16xf32>
      %min3A_209 = arith.minimumf %max3A_200, %get3A_207 : vector<16xf32>
      %max3A_210 = arith.maximumf %max3A_202, %min3A_209 : vector<16xf32>
      %get3A_211 = arith.constant 22 : i32
      %get3A_212 = arith.index_cast %get3A_211 : i32 to index
      %get3A_213 = arith.index_cast %mul3A_47 : i32 to index
      %get3A_214 = tpu.vector_load %arg5[%get3A_212, %get3A_213] {strides = array<i32>} : memref<64x1024xf32, #tpu.memory_space<vmem>>, vector<1x16xf32>,
      %get3A_215 = vector.shape_cast %get3A_214 : vector<1x16xf32> to vector<16xf32>
      %max3A_216 = arith.maximumf %max3A_208, %get3A_215 : vector<16xf32>
      %min3A_217 = arith.minimumf %max3A_208, %get3A_215 : vector<16xf32>
      %max3A_218 = arith.maximumf %max3A_210, %min3A_217 : vector<16xf32>
      %get3A_219 = arith.constant 23 : i32
      %get3A_220 = arith.index_cast %get3A_219 : i32 to index
      %get3A_221 = arith.index_cast %mul3A_47 : i32 to index
      %get3A_222 = tpu.vector_load %arg5[%get3A_220, %get3A_221] {strides = array<i32>} : memref<64x1024xf32, #tpu.memory_space<vmem>>, vector<1x16xf32>,
      %get3A_223 = vector.shape_cast %get3A_222 : vector<1x16xf32> to vector<16xf32>
      %max3A_224 = arith.maximumf %max3A_216, %get3A_223 : vector<16xf32>
      %min3A_225 = arith.minimumf %max3A_216, %get3A_223 : vector<16xf32>
      %max3A_226 = arith.maximumf %max3A_218, %min3A_225 : vector<16xf32>
      %add3A_227 = arith.addf %max3A_224, %max3A_226 : vector<16xf32>
      %get3A_228 = arith.constant 24 : i32
      %get3A_229 = arith.index_cast %get3A_228 : i32 to index
      %get3A_230 = arith.index_cast %mul3A_47 : i32 to index
      %get3A_231 = tpu.vector_load %arg5[%get3A_229, %get3A_230] {strides = array<i32>} : memref<64x1024xf32, #tpu.memory_space<vmem>>, vector<1x16xf32>,
      %get3A_232 = vector.shape_cast %get3A_231 : vector<1x16xf32> to vector<16xf32>
      %get3A_233 = arith.constant 25 : i32
      %get3A_234 = arith.index_cast %get3A_233 : i32 to index
      %get3A_235 = arith.index_cast %mul3A_47 : i32 to index
      %get3A_236 = tpu.vector_load %arg5[%get3A_234, %get3A_235] {strides = array<i32>} : memref<64x1024xf32, #tpu.memory_space<vmem>>, vector<1x16xf32>,
      %get3A_237 = vector.shape_cast %get3A_236 : vector<1x16xf32> to vector<16xf32>
      %max3A_238 = arith.maximumf %get3A_232, %get3A_237 : vector<16xf32>
      %min3A_239 = arith.minimumf %get3A_232, %get3A_237 : vector<16xf32>
      %get3A_240 = arith.constant 26 : i32
      %get3A_241 = arith.index_cast %get3A_240 : i32 to index
      %get3A_242 = arith.index_cast %mul3A_47 : i32 to index
      %get3A_243 = tpu.vector_load %arg5[%get3A_241, %get3A_242] {strides = array<i32>} : memref<64x1024xf32, #tpu.memory_space<vmem>>, vector<1x16xf32>,
      %get3A_244 = vector.shape_cast %get3A_243 : vector<1x16xf32> to vector<16xf32>
      %max3A_245 = arith.maximumf %max3A_238, %get3A_244 : vector<16xf32>
      %min3A_246 = arith.minimumf %max3A_238, %get3A_244 : vector<16xf32>
      %max3A_247 = arith.maximumf %min3A_239, %min3A_246 : vector<16xf32>
      %get3A_248 = arith.constant 27 : i32
      %get3A_249 = arith.index_cast %get3A_248 : i32 to index
      %get3A_250 = arith.index_cast %mul3A_47 : i32 to index
      %get3A_251 = tpu.vector_load %arg5[%get3A_249, %get3A_250] {strides = array<i32>} : memref<64x1024xf32, #tpu.memory_space<vmem>>, vector<1x16xf32>,
      %get3A_252 = vector.shape_cast %get3A_251 : vector<1x16xf32> to vector<16xf32>
      %max3A_253 = arith.maximumf %max3A_245, %get3A_252 : vector<16xf32>
      %min3A_254 = arith.minimumf %max3A_245, %get3A_252 : vector<16xf32>
      %max3A_255 = arith.maximumf %max3A_247, %min3A_254 : vector<16xf32>
      %get3A_256 = arith.constant 28 : i32
      %get3A_257 = arith.index_cast %get3A_256 : i32 to index
      %get3A_258 = arith.index_cast %mul3A_47 : i32 to index
      %get3A_259 = tpu.vector_load %arg5[%get3A_257, %get3A_258] {strides = array<i32>} : memref<64x1024xf32, #tpu.memory_space<vmem>>, vector<1x16xf32>,
      %get3A_260 = vector.shape_cast %get3A_259 : vector<1x16xf32> to vector<16xf32>
      %max3A_261 = arith.maximumf %max3A_253, %get3A_260 : vector<16xf32>
      %min3A_262 = arith.minimumf %max3A_253, %get3A_260 : vector<16xf32>
      %max3A_263 = arith.maximumf %max3A_255, %min3A_262 : vector<16xf32>
      %get3A_264 = arith.constant 29 : i32
      %get3A_265 = arith.index_cast %get3A_264 : i32 to index
      %get3A_266 = arith.index_cast %mul3A_47 : i32 to index
      %get3A_267 = tpu.vector_load %arg5[%get3A_265, %get3A_266] {strides = array<i32>} : memref<64x1024xf32, #tpu.memory_space<vmem>>, vector<1x16xf32>,
      %get3A_268 = vector.shape_cast %get3A_267 : vector<1x16xf32> to vector<16xf32>
      %max3A_269 = arith.maximumf %max3A_261, %get3A_268 : vector<16xf32>
      %min3A_270 = arith.minimumf %max3A_261, %get3A_268 : vector<16xf32>
      %max3A_271 = arith.maximumf %max3A_263, %min3A_270 : vector<16xf32>
      %get3A_272 = arith.constant 30 : i32
      %get3A_273 = arith.index_cast %get3A_272 : i32 to index
      %get3A_274 = arith.index_cast %mul3A_47 : i32 to index
      %get3A_275 = tpu.vector_load %arg5[%get3A_273, %get3A_274] {strides = array<i32>} : memref<64x1024xf32, #tpu.memory_space<vmem>>, vector<1x16xf32>,
      %get3A_276 = vector.shape_cast %get3A_275 : vector<1x16xf32> to vector<16xf32>
      %max3A_277 = arith.maximumf %max3A_269, %get3A_276 : vector<16xf32>
      %min3A_278 = arith.minimumf %max3A_269, %get3A_276 : vector<16xf32>
      %max3A_279 = arith.maximumf %max3A_271, %min3A_278 : vector<16xf32>
      %get3A_280 = arith.constant 31 : i32
      %get3A_281 = arith.index_cast %get3A_280 : i32 to index
      %get3A_282 = arith.index_cast %mul3A_47 : i32 to index
      %get3A_283 = tpu.vector_load %arg5[%get3A_281, %get3A_282] {strides = array<i32>} : memref<64x1024xf32, #tpu.memory_space<vmem>>, vector<1x16xf32>,
      %get3A_284 = vector.shape_cast %get3A_283 : vector<1x16xf32> to vector<16xf32>
      %max3A_285 = arith.maximumf %max3A_277, %get3A_284 : vector<16xf32>
      %min3A_286 = arith.minimumf %max3A_277, %get3A_284 : vector<16xf32>
      %max3A_287 = arith.maximumf %max3A_279, %min3A_286 : vector<16xf32>
      %add3A_288 = arith.addf %max3A_285, %max3A_287 : vector<16xf32>
      %get3A_289 = arith.constant 32 : i32
      %get3A_290 = arith.index_cast %get3A_289 : i32 to index
      %get3A_291 = arith.index_cast %mul3A_47 : i32 to index
      %get3A_292 = tpu.vector_load %arg5[%get3A_290, %get3A_291] {strides = array<i32>} : memref<64x1024xf32, #tpu.memory_space<vmem>>, vector<1x16xf32>,
      %get3A_293 = vector.shape_cast %get3A_292 : vector<1x16xf32> to vector<16xf32>
      %get3A_294 = arith.constant 33 : i32
      %get3A_295 = arith.index_cast %get3A_294 : i32 to index
      %get3A_296 = arith.index_cast %mul3A_47 : i32 to index
      %get3A_297 = tpu.vector_load %arg5[%get3A_295, %get3A_296] {strides = array<i32>} : memref<64x1024xf32, #tpu.memory_space<vmem>>, vector<1x16xf32>,
      %get3A_298 = vector.shape_cast %get3A_297 : vector<1x16xf32> to vector<16xf32>
      %max3A_299 = arith.maximumf %get3A_293, %get3A_298 : vector<16xf32>
      %min3A_300 = arith.minimumf %get3A_293, %get3A_298 : vector<16xf32>
      %get3A_301 = arith.constant 34 : i32
      %get3A_302 = arith.index_cast %get3A_301 : i32 to index
      %get3A_303 = arith.index_cast %mul3A_47 : i32 to index
      %get3A_304 = tpu.vector_load %arg5[%get3A_302, %get3A_303] {strides = array<i32>} : memref<64x1024xf32, #tpu.memory_space<vmem>>, vector<1x16xf32>,
      %get3A_305 = vector.shape_cast %get3A_304 : vector<1x16xf32> to vector<16xf32>
      %max3A_306 = arith.maximumf %max3A_299, %get3A_305 : vector<16xf32>
      %min3A_307 = arith.minimumf %max3A_299, %get3A_305 : vector<16xf32>
      %max3A_308 = arith.maximumf %min3A_300, %min3A_307 : vector<16xf32>
      %get3A_309 = arith.constant 35 : i32
      %get3A_310 = arith.index_cast %get3A_309 : i32 to index
      %get3A_311 = arith.index_cast %mul3A_47 : i32 to index
      %get3A_312 = tpu.vector_load %arg5[%get3A_310, %get3A_311] {strides = array<i32>} : memref<64x1024xf32, #tpu.memory_space<vmem>>, vector<1x16xf32>,
      %get3A_313 = vector.shape_cast %get3A_312 : vector<1x16xf32> to vector<16xf32>
      %max3A_314 = arith.maximumf %max3A_306, %get3A_313 : vector<16xf32>
      %min3A_315 = arith.minimumf %max3A_306, %get3A_313 : vector<16xf32>
      %max3A_316 = arith.maximumf %max3A_308, %min3A_315 : vector<16xf32>
      %get3A_317 = arith.constant 36 : i32
      %get3A_318 = arith.index_cast %get3A_317 : i32 to index
      %get3A_319 = arith.index_cast %mul3A_47 : i32 to index
      %get3A_320 = tpu.vector_load %arg5[%get3A_318, %get3A_319] {strides = array<i32>} : memref<64x1024xf32, #tpu.memory_space<vmem>>, vector<1x16xf32>,
      %get3A_321 = vector.shape_cast %get3A_320 : vector<1x16xf32> to vector<16xf32>
      %max3A_322 = arith.maximumf %max3A_314, %get3A_321 : vector<16xf32>
      %min3A_323 = arith.minimumf %max3A_314, %get3A_321 : vector<16xf32>
      %max3A_324 = arith.maximumf %max3A_316, %min3A_323 : vector<16xf32>
      %get3A_325 = arith.constant 37 : i32
      %get3A_326 = arith.index_cast %get3A_325 : i32 to index
      %get3A_327 = arith.index_cast %mul3A_47 : i32 to index
      %get3A_328 = tpu.vector_load %arg5[%get3A_326, %get3A_327] {strides = array<i32>} : memref<64x1024xf32, #tpu.memory_space<vmem>>, vector<1x16xf32>,
      %get3A_329 = vector.shape_cast %get3A_328 : vector<1x16xf32> to vector<16xf32>
      %max3A_330 = arith.maximumf %max3A_322, %get3A_329 : vector<16xf32>
      %min3A_331 = arith.minimumf %max3A_322, %get3A_329 : vector<16xf32>
      %max3A_332 = arith.maximumf %max3A_324, %min3A_331 : vector<16xf32>
      %get3A_333 = arith.constant 38 : i32
      %get3A_334 = arith.index_cast %get3A_333 : i32 to index
      %get3A_335 = arith.index_cast %mul3A_47 : i32 to index
      %get3A_336 = tpu.vector_load %arg5[%get3A_334, %get3A_335] {strides = array<i32>} : memref<64x1024xf32, #tpu.memory_space<vmem>>, vector<1x16xf32>,
      %get3A_337 = vector.shape_cast %get3A_336 : vector<1x16xf32> to vector<16xf32>
      %max3A_338 = arith.maximumf %max3A_330, %get3A_337 : vector<16xf32>
      %min3A_339 = arith.minimumf %max3A_330, %get3A_337 : vector<16xf32>
      %max3A_340 = arith.maximumf %max3A_332, %min3A_339 : vector<16xf32>
      %get3A_341 = arith.constant 39 : i32
      %get3A_342 = arith.index_cast %get3A_341 : i32 to index
      %get3A_343 = arith.index_cast %mul3A_47 : i32 to index
      %get3A_344 = tpu.vector_load %arg5[%get3A_342, %get3A_343] {strides = array<i32>} : memref<64x1024xf32, #tpu.memory_space<vmem>>, vector<1x16xf32>,
      %get3A_345 = vector.shape_cast %get3A_344 : vector<1x16xf32> to vector<16xf32>
      %max3A_346 = arith.maximumf %max3A_338, %get3A_345 : vector<16xf32>
      %min3A_347 = arith.minimumf %max3A_338, %get3A_345 : vector<16xf32>
      %max3A_348 = arith.maximumf %max3A_340, %min3A_347 : vector<16xf32>
      %add3A_349 = arith.addf %max3A_346, %max3A_348 : vector<16xf32>
      %get3A_350 = arith.constant 40 : i32
      %get3A_351 = arith.index_cast %get3A_350 : i32 to index
      %get3A_352 = arith.index_cast %mul3A_47 : i32 to index
      %get3A_353 = tpu.vector_load %arg5[%get3A_351, %get3A_352] {strides = array<i32>} : memref<64x1024xf32, #tpu.memory_space<vmem>>, vector<1x16xf32>,
      %get3A_354 = vector.shape_cast %get3A_353 : vector<1x16xf32> to vector<16xf32>
      %get3A_355 = arith.constant 41 : i32
      %get3A_356 = arith.index_cast %get3A_355 : i32 to index
      %get3A_357 = arith.index_cast %mul3A_47 : i32 to index
      %get3A_358 = tpu.vector_load %arg5[%get3A_356, %get3A_357] {strides = array<i32>} : memref<64x1024xf32, #tpu.memory_space<vmem>>, vector<1x16xf32>,
      %get3A_359 = vector.shape_cast %get3A_358 : vector<1x16xf32> to vector<16xf32>
      %max3A_360 = arith.maximumf %get3A_354, %get3A_359 : vector<16xf32>
      %min3A_361 = arith.minimumf %get3A_354, %get3A_359 : vector<16xf32>
      %get3A_362 = arith.constant 42 : i32
      %get3A_363 = arith.index_cast %get3A_362 : i32 to index
      %get3A_364 = arith.index_cast %mul3A_47 : i32 to index
      %get3A_365 = tpu.vector_load %arg5[%get3A_363, %get3A_364] {strides = array<i32>} : memref<64x1024xf32, #tpu.memory_space<vmem>>, vector<1x16xf32>,
      %get3A_366 = vector.shape_cast %get3A_365 : vector<1x16xf32> to vector<16xf32>
      %max3A_367 = arith.maximumf %max3A_360, %get3A_366 : vector<16xf32>
      %min3A_368 = arith.minimumf %max3A_360, %get3A_366 : vector<16xf32>
      %max3A_369 = arith.maximumf %min3A_361, %min3A_368 : vector<16xf32>
      %get3A_370 = arith.constant 43 : i32
      %get3A_371 = arith.index_cast %get3A_370 : i32 to index
      %get3A_372 = arith.index_cast %mul3A_47 : i32 to index
      %get3A_373 = tpu.vector_load %arg5[%get3A_371, %get3A_372] {strides = array<i32>} : memref<64x1024xf32, #tpu.memory_space<vmem>>, vector<1x16xf32>,
      %get3A_374 = vector.shape_cast %get3A_373 : vector<1x16xf32> to vector<16xf32>
      %max3A_375 = arith.maximumf %max3A_367, %get3A_374 : vector<16xf32>
      %min3A_376 = arith.minimumf %max3A_367, %get3A_374 : vector<16xf32>
      %max3A_377 = arith.maximumf %max3A_369, %min3A_376 : vector<16xf32>
      %get3A_378 = arith.constant 44 : i32
      %get3A_379 = arith.index_cast %get3A_378 : i32 to index
      %get3A_380 = arith.index_cast %mul3A_47 : i32 to index
      %get3A_381 = tpu.vector_load %arg5[%get3A_379, %get3A_380] {strides = array<i32>} : memref<64x1024xf32, #tpu.memory_space<vmem>>, vector<1x16xf32>,
      %get3A_382 = vector.shape_cast %get3A_381 : vector<1x16xf32> to vector<16xf32>
      %max3A_383 = arith.maximumf %max3A_375, %get3A_382 : vector<16xf32>
      %min3A_384 = arith.minimumf %max3A_375, %get3A_382 : vector<16xf32>
      %max3A_385 = arith.maximumf %max3A_377, %min3A_384 : vector<16xf32>
      %get3A_386 = arith.constant 45 : i32
      %get3A_387 = arith.index_cast %get3A_386 : i32 to index
      %get3A_388 = arith.index_cast %mul3A_47 : i32 to index
      %get3A_389 = tpu.vector_load %arg5[%get3A_387, %get3A_388] {strides = array<i32>} : memref<64x1024xf32, #tpu.memory_space<vmem>>, vector<1x16xf32>,
      %get3A_390 = vector.shape_cast %get3A_389 : vector<1x16xf32> to vector<16xf32>
      %max3A_391 = arith.maximumf %max3A_383, %get3A_390 : vector<16xf32>
      %min3A_392 = arith.minimumf %max3A_383, %get3A_390 : vector<16xf32>
      %max3A_393 = arith.maximumf %max3A_385, %min3A_392 : vector<16xf32>
      %get3A_394 = arith.constant 46 : i32
      %get3A_395 = arith.index_cast %get3A_394 : i32 to index
      %get3A_396 = arith.index_cast %mul3A_47 : i32 to index
      %get3A_397 = tpu.vector_load %arg5[%get3A_395, %get3A_396] {strides = array<i32>} : memref<64x1024xf32, #tpu.memory_space<vmem>>, vector<1x16xf32>,
      %get3A_398 = vector.shape_cast %get3A_397 : vector<1x16xf32> to vector<16xf32>
      %max3A_399 = arith.maximumf %max3A_391, %get3A_398 : vector<16xf32>
      %min3A_400 = arith.minimumf %max3A_391, %get3A_398 : vector<16xf32>
      %max3A_401 = arith.maximumf %max3A_393, %min3A_400 : vector<16xf32>
      %get3A_402 = arith.constant 47 : i32
      %get3A_403 = arith.index_cast %get3A_402 : i32 to index
      %get3A_404 = arith.index_cast %mul3A_47 : i32 to index
      %get3A_405 = tpu.vector_load %arg5[%get3A_403, %get3A_404] {strides = array<i32>} : memref<64x1024xf32, #tpu.memory_space<vmem>>, vector<1x16xf32>,
      %get3A_406 = vector.shape_cast %get3A_405 : vector<1x16xf32> to vector<16xf32>
      %max3A_407 = arith.maximumf %max3A_399, %get3A_406 : vector<16xf32>
      %min3A_408 = arith.minimumf %max3A_399, %get3A_406 : vector<16xf32>
      %max3A_409 = arith.maximumf %max3A_401, %min3A_408 : vector<16xf32>
      %add3A_410 = arith.addf %max3A_407, %max3A_409 : vector<16xf32>
      %get3A_411 = arith.constant 48 : i32
      %get3A_412 = arith.index_cast %get3A_411 : i32 to index
      %get3A_413 = arith.index_cast %mul3A_47 : i32 to index
      %get3A_414 = tpu.vector_load %arg5[%get3A_412, %get3A_413] {strides = array<i32>} : memref<64x1024xf32, #tpu.memory_space<vmem>>, vector<1x16xf32>,
      %get3A_415 = vector.shape_cast %get3A_414 : vector<1x16xf32> to vector<16xf32>
      %get3A_416 = arith.constant 49 : i32
      %get3A_417 = arith.index_cast %get3A_416 : i32 to index
      %get3A_418 = arith.index_cast %mul3A_47 : i32 to index
      %get3A_419 = tpu.vector_load %arg5[%get3A_417, %get3A_418] {strides = array<i32>} : memref<64x1024xf32, #tpu.memory_space<vmem>>, vector<1x16xf32>,
      %get3A_420 = vector.shape_cast %get3A_419 : vector<1x16xf32> to vector<16xf32>
      %max3A_421 = arith.maximumf %get3A_415, %get3A_420 : vector<16xf32>
      %min3A_422 = arith.minimumf %get3A_415, %get3A_420 : vector<16xf32>
      %get3A_423 = arith.constant 50 : i32
      %get3A_424 = arith.index_cast %get3A_423 : i32 to index
      %get3A_425 = arith.index_cast %mul3A_47 : i32 to index
      %get3A_426 = tpu.vector_load %arg5[%get3A_424, %get3A_425] {strides = array<i32>} : memref<64x1024xf32, #tpu.memory_space<vmem>>, vector<1x16xf32>,
      %get3A_427 = vector.shape_cast %get3A_426 : vector<1x16xf32> to vector<16xf32>
      %max3A_428 = arith.maximumf %max3A_421, %get3A_427 : vector<16xf32>
      %min3A_429 = arith.minimumf %max3A_421, %get3A_427 : vector<16xf32>
      %max3A_430 = arith.maximumf %min3A_422, %min3A_429 : vector<16xf32>
      %get3A_431 = arith.constant 51 : i32
      %get3A_432 = arith.index_cast %get3A_431 : i32 to index
      %get3A_433 = arith.index_cast %mul3A_47 : i32 to index
      %get3A_434 = tpu.vector_load %arg5[%get3A_432, %get3A_433] {strides = array<i32>} : memref<64x1024xf32, #tpu.memory_space<vmem>>, vector<1x16xf32>,
      %get3A_435 = vector.shape_cast %get3A_434 : vector<1x16xf32> to vector<16xf32>
      %max3A_436 = arith.maximumf %max3A_428, %get3A_435 : vector<16xf32>
      %min3A_437 = arith.minimumf %max3A_428, %get3A_435 : vector<16xf32>
      %max3A_438 = arith.maximumf %max3A_430, %min3A_437 : vector<16xf32>
      %get3A_439 = arith.constant 52 : i32
      %get3A_440 = arith.index_cast %get3A_439 : i32 to index
      %get3A_441 = arith.index_cast %mul3A_47 : i32 to index
      %get3A_442 = tpu.vector_load %arg5[%get3A_440, %get3A_441] {strides = array<i32>} : memref<64x1024xf32, #tpu.memory_space<vmem>>, vector<1x16xf32>,
      %get3A_443 = vector.shape_cast %get3A_442 : vector<1x16xf32> to vector<16xf32>
      %max3A_444 = arith.maximumf %max3A_436, %get3A_443 : vector<16xf32>
      %min3A_445 = arith.minimumf %max3A_436, %get3A_443 : vector<16xf32>
      %max3A_446 = arith.maximumf %max3A_438, %min3A_445 : vector<16xf32>
      %get3A_447 = arith.constant 53 : i32
      %get3A_448 = arith.index_cast %get3A_447 : i32 to index
      %get3A_449 = arith.index_cast %mul3A_47 : i32 to index
      %get3A_450 = tpu.vector_load %arg5[%get3A_448, %get3A_449] {strides = array<i32>} : memref<64x1024xf32, #tpu.memory_space<vmem>>, vector<1x16xf32>,
      %get3A_451 = vector.shape_cast %get3A_450 : vector<1x16xf32> to vector<16xf32>
      %max3A_452 = arith.maximumf %max3A_444, %get3A_451 : vector<16xf32>
      %min3A_453 = arith.minimumf %max3A_444, %get3A_451 : vector<16xf32>
      %max3A_454 = arith.maximumf %max3A_446, %min3A_453 : vector<16xf32>
      %get3A_455 = arith.constant 54 : i32
      %get3A_456 = arith.index_cast %get3A_455 : i32 to index
      %get3A_457 = arith.index_cast %mul3A_47 : i32 to index
      %get3A_458 = tpu.vector_load %arg5[%get3A_456, %get3A_457] {strides = array<i32>} : memref<64x1024xf32, #tpu.memory_space<vmem>>, vector<1x16xf32>,
      %get3A_459 = vector.shape_cast %get3A_458 : vector<1x16xf32> to vector<16xf32>
      %max3A_460 = arith.maximumf %max3A_452, %get3A_459 : vector<16xf32>
      %min3A_461 = arith.minimumf %max3A_452, %get3A_459 : vector<16xf32>
      %max3A_462 = arith.maximumf %max3A_454, %min3A_461 : vector<16xf32>
      %get3A_463 = arith.constant 55 : i32
      %get3A_464 = arith.index_cast %get3A_463 : i32 to index
      %get3A_465 = arith.index_cast %mul3A_47 : i32 to index
      %get3A_466 = tpu.vector_load %arg5[%get3A_464, %get3A_465] {strides = array<i32>} : memref<64x1024xf32, #tpu.memory_space<vmem>>, vector<1x16xf32>,
      %get3A_467 = vector.shape_cast %get3A_466 : vector<1x16xf32> to vector<16xf32>
      %max3A_468 = arith.maximumf %max3A_460, %get3A_467 : vector<16xf32>
      %min3A_469 = arith.minimumf %max3A_460, %get3A_467 : vector<16xf32>
      %max3A_470 = arith.maximumf %max3A_462, %min3A_469 : vector<16xf32>
      %add3A_471 = arith.addf %max3A_468, %max3A_470 : vector<16xf32>
      %get3A_472 = arith.constant 56 : i32
      %get3A_473 = arith.index_cast %get3A_472 : i32 to index
      %get3A_474 = arith.index_cast %mul3A_47 : i32 to index
      %get3A_475 = tpu.vector_load %arg5[%get3A_473, %get3A_474] {strides = array<i32>} : memref<64x1024xf32, #tpu.memory_space<vmem>>, vector<1x16xf32>,
      %get3A_476 = vector.shape_cast %get3A_475 : vector<1x16xf32> to vector<16xf32>
      %get3A_477 = arith.constant 57 : i32
      %get3A_478 = arith.index_cast %get3A_477 : i32 to index
      %get3A_479 = arith.index_cast %mul3A_47 : i32 to index
      %get3A_480 = tpu.vector_load %arg5[%get3A_478, %get3A_479] {strides = array<i32>} : memref<64x1024xf32, #tpu.memory_space<vmem>>, vector<1x16xf32>,
      %get3A_481 = vector.shape_cast %get3A_480 : vector<1x16xf32> to vector<16xf32>
      %max3A_482 = arith.maximumf %get3A_476, %get3A_481 : vector<16xf32>
      %min3A_483 = arith.minimumf %get3A_476, %get3A_481 : vector<16xf32>
      %get3A_484 = arith.constant 58 : i32
      %get3A_485 = arith.index_cast %get3A_484 : i32 to index
      %get3A_486 = arith.index_cast %mul3A_47 : i32 to index
      %get3A_487 = tpu.vector_load %arg5[%get3A_485, %get3A_486] {strides = array<i32>} : memref<64x1024xf32, #tpu.memory_space<vmem>>, vector<1x16xf32>,
      %get3A_488 = vector.shape_cast %get3A_487 : vector<1x16xf32> to vector<16xf32>
      %max3A_489 = arith.maximumf %max3A_482, %get3A_488 : vector<16xf32>
      %min3A_490 = arith.minimumf %max3A_482, %get3A_488 : vector<16xf32>
      %max3A_491 = arith.maximumf %min3A_483, %min3A_490 : vector<16xf32>
      %get3A_492 = arith.constant 59 : i32
      %get3A_493 = arith.index_cast %get3A_492 : i32 to index
      %get3A_494 = arith.index_cast %mul3A_47 : i32 to index
      %get3A_495 = tpu.vector_load %arg5[%get3A_493, %get3A_494] {strides = array<i32>} : memref<64x1024xf32, #tpu.memory_space<vmem>>, vector<1x16xf32>,
      %get3A_496 = vector.shape_cast %get3A_495 : vector<1x16xf32> to vector<16xf32>
      %max3A_497 = arith.maximumf %max3A_489, %get3A_496 : vector<16xf32>
      %min3A_498 = arith.minimumf %max3A_489, %get3A_496 : vector<16xf32>
      %max3A_499 = arith.maximumf %max3A_491, %min3A_498 : vector<16xf32>
      %get3A_500 = arith.constant 60 : i32
      %get3A_501 = arith.index_cast %get3A_500 : i32 to index
      %get3A_502 = arith.index_cast %mul3A_47 : i32 to index
      %get3A_503 = tpu.vector_load %arg5[%get3A_501, %get3A_502] {strides = array<i32>} : memref<64x1024xf32, #tpu.memory_space<vmem>>, vector<1x16xf32>,
      %get3A_504 = vector.shape_cast %get3A_503 : vector<1x16xf32> to vector<16xf32>
      %max3A_505 = arith.maximumf %max3A_497, %get3A_504 : vector<16xf32>
      %min3A_506 = arith.minimumf %max3A_497, %get3A_504 : vector<16xf32>
      %max3A_507 = arith.maximumf %max3A_499, %min3A_506 : vector<16xf32>
      %get3A_508 = arith.constant 61 : i32
      %get3A_509 = arith.index_cast %get3A_508 : i32 to index
      %get3A_510 = arith.index_cast %mul3A_47 : i32 to index
      %get3A_511 = tpu.vector_load %arg5[%get3A_509, %get3A_510] {strides = array<i32>} : memref<64x1024xf32, #tpu.memory_space<vmem>>, vector<1x16xf32>,
      %get3A_512 = vector.shape_cast %get3A_511 : vector<1x16xf32> to vector<16xf32>
      %max3A_513 = arith.maximumf %max3A_505, %get3A_512 : vector<16xf32>
      %min3A_514 = arith.minimumf %max3A_505, %get3A_512 : vector<16xf32>
      %max3A_515 = arith.maximumf %max3A_507, %min3A_514 : vector<16xf32>
      %get3A_516 = arith.constant 62 : i32
      %get3A_517 = arith.index_cast %get3A_516 : i32 to index
      %get3A_518 = arith.index_cast %mul3A_47 : i32 to index
      %get3A_519 = tpu.vector_load %arg5[%get3A_517, %get3A_518] {strides = array<i32>} : memref<64x1024xf32, #tpu.memory_space<vmem>>, vector<1x16xf32>,
      %get3A_520 = vector.shape_cast %get3A_519 : vector<1x16xf32> to vector<16xf32>
      %max3A_521 = arith.maximumf %max3A_513, %get3A_520 : vector<16xf32>
      %min3A_522 = arith.minimumf %max3A_513, %get3A_520 : vector<16xf32>
      %max3A_523 = arith.maximumf %max3A_515, %min3A_522 : vector<16xf32>
      %get3A_524 = arith.constant 63 : i32
      %get3A_525 = arith.index_cast %get3A_524 : i32 to index
      %get3A_526 = arith.index_cast %mul3A_47 : i32 to index
      %get3A_527 = tpu.vector_load %arg5[%get3A_525, %get3A_526] {strides = array<i32>} : memref<64x1024xf32, #tpu.memory_space<vmem>>, vector<1x16xf32>,
      %get3A_528 = vector.shape_cast %get3A_527 : vector<1x16xf32> to vector<16xf32>
      %max3A_529 = arith.maximumf %max3A_521, %get3A_528 : vector<16xf32>
      %min3A_530 = arith.minimumf %max3A_521, %get3A_528 : vector<16xf32>
      %max3A_531 = arith.maximumf %max3A_523, %min3A_530 : vector<16xf32>
      %add3A_532 = arith.addf %max3A_529, %max3A_531 : vector<16xf32>
      %ge3A = arith.cmpf oge, %add3A_105, %add3A_166 : vector<16xf32>
      %select_n3A_533 = arith.select %ge3A, %broadcast_in_dim3A_37, %broadcast_in_dim3A_39 : vector<16xi1>, vector<16xi32>
      %add3A_534 = arith.addi %broadcast_in_dim3A_39, %select_n3A_533 : vector<16xi32>
      %select_n3A_535 = arith.select %ge3A, %broadcast_in_dim3A_39, %broadcast_in_dim3A_37 : vector<16xi1>, vector<16xi32>
      %add3A_536 = arith.addi %broadcast_in_dim3A_39, %select_n3A_535 : vector<16xi32>
      %ge3A_537 = arith.cmpf oge, %add3A_105, %add3A_227 : vector<16xf32>
      %select_n3A_538 = arith.select %ge3A_537, %broadcast_in_dim3A_37, %broadcast_in_dim3A_39 : vector<16xi1>, vector<16xi32>
      %add3A_539 = arith.addi %broadcast_in_dim3A_39, %select_n3A_538 : vector<16xi32>
      %select_n3A_540 = arith.select %ge3A_537, %broadcast_in_dim3A_39, %broadcast_in_dim3A_37 : vector<16xi1>, vector<16xi32>
      %add3A_541 = arith.addi %add3A_536, %select_n3A_540 : vector<16xi32>
      %ge3A_542 = arith.cmpf oge, %add3A_105, %add3A_288 : vector<16xf32>
      %select_n3A_543 = arith.select %ge3A_542, %broadcast_in_dim3A_37, %broadcast_in_dim3A_39 : vector<16xi1>, vector<16xi32>
      %add3A_544 = arith.addi %broadcast_in_dim3A_39, %select_n3A_543 : vector<16xi32>
      %select_n3A_545 = arith.select %ge3A_542, %broadcast_in_dim3A_39, %broadcast_in_dim3A_37 : vector<16xi1>, vector<16xi32>
      %add3A_546 = arith.addi %add3A_541, %select_n3A_545 : vector<16xi32>
      %ge3A_547 = arith.cmpf oge, %add3A_105, %add3A_349 : vector<16xf32>
      %select_n3A_548 = arith.select %ge3A_547, %broadcast_in_dim3A_37, %broadcast_in_dim3A_39 : vector<16xi1>, vector<16xi32>
      %add3A_549 = arith.addi %broadcast_in_dim3A_39, %select_n3A_548 : vector<16xi32>
      %select_n3A_550 = arith.select %ge3A_547, %broadcast_in_dim3A_39, %broadcast_in_dim3A_37 : vector<16xi1>, vector<16xi32>
      %add3A_551 = arith.addi %add3A_546, %select_n3A_550 : vector<16xi32>
      %ge3A_552 = arith.cmpf oge, %add3A_105, %add3A_410 : vector<16xf32>
      %select_n3A_553 = arith.select %ge3A_552, %broadcast_in_dim3A_37, %broadcast_in_dim3A_39 : vector<16xi1>, vector<16xi32>
      %add3A_554 = arith.addi %broadcast_in_dim3A_39, %select_n3A_553 : vector<16xi32>
      %select_n3A_555 = arith.select %ge3A_552, %broadcast_in_dim3A_39, %broadcast_in_dim3A_37 : vector<16xi1>, vector<16xi32>
      %add3A_556 = arith.addi %add3A_551, %select_n3A_555 : vector<16xi32>
      %ge3A_557 = arith.cmpf oge, %add3A_105, %add3A_471 : vector<16xf32>
      %select_n3A_558 = arith.select %ge3A_557, %broadcast_in_dim3A_37, %broadcast_in_dim3A_39 : vector<16xi1>, vector<16xi32>
      %add3A_559 = arith.addi %broadcast_in_dim3A_39, %select_n3A_558 : vector<16xi32>
      %select_n3A_560 = arith.select %ge3A_557, %broadcast_in_dim3A_39, %broadcast_in_dim3A_37 : vector<16xi1>, vector<16xi32>
      %add3A_561 = arith.addi %add3A_556, %select_n3A_560 : vector<16xi32>
      %ge3A_562 = arith.cmpf oge, %add3A_105, %add3A_532 : vector<16xf32>
      %select_n3A_563 = arith.select %ge3A_562, %broadcast_in_dim3A_37, %broadcast_in_dim3A_39 : vector<16xi1>, vector<16xi32>
      %add3A_564 = arith.addi %broadcast_in_dim3A_39, %select_n3A_563 : vector<16xi32>
      %select_n3A_565 = arith.select %ge3A_562, %broadcast_in_dim3A_39, %broadcast_in_dim3A_37 : vector<16xi1>, vector<16xi32>
      %add3A_566 = arith.addi %add3A_561, %select_n3A_565 : vector<16xi32>
      %ge3A_567 = arith.cmpf oge, %add3A_166, %add3A_227 : vector<16xf32>
      %select_n3A_568 = arith.select %ge3A_567, %broadcast_in_dim3A_37, %broadcast_in_dim3A_39 : vector<16xi1>, vector<16xi32>
      %add3A_569 = arith.addi %add3A_539, %select_n3A_568 : vector<16xi32>
      %select_n3A_570 = arith.select %ge3A_567, %broadcast_in_dim3A_39, %broadcast_in_dim3A_37 : vector<16xi1>, vector<16xi32>
      %add3A_571 = arith.addi %add3A_534, %select_n3A_570 : vector<16xi32>
      %ge3A_572 = arith.cmpf oge, %add3A_166, %add3A_288 : vector<16xf32>
      %select_n3A_573 = arith.select %ge3A_572, %broadcast_in_dim3A_37, %broadcast_in_dim3A_39 : vector<16xi1>, vector<16xi32>
      %add3A_574 = arith.addi %add3A_544, %select_n3A_573 : vector<16xi32>
      %select_n3A_575 = arith.select %ge3A_572, %broadcast_in_dim3A_39, %broadcast_in_dim3A_37 : vector<16xi1>, vector<16xi32>
      %add3A_576 = arith.addi %add3A_571, %select_n3A_575 : vector<16xi32>
      %ge3A_577 = arith.cmpf oge, %add3A_166, %add3A_349 : vector<16xf32>
      %select_n3A_578 = arith.select %ge3A_577, %broadcast_in_dim3A_37, %broadcast_in_dim3A_39 : vector<16xi1>, vector<16xi32>
      %add3A_579 = arith.addi %add3A_549, %select_n3A_578 : vector<16xi32>
      %select_n3A_580 = arith.select %ge3A_577, %broadcast_in_dim3A_39, %broadcast_in_dim3A_37 : vector<16xi1>, vector<16xi32>
      %add3A_581 = arith.addi %add3A_576, %select_n3A_580 : vector<16xi32>
      %ge3A_582 = arith.cmpf oge, %add3A_166, %add3A_410 : vector<16xf32>
      %select_n3A_583 = arith.select %ge3A_582, %broadcast_in_dim3A_37, %broadcast_in_dim3A_39 : vector<16xi1>, vector<16xi32>
      %add3A_584 = arith.addi %add3A_554, %select_n3A_583 : vector<16xi32>
      %select_n3A_585 = arith.select %ge3A_582, %broadcast_in_dim3A_39, %broadcast_in_dim3A_37 : vector<16xi1>, vector<16xi32>
      %add3A_586 = arith.addi %add3A_581, %select_n3A_585 : vector<16xi32>
      %ge3A_587 = arith.cmpf oge, %add3A_166, %add3A_471 : vector<16xf32>
      %select_n3A_588 = arith.select %ge3A_587, %broadcast_in_dim3A_37, %broadcast_in_dim3A_39 : vector<16xi1>, vector<16xi32>
      %add3A_589 = arith.addi %add3A_559, %select_n3A_588 : vector<16xi32>
      %select_n3A_590 = arith.select %ge3A_587, %broadcast_in_dim3A_39, %broadcast_in_dim3A_37 : vector<16xi1>, vector<16xi32>
      %add3A_591 = arith.addi %add3A_586, %select_n3A_590 : vector<16xi32>
      %ge3A_592 = arith.cmpf oge, %add3A_166, %add3A_532 : vector<16xf32>
      %select_n3A_593 = arith.select %ge3A_592, %broadcast_in_dim3A_37, %broadcast_in_dim3A_39 : vector<16xi1>, vector<16xi32>
      %add3A_594 = arith.addi %add3A_564, %select_n3A_593 : vector<16xi32>
      %select_n3A_595 = arith.select %ge3A_592, %broadcast_in_dim3A_39, %broadcast_in_dim3A_37 : vector<16xi1>, vector<16xi32>
      %add3A_596 = arith.addi %add3A_591, %select_n3A_595 : vector<16xi32>
      %ge3A_597 = arith.cmpf oge, %add3A_227, %add3A_288 : vector<16xf32>
      %select_n3A_598 = arith.select %ge3A_597, %broadcast_in_dim3A_37, %broadcast_in_dim3A_39 : vector<16xi1>, vector<16xi32>
      %add3A_599 = arith.addi %add3A_574, %select_n3A_598 : vector<16xi32>
      %select_n3A_600 = arith.select %ge3A_597, %broadcast_in_dim3A_39, %broadcast_in_dim3A_37 : vector<16xi1>, vector<16xi32>
      %add3A_601 = arith.addi %add3A_569, %select_n3A_600 : vector<16xi32>
      %ge3A_602 = arith.cmpf oge, %add3A_227, %add3A_349 : vector<16xf32>
      %select_n3A_603 = arith.select %ge3A_602, %broadcast_in_dim3A_37, %broadcast_in_dim3A_39 : vector<16xi1>, vector<16xi32>
      %add3A_604 = arith.addi %add3A_579, %select_n3A_603 : vector<16xi32>
      %select_n3A_605 = arith.select %ge3A_602, %broadcast_in_dim3A_39, %broadcast_in_dim3A_37 : vector<16xi1>, vector<16xi32>
      %add3A_606 = arith.addi %add3A_601, %select_n3A_605 : vector<16xi32>
      %ge3A_607 = arith.cmpf oge, %add3A_227, %add3A_410 : vector<16xf32>
      %select_n3A_608 = arith.select %ge3A_607, %broadcast_in_dim3A_37, %broadcast_in_dim3A_39 : vector<16xi1>, vector<16xi32>
      %add3A_609 = arith.addi %add3A_584, %select_n3A_608 : vector<16xi32>
      %select_n3A_610 = arith.select %ge3A_607, %broadcast_in_dim3A_39, %broadcast_in_dim3A_37 : vector<16xi1>, vector<16xi32>
      %add3A_611 = arith.addi %add3A_606, %select_n3A_610 : vector<16xi32>
      %ge3A_612 = arith.cmpf oge, %add3A_227, %add3A_471 : vector<16xf32>
      %select_n3A_613 = arith.select %ge3A_612, %broadcast_in_dim3A_37, %broadcast_in_dim3A_39 : vector<16xi1>, vector<16xi32>
      %add3A_614 = arith.addi %add3A_589, %select_n3A_613 : vector<16xi32>
      %select_n3A_615 = arith.select %ge3A_612, %broadcast_in_dim3A_39, %broadcast_in_dim3A_37 : vector<16xi1>, vector<16xi32>
      %add3A_616 = arith.addi %add3A_611, %select_n3A_615 : vector<16xi32>
      %ge3A_617 = arith.cmpf oge, %add3A_227, %add3A_532 : vector<16xf32>
      %select_n3A_618 = arith.select %ge3A_617, %broadcast_in_dim3A_37, %broadcast_in_dim3A_39 : vector<16xi1>, vector<16xi32>
      %add3A_619 = arith.addi %add3A_594, %select_n3A_618 : vector<16xi32>
      %select_n3A_620 = arith.select %ge3A_617, %broadcast_in_dim3A_39, %broadcast_in_dim3A_37 : vector<16xi1>, vector<16xi32>
      %add3A_621 = arith.addi %add3A_616, %select_n3A_620 : vector<16xi32>
      %ge3A_622 = arith.cmpf oge, %add3A_288, %add3A_349 : vector<16xf32>
      %select_n3A_623 = arith.select %ge3A_622, %broadcast_in_dim3A_37, %broadcast_in_dim3A_39 : vector<16xi1>, vector<16xi32>
      %add3A_624 = arith.addi %add3A_604, %select_n3A_623 : vector<16xi32>
      %select_n3A_625 = arith.select %ge3A_622, %broadcast_in_dim3A_39, %broadcast_in_dim3A_37 : vector<16xi1>, vector<16xi32>
      %add3A_626 = arith.addi %add3A_599, %select_n3A_625 : vector<16xi32>
      %ge3A_627 = arith.cmpf oge, %add3A_288, %add3A_410 : vector<16xf32>
      %select_n3A_628 = arith.select %ge3A_627, %broadcast_in_dim3A_37, %broadcast_in_dim3A_39 : vector<16xi1>, vector<16xi32>
      %add3A_629 = arith.addi %add3A_609, %select_n3A_628 : vector<16xi32>
      %select_n3A_630 = arith.select %ge3A_627, %broadcast_in_dim3A_39, %broadcast_in_dim3A_37 : vector<16xi1>, vector<16xi32>
      %add3A_631 = arith.addi %add3A_626, %select_n3A_630 : vector<16xi32>
      %ge3A_632 = arith.cmpf oge, %add3A_288, %add3A_471 : vector<16xf32>
      %select_n3A_633 = arith.select %ge3A_632, %broadcast_in_dim3A_37, %broadcast_in_dim3A_39 : vector<16xi1>, vector<16xi32>
      %add3A_634 = arith.addi %add3A_614, %select_n3A_633 : vector<16xi32>
      %select_n3A_635 = arith.select %ge3A_632, %broadcast_in_dim3A_39, %broadcast_in_dim3A_37 : vector<16xi1>, vector<16xi32>
      %add3A_636 = arith.addi %add3A_631, %select_n3A_635 : vector<16xi32>
      %ge3A_637 = arith.cmpf oge, %add3A_288, %add3A_532 : vector<16xf32>
      %select_n3A_638 = arith.select %ge3A_637, %broadcast_in_dim3A_37, %broadcast_in_dim3A_39 : vector<16xi1>, vector<16xi32>
      %add3A_639 = arith.addi %add3A_619, %select_n3A_638 : vector<16xi32>
      %select_n3A_640 = arith.select %ge3A_637, %broadcast_in_dim3A_39, %broadcast_in_dim3A_37 : vector<16xi1>, vector<16xi32>
      %add3A_641 = arith.addi %add3A_636, %select_n3A_640 : vector<16xi32>
      %ge3A_642 = arith.cmpf oge, %add3A_349, %add3A_410 : vector<16xf32>
      %select_n3A_643 = arith.select %ge3A_642, %broadcast_in_dim3A_37, %broadcast_in_dim3A_39 : vector<16xi1>, vector<16xi32>
      %add3A_644 = arith.addi %add3A_629, %select_n3A_643 : vector<16xi32>
      %select_n3A_645 = arith.select %ge3A_642, %broadcast_in_dim3A_39, %broadcast_in_dim3A_37 : vector<16xi1>, vector<16xi32>
      %add3A_646 = arith.addi %add3A_624, %select_n3A_645 : vector<16xi32>
      %ge3A_647 = arith.cmpf oge, %add3A_349, %add3A_471 : vector<16xf32>
      %select_n3A_648 = arith.select %ge3A_647, %broadcast_in_dim3A_37, %broadcast_in_dim3A_39 : vector<16xi1>, vector<16xi32>
      %add3A_649 = arith.addi %add3A_634, %select_n3A_648 : vector<16xi32>
      %select_n3A_650 = arith.select %ge3A_647, %broadcast_in_dim3A_39, %broadcast_in_dim3A_37 : vector<16xi1>, vector<16xi32>
      %add3A_651 = arith.addi %add3A_646, %select_n3A_650 : vector<16xi32>
      %ge3A_652 = arith.cmpf oge, %add3A_349, %add3A_532 : vector<16xf32>
      %select_n3A_653 = arith.select %ge3A_652, %broadcast_in_dim3A_37, %broadcast_in_dim3A_39 : vector<16xi1>, vector<16xi32>
      %add3A_654 = arith.addi %add3A_639, %select_n3A_653 : vector<16xi32>
      %select_n3A_655 = arith.select %ge3A_652, %broadcast_in_dim3A_39, %broadcast_in_dim3A_37 : vector<16xi1>, vector<16xi32>
      %add3A_656 = arith.addi %add3A_651, %select_n3A_655 : vector<16xi32>
      %ge3A_657 = arith.cmpf oge, %add3A_410, %add3A_471 : vector<16xf32>
      %select_n3A_658 = arith.select %ge3A_657, %broadcast_in_dim3A_37, %broadcast_in_dim3A_39 : vector<16xi1>, vector<16xi32>
      %add3A_659 = arith.addi %add3A_649, %select_n3A_658 : vector<16xi32>
      %select_n3A_660 = arith.select %ge3A_657, %broadcast_in_dim3A_39, %broadcast_in_dim3A_37 : vector<16xi1>, vector<16xi32>
      %add3A_661 = arith.addi %add3A_644, %select_n3A_660 : vector<16xi32>
      %ge3A_662 = arith.cmpf oge, %add3A_410, %add3A_532 : vector<16xf32>
      %select_n3A_663 = arith.select %ge3A_662, %broadcast_in_dim3A_37, %broadcast_in_dim3A_39 : vector<16xi1>, vector<16xi32>
      %add3A_664 = arith.addi %add3A_654, %select_n3A_663 : vector<16xi32>
      %select_n3A_665 = arith.select %ge3A_662, %broadcast_in_dim3A_39, %broadcast_in_dim3A_37 : vector<16xi1>, vector<16xi32>
      %add3A_666 = arith.addi %add3A_661, %select_n3A_665 : vector<16xi32>
      %ge3A_667 = arith.cmpf oge, %add3A_471, %add3A_532 : vector<16xf32>
      %select_n3A_668 = arith.select %ge3A_667, %broadcast_in_dim3A_37, %broadcast_in_dim3A_39 : vector<16xi1>, vector<16xi32>
      %add3A_669 = arith.addi %add3A_664, %select_n3A_668 : vector<16xi32>
      %select_n3A_670 = arith.select %ge3A_667, %broadcast_in_dim3A_39, %broadcast_in_dim3A_37 : vector<16xi1>, vector<16xi32>
      %add3A_671 = arith.addi %add3A_659, %select_n3A_670 : vector<16xi32>
      %lt3A_672 = arith.constant 4 : i32
      %lt3A_673 = vector.broadcast %lt3A_672 : i32 to vector<16xi32>
      %lt3A_674 = arith.cmpi slt, %add3A_566, %lt3A_673 : vector<16xi32>
      %lt3A_675 = arith.constant 4 : i32
      %lt3A_676 = vector.broadcast %lt3A_675 : i32 to vector<16xi32>
      %lt3A_677 = arith.cmpi slt, %add3A_596, %lt3A_676 : vector<16xi32>
      %lt3A_678 = arith.constant 4 : i32
      %lt3A_679 = vector.broadcast %lt3A_678 : i32 to vector<16xi32>
      %lt3A_680 = arith.cmpi slt, %add3A_621, %lt3A_679 : vector<16xi32>
      %lt3A_681 = arith.constant 4 : i32
      %lt3A_682 = vector.broadcast %lt3A_681 : i32 to vector<16xi32>
      %lt3A_683 = arith.cmpi slt, %add3A_641, %lt3A_682 : vector<16xi32>
      %lt3A_684 = arith.constant 4 : i32
      %lt3A_685 = vector.broadcast %lt3A_684 : i32 to vector<16xi32>
      %lt3A_686 = arith.cmpi slt, %add3A_656, %lt3A_685 : vector<16xi32>
      %lt3A_687 = arith.constant 4 : i32
      %lt3A_688 = vector.broadcast %lt3A_687 : i32 to vector<16xi32>
      %lt3A_689 = arith.cmpi slt, %add3A_666, %lt3A_688 : vector<16xi32>
      %lt3A_690 = arith.constant 4 : i32
      %lt3A_691 = vector.broadcast %lt3A_690 : i32 to vector<16xi32>
      %lt3A_692 = arith.cmpi slt, %add3A_671, %lt3A_691 : vector<16xi32>
      %lt3A_693 = arith.constant 4 : i32
      %lt3A_694 = vector.broadcast %lt3A_693 : i32 to vector<16xi32>
      %lt3A_695 = arith.cmpi slt, %add3A_669, %lt3A_694 : vector<16xi32>
      %get3A_696 = arith.constant 0 : i32
      %get3A_697 = arith.index_cast %get3A_696 : i32 to index
      %get3A_698 = arith.index_cast %mul3A_47 : i32 to index
      %get3A_699 = tpu.vector_load %arg5[%get3A_697, %get3A_698] {strides = array<i32>} : memref<64x1024xf32, #tpu.memory_space<vmem>>, vector<1x16xf32>,
      %get3A_700 = vector.shape_cast %get3A_699 : vector<1x16xf32> to vector<16xf32>
      %get3A_701 = arith.constant 1 : i32
      %get3A_702 = arith.index_cast %get3A_701 : i32 to index
      %get3A_703 = arith.index_cast %mul3A_47 : i32 to index
      %get3A_704 = tpu.vector_load %arg5[%get3A_702, %get3A_703] {strides = array<i32>} : memref<64x1024xf32, #tpu.memory_space<vmem>>, vector<1x16xf32>,
      %get3A_705 = vector.shape_cast %get3A_704 : vector<1x16xf32> to vector<16xf32>
      %get3A_706 = arith.constant 2 : i32
      %get3A_707 = arith.index_cast %get3A_706 : i32 to index
      %get3A_708 = arith.index_cast %mul3A_47 : i32 to index
      %get3A_709 = tpu.vector_load %arg5[%get3A_707, %get3A_708] {strides = array<i32>} : memref<64x1024xf32, #tpu.memory_space<vmem>>, vector<1x16xf32>,
      %get3A_710 = vector.shape_cast %get3A_709 : vector<1x16xf32> to vector<16xf32>
      %get3A_711 = arith.constant 3 : i32
      %get3A_712 = arith.index_cast %get3A_711 : i32 to index
      %get3A_713 = arith.index_cast %mul3A_47 : i32 to index
      %get3A_714 = tpu.vector_load %arg5[%get3A_712, %get3A_713] {strides = array<i32>} : memref<64x1024xf32, #tpu.memory_space<vmem>>, vector<1x16xf32>,
      %get3A_715 = vector.shape_cast %get3A_714 : vector<1x16xf32> to vector<16xf32>
      %get3A_716 = arith.constant 4 : i32
      %get3A_717 = arith.index_cast %get3A_716 : i32 to index
      %get3A_718 = arith.index_cast %mul3A_47 : i32 to index
      %get3A_719 = tpu.vector_load %arg5[%get3A_717, %get3A_718] {strides = array<i32>} : memref<64x1024xf32, #tpu.memory_space<vmem>>, vector<1x16xf32>,
      %get3A_720 = vector.shape_cast %get3A_719 : vector<1x16xf32> to vector<16xf32>
      %get3A_721 = arith.constant 5 : i32
      %get3A_722 = arith.index_cast %get3A_721 : i32 to index
      %get3A_723 = arith.index_cast %mul3A_47 : i32 to index
      %get3A_724 = tpu.vector_load %arg5[%get3A_722, %get3A_723] {strides = array<i32>} : memref<64x1024xf32, #tpu.memory_space<vmem>>, vector<1x16xf32>,
      %get3A_725 = vector.shape_cast %get3A_724 : vector<1x16xf32> to vector<16xf32>
      %get3A_726 = arith.constant 6 : i32
      %get3A_727 = arith.index_cast %get3A_726 : i32 to index
      %get3A_728 = arith.index_cast %mul3A_47 : i32 to index
      %get3A_729 = tpu.vector_load %arg5[%get3A_727, %get3A_728] {strides = array<i32>} : memref<64x1024xf32, #tpu.memory_space<vmem>>, vector<1x16xf32>,
      %get3A_730 = vector.shape_cast %get3A_729 : vector<1x16xf32> to vector<16xf32>
      %get3A_731 = arith.constant 7 : i32
      %get3A_732 = arith.index_cast %get3A_731 : i32 to index
      %get3A_733 = arith.index_cast %mul3A_47 : i32 to index
      %get3A_734 = tpu.vector_load %arg5[%get3A_732, %get3A_733] {strides = array<i32>} : memref<64x1024xf32, #tpu.memory_space<vmem>>, vector<1x16xf32>,
      %get3A_735 = vector.shape_cast %get3A_734 : vector<1x16xf32> to vector<16xf32>
      %broadcast_in_dim3A_736 = arith.constant 0 : i32
      %broadcast_in_dim3A_737 = vector.broadcast %broadcast_in_dim3A_736 : i32 to vector<16xi32>
      %broadcast_in_dim3A_738 = arith.constant 1 : i32
      %broadcast_in_dim3A_739 = vector.broadcast %broadcast_in_dim3A_738 : i32 to vector<16xi32>
      %broadcast_in_dim3A_740 = arith.constant 2 : i32
      %broadcast_in_dim3A_741 = vector.broadcast %broadcast_in_dim3A_740 : i32 to vector<16xi32>
      %broadcast_in_dim3A_742 = arith.constant 3 : i32
      %broadcast_in_dim3A_743 = vector.broadcast %broadcast_in_dim3A_742 : i32 to vector<16xi32>
      %broadcast_in_dim3A_744 = arith.constant 4 : i32
      %broadcast_in_dim3A_745 = vector.broadcast %broadcast_in_dim3A_744 : i32 to vector<16xi32>
      %broadcast_in_dim3A_746 = arith.constant 5 : i32
      %broadcast_in_dim3A_747 = vector.broadcast %broadcast_in_dim3A_746 : i32 to vector<16xi32>
      %broadcast_in_dim3A_748 = arith.constant 6 : i32
      %broadcast_in_dim3A_749 = vector.broadcast %broadcast_in_dim3A_748 : i32 to vector<16xi32>
      %broadcast_in_dim3A_750 = arith.constant 7 : i32
      %broadcast_in_dim3A_751 = vector.broadcast %broadcast_in_dim3A_750 : i32 to vector<16xi32>
      %ge3A_752 = arith.cmpf oge, %get3A_700, %get3A_705 : vector<16xf32>
      %max3A_753 = arith.maximumf %get3A_700, %get3A_705 : vector<16xf32>
      %min3A_754 = arith.minimumf %get3A_700, %get3A_705 : vector<16xf32>
      %select_n3A_755 = arith.select %ge3A_752, %broadcast_in_dim3A_737, %broadcast_in_dim3A_739 : vector<16xi1>, vector<16xi32>
      %select_n3A_756 = arith.select %ge3A_752, %broadcast_in_dim3A_739, %broadcast_in_dim3A_737 : vector<16xi1>, vector<16xi32>
      %ge3A_757 = arith.cmpf oge, %get3A_710, %get3A_715 : vector<16xf32>
      %max3A_758 = arith.maximumf %get3A_710, %get3A_715 : vector<16xf32>
      %min3A_759 = arith.minimumf %get3A_710, %get3A_715 : vector<16xf32>
      %select_n3A_760 = arith.select %ge3A_757, %broadcast_in_dim3A_741, %broadcast_in_dim3A_743 : vector<16xi1>, vector<16xi32>
      %select_n3A_761 = arith.select %ge3A_757, %broadcast_in_dim3A_743, %broadcast_in_dim3A_741 : vector<16xi1>, vector<16xi32>
      %ge3A_762 = arith.cmpf oge, %get3A_720, %get3A_725 : vector<16xf32>
      %max3A_763 = arith.maximumf %get3A_720, %get3A_725 : vector<16xf32>
      %min3A_764 = arith.minimumf %get3A_720, %get3A_725 : vector<16xf32>
      %select_n3A_765 = arith.select %ge3A_762, %broadcast_in_dim3A_745, %broadcast_in_dim3A_747 : vector<16xi1>, vector<16xi32>
      %select_n3A_766 = arith.select %ge3A_762, %broadcast_in_dim3A_747, %broadcast_in_dim3A_745 : vector<16xi1>, vector<16xi32>
      %ge3A_767 = arith.cmpf oge, %get3A_730, %get3A_735 : vector<16xf32>
      %max3A_768 = arith.maximumf %get3A_730, %get3A_735 : vector<16xf32>
      %min3A_769 = arith.minimumf %get3A_730, %get3A_735 : vector<16xf32>
      %select_n3A_770 = arith.select %ge3A_767, %broadcast_in_dim3A_749, %broadcast_in_dim3A_751 : vector<16xi1>, vector<16xi32>
      %select_n3A_771 = arith.select %ge3A_767, %broadcast_in_dim3A_751, %broadcast_in_dim3A_749 : vector<16xi1>, vector<16xi32>
      %ge3A_772 = arith.cmpf oge, %max3A_753, %max3A_758 : vector<16xf32>
      %max3A_773 = arith.maximumf %max3A_753, %max3A_758 : vector<16xf32>
      %min3A_774 = arith.minimumf %max3A_753, %max3A_758 : vector<16xf32>
      %select_n3A_775 = arith.select %ge3A_772, %select_n3A_755, %select_n3A_760 : vector<16xi1>, vector<16xi32>
      %select_n3A_776 = arith.select %ge3A_772, %select_n3A_760, %select_n3A_755 : vector<16xi1>, vector<16xi32>
      %ge3A_777 = arith.cmpf oge, %min3A_754, %min3A_759 : vector<16xf32>
      %max3A_778 = arith.maximumf %min3A_754, %min3A_759 : vector<16xf32>
      %min3A_779 = arith.minimumf %min3A_754, %min3A_759 : vector<16xf32>
      %select_n3A_780 = arith.select %ge3A_777, %select_n3A_756, %select_n3A_761 : vector<16xi1>, vector<16xi32>
      %select_n3A_781 = arith.select %ge3A_777, %select_n3A_761, %select_n3A_756 : vector<16xi1>, vector<16xi32>
      %ge3A_782 = arith.cmpf oge, %max3A_763, %max3A_768 : vector<16xf32>
      %max3A_783 = arith.maximumf %max3A_763, %max3A_768 : vector<16xf32>
      %min3A_784 = arith.minimumf %max3A_763, %max3A_768 : vector<16xf32>
      %select_n3A_785 = arith.select %ge3A_782, %select_n3A_765, %select_n3A_770 : vector<16xi1>, vector<16xi32>
      %select_n3A_786 = arith.select %ge3A_782, %select_n3A_770, %select_n3A_765 : vector<16xi1>, vector<16xi32>
      %ge3A_787 = arith.cmpf oge, %min3A_764, %min3A_769 : vector<16xf32>
      %max3A_788 = arith.maximumf %min3A_764, %min3A_769 : vector<16xf32>
      %min3A_789 = arith.minimumf %min3A_764, %min3A_769 : vector<16xf32>
      %select_n3A_790 = arith.select %ge3A_787, %select_n3A_766, %select_n3A_771 : vector<16xi1>, vector<16xi32>
      %select_n3A_791 = arith.select %ge3A_787, %select_n3A_771, %select_n3A_766 : vector<16xi1>, vector<16xi32>
      %ge3A_792 = arith.cmpf oge, %max3A_778, %min3A_774 : vector<16xf32>
      %max3A_793 = arith.maximumf %max3A_778, %min3A_774 : vector<16xf32>
      %min3A_794 = arith.minimumf %max3A_778, %min3A_774 : vector<16xf32>
      %select_n3A_795 = arith.select %ge3A_792, %select_n3A_780, %select_n3A_776 : vector<16xi1>, vector<16xi32>
      %select_n3A_796 = arith.select %ge3A_792, %select_n3A_776, %select_n3A_780 : vector<16xi1>, vector<16xi32>
      %ge3A_797 = arith.cmpf oge, %max3A_788, %min3A_784 : vector<16xf32>
      %max3A_798 = arith.maximumf %max3A_788, %min3A_784 : vector<16xf32>
      %min3A_799 = arith.minimumf %max3A_788, %min3A_784 : vector<16xf32>
      %select_n3A_800 = arith.select %ge3A_797, %select_n3A_790, %select_n3A_786 : vector<16xi1>, vector<16xi32>
      %select_n3A_801 = arith.select %ge3A_797, %select_n3A_786, %select_n3A_790 : vector<16xi1>, vector<16xi32>
      %ge3A_802 = arith.cmpf oge, %max3A_773, %max3A_783 : vector<16xf32>
      %max3A_803 = arith.maximumf %max3A_773, %max3A_783 : vector<16xf32>
      %min3A_804 = arith.minimumf %max3A_773, %max3A_783 : vector<16xf32>
      %select_n3A_805 = arith.select %ge3A_802, %select_n3A_775, %select_n3A_785 : vector<16xi1>, vector<16xi32>
      %select_n3A_806 = arith.select %ge3A_802, %select_n3A_785, %select_n3A_775 : vector<16xi1>, vector<16xi32>
      %ge3A_807 = arith.cmpf oge, %max3A_793, %max3A_798 : vector<16xf32>
      %max3A_808 = arith.maximumf %max3A_793, %max3A_798 : vector<16xf32>
      %min3A_809 = arith.minimumf %max3A_793, %max3A_798 : vector<16xf32>
      %select_n3A_810 = arith.select %ge3A_807, %select_n3A_795, %select_n3A_800 : vector<16xi1>, vector<16xi32>
      %select_n3A_811 = arith.select %ge3A_807, %select_n3A_800, %select_n3A_795 : vector<16xi1>, vector<16xi32>
      %ge3A_812 = arith.cmpf oge, %min3A_794, %min3A_799 : vector<16xf32>
      %max3A_813 = arith.maximumf %min3A_794, %min3A_799 : vector<16xf32>
      %min3A_814 = arith.minimumf %min3A_794, %min3A_799 : vector<16xf32>
      %select_n3A_815 = arith.select %ge3A_812, %select_n3A_796, %select_n3A_801 : vector<16xi1>, vector<16xi32>
      %select_n3A_816 = arith.select %ge3A_812, %select_n3A_801, %select_n3A_796 : vector<16xi1>, vector<16xi32>
      %ge3A_817 = arith.cmpf oge, %min3A_779, %min3A_789 : vector<16xf32>
      %max3A_818 = arith.maximumf %min3A_779, %min3A_789 : vector<16xf32>
      %min3A_819 = arith.minimumf %min3A_779, %min3A_789 : vector<16xf32>
      %select_n3A_820 = arith.select %ge3A_817, %select_n3A_781, %select_n3A_791 : vector<16xi1>, vector<16xi32>
      %select_n3A_821 = arith.select %ge3A_817, %select_n3A_791, %select_n3A_781 : vector<16xi1>, vector<16xi32>
      %ge3A_822 = arith.cmpf oge, %max3A_813, %min3A_804 : vector<16xf32>
      %max3A_823 = arith.maximumf %max3A_813, %min3A_804 : vector<16xf32>
      %min3A_824 = arith.minimumf %max3A_813, %min3A_804 : vector<16xf32>
      %select_n3A_825 = arith.select %ge3A_822, %select_n3A_815, %select_n3A_806 : vector<16xi1>, vector<16xi32>
      %select_n3A_826 = arith.select %ge3A_822, %select_n3A_806, %select_n3A_815 : vector<16xi1>, vector<16xi32>
      %ge3A_827 = arith.cmpf oge, %max3A_818, %min3A_809 : vector<16xf32>
      %max3A_828 = arith.maximumf %max3A_818, %min3A_809 : vector<16xf32>
      %min3A_829 = arith.minimumf %max3A_818, %min3A_809 : vector<16xf32>
      %select_n3A_830 = arith.select %ge3A_827, %select_n3A_820, %select_n3A_811 : vector<16xi1>, vector<16xi32>
      %select_n3A_831 = arith.select %ge3A_827, %select_n3A_811, %select_n3A_820 : vector<16xi1>, vector<16xi32>
      %ge3A_832 = arith.cmpf oge, %max3A_808, %max3A_823 : vector<16xf32>
      %max3A_833 = arith.maximumf %max3A_808, %max3A_823 : vector<16xf32>
      %min3A_834 = arith.minimumf %max3A_808, %max3A_823 : vector<16xf32>
      %select_n3A_835 = arith.select %ge3A_832, %select_n3A_810, %select_n3A_825 : vector<16xi1>, vector<16xi32>
      %select_n3A_836 = arith.select %ge3A_832, %select_n3A_825, %select_n3A_810 : vector<16xi1>, vector<16xi32>
      %ge3A_837 = arith.cmpf oge, %max3A_828, %min3A_824 : vector<16xf32>
      %max3A_838 = arith.maximumf %max3A_828, %min3A_824 : vector<16xf32>
      %min3A_839 = arith.minimumf %max3A_828, %min3A_824 : vector<16xf32>
      %select_n3A_840 = arith.select %ge3A_837, %select_n3A_830, %select_n3A_826 : vector<16xi1>, vector<16xi32>
      %select_n3A_841 = arith.select %ge3A_837, %select_n3A_826, %select_n3A_830 : vector<16xi1>, vector<16xi32>
      %ge3A_842 = arith.cmpf oge, %min3A_829, %min3A_814 : vector<16xf32>
      %max3A_843 = arith.maximumf %min3A_829, %min3A_814 : vector<16xf32>
      %min3A_844 = arith.minimumf %min3A_829, %min3A_814 : vector<16xf32>
      %select_n3A_845 = arith.select %ge3A_842, %select_n3A_831, %select_n3A_816 : vector<16xi1>, vector<16xi32>
      %select_n3A_846 = arith.select %ge3A_842, %select_n3A_816, %select_n3A_831 : vector<16xi1>, vector<16xi32>
      %select_n3A_847 = arith.select %lt3A_674, %max3A_803, %broadcast_in_dim3A_35 : vector<16xi1>, vector<16xf32>
      %select_n3A_848 = arith.select %lt3A_674, %max3A_833, %broadcast_in_dim3A_35 : vector<16xi1>, vector<16xf32>
      %select_n3A_849 = arith.select %lt3A_674, %min3A_834, %broadcast_in_dim3A_35 : vector<16xi1>, vector<16xf32>
      %select_n3A_850 = arith.select %lt3A_674, %max3A_838, %broadcast_in_dim3A_35 : vector<16xi1>, vector<16xf32>
      %select_n3A_851 = arith.select %lt3A_674, %min3A_839, %broadcast_in_dim3A_35 : vector<16xi1>, vector<16xf32>
      %select_n3A_852 = arith.select %lt3A_674, %max3A_843, %broadcast_in_dim3A_35 : vector<16xi1>, vector<16xf32>
      %select_n3A_853 = arith.select %lt3A_674, %min3A_844, %broadcast_in_dim3A_35 : vector<16xi1>, vector<16xf32>
      %select_n3A_854 = arith.select %lt3A_674, %min3A_819, %broadcast_in_dim3A_35 : vector<16xi1>, vector<16xf32>
      %get3A_855 = arith.constant 8 : i32
      %get3A_856 = arith.index_cast %get3A_855 : i32 to index
      %get3A_857 = arith.index_cast %mul3A_47 : i32 to index
      %get3A_858 = tpu.vector_load %arg5[%get3A_856, %get3A_857] {strides = array<i32>} : memref<64x1024xf32, #tpu.memory_space<vmem>>, vector<1x16xf32>,
      %get3A_859 = vector.shape_cast %get3A_858 : vector<1x16xf32> to vector<16xf32>
      %get3A_860 = arith.constant 9 : i32
      %get3A_861 = arith.index_cast %get3A_860 : i32 to index
      %get3A_862 = arith.index_cast %mul3A_47 : i32 to index
      %get3A_863 = tpu.vector_load %arg5[%get3A_861, %get3A_862] {strides = array<i32>} : memref<64x1024xf32, #tpu.memory_space<vmem>>, vector<1x16xf32>,
      %get3A_864 = vector.shape_cast %get3A_863 : vector<1x16xf32> to vector<16xf32>
      %get3A_865 = arith.constant 10 : i32
      %get3A_866 = arith.index_cast %get3A_865 : i32 to index
      %get3A_867 = arith.index_cast %mul3A_47 : i32 to index
      %get3A_868 = tpu.vector_load %arg5[%get3A_866, %get3A_867] {strides = array<i32>} : memref<64x1024xf32, #tpu.memory_space<vmem>>, vector<1x16xf32>,
      %get3A_869 = vector.shape_cast %get3A_868 : vector<1x16xf32> to vector<16xf32>
      %get3A_870 = arith.constant 11 : i32
      %get3A_871 = arith.index_cast %get3A_870 : i32 to index
      %get3A_872 = arith.index_cast %mul3A_47 : i32 to index
      %get3A_873 = tpu.vector_load %arg5[%get3A_871, %get3A_872] {strides = array<i32>} : memref<64x1024xf32, #tpu.memory_space<vmem>>, vector<1x16xf32>,
      %get3A_874 = vector.shape_cast %get3A_873 : vector<1x16xf32> to vector<16xf32>
      %get3A_875 = arith.constant 12 : i32
      %get3A_876 = arith.index_cast %get3A_875 : i32 to index
      %get3A_877 = arith.index_cast %mul3A_47 : i32 to index
      %get3A_878 = tpu.vector_load %arg5[%get3A_876, %get3A_877] {strides = array<i32>} : memref<64x1024xf32, #tpu.memory_space<vmem>>, vector<1x16xf32>,
      %get3A_879 = vector.shape_cast %get3A_878 : vector<1x16xf32> to vector<16xf32>
      %get3A_880 = arith.constant 13 : i32
      %get3A_881 = arith.index_cast %get3A_880 : i32 to index
      %get3A_882 = arith.index_cast %mul3A_47 : i32 to index
      %get3A_883 = tpu.vector_load %arg5[%get3A_881, %get3A_882] {strides = array<i32>} : memref<64x1024xf32, #tpu.memory_space<vmem>>, vector<1x16xf32>,
      %get3A_884 = vector.shape_cast %get3A_883 : vector<1x16xf32> to vector<16xf32>
      %get3A_885 = arith.constant 14 : i32
      %get3A_886 = arith.index_cast %get3A_885 : i32 to index
      %get3A_887 = arith.index_cast %mul3A_47 : i32 to index
      %get3A_888 = tpu.vector_load %arg5[%get3A_886, %get3A_887] {strides = array<i32>} : memref<64x1024xf32, #tpu.memory_space<vmem>>, vector<1x16xf32>,
      %get3A_889 = vector.shape_cast %get3A_888 : vector<1x16xf32> to vector<16xf32>
      %get3A_890 = arith.constant 15 : i32
      %get3A_891 = arith.index_cast %get3A_890 : i32 to index
      %get3A_892 = arith.index_cast %mul3A_47 : i32 to index
      %get3A_893 = tpu.vector_load %arg5[%get3A_891, %get3A_892] {strides = array<i32>} : memref<64x1024xf32, #tpu.memory_space<vmem>>, vector<1x16xf32>,
      %get3A_894 = vector.shape_cast %get3A_893 : vector<1x16xf32> to vector<16xf32>
      %broadcast_in_dim3A_895 = arith.constant 8 : i32
      %broadcast_in_dim3A_896 = vector.broadcast %broadcast_in_dim3A_895 : i32 to vector<16xi32>
      %broadcast_in_dim3A_897 = arith.constant 9 : i32
      %broadcast_in_dim3A_898 = vector.broadcast %broadcast_in_dim3A_897 : i32 to vector<16xi32>
      %broadcast_in_dim3A_899 = arith.constant 10 : i32
      %broadcast_in_dim3A_900 = vector.broadcast %broadcast_in_dim3A_899 : i32 to vector<16xi32>
      %broadcast_in_dim3A_901 = arith.constant 11 : i32
      %broadcast_in_dim3A_902 = vector.broadcast %broadcast_in_dim3A_901 : i32 to vector<16xi32>
      %broadcast_in_dim3A_903 = arith.constant 12 : i32
      %broadcast_in_dim3A_904 = vector.broadcast %broadcast_in_dim3A_903 : i32 to vector<16xi32>
      %broadcast_in_dim3A_905 = arith.constant 13 : i32
      %broadcast_in_dim3A_906 = vector.broadcast %broadcast_in_dim3A_905 : i32 to vector<16xi32>
      %broadcast_in_dim3A_907 = arith.constant 14 : i32
      %broadcast_in_dim3A_908 = vector.broadcast %broadcast_in_dim3A_907 : i32 to vector<16xi32>
      %broadcast_in_dim3A_909 = arith.constant 15 : i32
      %broadcast_in_dim3A_910 = vector.broadcast %broadcast_in_dim3A_909 : i32 to vector<16xi32>
      %ge3A_911 = arith.cmpf oge, %get3A_859, %get3A_864 : vector<16xf32>
      %max3A_912 = arith.maximumf %get3A_859, %get3A_864 : vector<16xf32>
      %min3A_913 = arith.minimumf %get3A_859, %get3A_864 : vector<16xf32>
      %select_n3A_914 = arith.select %ge3A_911, %broadcast_in_dim3A_896, %broadcast_in_dim3A_898 : vector<16xi1>, vector<16xi32>
      %select_n3A_915 = arith.select %ge3A_911, %broadcast_in_dim3A_898, %broadcast_in_dim3A_896 : vector<16xi1>, vector<16xi32>
      %ge3A_916 = arith.cmpf oge, %get3A_869, %get3A_874 : vector<16xf32>
      %max3A_917 = arith.maximumf %get3A_869, %get3A_874 : vector<16xf32>
      %min3A_918 = arith.minimumf %get3A_869, %get3A_874 : vector<16xf32>
      %select_n3A_919 = arith.select %ge3A_916, %broadcast_in_dim3A_900, %broadcast_in_dim3A_902 : vector<16xi1>, vector<16xi32>
      %select_n3A_920 = arith.select %ge3A_916, %broadcast_in_dim3A_902, %broadcast_in_dim3A_900 : vector<16xi1>, vector<16xi32>
      %ge3A_921 = arith.cmpf oge, %get3A_879, %get3A_884 : vector<16xf32>
      %max3A_922 = arith.maximumf %get3A_879, %get3A_884 : vector<16xf32>
      %min3A_923 = arith.minimumf %get3A_879, %get3A_884 : vector<16xf32>
      %select_n3A_924 = arith.select %ge3A_921, %broadcast_in_dim3A_904, %broadcast_in_dim3A_906 : vector<16xi1>, vector<16xi32>
      %select_n3A_925 = arith.select %ge3A_921, %broadcast_in_dim3A_906, %broadcast_in_dim3A_904 : vector<16xi1>, vector<16xi32>
      %ge3A_926 = arith.cmpf oge, %get3A_889, %get3A_894 : vector<16xf32>
      %max3A_927 = arith.maximumf %get3A_889, %get3A_894 : vector<16xf32>
      %min3A_928 = arith.minimumf %get3A_889, %get3A_894 : vector<16xf32>
      %select_n3A_929 = arith.select %ge3A_926, %broadcast_in_dim3A_908, %broadcast_in_dim3A_910 : vector<16xi1>, vector<16xi32>
      %select_n3A_930 = arith.select %ge3A_926, %broadcast_in_dim3A_910, %broadcast_in_dim3A_908 : vector<16xi1>, vector<16xi32>
      %ge3A_931 = arith.cmpf oge, %max3A_912, %max3A_917 : vector<16xf32>
      %max3A_932 = arith.maximumf %max3A_912, %max3A_917 : vector<16xf32>
      %min3A_933 = arith.minimumf %max3A_912, %max3A_917 : vector<16xf32>
      %select_n3A_934 = arith.select %ge3A_931, %select_n3A_914, %select_n3A_919 : vector<16xi1>, vector<16xi32>
      %select_n3A_935 = arith.select %ge3A_931, %select_n3A_919, %select_n3A_914 : vector<16xi1>, vector<16xi32>
      %ge3A_936 = arith.cmpf oge, %min3A_913, %min3A_918 : vector<16xf32>
      %max3A_937 = arith.maximumf %min3A_913, %min3A_918 : vector<16xf32>
      %min3A_938 = arith.minimumf %min3A_913, %min3A_918 : vector<16xf32>
      %select_n3A_939 = arith.select %ge3A_936, %select_n3A_915, %select_n3A_920 : vector<16xi1>, vector<16xi32>
      %select_n3A_940 = arith.select %ge3A_936, %select_n3A_920, %select_n3A_915 : vector<16xi1>, vector<16xi32>
      %ge3A_941 = arith.cmpf oge, %max3A_922, %max3A_927 : vector<16xf32>
      %max3A_942 = arith.maximumf %max3A_922, %max3A_927 : vector<16xf32>
      %min3A_943 = arith.minimumf %max3A_922, %max3A_927 : vector<16xf32>
      %select_n3A_944 = arith.select %ge3A_941, %select_n3A_924, %select_n3A_929 : vector<16xi1>, vector<16xi32>
      %select_n3A_945 = arith.select %ge3A_941, %select_n3A_929, %select_n3A_924 : vector<16xi1>, vector<16xi32>
      %ge3A_946 = arith.cmpf oge, %min3A_923, %min3A_928 : vector<16xf32>
      %max3A_947 = arith.maximumf %min3A_923, %min3A_928 : vector<16xf32>
      %min3A_948 = arith.minimumf %min3A_923, %min3A_928 : vector<16xf32>
      %select_n3A_949 = arith.select %ge3A_946, %select_n3A_925, %select_n3A_930 : vector<16xi1>, vector<16xi32>
      %select_n3A_950 = arith.select %ge3A_946, %select_n3A_930, %select_n3A_925 : vector<16xi1>, vector<16xi32>
      %ge3A_951 = arith.cmpf oge, %max3A_937, %min3A_933 : vector<16xf32>
      %max3A_952 = arith.maximumf %max3A_937, %min3A_933 : vector<16xf32>
      %min3A_953 = arith.minimumf %max3A_937, %min3A_933 : vector<16xf32>
      %select_n3A_954 = arith.select %ge3A_951, %select_n3A_939, %select_n3A_935 : vector<16xi1>, vector<16xi32>
      %select_n3A_955 = arith.select %ge3A_951, %select_n3A_935, %select_n3A_939 : vector<16xi1>, vector<16xi32>
      %ge3A_956 = arith.cmpf oge, %max3A_947, %min3A_943 : vector<16xf32>
      %max3A_957 = arith.maximumf %max3A_947, %min3A_943 : vector<16xf32>
      %min3A_958 = arith.minimumf %max3A_947, %min3A_943 : vector<16xf32>
      %select_n3A_959 = arith.select %ge3A_956, %select_n3A_949, %select_n3A_945 : vector<16xi1>, vector<16xi32>
      %select_n3A_960 = arith.select %ge3A_956, %select_n3A_945, %select_n3A_949 : vector<16xi1>, vector<16xi32>
      %ge3A_961 = arith.cmpf oge, %max3A_932, %max3A_942 : vector<16xf32>
      %max3A_962 = arith.maximumf %max3A_932, %max3A_942 : vector<16xf32>
      %min3A_963 = arith.minimumf %max3A_932, %max3A_942 : vector<16xf32>
      %select_n3A_964 = arith.select %ge3A_961, %select_n3A_934, %select_n3A_944 : vector<16xi1>, vector<16xi32>
      %select_n3A_965 = arith.select %ge3A_961, %select_n3A_944, %select_n3A_934 : vector<16xi1>, vector<16xi32>
      %ge3A_966 = arith.cmpf oge, %max3A_952, %max3A_957 : vector<16xf32>
      %max3A_967 = arith.maximumf %max3A_952, %max3A_957 : vector<16xf32>
      %min3A_968 = arith.minimumf %max3A_952, %max3A_957 : vector<16xf32>
      %select_n3A_969 = arith.select %ge3A_966, %select_n3A_954, %select_n3A_959 : vector<16xi1>, vector<16xi32>
      %select_n3A_970 = arith.select %ge3A_966, %select_n3A_959, %select_n3A_954 : vector<16xi1>, vector<16xi32>
      %ge3A_971 = arith.cmpf oge, %min3A_953, %min3A_958 : vector<16xf32>
      %max3A_972 = arith.maximumf %min3A_953, %min3A_958 : vector<16xf32>
      %min3A_973 = arith.minimumf %min3A_953, %min3A_958 : vector<16xf32>
      %select_n3A_974 = arith.select %ge3A_971, %select_n3A_955, %select_n3A_960 : vector<16xi1>, vector<16xi32>
      %select_n3A_975 = arith.select %ge3A_971, %select_n3A_960, %select_n3A_955 : vector<16xi1>, vector<16xi32>
      %ge3A_976 = arith.cmpf oge, %min3A_938, %min3A_948 : vector<16xf32>
      %max3A_977 = arith.maximumf %min3A_938, %min3A_948 : vector<16xf32>
      %min3A_978 = arith.minimumf %min3A_938, %min3A_948 : vector<16xf32>
      %select_n3A_979 = arith.select %ge3A_976, %select_n3A_940, %select_n3A_950 : vector<16xi1>, vector<16xi32>
      %select_n3A_980 = arith.select %ge3A_976, %select_n3A_950, %select_n3A_940 : vector<16xi1>, vector<16xi32>
      %ge3A_981 = arith.cmpf oge, %max3A_972, %min3A_963 : vector<16xf32>
      %max3A_982 = arith.maximumf %max3A_972, %min3A_963 : vector<16xf32>
      %min3A_983 = arith.minimumf %max3A_972, %min3A_963 : vector<16xf32>
      %select_n3A_984 = arith.select %ge3A_981, %select_n3A_974, %select_n3A_965 : vector<16xi1>, vector<16xi32>
      %select_n3A_985 = arith.select %ge3A_981, %select_n3A_965, %select_n3A_974 : vector<16xi1>, vector<16xi32>
      %ge3A_986 = arith.cmpf oge, %max3A_977, %min3A_968 : vector<16xf32>
      %max3A_987 = arith.maximumf %max3A_977, %min3A_968 : vector<16xf32>
      %min3A_988 = arith.minimumf %max3A_977, %min3A_968 : vector<16xf32>
      %select_n3A_989 = arith.select %ge3A_986, %select_n3A_979, %select_n3A_970 : vector<16xi1>, vector<16xi32>
      %select_n3A_990 = arith.select %ge3A_986, %select_n3A_970, %select_n3A_979 : vector<16xi1>, vector<16xi32>
      %ge3A_991 = arith.cmpf oge, %max3A_967, %max3A_982 : vector<16xf32>
      %max3A_992 = arith.maximumf %max3A_967, %max3A_982 : vector<16xf32>
      %min3A_993 = arith.minimumf %max3A_967, %max3A_982 : vector<16xf32>
      %select_n3A_994 = arith.select %ge3A_991, %select_n3A_969, %select_n3A_984 : vector<16xi1>, vector<16xi32>
      %select_n3A_995 = arith.select %ge3A_991, %select_n3A_984, %select_n3A_969 : vector<16xi1>, vector<16xi32>
      %ge3A_996 = arith.cmpf oge, %max3A_987, %min3A_983 : vector<16xf32>
      %max3A_997 = arith.maximumf %max3A_987, %min3A_983 : vector<16xf32>
      %min3A_998 = arith.minimumf %max3A_987, %min3A_983 : vector<16xf32>
      %select_n3A_999 = arith.select %ge3A_996, %select_n3A_989, %select_n3A_985 : vector<16xi1>, vector<16xi32>
      %select_n3A_1000 = arith.select %ge3A_996, %select_n3A_985, %select_n3A_989 : vector<16xi1>, vector<16xi32>
      %ge3A_1001 = arith.cmpf oge, %min3A_988, %min3A_973 : vector<16xf32>
      %max3A_1002 = arith.maximumf %min3A_988, %min3A_973 : vector<16xf32>
      %min3A_1003 = arith.minimumf %min3A_988, %min3A_973 : vector<16xf32>
      %select_n3A_1004 = arith.select %ge3A_1001, %select_n3A_990, %select_n3A_975 : vector<16xi1>, vector<16xi32>
      %select_n3A_1005 = arith.select %ge3A_1001, %select_n3A_975, %select_n3A_990 : vector<16xi1>, vector<16xi32>
      %select_n3A_1006 = arith.select %lt3A_677, %max3A_962, %broadcast_in_dim3A_35 : vector<16xi1>, vector<16xf32>
      %select_n3A_1007 = arith.select %lt3A_677, %max3A_992, %broadcast_in_dim3A_35 : vector<16xi1>, vector<16xf32>
      %select_n3A_1008 = arith.select %lt3A_677, %min3A_993, %broadcast_in_dim3A_35 : vector<16xi1>, vector<16xf32>
      %select_n3A_1009 = arith.select %lt3A_677, %max3A_997, %broadcast_in_dim3A_35 : vector<16xi1>, vector<16xf32>
      %select_n3A_1010 = arith.select %lt3A_677, %min3A_998, %broadcast_in_dim3A_35 : vector<16xi1>, vector<16xf32>
      %select_n3A_1011 = arith.select %lt3A_677, %max3A_1002, %broadcast_in_dim3A_35 : vector<16xi1>, vector<16xf32>
      %select_n3A_1012 = arith.select %lt3A_677, %min3A_1003, %broadcast_in_dim3A_35 : vector<16xi1>, vector<16xf32>
      %select_n3A_1013 = arith.select %lt3A_677, %min3A_978, %broadcast_in_dim3A_35 : vector<16xi1>, vector<16xf32>
      %ge3A_1014 = arith.cmpf oge, %select_n3A_847, %select_n3A_1013 : vector<16xf32>
      %max3A_1015 = arith.maximumf %select_n3A_847, %select_n3A_1013 : vector<16xf32>
      %select_n3A_1016 = arith.select %ge3A_1014, %select_n3A_805, %select_n3A_980 : vector<16xi1>, vector<16xi32>
      %ge3A_1017 = arith.cmpf oge, %select_n3A_848, %select_n3A_1012 : vector<16xf32>
      %max3A_1018 = arith.maximumf %select_n3A_848, %select_n3A_1012 : vector<16xf32>
      %select_n3A_1019 = arith.select %ge3A_1017, %select_n3A_835, %select_n3A_1005 : vector<16xi1>, vector<16xi32>
      %ge3A_1020 = arith.cmpf oge, %select_n3A_849, %select_n3A_1011 : vector<16xf32>
      %max3A_1021 = arith.maximumf %select_n3A_849, %select_n3A_1011 : vector<16xf32>
      %select_n3A_1022 = arith.select %ge3A_1020, %select_n3A_836, %select_n3A_1004 : vector<16xi1>, vector<16xi32>
      %ge3A_1023 = arith.cmpf oge, %select_n3A_850, %select_n3A_1010 : vector<16xf32>
      %max3A_1024 = arith.maximumf %select_n3A_850, %select_n3A_1010 : vector<16xf32>
      %select_n3A_1025 = arith.select %ge3A_1023, %select_n3A_840, %select_n3A_1000 : vector<16xi1>, vector<16xi32>
      %ge3A_1026 = arith.cmpf oge, %select_n3A_851, %select_n3A_1009 : vector<16xf32>
      %max3A_1027 = arith.maximumf %select_n3A_851, %select_n3A_1009 : vector<16xf32>
      %select_n3A_1028 = arith.select %ge3A_1026, %select_n3A_841, %select_n3A_999 : vector<16xi1>, vector<16xi32>
      %ge3A_1029 = arith.cmpf oge, %select_n3A_852, %select_n3A_1008 : vector<16xf32>
      %max3A_1030 = arith.maximumf %select_n3A_852, %select_n3A_1008 : vector<16xf32>
      %select_n3A_1031 = arith.select %ge3A_1029, %select_n3A_845, %select_n3A_995 : vector<16xi1>, vector<16xi32>
      %ge3A_1032 = arith.cmpf oge, %select_n3A_853, %select_n3A_1007 : vector<16xf32>
      %max3A_1033 = arith.maximumf %select_n3A_853, %select_n3A_1007 : vector<16xf32>
      %select_n3A_1034 = arith.select %ge3A_1032, %select_n3A_846, %select_n3A_994 : vector<16xi1>, vector<16xi32>
      %ge3A_1035 = arith.cmpf oge, %select_n3A_854, %select_n3A_1006 : vector<16xf32>
      %max3A_1036 = arith.maximumf %select_n3A_854, %select_n3A_1006 : vector<16xf32>
      %select_n3A_1037 = arith.select %ge3A_1035, %select_n3A_821, %select_n3A_964 : vector<16xi1>, vector<16xi32>
      %ge3A_1038 = arith.cmpf oge, %max3A_1015, %max3A_1027 : vector<16xf32>
      %max3A_1039 = arith.maximumf %max3A_1015, %max3A_1027 : vector<16xf32>
      %min3A_1040 = arith.minimumf %max3A_1015, %max3A_1027 : vector<16xf32>
      %select_n3A_1041 = arith.select %ge3A_1038, %select_n3A_1016, %select_n3A_1028 : vector<16xi1>, vector<16xi32>
      %select_n3A_1042 = arith.select %ge3A_1038, %select_n3A_1028, %select_n3A_1016 : vector<16xi1>, vector<16xi32>
      %ge3A_1043 = arith.cmpf oge, %max3A_1018, %max3A_1030 : vector<16xf32>
      %max3A_1044 = arith.maximumf %max3A_1018, %max3A_1030 : vector<16xf32>
      %min3A_1045 = arith.minimumf %max3A_1018, %max3A_1030 : vector<16xf32>
      %select_n3A_1046 = arith.select %ge3A_1043, %select_n3A_1019, %select_n3A_1031 : vector<16xi1>, vector<16xi32>
      %select_n3A_1047 = arith.select %ge3A_1043, %select_n3A_1031, %select_n3A_1019 : vector<16xi1>, vector<16xi32>
      %ge3A_1048 = arith.cmpf oge, %max3A_1021, %max3A_1033 : vector<16xf32>
      %max3A_1049 = arith.maximumf %max3A_1021, %max3A_1033 : vector<16xf32>
      %min3A_1050 = arith.minimumf %max3A_1021, %max3A_1033 : vector<16xf32>
      %select_n3A_1051 = arith.select %ge3A_1048, %select_n3A_1022, %select_n3A_1034 : vector<16xi1>, vector<16xi32>
      %select_n3A_1052 = arith.select %ge3A_1048, %select_n3A_1034, %select_n3A_1022 : vector<16xi1>, vector<16xi32>
      %ge3A_1053 = arith.cmpf oge, %max3A_1024, %max3A_1036 : vector<16xf32>
      %max3A_1054 = arith.maximumf %max3A_1024, %max3A_1036 : vector<16xf32>
      %min3A_1055 = arith.minimumf %max3A_1024, %max3A_1036 : vector<16xf32>
      %select_n3A_1056 = arith.select %ge3A_1053, %select_n3A_1025, %select_n3A_1037 : vector<16xi1>, vector<16xi32>
      %select_n3A_1057 = arith.select %ge3A_1053, %select_n3A_1037, %select_n3A_1025 : vector<16xi1>, vector<16xi32>
      %ge3A_1058 = arith.cmpf oge, %max3A_1039, %max3A_1049 : vector<16xf32>
      %max3A_1059 = arith.maximumf %max3A_1039, %max3A_1049 : vector<16xf32>
      %min3A_1060 = arith.minimumf %max3A_1039, %max3A_1049 : vector<16xf32>
      %select_n3A_1061 = arith.select %ge3A_1058, %select_n3A_1041, %select_n3A_1051 : vector<16xi1>, vector<16xi32>
      %select_n3A_1062 = arith.select %ge3A_1058, %select_n3A_1051, %select_n3A_1041 : vector<16xi1>, vector<16xi32>
      %ge3A_1063 = arith.cmpf oge, %max3A_1044, %max3A_1054 : vector<16xf32>
      %max3A_1064 = arith.maximumf %max3A_1044, %max3A_1054 : vector<16xf32>
      %min3A_1065 = arith.minimumf %max3A_1044, %max3A_1054 : vector<16xf32>
      %select_n3A_1066 = arith.select %ge3A_1063, %select_n3A_1046, %select_n3A_1056 : vector<16xi1>, vector<16xi32>
      %select_n3A_1067 = arith.select %ge3A_1063, %select_n3A_1056, %select_n3A_1046 : vector<16xi1>, vector<16xi32>
      %ge3A_1068 = arith.cmpf oge, %min3A_1040, %min3A_1050 : vector<16xf32>
      %max3A_1069 = arith.maximumf %min3A_1040, %min3A_1050 : vector<16xf32>
      %min3A_1070 = arith.minimumf %min3A_1040, %min3A_1050 : vector<16xf32>
      %select_n3A_1071 = arith.select %ge3A_1068, %select_n3A_1042, %select_n3A_1052 : vector<16xi1>, vector<16xi32>
      %select_n3A_1072 = arith.select %ge3A_1068, %select_n3A_1052, %select_n3A_1042 : vector<16xi1>, vector<16xi32>
      %ge3A_1073 = arith.cmpf oge, %min3A_1045, %min3A_1055 : vector<16xf32>
      %max3A_1074 = arith.maximumf %min3A_1045, %min3A_1055 : vector<16xf32>
      %min3A_1075 = arith.minimumf %min3A_1045, %min3A_1055 : vector<16xf32>
      %select_n3A_1076 = arith.select %ge3A_1073, %select_n3A_1047, %select_n3A_1057 : vector<16xi1>, vector<16xi32>
      %select_n3A_1077 = arith.select %ge3A_1073, %select_n3A_1057, %select_n3A_1047 : vector<16xi1>, vector<16xi32>
      %ge3A_1078 = arith.cmpf oge, %max3A_1059, %max3A_1064 : vector<16xf32>
      %max3A_1079 = arith.maximumf %max3A_1059, %max3A_1064 : vector<16xf32>
      %min3A_1080 = arith.minimumf %max3A_1059, %max3A_1064 : vector<16xf32>
      %select_n3A_1081 = arith.select %ge3A_1078, %select_n3A_1061, %select_n3A_1066 : vector<16xi1>, vector<16xi32>
      %select_n3A_1082 = arith.select %ge3A_1078, %select_n3A_1066, %select_n3A_1061 : vector<16xi1>, vector<16xi32>
      %ge3A_1083 = arith.cmpf oge, %min3A_1060, %min3A_1065 : vector<16xf32>
      %max3A_1084 = arith.maximumf %min3A_1060, %min3A_1065 : vector<16xf32>
      %min3A_1085 = arith.minimumf %min3A_1060, %min3A_1065 : vector<16xf32>
      %select_n3A_1086 = arith.select %ge3A_1083, %select_n3A_1062, %select_n3A_1067 : vector<16xi1>, vector<16xi32>
      %select_n3A_1087 = arith.select %ge3A_1083, %select_n3A_1067, %select_n3A_1062 : vector<16xi1>, vector<16xi32>
      %ge3A_1088 = arith.cmpf oge, %max3A_1069, %max3A_1074 : vector<16xf32>
      %max3A_1089 = arith.maximumf %max3A_1069, %max3A_1074 : vector<16xf32>
      %min3A_1090 = arith.minimumf %max3A_1069, %max3A_1074 : vector<16xf32>
      %select_n3A_1091 = arith.select %ge3A_1088, %select_n3A_1071, %select_n3A_1076 : vector<16xi1>, vector<16xi32>
      %select_n3A_1092 = arith.select %ge3A_1088, %select_n3A_1076, %select_n3A_1071 : vector<16xi1>, vector<16xi32>
      %ge3A_1093 = arith.cmpf oge, %min3A_1070, %min3A_1075 : vector<16xf32>
      %max3A_1094 = arith.maximumf %min3A_1070, %min3A_1075 : vector<16xf32>
      %min3A_1095 = arith.minimumf %min3A_1070, %min3A_1075 : vector<16xf32>
      %select_n3A_1096 = arith.select %ge3A_1093, %select_n3A_1072, %select_n3A_1077 : vector<16xi1>, vector<16xi32>
      %select_n3A_1097 = arith.select %ge3A_1093, %select_n3A_1077, %select_n3A_1072 : vector<16xi1>, vector<16xi32>
      %get3A_1098 = arith.constant 16 : i32
      %get3A_1099 = arith.index_cast %get3A_1098 : i32 to index
      %get3A_1100 = arith.index_cast %mul3A_47 : i32 to index
      %get3A_1101 = tpu.vector_load %arg5[%get3A_1099, %get3A_1100] {strides = array<i32>} : memref<64x1024xf32, #tpu.memory_space<vmem>>, vector<1x16xf32>,
      %get3A_1102 = vector.shape_cast %get3A_1101 : vector<1x16xf32> to vector<16xf32>
      %get3A_1103 = arith.constant 17 : i32
      %get3A_1104 = arith.index_cast %get3A_1103 : i32 to index
      %get3A_1105 = arith.index_cast %mul3A_47 : i32 to index
      %get3A_1106 = tpu.vector_load %arg5[%get3A_1104, %get3A_1105] {strides = array<i32>} : memref<64x1024xf32, #tpu.memory_space<vmem>>, vector<1x16xf32>,
      %get3A_1107 = vector.shape_cast %get3A_1106 : vector<1x16xf32> to vector<16xf32>
      %get3A_1108 = arith.constant 18 : i32
      %get3A_1109 = arith.index_cast %get3A_1108 : i32 to index
      %get3A_1110 = arith.index_cast %mul3A_47 : i32 to index
      %get3A_1111 = tpu.vector_load %arg5[%get3A_1109, %get3A_1110] {strides = array<i32>} : memref<64x1024xf32, #tpu.memory_space<vmem>>, vector<1x16xf32>,
      %get3A_1112 = vector.shape_cast %get3A_1111 : vector<1x16xf32> to vector<16xf32>
      %get3A_1113 = arith.constant 19 : i32
      %get3A_1114 = arith.index_cast %get3A_1113 : i32 to index
      %get3A_1115 = arith.index_cast %mul3A_47 : i32 to index
      %get3A_1116 = tpu.vector_load %arg5[%get3A_1114, %get3A_1115] {strides = array<i32>} : memref<64x1024xf32, #tpu.memory_space<vmem>>, vector<1x16xf32>,
      %get3A_1117 = vector.shape_cast %get3A_1116 : vector<1x16xf32> to vector<16xf32>
      %get3A_1118 = arith.constant 20 : i32
      %get3A_1119 = arith.index_cast %get3A_1118 : i32 to index
      %get3A_1120 = arith.index_cast %mul3A_47 : i32 to index
      %get3A_1121 = tpu.vector_load %arg5[%get3A_1119, %get3A_1120] {strides = array<i32>} : memref<64x1024xf32, #tpu.memory_space<vmem>>, vector<1x16xf32>,
      %get3A_1122 = vector.shape_cast %get3A_1121 : vector<1x16xf32> to vector<16xf32>
      %get3A_1123 = arith.constant 21 : i32
      %get3A_1124 = arith.index_cast %get3A_1123 : i32 to index
      %get3A_1125 = arith.index_cast %mul3A_47 : i32 to index
      %get3A_1126 = tpu.vector_load %arg5[%get3A_1124, %get3A_1125] {strides = array<i32>} : memref<64x1024xf32, #tpu.memory_space<vmem>>, vector<1x16xf32>,
      %get3A_1127 = vector.shape_cast %get3A_1126 : vector<1x16xf32> to vector<16xf32>
      %get3A_1128 = arith.constant 22 : i32
      %get3A_1129 = arith.index_cast %get3A_1128 : i32 to index
      %get3A_1130 = arith.index_cast %mul3A_47 : i32 to index
      %get3A_1131 = tpu.vector_load %arg5[%get3A_1129, %get3A_1130] {strides = array<i32>} : memref<64x1024xf32, #tpu.memory_space<vmem>>, vector<1x16xf32>,
      %get3A_1132 = vector.shape_cast %get3A_1131 : vector<1x16xf32> to vector<16xf32>
      %get3A_1133 = arith.constant 23 : i32
      %get3A_1134 = arith.index_cast %get3A_1133 : i32 to index
      %get3A_1135 = arith.index_cast %mul3A_47 : i32 to index
      %get3A_1136 = tpu.vector_load %arg5[%get3A_1134, %get3A_1135] {strides = array<i32>} : memref<64x1024xf32, #tpu.memory_space<vmem>>, vector<1x16xf32>,
      %get3A_1137 = vector.shape_cast %get3A_1136 : vector<1x16xf32> to vector<16xf32>
      %broadcast_in_dim3A_1138 = arith.constant 16 : i32
      %broadcast_in_dim3A_1139 = vector.broadcast %broadcast_in_dim3A_1138 : i32 to vector<16xi32>
      %broadcast_in_dim3A_1140 = arith.constant 17 : i32
      %broadcast_in_dim3A_1141 = vector.broadcast %broadcast_in_dim3A_1140 : i32 to vector<16xi32>
      %broadcast_in_dim3A_1142 = arith.constant 18 : i32
      %broadcast_in_dim3A_1143 = vector.broadcast %broadcast_in_dim3A_1142 : i32 to vector<16xi32>
      %broadcast_in_dim3A_1144 = arith.constant 19 : i32
      %broadcast_in_dim3A_1145 = vector.broadcast %broadcast_in_dim3A_1144 : i32 to vector<16xi32>
      %broadcast_in_dim3A_1146 = arith.constant 20 : i32
      %broadcast_in_dim3A_1147 = vector.broadcast %broadcast_in_dim3A_1146 : i32 to vector<16xi32>
      %broadcast_in_dim3A_1148 = arith.constant 21 : i32
      %broadcast_in_dim3A_1149 = vector.broadcast %broadcast_in_dim3A_1148 : i32 to vector<16xi32>
      %broadcast_in_dim3A_1150 = arith.constant 22 : i32
      %broadcast_in_dim3A_1151 = vector.broadcast %broadcast_in_dim3A_1150 : i32 to vector<16xi32>
      %broadcast_in_dim3A_1152 = arith.constant 23 : i32
      %broadcast_in_dim3A_1153 = vector.broadcast %broadcast_in_dim3A_1152 : i32 to vector<16xi32>
      %ge3A_1154 = arith.cmpf oge, %get3A_1102, %get3A_1107 : vector<16xf32>
      %max3A_1155 = arith.maximumf %get3A_1102, %get3A_1107 : vector<16xf32>
      %min3A_1156 = arith.minimumf %get3A_1102, %get3A_1107 : vector<16xf32>
      %select_n3A_1157 = arith.select %ge3A_1154, %broadcast_in_dim3A_1139, %broadcast_in_dim3A_1141 : vector<16xi1>, vector<16xi32>
      %select_n3A_1158 = arith.select %ge3A_1154, %broadcast_in_dim3A_1141, %broadcast_in_dim3A_1139 : vector<16xi1>, vector<16xi32>
      %ge3A_1159 = arith.cmpf oge, %get3A_1112, %get3A_1117 : vector<16xf32>
      %max3A_1160 = arith.maximumf %get3A_1112, %get3A_1117 : vector<16xf32>
      %min3A_1161 = arith.minimumf %get3A_1112, %get3A_1117 : vector<16xf32>
      %select_n3A_1162 = arith.select %ge3A_1159, %broadcast_in_dim3A_1143, %broadcast_in_dim3A_1145 : vector<16xi1>, vector<16xi32>
      %select_n3A_1163 = arith.select %ge3A_1159, %broadcast_in_dim3A_1145, %broadcast_in_dim3A_1143 : vector<16xi1>, vector<16xi32>
      %ge3A_1164 = arith.cmpf oge, %get3A_1122, %get3A_1127 : vector<16xf32>
      %max3A_1165 = arith.maximumf %get3A_1122, %get3A_1127 : vector<16xf32>
      %min3A_1166 = arith.minimumf %get3A_1122, %get3A_1127 : vector<16xf32>
      %select_n3A_1167 = arith.select %ge3A_1164, %broadcast_in_dim3A_1147, %broadcast_in_dim3A_1149 : vector<16xi1>, vector<16xi32>
      %select_n3A_1168 = arith.select %ge3A_1164, %broadcast_in_dim3A_1149, %broadcast_in_dim3A_1147 : vector<16xi1>, vector<16xi32>
      %ge3A_1169 = arith.cmpf oge, %get3A_1132, %get3A_1137 : vector<16xf32>
      %max3A_1170 = arith.maximumf %get3A_1132, %get3A_1137 : vector<16xf32>
      %min3A_1171 = arith.minimumf %get3A_1132, %get3A_1137 : vector<16xf32>
      %select_n3A_1172 = arith.select %ge3A_1169, %broadcast_in_dim3A_1151, %broadcast_in_dim3A_1153 : vector<16xi1>, vector<16xi32>
      %select_n3A_1173 = arith.select %ge3A_1169, %broadcast_in_dim3A_1153, %broadcast_in_dim3A_1151 : vector<16xi1>, vector<16xi32>
      %ge3A_1174 = arith.cmpf oge, %max3A_1155, %max3A_1160 : vector<16xf32>
      %max3A_1175 = arith.maximumf %max3A_1155, %max3A_1160 : vector<16xf32>
      %min3A_1176 = arith.minimumf %max3A_1155, %max3A_1160 : vector<16xf32>
      %select_n3A_1177 = arith.select %ge3A_1174, %select_n3A_1157, %select_n3A_1162 : vector<16xi1>, vector<16xi32>
      %select_n3A_1178 = arith.select %ge3A_1174, %select_n3A_1162, %select_n3A_1157 : vector<16xi1>, vector<16xi32>
      %ge3A_1179 = arith.cmpf oge, %min3A_1156, %min3A_1161 : vector<16xf32>
      %max3A_1180 = arith.maximumf %min3A_1156, %min3A_1161 : vector<16xf32>
      %min3A_1181 = arith.minimumf %min3A_1156, %min3A_1161 : vector<16xf32>
      %select_n3A_1182 = arith.select %ge3A_1179, %select_n3A_1158, %select_n3A_1163 : vector<16xi1>, vector<16xi32>
      %select_n3A_1183 = arith.select %ge3A_1179, %select_n3A_1163, %select_n3A_1158 : vector<16xi1>, vector<16xi32>
      %ge3A_1184 = arith.cmpf oge, %max3A_1165, %max3A_1170 : vector<16xf32>
      %max3A_1185 = arith.maximumf %max3A_1165, %max3A_1170 : vector<16xf32>
      %min3A_1186 = arith.minimumf %max3A_1165, %max3A_1170 : vector<16xf32>
      %select_n3A_1187 = arith.select %ge3A_1184, %select_n3A_1167, %select_n3A_1172 : vector<16xi1>, vector<16xi32>
      %select_n3A_1188 = arith.select %ge3A_1184, %select_n3A_1172, %select_n3A_1167 : vector<16xi1>, vector<16xi32>
      %ge3A_1189 = arith.cmpf oge, %min3A_1166, %min3A_1171 : vector<16xf32>
      %max3A_1190 = arith.maximumf %min3A_1166, %min3A_1171 : vector<16xf32>
      %min3A_1191 = arith.minimumf %min3A_1166, %min3A_1171 : vector<16xf32>
      %select_n3A_1192 = arith.select %ge3A_1189, %select_n3A_1168, %select_n3A_1173 : vector<16xi1>, vector<16xi32>
      %select_n3A_1193 = arith.select %ge3A_1189, %select_n3A_1173, %select_n3A_1168 : vector<16xi1>, vector<16xi32>
      %ge3A_1194 = arith.cmpf oge, %max3A_1180, %min3A_1176 : vector<16xf32>
      %max3A_1195 = arith.maximumf %max3A_1180, %min3A_1176 : vector<16xf32>
      %min3A_1196 = arith.minimumf %max3A_1180, %min3A_1176 : vector<16xf32>
      %select_n3A_1197 = arith.select %ge3A_1194, %select_n3A_1182, %select_n3A_1178 : vector<16xi1>, vector<16xi32>
      %select_n3A_1198 = arith.select %ge3A_1194, %select_n3A_1178, %select_n3A_1182 : vector<16xi1>, vector<16xi32>
      %ge3A_1199 = arith.cmpf oge, %max3A_1190, %min3A_1186 : vector<16xf32>
      %max3A_1200 = arith.maximumf %max3A_1190, %min3A_1186 : vector<16xf32>
      %min3A_1201 = arith.minimumf %max3A_1190, %min3A_1186 : vector<16xf32>
      %select_n3A_1202 = arith.select %ge3A_1199, %select_n3A_1192, %select_n3A_1188 : vector<16xi1>, vector<16xi32>
      %select_n3A_1203 = arith.select %ge3A_1199, %select_n3A_1188, %select_n3A_1192 : vector<16xi1>, vector<16xi32>
      %ge3A_1204 = arith.cmpf oge, %max3A_1175, %max3A_1185 : vector<16xf32>
      %max3A_1205 = arith.maximumf %max3A_1175, %max3A_1185 : vector<16xf32>
      %min3A_1206 = arith.minimumf %max3A_1175, %max3A_1185 : vector<16xf32>
      %select_n3A_1207 = arith.select %ge3A_1204, %select_n3A_1177, %select_n3A_1187 : vector<16xi1>, vector<16xi32>
      %select_n3A_1208 = arith.select %ge3A_1204, %select_n3A_1187, %select_n3A_1177 : vector<16xi1>, vector<16xi32>
      %ge3A_1209 = arith.cmpf oge, %max3A_1195, %max3A_1200 : vector<16xf32>
      %max3A_1210 = arith.maximumf %max3A_1195, %max3A_1200 : vector<16xf32>
      %min3A_1211 = arith.minimumf %max3A_1195, %max3A_1200 : vector<16xf32>
      %select_n3A_1212 = arith.select %ge3A_1209, %select_n3A_1197, %select_n3A_1202 : vector<16xi1>, vector<16xi32>
      %select_n3A_1213 = arith.select %ge3A_1209, %select_n3A_1202, %select_n3A_1197 : vector<16xi1>, vector<16xi32>
      %ge3A_1214 = arith.cmpf oge, %min3A_1196, %min3A_1201 : vector<16xf32>
      %max3A_1215 = arith.maximumf %min3A_1196, %min3A_1201 : vector<16xf32>
      %min3A_1216 = arith.minimumf %min3A_1196, %min3A_1201 : vector<16xf32>
      %select_n3A_1217 = arith.select %ge3A_1214, %select_n3A_1198, %select_n3A_1203 : vector<16xi1>, vector<16xi32>
      %select_n3A_1218 = arith.select %ge3A_1214, %select_n3A_1203, %select_n3A_1198 : vector<16xi1>, vector<16xi32>
      %ge3A_1219 = arith.cmpf oge, %min3A_1181, %min3A_1191 : vector<16xf32>
      %max3A_1220 = arith.maximumf %min3A_1181, %min3A_1191 : vector<16xf32>
      %min3A_1221 = arith.minimumf %min3A_1181, %min3A_1191 : vector<16xf32>
      %select_n3A_1222 = arith.select %ge3A_1219, %select_n3A_1183, %select_n3A_1193 : vector<16xi1>, vector<16xi32>
      %select_n3A_1223 = arith.select %ge3A_1219, %select_n3A_1193, %select_n3A_1183 : vector<16xi1>, vector<16xi32>
      %ge3A_1224 = arith.cmpf oge, %max3A_1215, %min3A_1206 : vector<16xf32>
      %max3A_1225 = arith.maximumf %max3A_1215, %min3A_1206 : vector<16xf32>
      %min3A_1226 = arith.minimumf %max3A_1215, %min3A_1206 : vector<16xf32>
      %select_n3A_1227 = arith.select %ge3A_1224, %select_n3A_1217, %select_n3A_1208 : vector<16xi1>, vector<16xi32>
      %select_n3A_1228 = arith.select %ge3A_1224, %select_n3A_1208, %select_n3A_1217 : vector<16xi1>, vector<16xi32>
      %ge3A_1229 = arith.cmpf oge, %max3A_1220, %min3A_1211 : vector<16xf32>
      %max3A_1230 = arith.maximumf %max3A_1220, %min3A_1211 : vector<16xf32>
      %min3A_1231 = arith.minimumf %max3A_1220, %min3A_1211 : vector<16xf32>
      %select_n3A_1232 = arith.select %ge3A_1229, %select_n3A_1222, %select_n3A_1213 : vector<16xi1>, vector<16xi32>
      %select_n3A_1233 = arith.select %ge3A_1229, %select_n3A_1213, %select_n3A_1222 : vector<16xi1>, vector<16xi32>
      %ge3A_1234 = arith.cmpf oge, %max3A_1210, %max3A_1225 : vector<16xf32>
      %max3A_1235 = arith.maximumf %max3A_1210, %max3A_1225 : vector<16xf32>
      %min3A_1236 = arith.minimumf %max3A_1210, %max3A_1225 : vector<16xf32>
      %select_n3A_1237 = arith.select %ge3A_1234, %select_n3A_1212, %select_n3A_1227 : vector<16xi1>, vector<16xi32>
      %select_n3A_1238 = arith.select %ge3A_1234, %select_n3A_1227, %select_n3A_1212 : vector<16xi1>, vector<16xi32>
      %ge3A_1239 = arith.cmpf oge, %max3A_1230, %min3A_1226 : vector<16xf32>
      %max3A_1240 = arith.maximumf %max3A_1230, %min3A_1226 : vector<16xf32>
      %min3A_1241 = arith.minimumf %max3A_1230, %min3A_1226 : vector<16xf32>
      %select_n3A_1242 = arith.select %ge3A_1239, %select_n3A_1232, %select_n3A_1228 : vector<16xi1>, vector<16xi32>
      %select_n3A_1243 = arith.select %ge3A_1239, %select_n3A_1228, %select_n3A_1232 : vector<16xi1>, vector<16xi32>
      %ge3A_1244 = arith.cmpf oge, %min3A_1231, %min3A_1216 : vector<16xf32>
      %max3A_1245 = arith.maximumf %min3A_1231, %min3A_1216 : vector<16xf32>
      %min3A_1246 = arith.minimumf %min3A_1231, %min3A_1216 : vector<16xf32>
      %select_n3A_1247 = arith.select %ge3A_1244, %select_n3A_1233, %select_n3A_1218 : vector<16xi1>, vector<16xi32>
      %select_n3A_1248 = arith.select %ge3A_1244, %select_n3A_1218, %select_n3A_1233 : vector<16xi1>, vector<16xi32>
      %select_n3A_1249 = arith.select %lt3A_680, %max3A_1205, %broadcast_in_dim3A_35 : vector<16xi1>, vector<16xf32>
      %select_n3A_1250 = arith.select %lt3A_680, %max3A_1235, %broadcast_in_dim3A_35 : vector<16xi1>, vector<16xf32>
      %select_n3A_1251 = arith.select %lt3A_680, %min3A_1236, %broadcast_in_dim3A_35 : vector<16xi1>, vector<16xf32>
      %select_n3A_1252 = arith.select %lt3A_680, %max3A_1240, %broadcast_in_dim3A_35 : vector<16xi1>, vector<16xf32>
      %select_n3A_1253 = arith.select %lt3A_680, %min3A_1241, %broadcast_in_dim3A_35 : vector<16xi1>, vector<16xf32>
      %select_n3A_1254 = arith.select %lt3A_680, %max3A_1245, %broadcast_in_dim3A_35 : vector<16xi1>, vector<16xf32>
      %select_n3A_1255 = arith.select %lt3A_680, %min3A_1246, %broadcast_in_dim3A_35 : vector<16xi1>, vector<16xf32>
      %select_n3A_1256 = arith.select %lt3A_680, %min3A_1221, %broadcast_in_dim3A_35 : vector<16xi1>, vector<16xf32>
      %ge3A_1257 = arith.cmpf oge, %max3A_1079, %select_n3A_1256 : vector<16xf32>
      %max3A_1258 = arith.maximumf %max3A_1079, %select_n3A_1256 : vector<16xf32>
      %select_n3A_1259 = arith.select %ge3A_1257, %select_n3A_1081, %select_n3A_1223 : vector<16xi1>, vector<16xi32>
      %ge3A_1260 = arith.cmpf oge, %min3A_1080, %select_n3A_1255 : vector<16xf32>
      %max3A_1261 = arith.maximumf %min3A_1080, %select_n3A_1255 : vector<16xf32>
      %select_n3A_1262 = arith.select %ge3A_1260, %select_n3A_1082, %select_n3A_1248 : vector<16xi1>, vector<16xi32>
      %ge3A_1263 = arith.cmpf oge, %max3A_1084, %select_n3A_1254 : vector<16xf32>
      %max3A_1264 = arith.maximumf %max3A_1084, %select_n3A_1254 : vector<16xf32>
      %select_n3A_1265 = arith.select %ge3A_1263, %select_n3A_1086, %select_n3A_1247 : vector<16xi1>, vector<16xi32>
      %ge3A_1266 = arith.cmpf oge, %min3A_1085, %select_n3A_1253 : vector<16xf32>
      %max3A_1267 = arith.maximumf %min3A_1085, %select_n3A_1253 : vector<16xf32>
      %select_n3A_1268 = arith.select %ge3A_1266, %select_n3A_1087, %select_n3A_1243 : vector<16xi1>, vector<16xi32>
      %ge3A_1269 = arith.cmpf oge, %max3A_1089, %select_n3A_1252 : vector<16xf32>
      %max3A_1270 = arith.maximumf %max3A_1089, %select_n3A_1252 : vector<16xf32>
      %select_n3A_1271 = arith.select %ge3A_1269, %select_n3A_1091, %select_n3A_1242 : vector<16xi1>, vector<16xi32>
      %ge3A_1272 = arith.cmpf oge, %min3A_1090, %select_n3A_1251 : vector<16xf32>
      %max3A_1273 = arith.maximumf %min3A_1090, %select_n3A_1251 : vector<16xf32>
      %select_n3A_1274 = arith.select %ge3A_1272, %select_n3A_1092, %select_n3A_1238 : vector<16xi1>, vector<16xi32>
      %ge3A_1275 = arith.cmpf oge, %max3A_1094, %select_n3A_1250 : vector<16xf32>
      %max3A_1276 = arith.maximumf %max3A_1094, %select_n3A_1250 : vector<16xf32>
      %select_n3A_1277 = arith.select %ge3A_1275, %select_n3A_1096, %select_n3A_1237 : vector<16xi1>, vector<16xi32>
      %ge3A_1278 = arith.cmpf oge, %min3A_1095, %select_n3A_1249 : vector<16xf32>
      %max3A_1279 = arith.maximumf %min3A_1095, %select_n3A_1249 : vector<16xf32>
      %select_n3A_1280 = arith.select %ge3A_1278, %select_n3A_1097, %select_n3A_1207 : vector<16xi1>, vector<16xi32>
      %ge3A_1281 = arith.cmpf oge, %max3A_1258, %max3A_1270 : vector<16xf32>
      %max3A_1282 = arith.maximumf %max3A_1258, %max3A_1270 : vector<16xf32>
      %min3A_1283 = arith.minimumf %max3A_1258, %max3A_1270 : vector<16xf32>
      %select_n3A_1284 = arith.select %ge3A_1281, %select_n3A_1259, %select_n3A_1271 : vector<16xi1>, vector<16xi32>
      %select_n3A_1285 = arith.select %ge3A_1281, %select_n3A_1271, %select_n3A_1259 : vector<16xi1>, vector<16xi32>
      %ge3A_1286 = arith.cmpf oge, %max3A_1261, %max3A_1273 : vector<16xf32>
      %max3A_1287 = arith.maximumf %max3A_1261, %max3A_1273 : vector<16xf32>
      %min3A_1288 = arith.minimumf %max3A_1261, %max3A_1273 : vector<16xf32>
      %select_n3A_1289 = arith.select %ge3A_1286, %select_n3A_1262, %select_n3A_1274 : vector<16xi1>, vector<16xi32>
      %select_n3A_1290 = arith.select %ge3A_1286, %select_n3A_1274, %select_n3A_1262 : vector<16xi1>, vector<16xi32>
      %ge3A_1291 = arith.cmpf oge, %max3A_1264, %max3A_1276 : vector<16xf32>
      %max3A_1292 = arith.maximumf %max3A_1264, %max3A_1276 : vector<16xf32>
      %min3A_1293 = arith.minimumf %max3A_1264, %max3A_1276 : vector<16xf32>
      %select_n3A_1294 = arith.select %ge3A_1291, %select_n3A_1265, %select_n3A_1277 : vector<16xi1>, vector<16xi32>
      %select_n3A_1295 = arith.select %ge3A_1291, %select_n3A_1277, %select_n3A_1265 : vector<16xi1>, vector<16xi32>
      %ge3A_1296 = arith.cmpf oge, %max3A_1267, %max3A_1279 : vector<16xf32>
      %max3A_1297 = arith.maximumf %max3A_1267, %max3A_1279 : vector<16xf32>
      %min3A_1298 = arith.minimumf %max3A_1267, %max3A_1279 : vector<16xf32>
      %select_n3A_1299 = arith.select %ge3A_1296, %select_n3A_1268, %select_n3A_1280 : vector<16xi1>, vector<16xi32>
      %select_n3A_1300 = arith.select %ge3A_1296, %select_n3A_1280, %select_n3A_1268 : vector<16xi1>, vector<16xi32>
      %ge3A_1301 = arith.cmpf oge, %max3A_1282, %max3A_1292 : vector<16xf32>
      %max3A_1302 = arith.maximumf %max3A_1282, %max3A_1292 : vector<16xf32>
      %min3A_1303 = arith.minimumf %max3A_1282, %max3A_1292 : vector<16xf32>
      %select_n3A_1304 = arith.select %ge3A_1301, %select_n3A_1284, %select_n3A_1294 : vector<16xi1>, vector<16xi32>
      %select_n3A_1305 = arith.select %ge3A_1301, %select_n3A_1294, %select_n3A_1284 : vector<16xi1>, vector<16xi32>
      %ge3A_1306 = arith.cmpf oge, %max3A_1287, %max3A_1297 : vector<16xf32>
      %max3A_1307 = arith.maximumf %max3A_1287, %max3A_1297 : vector<16xf32>
      %min3A_1308 = arith.minimumf %max3A_1287, %max3A_1297 : vector<16xf32>
      %select_n3A_1309 = arith.select %ge3A_1306, %select_n3A_1289, %select_n3A_1299 : vector<16xi1>, vector<16xi32>
      %select_n3A_1310 = arith.select %ge3A_1306, %select_n3A_1299, %select_n3A_1289 : vector<16xi1>, vector<16xi32>
      %ge3A_1311 = arith.cmpf oge, %min3A_1283, %min3A_1293 : vector<16xf32>
      %max3A_1312 = arith.maximumf %min3A_1283, %min3A_1293 : vector<16xf32>
      %min3A_1313 = arith.minimumf %min3A_1283, %min3A_1293 : vector<16xf32>
      %select_n3A_1314 = arith.select %ge3A_1311, %select_n3A_1285, %select_n3A_1295 : vector<16xi1>, vector<16xi32>
      %select_n3A_1315 = arith.select %ge3A_1311, %select_n3A_1295, %select_n3A_1285 : vector<16xi1>, vector<16xi32>
      %ge3A_1316 = arith.cmpf oge, %min3A_1288, %min3A_1298 : vector<16xf32>
      %max3A_1317 = arith.maximumf %min3A_1288, %min3A_1298 : vector<16xf32>
      %min3A_1318 = arith.minimumf %min3A_1288, %min3A_1298 : vector<16xf32>
      %select_n3A_1319 = arith.select %ge3A_1316, %select_n3A_1290, %select_n3A_1300 : vector<16xi1>, vector<16xi32>
      %select_n3A_1320 = arith.select %ge3A_1316, %select_n3A_1300, %select_n3A_1290 : vector<16xi1>, vector<16xi32>
      %ge3A_1321 = arith.cmpf oge, %max3A_1302, %max3A_1307 : vector<16xf32>
      %max3A_1322 = arith.maximumf %max3A_1302, %max3A_1307 : vector<16xf32>
      %min3A_1323 = arith.minimumf %max3A_1302, %max3A_1307 : vector<16xf32>
      %select_n3A_1324 = arith.select %ge3A_1321, %select_n3A_1304, %select_n3A_1309 : vector<16xi1>, vector<16xi32>
      %select_n3A_1325 = arith.select %ge3A_1321, %select_n3A_1309, %select_n3A_1304 : vector<16xi1>, vector<16xi32>
      %ge3A_1326 = arith.cmpf oge, %min3A_1303, %min3A_1308 : vector<16xf32>
      %max3A_1327 = arith.maximumf %min3A_1303, %min3A_1308 : vector<16xf32>
      %min3A_1328 = arith.minimumf %min3A_1303, %min3A_1308 : vector<16xf32>
      %select_n3A_1329 = arith.select %ge3A_1326, %select_n3A_1305, %select_n3A_1310 : vector<16xi1>, vector<16xi32>
      %select_n3A_1330 = arith.select %ge3A_1326, %select_n3A_1310, %select_n3A_1305 : vector<16xi1>, vector<16xi32>
      %ge3A_1331 = arith.cmpf oge, %max3A_1312, %max3A_1317 : vector<16xf32>
      %max3A_1332 = arith.maximumf %max3A_1312, %max3A_1317 : vector<16xf32>
      %min3A_1333 = arith.minimumf %max3A_1312, %max3A_1317 : vector<16xf32>
      %select_n3A_1334 = arith.select %ge3A_1331, %select_n3A_1314, %select_n3A_1319 : vector<16xi1>, vector<16xi32>
      %select_n3A_1335 = arith.select %ge3A_1331, %select_n3A_1319, %select_n3A_1314 : vector<16xi1>, vector<16xi32>
      %ge3A_1336 = arith.cmpf oge, %min3A_1313, %min3A_1318 : vector<16xf32>
      %max3A_1337 = arith.maximumf %min3A_1313, %min3A_1318 : vector<16xf32>
      %min3A_1338 = arith.minimumf %min3A_1313, %min3A_1318 : vector<16xf32>
      %select_n3A_1339 = arith.select %ge3A_1336, %select_n3A_1315, %select_n3A_1320 : vector<16xi1>, vector<16xi32>
      %select_n3A_1340 = arith.select %ge3A_1336, %select_n3A_1320, %select_n3A_1315 : vector<16xi1>, vector<16xi32>
      %get3A_1341 = arith.constant 24 : i32
      %get3A_1342 = arith.index_cast %get3A_1341 : i32 to index
      %get3A_1343 = arith.index_cast %mul3A_47 : i32 to index
      %get3A_1344 = tpu.vector_load %arg5[%get3A_1342, %get3A_1343] {strides = array<i32>} : memref<64x1024xf32, #tpu.memory_space<vmem>>, vector<1x16xf32>,
      %get3A_1345 = vector.shape_cast %get3A_1344 : vector<1x16xf32> to vector<16xf32>
      %get3A_1346 = arith.constant 25 : i32
      %get3A_1347 = arith.index_cast %get3A_1346 : i32 to index
      %get3A_1348 = arith.index_cast %mul3A_47 : i32 to index
      %get3A_1349 = tpu.vector_load %arg5[%get3A_1347, %get3A_1348] {strides = array<i32>} : memref<64x1024xf32, #tpu.memory_space<vmem>>, vector<1x16xf32>,
      %get3A_1350 = vector.shape_cast %get3A_1349 : vector<1x16xf32> to vector<16xf32>
      %get3A_1351 = arith.constant 26 : i32
      %get3A_1352 = arith.index_cast %get3A_1351 : i32 to index
      %get3A_1353 = arith.index_cast %mul3A_47 : i32 to index
      %get3A_1354 = tpu.vector_load %arg5[%get3A_1352, %get3A_1353] {strides = array<i32>} : memref<64x1024xf32, #tpu.memory_space<vmem>>, vector<1x16xf32>,
      %get3A_1355 = vector.shape_cast %get3A_1354 : vector<1x16xf32> to vector<16xf32>
      %get3A_1356 = arith.constant 27 : i32
      %get3A_1357 = arith.index_cast %get3A_1356 : i32 to index
      %get3A_1358 = arith.index_cast %mul3A_47 : i32 to index
      %get3A_1359 = tpu.vector_load %arg5[%get3A_1357, %get3A_1358] {strides = array<i32>} : memref<64x1024xf32, #tpu.memory_space<vmem>>, vector<1x16xf32>,
      %get3A_1360 = vector.shape_cast %get3A_1359 : vector<1x16xf32> to vector<16xf32>
      %get3A_1361 = arith.constant 28 : i32
      %get3A_1362 = arith.index_cast %get3A_1361 : i32 to index
      %get3A_1363 = arith.index_cast %mul3A_47 : i32 to index
      %get3A_1364 = tpu.vector_load %arg5[%get3A_1362, %get3A_1363] {strides = array<i32>} : memref<64x1024xf32, #tpu.memory_space<vmem>>, vector<1x16xf32>,
      %get3A_1365 = vector.shape_cast %get3A_1364 : vector<1x16xf32> to vector<16xf32>
      %get3A_1366 = arith.constant 29 : i32
      %get3A_1367 = arith.index_cast %get3A_1366 : i32 to index
      %get3A_1368 = arith.index_cast %mul3A_47 : i32 to index
      %get3A_1369 = tpu.vector_load %arg5[%get3A_1367, %get3A_1368] {strides = array<i32>} : memref<64x1024xf32, #tpu.memory_space<vmem>>, vector<1x16xf32>,
      %get3A_1370 = vector.shape_cast %get3A_1369 : vector<1x16xf32> to vector<16xf32>
      %get3A_1371 = arith.constant 30 : i32
      %get3A_1372 = arith.index_cast %get3A_1371 : i32 to index
      %get3A_1373 = arith.index_cast %mul3A_47 : i32 to index
      %get3A_1374 = tpu.vector_load %arg5[%get3A_1372, %get3A_1373] {strides = array<i32>} : memref<64x1024xf32, #tpu.memory_space<vmem>>, vector<1x16xf32>,
      %get3A_1375 = vector.shape_cast %get3A_1374 : vector<1x16xf32> to vector<16xf32>
      %get3A_1376 = arith.constant 31 : i32
      %get3A_1377 = arith.index_cast %get3A_1376 : i32 to index
      %get3A_1378 = arith.index_cast %mul3A_47 : i32 to index
      %get3A_1379 = tpu.vector_load %arg5[%get3A_1377, %get3A_1378] {strides = array<i32>} : memref<64x1024xf32, #tpu.memory_space<vmem>>, vector<1x16xf32>,
      %get3A_1380 = vector.shape_cast %get3A_1379 : vector<1x16xf32> to vector<16xf32>
      %broadcast_in_dim3A_1381 = arith.constant 24 : i32
      %broadcast_in_dim3A_1382 = vector.broadcast %broadcast_in_dim3A_1381 : i32 to vector<16xi32>
      %broadcast_in_dim3A_1383 = arith.constant 25 : i32
      %broadcast_in_dim3A_1384 = vector.broadcast %broadcast_in_dim3A_1383 : i32 to vector<16xi32>
      %broadcast_in_dim3A_1385 = arith.constant 26 : i32
      %broadcast_in_dim3A_1386 = vector.broadcast %broadcast_in_dim3A_1385 : i32 to vector<16xi32>
      %broadcast_in_dim3A_1387 = arith.constant 27 : i32
      %broadcast_in_dim3A_1388 = vector.broadcast %broadcast_in_dim3A_1387 : i32 to vector<16xi32>
      %broadcast_in_dim3A_1389 = arith.constant 28 : i32
      %broadcast_in_dim3A_1390 = vector.broadcast %broadcast_in_dim3A_1389 : i32 to vector<16xi32>
      %broadcast_in_dim3A_1391 = arith.constant 29 : i32
      %broadcast_in_dim3A_1392 = vector.broadcast %broadcast_in_dim3A_1391 : i32 to vector<16xi32>
      %broadcast_in_dim3A_1393 = arith.constant 30 : i32
      %broadcast_in_dim3A_1394 = vector.broadcast %broadcast_in_dim3A_1393 : i32 to vector<16xi32>
      %broadcast_in_dim3A_1395 = arith.constant 31 : i32
      %broadcast_in_dim3A_1396 = vector.broadcast %broadcast_in_dim3A_1395 : i32 to vector<16xi32>
      %ge3A_1397 = arith.cmpf oge, %get3A_1345, %get3A_1350 : vector<16xf32>
      %max3A_1398 = arith.maximumf %get3A_1345, %get3A_1350 : vector<16xf32>
      %min3A_1399 = arith.minimumf %get3A_1345, %get3A_1350 : vector<16xf32>
      %select_n3A_1400 = arith.select %ge3A_1397, %broadcast_in_dim3A_1382, %broadcast_in_dim3A_1384 : vector<16xi1>, vector<16xi32>
      %select_n3A_1401 = arith.select %ge3A_1397, %broadcast_in_dim3A_1384, %broadcast_in_dim3A_1382 : vector<16xi1>, vector<16xi32>
      %ge3A_1402 = arith.cmpf oge, %get3A_1355, %get3A_1360 : vector<16xf32>
      %max3A_1403 = arith.maximumf %get3A_1355, %get3A_1360 : vector<16xf32>
      %min3A_1404 = arith.minimumf %get3A_1355, %get3A_1360 : vector<16xf32>
      %select_n3A_1405 = arith.select %ge3A_1402, %broadcast_in_dim3A_1386, %broadcast_in_dim3A_1388 : vector<16xi1>, vector<16xi32>
      %select_n3A_1406 = arith.select %ge3A_1402, %broadcast_in_dim3A_1388, %broadcast_in_dim3A_1386 : vector<16xi1>, vector<16xi32>
      %ge3A_1407 = arith.cmpf oge, %get3A_1365, %get3A_1370 : vector<16xf32>
      %max3A_1408 = arith.maximumf %get3A_1365, %get3A_1370 : vector<16xf32>
      %min3A_1409 = arith.minimumf %get3A_1365, %get3A_1370 : vector<16xf32>
      %select_n3A_1410 = arith.select %ge3A_1407, %broadcast_in_dim3A_1390, %broadcast_in_dim3A_1392 : vector<16xi1>, vector<16xi32>
      %select_n3A_1411 = arith.select %ge3A_1407, %broadcast_in_dim3A_1392, %broadcast_in_dim3A_1390 : vector<16xi1>, vector<16xi32>
      %ge3A_1412 = arith.cmpf oge, %get3A_1375, %get3A_1380 : vector<16xf32>
      %max3A_1413 = arith.maximumf %get3A_1375, %get3A_1380 : vector<16xf32>
      %min3A_1414 = arith.minimumf %get3A_1375, %get3A_1380 : vector<16xf32>
      %select_n3A_1415 = arith.select %ge3A_1412, %broadcast_in_dim3A_1394, %broadcast_in_dim3A_1396 : vector<16xi1>, vector<16xi32>
      %select_n3A_1416 = arith.select %ge3A_1412, %broadcast_in_dim3A_1396, %broadcast_in_dim3A_1394 : vector<16xi1>, vector<16xi32>
      %ge3A_1417 = arith.cmpf oge, %max3A_1398, %max3A_1403 : vector<16xf32>
      %max3A_1418 = arith.maximumf %max3A_1398, %max3A_1403 : vector<16xf32>
      %min3A_1419 = arith.minimumf %max3A_1398, %max3A_1403 : vector<16xf32>
      %select_n3A_1420 = arith.select %ge3A_1417, %select_n3A_1400, %select_n3A_1405 : vector<16xi1>, vector<16xi32>
      %select_n3A_1421 = arith.select %ge3A_1417, %select_n3A_1405, %select_n3A_1400 : vector<16xi1>, vector<16xi32>
      %ge3A_1422 = arith.cmpf oge, %min3A_1399, %min3A_1404 : vector<16xf32>
      %max3A_1423 = arith.maximumf %min3A_1399, %min3A_1404 : vector<16xf32>
      %min3A_1424 = arith.minimumf %min3A_1399, %min3A_1404 : vector<16xf32>
      %select_n3A_1425 = arith.select %ge3A_1422, %select_n3A_1401, %select_n3A_1406 : vector<16xi1>, vector<16xi32>
      %select_n3A_1426 = arith.select %ge3A_1422, %select_n3A_1406, %select_n3A_1401 : vector<16xi1>, vector<16xi32>
      %ge3A_1427 = arith.cmpf oge, %max3A_1408, %max3A_1413 : vector<16xf32>
      %max3A_1428 = arith.maximumf %max3A_1408, %max3A_1413 : vector<16xf32>
      %min3A_1429 = arith.minimumf %max3A_1408, %max3A_1413 : vector<16xf32>
      %select_n3A_1430 = arith.select %ge3A_1427, %select_n3A_1410, %select_n3A_1415 : vector<16xi1>, vector<16xi32>
      %select_n3A_1431 = arith.select %ge3A_1427, %select_n3A_1415, %select_n3A_1410 : vector<16xi1>, vector<16xi32>
      %ge3A_1432 = arith.cmpf oge, %min3A_1409, %min3A_1414 : vector<16xf32>
      %max3A_1433 = arith.maximumf %min3A_1409, %min3A_1414 : vector<16xf32>
      %min3A_1434 = arith.minimumf %min3A_1409, %min3A_1414 : vector<16xf32>
      %select_n3A_1435 = arith.select %ge3A_1432, %select_n3A_1411, %select_n3A_1416 : vector<16xi1>, vector<16xi32>
      %select_n3A_1436 = arith.select %ge3A_1432, %select_n3A_1416, %select_n3A_1411 : vector<16xi1>, vector<16xi32>
      %ge3A_1437 = arith.cmpf oge, %max3A_1423, %min3A_1419 : vector<16xf32>
      %max3A_1438 = arith.maximumf %max3A_1423, %min3A_1419 : vector<16xf32>
      %min3A_1439 = arith.minimumf %max3A_1423, %min3A_1419 : vector<16xf32>
      %select_n3A_1440 = arith.select %ge3A_1437, %select_n3A_1425, %select_n3A_1421 : vector<16xi1>, vector<16xi32>
      %select_n3A_1441 = arith.select %ge3A_1437, %select_n3A_1421, %select_n3A_1425 : vector<16xi1>, vector<16xi32>
      %ge3A_1442 = arith.cmpf oge, %max3A_1433, %min3A_1429 : vector<16xf32>
      %max3A_1443 = arith.maximumf %max3A_1433, %min3A_1429 : vector<16xf32>
      %min3A_1444 = arith.minimumf %max3A_1433, %min3A_1429 : vector<16xf32>
      %select_n3A_1445 = arith.select %ge3A_1442, %select_n3A_1435, %select_n3A_1431 : vector<16xi1>, vector<16xi32>
      %select_n3A_1446 = arith.select %ge3A_1442, %select_n3A_1431, %select_n3A_1435 : vector<16xi1>, vector<16xi32>
      %ge3A_1447 = arith.cmpf oge, %max3A_1418, %max3A_1428 : vector<16xf32>
      %max3A_1448 = arith.maximumf %max3A_1418, %max3A_1428 : vector<16xf32>
      %min3A_1449 = arith.minimumf %max3A_1418, %max3A_1428 : vector<16xf32>
      %select_n3A_1450 = arith.select %ge3A_1447, %select_n3A_1420, %select_n3A_1430 : vector<16xi1>, vector<16xi32>
      %select_n3A_1451 = arith.select %ge3A_1447, %select_n3A_1430, %select_n3A_1420 : vector<16xi1>, vector<16xi32>
      %ge3A_1452 = arith.cmpf oge, %max3A_1438, %max3A_1443 : vector<16xf32>
      %max3A_1453 = arith.maximumf %max3A_1438, %max3A_1443 : vector<16xf32>
      %min3A_1454 = arith.minimumf %max3A_1438, %max3A_1443 : vector<16xf32>
      %select_n3A_1455 = arith.select %ge3A_1452, %select_n3A_1440, %select_n3A_1445 : vector<16xi1>, vector<16xi32>
      %select_n3A_1456 = arith.select %ge3A_1452, %select_n3A_1445, %select_n3A_1440 : vector<16xi1>, vector<16xi32>
      %ge3A_1457 = arith.cmpf oge, %min3A_1439, %min3A_1444 : vector<16xf32>
      %max3A_1458 = arith.maximumf %min3A_1439, %min3A_1444 : vector<16xf32>
      %min3A_1459 = arith.minimumf %min3A_1439, %min3A_1444 : vector<16xf32>
      %select_n3A_1460 = arith.select %ge3A_1457, %select_n3A_1441, %select_n3A_1446 : vector<16xi1>, vector<16xi32>
      %select_n3A_1461 = arith.select %ge3A_1457, %select_n3A_1446, %select_n3A_1441 : vector<16xi1>, vector<16xi32>
      %ge3A_1462 = arith.cmpf oge, %min3A_1424, %min3A_1434 : vector<16xf32>
      %max3A_1463 = arith.maximumf %min3A_1424, %min3A_1434 : vector<16xf32>
      %min3A_1464 = arith.minimumf %min3A_1424, %min3A_1434 : vector<16xf32>
      %select_n3A_1465 = arith.select %ge3A_1462, %select_n3A_1426, %select_n3A_1436 : vector<16xi1>, vector<16xi32>
      %select_n3A_1466 = arith.select %ge3A_1462, %select_n3A_1436, %select_n3A_1426 : vector<16xi1>, vector<16xi32>
      %ge3A_1467 = arith.cmpf oge, %max3A_1458, %min3A_1449 : vector<16xf32>
      %max3A_1468 = arith.maximumf %max3A_1458, %min3A_1449 : vector<16xf32>
      %min3A_1469 = arith.minimumf %max3A_1458, %min3A_1449 : vector<16xf32>
      %select_n3A_1470 = arith.select %ge3A_1467, %select_n3A_1460, %select_n3A_1451 : vector<16xi1>, vector<16xi32>
      %select_n3A_1471 = arith.select %ge3A_1467, %select_n3A_1451, %select_n3A_1460 : vector<16xi1>, vector<16xi32>
      %ge3A_1472 = arith.cmpf oge, %max3A_1463, %min3A_1454 : vector<16xf32>
      %max3A_1473 = arith.maximumf %max3A_1463, %min3A_1454 : vector<16xf32>
      %min3A_1474 = arith.minimumf %max3A_1463, %min3A_1454 : vector<16xf32>
      %select_n3A_1475 = arith.select %ge3A_1472, %select_n3A_1465, %select_n3A_1456 : vector<16xi1>, vector<16xi32>
      %select_n3A_1476 = arith.select %ge3A_1472, %select_n3A_1456, %select_n3A_1465 : vector<16xi1>, vector<16xi32>
      %ge3A_1477 = arith.cmpf oge, %max3A_1453, %max3A_1468 : vector<16xf32>
      %max3A_1478 = arith.maximumf %max3A_1453, %max3A_1468 : vector<16xf32>
      %min3A_1479 = arith.minimumf %max3A_1453, %max3A_1468 : vector<16xf32>
      %select_n3A_1480 = arith.select %ge3A_1477, %select_n3A_1455, %select_n3A_1470 : vector<16xi1>, vector<16xi32>
      %select_n3A_1481 = arith.select %ge3A_1477, %select_n3A_1470, %select_n3A_1455 : vector<16xi1>, vector<16xi32>
      %ge3A_1482 = arith.cmpf oge, %max3A_1473, %min3A_1469 : vector<16xf32>
      %max3A_1483 = arith.maximumf %max3A_1473, %min3A_1469 : vector<16xf32>
      %min3A_1484 = arith.minimumf %max3A_1473, %min3A_1469 : vector<16xf32>
      %select_n3A_1485 = arith.select %ge3A_1482, %select_n3A_1475, %select_n3A_1471 : vector<16xi1>, vector<16xi32>
      %select_n3A_1486 = arith.select %ge3A_1482, %select_n3A_1471, %select_n3A_1475 : vector<16xi1>, vector<16xi32>
      %ge3A_1487 = arith.cmpf oge, %min3A_1474, %min3A_1459 : vector<16xf32>
      %max3A_1488 = arith.maximumf %min3A_1474, %min3A_1459 : vector<16xf32>
      %min3A_1489 = arith.minimumf %min3A_1474, %min3A_1459 : vector<16xf32>
      %select_n3A_1490 = arith.select %ge3A_1487, %select_n3A_1476, %select_n3A_1461 : vector<16xi1>, vector<16xi32>
      %select_n3A_1491 = arith.select %ge3A_1487, %select_n3A_1461, %select_n3A_1476 : vector<16xi1>, vector<16xi32>
      %select_n3A_1492 = arith.select %lt3A_683, %max3A_1448, %broadcast_in_dim3A_35 : vector<16xi1>, vector<16xf32>
      %select_n3A_1493 = arith.select %lt3A_683, %max3A_1478, %broadcast_in_dim3A_35 : vector<16xi1>, vector<16xf32>
      %select_n3A_1494 = arith.select %lt3A_683, %min3A_1479, %broadcast_in_dim3A_35 : vector<16xi1>, vector<16xf32>
      %select_n3A_1495 = arith.select %lt3A_683, %max3A_1483, %broadcast_in_dim3A_35 : vector<16xi1>, vector<16xf32>
      %select_n3A_1496 = arith.select %lt3A_683, %min3A_1484, %broadcast_in_dim3A_35 : vector<16xi1>, vector<16xf32>
      %select_n3A_1497 = arith.select %lt3A_683, %max3A_1488, %broadcast_in_dim3A_35 : vector<16xi1>, vector<16xf32>
      %select_n3A_1498 = arith.select %lt3A_683, %min3A_1489, %broadcast_in_dim3A_35 : vector<16xi1>, vector<16xf32>
      %select_n3A_1499 = arith.select %lt3A_683, %min3A_1464, %broadcast_in_dim3A_35 : vector<16xi1>, vector<16xf32>
      %ge3A_1500 = arith.cmpf oge, %max3A_1322, %select_n3A_1499 : vector<16xf32>
      %max3A_1501 = arith.maximumf %max3A_1322, %select_n3A_1499 : vector<16xf32>
      %select_n3A_1502 = arith.select %ge3A_1500, %select_n3A_1324, %select_n3A_1466 : vector<16xi1>, vector<16xi32>
      %ge3A_1503 = arith.cmpf oge, %min3A_1323, %select_n3A_1498 : vector<16xf32>
      %max3A_1504 = arith.maximumf %min3A_1323, %select_n3A_1498 : vector<16xf32>
      %select_n3A_1505 = arith.select %ge3A_1503, %select_n3A_1325, %select_n3A_1491 : vector<16xi1>, vector<16xi32>
      %ge3A_1506 = arith.cmpf oge, %max3A_1327, %select_n3A_1497 : vector<16xf32>
      %max3A_1507 = arith.maximumf %max3A_1327, %select_n3A_1497 : vector<16xf32>
      %select_n3A_1508 = arith.select %ge3A_1506, %select_n3A_1329, %select_n3A_1490 : vector<16xi1>, vector<16xi32>
      %ge3A_1509 = arith.cmpf oge, %min3A_1328, %select_n3A_1496 : vector<16xf32>
      %max3A_1510 = arith.maximumf %min3A_1328, %select_n3A_1496 : vector<16xf32>
      %select_n3A_1511 = arith.select %ge3A_1509, %select_n3A_1330, %select_n3A_1486 : vector<16xi1>, vector<16xi32>
      %ge3A_1512 = arith.cmpf oge, %max3A_1332, %select_n3A_1495 : vector<16xf32>
      %max3A_1513 = arith.maximumf %max3A_1332, %select_n3A_1495 : vector<16xf32>
      %select_n3A_1514 = arith.select %ge3A_1512, %select_n3A_1334, %select_n3A_1485 : vector<16xi1>, vector<16xi32>
      %ge3A_1515 = arith.cmpf oge, %min3A_1333, %select_n3A_1494 : vector<16xf32>
      %max3A_1516 = arith.maximumf %min3A_1333, %select_n3A_1494 : vector<16xf32>
      %select_n3A_1517 = arith.select %ge3A_1515, %select_n3A_1335, %select_n3A_1481 : vector<16xi1>, vector<16xi32>
      %ge3A_1518 = arith.cmpf oge, %max3A_1337, %select_n3A_1493 : vector<16xf32>
      %max3A_1519 = arith.maximumf %max3A_1337, %select_n3A_1493 : vector<16xf32>
      %select_n3A_1520 = arith.select %ge3A_1518, %select_n3A_1339, %select_n3A_1480 : vector<16xi1>, vector<16xi32>
      %ge3A_1521 = arith.cmpf oge, %min3A_1338, %select_n3A_1492 : vector<16xf32>
      %max3A_1522 = arith.maximumf %min3A_1338, %select_n3A_1492 : vector<16xf32>
      %select_n3A_1523 = arith.select %ge3A_1521, %select_n3A_1340, %select_n3A_1450 : vector<16xi1>, vector<16xi32>
      %ge3A_1524 = arith.cmpf oge, %max3A_1501, %max3A_1513 : vector<16xf32>
      %max3A_1525 = arith.maximumf %max3A_1501, %max3A_1513 : vector<16xf32>
      %min3A_1526 = arith.minimumf %max3A_1501, %max3A_1513 : vector<16xf32>
      %select_n3A_1527 = arith.select %ge3A_1524, %select_n3A_1502, %select_n3A_1514 : vector<16xi1>, vector<16xi32>
      %select_n3A_1528 = arith.select %ge3A_1524, %select_n3A_1514, %select_n3A_1502 : vector<16xi1>, vector<16xi32>
      %ge3A_1529 = arith.cmpf oge, %max3A_1504, %max3A_1516 : vector<16xf32>
      %max3A_1530 = arith.maximumf %max3A_1504, %max3A_1516 : vector<16xf32>
      %min3A_1531 = arith.minimumf %max3A_1504, %max3A_1516 : vector<16xf32>
      %select_n3A_1532 = arith.select %ge3A_1529, %select_n3A_1505, %select_n3A_1517 : vector<16xi1>, vector<16xi32>
      %select_n3A_1533 = arith.select %ge3A_1529, %select_n3A_1517, %select_n3A_1505 : vector<16xi1>, vector<16xi32>
      %ge3A_1534 = arith.cmpf oge, %max3A_1507, %max3A_1519 : vector<16xf32>
      %max3A_1535 = arith.maximumf %max3A_1507, %max3A_1519 : vector<16xf32>
      %min3A_1536 = arith.minimumf %max3A_1507, %max3A_1519 : vector<16xf32>
      %select_n3A_1537 = arith.select %ge3A_1534, %select_n3A_1508, %select_n3A_1520 : vector<16xi1>, vector<16xi32>
      %select_n3A_1538 = arith.select %ge3A_1534, %select_n3A_1520, %select_n3A_1508 : vector<16xi1>, vector<16xi32>
      %ge3A_1539 = arith.cmpf oge, %max3A_1510, %max3A_1522 : vector<16xf32>
      %max3A_1540 = arith.maximumf %max3A_1510, %max3A_1522 : vector<16xf32>
      %min3A_1541 = arith.minimumf %max3A_1510, %max3A_1522 : vector<16xf32>
      %select_n3A_1542 = arith.select %ge3A_1539, %select_n3A_1511, %select_n3A_1523 : vector<16xi1>, vector<16xi32>
      %select_n3A_1543 = arith.select %ge3A_1539, %select_n3A_1523, %select_n3A_1511 : vector<16xi1>, vector<16xi32>
      %ge3A_1544 = arith.cmpf oge, %max3A_1525, %max3A_1535 : vector<16xf32>
      %max3A_1545 = arith.maximumf %max3A_1525, %max3A_1535 : vector<16xf32>
      %min3A_1546 = arith.minimumf %max3A_1525, %max3A_1535 : vector<16xf32>
      %select_n3A_1547 = arith.select %ge3A_1544, %select_n3A_1527, %select_n3A_1537 : vector<16xi1>, vector<16xi32>
      %select_n3A_1548 = arith.select %ge3A_1544, %select_n3A_1537, %select_n3A_1527 : vector<16xi1>, vector<16xi32>
      %ge3A_1549 = arith.cmpf oge, %max3A_1530, %max3A_1540 : vector<16xf32>
      %max3A_1550 = arith.maximumf %max3A_1530, %max3A_1540 : vector<16xf32>
      %min3A_1551 = arith.minimumf %max3A_1530, %max3A_1540 : vector<16xf32>
      %select_n3A_1552 = arith.select %ge3A_1549, %select_n3A_1532, %select_n3A_1542 : vector<16xi1>, vector<16xi32>
      %select_n3A_1553 = arith.select %ge3A_1549, %select_n3A_1542, %select_n3A_1532 : vector<16xi1>, vector<16xi32>
      %ge3A_1554 = arith.cmpf oge, %min3A_1526, %min3A_1536 : vector<16xf32>
      %max3A_1555 = arith.maximumf %min3A_1526, %min3A_1536 : vector<16xf32>
      %min3A_1556 = arith.minimumf %min3A_1526, %min3A_1536 : vector<16xf32>
      %select_n3A_1557 = arith.select %ge3A_1554, %select_n3A_1528, %select_n3A_1538 : vector<16xi1>, vector<16xi32>
      %select_n3A_1558 = arith.select %ge3A_1554, %select_n3A_1538, %select_n3A_1528 : vector<16xi1>, vector<16xi32>
      %ge3A_1559 = arith.cmpf oge, %min3A_1531, %min3A_1541 : vector<16xf32>
      %max3A_1560 = arith.maximumf %min3A_1531, %min3A_1541 : vector<16xf32>
      %min3A_1561 = arith.minimumf %min3A_1531, %min3A_1541 : vector<16xf32>
      %select_n3A_1562 = arith.select %ge3A_1559, %select_n3A_1533, %select_n3A_1543 : vector<16xi1>, vector<16xi32>
      %select_n3A_1563 = arith.select %ge3A_1559, %select_n3A_1543, %select_n3A_1533 : vector<16xi1>, vector<16xi32>
      %ge3A_1564 = arith.cmpf oge, %max3A_1545, %max3A_1550 : vector<16xf32>
      %max3A_1565 = arith.maximumf %max3A_1545, %max3A_1550 : vector<16xf32>
      %min3A_1566 = arith.minimumf %max3A_1545, %max3A_1550 : vector<16xf32>
      %select_n3A_1567 = arith.select %ge3A_1564, %select_n3A_1547, %select_n3A_1552 : vector<16xi1>, vector<16xi32>
      %select_n3A_1568 = arith.select %ge3A_1564, %select_n3A_1552, %select_n3A_1547 : vector<16xi1>, vector<16xi32>
      %ge3A_1569 = arith.cmpf oge, %min3A_1546, %min3A_1551 : vector<16xf32>
      %max3A_1570 = arith.maximumf %min3A_1546, %min3A_1551 : vector<16xf32>
      %min3A_1571 = arith.minimumf %min3A_1546, %min3A_1551 : vector<16xf32>
      %select_n3A_1572 = arith.select %ge3A_1569, %select_n3A_1548, %select_n3A_1553 : vector<16xi1>, vector<16xi32>
      %select_n3A_1573 = arith.select %ge3A_1569, %select_n3A_1553, %select_n3A_1548 : vector<16xi1>, vector<16xi32>
      %ge3A_1574 = arith.cmpf oge, %max3A_1555, %max3A_1560 : vector<16xf32>
      %max3A_1575 = arith.maximumf %max3A_1555, %max3A_1560 : vector<16xf32>
      %min3A_1576 = arith.minimumf %max3A_1555, %max3A_1560 : vector<16xf32>
      %select_n3A_1577 = arith.select %ge3A_1574, %select_n3A_1557, %select_n3A_1562 : vector<16xi1>, vector<16xi32>
      %select_n3A_1578 = arith.select %ge3A_1574, %select_n3A_1562, %select_n3A_1557 : vector<16xi1>, vector<16xi32>
      %ge3A_1579 = arith.cmpf oge, %min3A_1556, %min3A_1561 : vector<16xf32>
      %max3A_1580 = arith.maximumf %min3A_1556, %min3A_1561 : vector<16xf32>
      %min3A_1581 = arith.minimumf %min3A_1556, %min3A_1561 : vector<16xf32>
      %select_n3A_1582 = arith.select %ge3A_1579, %select_n3A_1558, %select_n3A_1563 : vector<16xi1>, vector<16xi32>
      %select_n3A_1583 = arith.select %ge3A_1579, %select_n3A_1563, %select_n3A_1558 : vector<16xi1>, vector<16xi32>
      %get3A_1584 = arith.constant 32 : i32
      %get3A_1585 = arith.index_cast %get3A_1584 : i32 to index
      %get3A_1586 = arith.index_cast %mul3A_47 : i32 to index
      %get3A_1587 = tpu.vector_load %arg5[%get3A_1585, %get3A_1586] {strides = array<i32>} : memref<64x1024xf32, #tpu.memory_space<vmem>>, vector<1x16xf32>,
      %get3A_1588 = vector.shape_cast %get3A_1587 : vector<1x16xf32> to vector<16xf32>
      %get3A_1589 = arith.constant 33 : i32
      %get3A_1590 = arith.index_cast %get3A_1589 : i32 to index
      %get3A_1591 = arith.index_cast %mul3A_47 : i32 to index
      %get3A_1592 = tpu.vector_load %arg5[%get3A_1590, %get3A_1591] {strides = array<i32>} : memref<64x1024xf32, #tpu.memory_space<vmem>>, vector<1x16xf32>,
      %get3A_1593 = vector.shape_cast %get3A_1592 : vector<1x16xf32> to vector<16xf32>
      %get3A_1594 = arith.constant 34 : i32
      %get3A_1595 = arith.index_cast %get3A_1594 : i32 to index
      %get3A_1596 = arith.index_cast %mul3A_47 : i32 to index
      %get3A_1597 = tpu.vector_load %arg5[%get3A_1595, %get3A_1596] {strides = array<i32>} : memref<64x1024xf32, #tpu.memory_space<vmem>>, vector<1x16xf32>,
      %get3A_1598 = vector.shape_cast %get3A_1597 : vector<1x16xf32> to vector<16xf32>
      %get3A_1599 = arith.constant 35 : i32
      %get3A_1600 = arith.index_cast %get3A_1599 : i32 to index
      %get3A_1601 = arith.index_cast %mul3A_47 : i32 to index
      %get3A_1602 = tpu.vector_load %arg5[%get3A_1600, %get3A_1601] {strides = array<i32>} : memref<64x1024xf32, #tpu.memory_space<vmem>>, vector<1x16xf32>,
      %get3A_1603 = vector.shape_cast %get3A_1602 : vector<1x16xf32> to vector<16xf32>
      %get3A_1604 = arith.constant 36 : i32
      %get3A_1605 = arith.index_cast %get3A_1604 : i32 to index
      %get3A_1606 = arith.index_cast %mul3A_47 : i32 to index
      %get3A_1607 = tpu.vector_load %arg5[%get3A_1605, %get3A_1606] {strides = array<i32>} : memref<64x1024xf32, #tpu.memory_space<vmem>>, vector<1x16xf32>,
      %get3A_1608 = vector.shape_cast %get3A_1607 : vector<1x16xf32> to vector<16xf32>
      %get3A_1609 = arith.constant 37 : i32
      %get3A_1610 = arith.index_cast %get3A_1609 : i32 to index
      %get3A_1611 = arith.index_cast %mul3A_47 : i32 to index
      %get3A_1612 = tpu.vector_load %arg5[%get3A_1610, %get3A_1611] {strides = array<i32>} : memref<64x1024xf32, #tpu.memory_space<vmem>>, vector<1x16xf32>,
      %get3A_1613 = vector.shape_cast %get3A_1612 : vector<1x16xf32> to vector<16xf32>
      %get3A_1614 = arith.constant 38 : i32
      %get3A_1615 = arith.index_cast %get3A_1614 : i32 to index
      %get3A_1616 = arith.index_cast %mul3A_47 : i32 to index
      %get3A_1617 = tpu.vector_load %arg5[%get3A_1615, %get3A_1616] {strides = array<i32>} : memref<64x1024xf32, #tpu.memory_space<vmem>>, vector<1x16xf32>,
      %get3A_1618 = vector.shape_cast %get3A_1617 : vector<1x16xf32> to vector<16xf32>
      %get3A_1619 = arith.constant 39 : i32
      %get3A_1620 = arith.index_cast %get3A_1619 : i32 to index
      %get3A_1621 = arith.index_cast %mul3A_47 : i32 to index
      %get3A_1622 = tpu.vector_load %arg5[%get3A_1620, %get3A_1621] {strides = array<i32>} : memref<64x1024xf32, #tpu.memory_space<vmem>>, vector<1x16xf32>,
      %get3A_1623 = vector.shape_cast %get3A_1622 : vector<1x16xf32> to vector<16xf32>
      %broadcast_in_dim3A_1624 = arith.constant 32 : i32
      %broadcast_in_dim3A_1625 = vector.broadcast %broadcast_in_dim3A_1624 : i32 to vector<16xi32>
      %broadcast_in_dim3A_1626 = arith.constant 33 : i32
      %broadcast_in_dim3A_1627 = vector.broadcast %broadcast_in_dim3A_1626 : i32 to vector<16xi32>
      %broadcast_in_dim3A_1628 = arith.constant 34 : i32
      %broadcast_in_dim3A_1629 = vector.broadcast %broadcast_in_dim3A_1628 : i32 to vector<16xi32>
      %broadcast_in_dim3A_1630 = arith.constant 35 : i32
      %broadcast_in_dim3A_1631 = vector.broadcast %broadcast_in_dim3A_1630 : i32 to vector<16xi32>
      %broadcast_in_dim3A_1632 = arith.constant 36 : i32
      %broadcast_in_dim3A_1633 = vector.broadcast %broadcast_in_dim3A_1632 : i32 to vector<16xi32>
      %broadcast_in_dim3A_1634 = arith.constant 37 : i32
      %broadcast_in_dim3A_1635 = vector.broadcast %broadcast_in_dim3A_1634 : i32 to vector<16xi32>
      %broadcast_in_dim3A_1636 = arith.constant 38 : i32
      %broadcast_in_dim3A_1637 = vector.broadcast %broadcast_in_dim3A_1636 : i32 to vector<16xi32>
      %broadcast_in_dim3A_1638 = arith.constant 39 : i32
      %broadcast_in_dim3A_1639 = vector.broadcast %broadcast_in_dim3A_1638 : i32 to vector<16xi32>
      %ge3A_1640 = arith.cmpf oge, %get3A_1588, %get3A_1593 : vector<16xf32>
      %max3A_1641 = arith.maximumf %get3A_1588, %get3A_1593 : vector<16xf32>
      %min3A_1642 = arith.minimumf %get3A_1588, %get3A_1593 : vector<16xf32>
      %select_n3A_1643 = arith.select %ge3A_1640, %broadcast_in_dim3A_1625, %broadcast_in_dim3A_1627 : vector<16xi1>, vector<16xi32>
      %select_n3A_1644 = arith.select %ge3A_1640, %broadcast_in_dim3A_1627, %broadcast_in_dim3A_1625 : vector<16xi1>, vector<16xi32>
      %ge3A_1645 = arith.cmpf oge, %get3A_1598, %get3A_1603 : vector<16xf32>
      %max3A_1646 = arith.maximumf %get3A_1598, %get3A_1603 : vector<16xf32>
      %min3A_1647 = arith.minimumf %get3A_1598, %get3A_1603 : vector<16xf32>
      %select_n3A_1648 = arith.select %ge3A_1645, %broadcast_in_dim3A_1629, %broadcast_in_dim3A_1631 : vector<16xi1>, vector<16xi32>
      %select_n3A_1649 = arith.select %ge3A_1645, %broadcast_in_dim3A_1631, %broadcast_in_dim3A_1629 : vector<16xi1>, vector<16xi32>
      %ge3A_1650 = arith.cmpf oge, %get3A_1608, %get3A_1613 : vector<16xf32>
      %max3A_1651 = arith.maximumf %get3A_1608, %get3A_1613 : vector<16xf32>
      %min3A_1652 = arith.minimumf %get3A_1608, %get3A_1613 : vector<16xf32>
      %select_n3A_1653 = arith.select %ge3A_1650, %broadcast_in_dim3A_1633, %broadcast_in_dim3A_1635 : vector<16xi1>, vector<16xi32>
      %select_n3A_1654 = arith.select %ge3A_1650, %broadcast_in_dim3A_1635, %broadcast_in_dim3A_1633 : vector<16xi1>, vector<16xi32>
      %ge3A_1655 = arith.cmpf oge, %get3A_1618, %get3A_1623 : vector<16xf32>
      %max3A_1656 = arith.maximumf %get3A_1618, %get3A_1623 : vector<16xf32>
      %min3A_1657 = arith.minimumf %get3A_1618, %get3A_1623 : vector<16xf32>
      %select_n3A_1658 = arith.select %ge3A_1655, %broadcast_in_dim3A_1637, %broadcast_in_dim3A_1639 : vector<16xi1>, vector<16xi32>
      %select_n3A_1659 = arith.select %ge3A_1655, %broadcast_in_dim3A_1639, %broadcast_in_dim3A_1637 : vector<16xi1>, vector<16xi32>
      %ge3A_1660 = arith.cmpf oge, %max3A_1641, %max3A_1646 : vector<16xf32>
      %max3A_1661 = arith.maximumf %max3A_1641, %max3A_1646 : vector<16xf32>
      %min3A_1662 = arith.minimumf %max3A_1641, %max3A_1646 : vector<16xf32>
      %select_n3A_1663 = arith.select %ge3A_1660, %select_n3A_1643, %select_n3A_1648 : vector<16xi1>, vector<16xi32>
      %select_n3A_1664 = arith.select %ge3A_1660, %select_n3A_1648, %select_n3A_1643 : vector<16xi1>, vector<16xi32>
      %ge3A_1665 = arith.cmpf oge, %min3A_1642, %min3A_1647 : vector<16xf32>
      %max3A_1666 = arith.maximumf %min3A_1642, %min3A_1647 : vector<16xf32>
      %min3A_1667 = arith.minimumf %min3A_1642, %min3A_1647 : vector<16xf32>
      %select_n3A_1668 = arith.select %ge3A_1665, %select_n3A_1644, %select_n3A_1649 : vector<16xi1>, vector<16xi32>
      %select_n3A_1669 = arith.select %ge3A_1665, %select_n3A_1649, %select_n3A_1644 : vector<16xi1>, vector<16xi32>
      %ge3A_1670 = arith.cmpf oge, %max3A_1651, %max3A_1656 : vector<16xf32>
      %max3A_1671 = arith.maximumf %max3A_1651, %max3A_1656 : vector<16xf32>
      %min3A_1672 = arith.minimumf %max3A_1651, %max3A_1656 : vector<16xf32>
      %select_n3A_1673 = arith.select %ge3A_1670, %select_n3A_1653, %select_n3A_1658 : vector<16xi1>, vector<16xi32>
      %select_n3A_1674 = arith.select %ge3A_1670, %select_n3A_1658, %select_n3A_1653 : vector<16xi1>, vector<16xi32>
      %ge3A_1675 = arith.cmpf oge, %min3A_1652, %min3A_1657 : vector<16xf32>
      %max3A_1676 = arith.maximumf %min3A_1652, %min3A_1657 : vector<16xf32>
      %min3A_1677 = arith.minimumf %min3A_1652, %min3A_1657 : vector<16xf32>
      %select_n3A_1678 = arith.select %ge3A_1675, %select_n3A_1654, %select_n3A_1659 : vector<16xi1>, vector<16xi32>
      %select_n3A_1679 = arith.select %ge3A_1675, %select_n3A_1659, %select_n3A_1654 : vector<16xi1>, vector<16xi32>
      %ge3A_1680 = arith.cmpf oge, %max3A_1666, %min3A_1662 : vector<16xf32>
      %max3A_1681 = arith.maximumf %max3A_1666, %min3A_1662 : vector<16xf32>
      %min3A_1682 = arith.minimumf %max3A_1666, %min3A_1662 : vector<16xf32>
      %select_n3A_1683 = arith.select %ge3A_1680, %select_n3A_1668, %select_n3A_1664 : vector<16xi1>, vector<16xi32>
      %select_n3A_1684 = arith.select %ge3A_1680, %select_n3A_1664, %select_n3A_1668 : vector<16xi1>, vector<16xi32>
      %ge3A_1685 = arith.cmpf oge, %max3A_1676, %min3A_1672 : vector<16xf32>
      %max3A_1686 = arith.maximumf %max3A_1676, %min3A_1672 : vector<16xf32>
      %min3A_1687 = arith.minimumf %max3A_1676, %min3A_1672 : vector<16xf32>
      %select_n3A_1688 = arith.select %ge3A_1685, %select_n3A_1678, %select_n3A_1674 : vector<16xi1>, vector<16xi32>
      %select_n3A_1689 = arith.select %ge3A_1685, %select_n3A_1674, %select_n3A_1678 : vector<16xi1>, vector<16xi32>
      %ge3A_1690 = arith.cmpf oge, %max3A_1661, %max3A_1671 : vector<16xf32>
      %max3A_1691 = arith.maximumf %max3A_1661, %max3A_1671 : vector<16xf32>
      %min3A_1692 = arith.minimumf %max3A_1661, %max3A_1671 : vector<16xf32>
      %select_n3A_1693 = arith.select %ge3A_1690, %select_n3A_1663, %select_n3A_1673 : vector<16xi1>, vector<16xi32>
      %select_n3A_1694 = arith.select %ge3A_1690, %select_n3A_1673, %select_n3A_1663 : vector<16xi1>, vector<16xi32>
      %ge3A_1695 = arith.cmpf oge, %max3A_1681, %max3A_1686 : vector<16xf32>
      %max3A_1696 = arith.maximumf %max3A_1681, %max3A_1686 : vector<16xf32>
      %min3A_1697 = arith.minimumf %max3A_1681, %max3A_1686 : vector<16xf32>
      %select_n3A_1698 = arith.select %ge3A_1695, %select_n3A_1683, %select_n3A_1688 : vector<16xi1>, vector<16xi32>
      %select_n3A_1699 = arith.select %ge3A_1695, %select_n3A_1688, %select_n3A_1683 : vector<16xi1>, vector<16xi32>
      %ge3A_1700 = arith.cmpf oge, %min3A_1682, %min3A_1687 : vector<16xf32>
      %max3A_1701 = arith.maximumf %min3A_1682, %min3A_1687 : vector<16xf32>
      %min3A_1702 = arith.minimumf %min3A_1682, %min3A_1687 : vector<16xf32>
      %select_n3A_1703 = arith.select %ge3A_1700, %select_n3A_1684, %select_n3A_1689 : vector<16xi1>, vector<16xi32>
      %select_n3A_1704 = arith.select %ge3A_1700, %select_n3A_1689, %select_n3A_1684 : vector<16xi1>, vector<16xi32>
      %ge3A_1705 = arith.cmpf oge, %min3A_1667, %min3A_1677 : vector<16xf32>
      %max3A_1706 = arith.maximumf %min3A_1667, %min3A_1677 : vector<16xf32>
      %min3A_1707 = arith.minimumf %min3A_1667, %min3A_1677 : vector<16xf32>
      %select_n3A_1708 = arith.select %ge3A_1705, %select_n3A_1669, %select_n3A_1679 : vector<16xi1>, vector<16xi32>
      %select_n3A_1709 = arith.select %ge3A_1705, %select_n3A_1679, %select_n3A_1669 : vector<16xi1>, vector<16xi32>
      %ge3A_1710 = arith.cmpf oge, %max3A_1701, %min3A_1692 : vector<16xf32>
      %max3A_1711 = arith.maximumf %max3A_1701, %min3A_1692 : vector<16xf32>
      %min3A_1712 = arith.minimumf %max3A_1701, %min3A_1692 : vector<16xf32>
      %select_n3A_1713 = arith.select %ge3A_1710, %select_n3A_1703, %select_n3A_1694 : vector<16xi1>, vector<16xi32>
      %select_n3A_1714 = arith.select %ge3A_1710, %select_n3A_1694, %select_n3A_1703 : vector<16xi1>, vector<16xi32>
      %ge3A_1715 = arith.cmpf oge, %max3A_1706, %min3A_1697 : vector<16xf32>
      %max3A_1716 = arith.maximumf %max3A_1706, %min3A_1697 : vector<16xf32>
      %min3A_1717 = arith.minimumf %max3A_1706, %min3A_1697 : vector<16xf32>
      %select_n3A_1718 = arith.select %ge3A_1715, %select_n3A_1708, %select_n3A_1699 : vector<16xi1>, vector<16xi32>
      %select_n3A_1719 = arith.select %ge3A_1715, %select_n3A_1699, %select_n3A_1708 : vector<16xi1>, vector<16xi32>
      %ge3A_1720 = arith.cmpf oge, %max3A_1696, %max3A_1711 : vector<16xf32>
      %max3A_1721 = arith.maximumf %max3A_1696, %max3A_1711 : vector<16xf32>
      %min3A_1722 = arith.minimumf %max3A_1696, %max3A_1711 : vector<16xf32>
      %select_n3A_1723 = arith.select %ge3A_1720, %select_n3A_1698, %select_n3A_1713 : vector<16xi1>, vector<16xi32>
      %select_n3A_1724 = arith.select %ge3A_1720, %select_n3A_1713, %select_n3A_1698 : vector<16xi1>, vector<16xi32>
      %ge3A_1725 = arith.cmpf oge, %max3A_1716, %min3A_1712 : vector<16xf32>
      %max3A_1726 = arith.maximumf %max3A_1716, %min3A_1712 : vector<16xf32>
      %min3A_1727 = arith.minimumf %max3A_1716, %min3A_1712 : vector<16xf32>
      %select_n3A_1728 = arith.select %ge3A_1725, %select_n3A_1718, %select_n3A_1714 : vector<16xi1>, vector<16xi32>
      %select_n3A_1729 = arith.select %ge3A_1725, %select_n3A_1714, %select_n3A_1718 : vector<16xi1>, vector<16xi32>
      %ge3A_1730 = arith.cmpf oge, %min3A_1717, %min3A_1702 : vector<16xf32>
      %max3A_1731 = arith.maximumf %min3A_1717, %min3A_1702 : vector<16xf32>
      %min3A_1732 = arith.minimumf %min3A_1717, %min3A_1702 : vector<16xf32>
      %select_n3A_1733 = arith.select %ge3A_1730, %select_n3A_1719, %select_n3A_1704 : vector<16xi1>, vector<16xi32>
      %select_n3A_1734 = arith.select %ge3A_1730, %select_n3A_1704, %select_n3A_1719 : vector<16xi1>, vector<16xi32>
      %select_n3A_1735 = arith.select %lt3A_686, %max3A_1691, %broadcast_in_dim3A_35 : vector<16xi1>, vector<16xf32>
      %select_n3A_1736 = arith.select %lt3A_686, %max3A_1721, %broadcast_in_dim3A_35 : vector<16xi1>, vector<16xf32>
      %select_n3A_1737 = arith.select %lt3A_686, %min3A_1722, %broadcast_in_dim3A_35 : vector<16xi1>, vector<16xf32>
      %select_n3A_1738 = arith.select %lt3A_686, %max3A_1726, %broadcast_in_dim3A_35 : vector<16xi1>, vector<16xf32>
      %select_n3A_1739 = arith.select %lt3A_686, %min3A_1727, %broadcast_in_dim3A_35 : vector<16xi1>, vector<16xf32>
      %select_n3A_1740 = arith.select %lt3A_686, %max3A_1731, %broadcast_in_dim3A_35 : vector<16xi1>, vector<16xf32>
      %select_n3A_1741 = arith.select %lt3A_686, %min3A_1732, %broadcast_in_dim3A_35 : vector<16xi1>, vector<16xf32>
      %select_n3A_1742 = arith.select %lt3A_686, %min3A_1707, %broadcast_in_dim3A_35 : vector<16xi1>, vector<16xf32>
      %ge3A_1743 = arith.cmpf oge, %max3A_1565, %select_n3A_1742 : vector<16xf32>
      %max3A_1744 = arith.maximumf %max3A_1565, %select_n3A_1742 : vector<16xf32>
      %select_n3A_1745 = arith.select %ge3A_1743, %select_n3A_1567, %select_n3A_1709 : vector<16xi1>, vector<16xi32>
      %ge3A_1746 = arith.cmpf oge, %min3A_1566, %select_n3A_1741 : vector<16xf32>
      %max3A_1747 = arith.maximumf %min3A_1566, %select_n3A_1741 : vector<16xf32>
      %select_n3A_1748 = arith.select %ge3A_1746, %select_n3A_1568, %select_n3A_1734 : vector<16xi1>, vector<16xi32>
      %ge3A_1749 = arith.cmpf oge, %max3A_1570, %select_n3A_1740 : vector<16xf32>
      %max3A_1750 = arith.maximumf %max3A_1570, %select_n3A_1740 : vector<16xf32>
      %select_n3A_1751 = arith.select %ge3A_1749, %select_n3A_1572, %select_n3A_1733 : vector<16xi1>, vector<16xi32>
      %ge3A_1752 = arith.cmpf oge, %min3A_1571, %select_n3A_1739 : vector<16xf32>
      %max3A_1753 = arith.maximumf %min3A_1571, %select_n3A_1739 : vector<16xf32>
      %select_n3A_1754 = arith.select %ge3A_1752, %select_n3A_1573, %select_n3A_1729 : vector<16xi1>, vector<16xi32>
      %ge3A_1755 = arith.cmpf oge, %max3A_1575, %select_n3A_1738 : vector<16xf32>
      %max3A_1756 = arith.maximumf %max3A_1575, %select_n3A_1738 : vector<16xf32>
      %select_n3A_1757 = arith.select %ge3A_1755, %select_n3A_1577, %select_n3A_1728 : vector<16xi1>, vector<16xi32>
      %ge3A_1758 = arith.cmpf oge, %min3A_1576, %select_n3A_1737 : vector<16xf32>
      %max3A_1759 = arith.maximumf %min3A_1576, %select_n3A_1737 : vector<16xf32>
      %select_n3A_1760 = arith.select %ge3A_1758, %select_n3A_1578, %select_n3A_1724 : vector<16xi1>, vector<16xi32>
      %ge3A_1761 = arith.cmpf oge, %max3A_1580, %select_n3A_1736 : vector<16xf32>
      %max3A_1762 = arith.maximumf %max3A_1580, %select_n3A_1736 : vector<16xf32>
      %select_n3A_1763 = arith.select %ge3A_1761, %select_n3A_1582, %select_n3A_1723 : vector<16xi1>, vector<16xi32>
      %ge3A_1764 = arith.cmpf oge, %min3A_1581, %select_n3A_1735 : vector<16xf32>
      %max3A_1765 = arith.maximumf %min3A_1581, %select_n3A_1735 : vector<16xf32>
      %select_n3A_1766 = arith.select %ge3A_1764, %select_n3A_1583, %select_n3A_1693 : vector<16xi1>, vector<16xi32>
      %ge3A_1767 = arith.cmpf oge, %max3A_1744, %max3A_1756 : vector<16xf32>
      %max3A_1768 = arith.maximumf %max3A_1744, %max3A_1756 : vector<16xf32>
      %min3A_1769 = arith.minimumf %max3A_1744, %max3A_1756 : vector<16xf32>
      %select_n3A_1770 = arith.select %ge3A_1767, %select_n3A_1745, %select_n3A_1757 : vector<16xi1>, vector<16xi32>
      %select_n3A_1771 = arith.select %ge3A_1767, %select_n3A_1757, %select_n3A_1745 : vector<16xi1>, vector<16xi32>
      %ge3A_1772 = arith.cmpf oge, %max3A_1747, %max3A_1759 : vector<16xf32>
      %max3A_1773 = arith.maximumf %max3A_1747, %max3A_1759 : vector<16xf32>
      %min3A_1774 = arith.minimumf %max3A_1747, %max3A_1759 : vector<16xf32>
      %select_n3A_1775 = arith.select %ge3A_1772, %select_n3A_1748, %select_n3A_1760 : vector<16xi1>, vector<16xi32>
      %select_n3A_1776 = arith.select %ge3A_1772, %select_n3A_1760, %select_n3A_1748 : vector<16xi1>, vector<16xi32>
      %ge3A_1777 = arith.cmpf oge, %max3A_1750, %max3A_1762 : vector<16xf32>
      %max3A_1778 = arith.maximumf %max3A_1750, %max3A_1762 : vector<16xf32>
      %min3A_1779 = arith.minimumf %max3A_1750, %max3A_1762 : vector<16xf32>
      %select_n3A_1780 = arith.select %ge3A_1777, %select_n3A_1751, %select_n3A_1763 : vector<16xi1>, vector<16xi32>
      %select_n3A_1781 = arith.select %ge3A_1777, %select_n3A_1763, %select_n3A_1751 : vector<16xi1>, vector<16xi32>
      %ge3A_1782 = arith.cmpf oge, %max3A_1753, %max3A_1765 : vector<16xf32>
      %max3A_1783 = arith.maximumf %max3A_1753, %max3A_1765 : vector<16xf32>
      %min3A_1784 = arith.minimumf %max3A_1753, %max3A_1765 : vector<16xf32>
      %select_n3A_1785 = arith.select %ge3A_1782, %select_n3A_1754, %select_n3A_1766 : vector<16xi1>, vector<16xi32>
      %select_n3A_1786 = arith.select %ge3A_1782, %select_n3A_1766, %select_n3A_1754 : vector<16xi1>, vector<16xi32>
      %ge3A_1787 = arith.cmpf oge, %max3A_1768, %max3A_1778 : vector<16xf32>
      %max3A_1788 = arith.maximumf %max3A_1768, %max3A_1778 : vector<16xf32>
      %min3A_1789 = arith.minimumf %max3A_1768, %max3A_1778 : vector<16xf32>
      %select_n3A_1790 = arith.select %ge3A_1787, %select_n3A_1770, %select_n3A_1780 : vector<16xi1>, vector<16xi32>
      %select_n3A_1791 = arith.select %ge3A_1787, %select_n3A_1780, %select_n3A_1770 : vector<16xi1>, vector<16xi32>
      %ge3A_1792 = arith.cmpf oge, %max3A_1773, %max3A_1783 : vector<16xf32>
      %max3A_1793 = arith.maximumf %max3A_1773, %max3A_1783 : vector<16xf32>
      %min3A_1794 = arith.minimumf %max3A_1773, %max3A_1783 : vector<16xf32>
      %select_n3A_1795 = arith.select %ge3A_1792, %select_n3A_1775, %select_n3A_1785 : vector<16xi1>, vector<16xi32>
      %select_n3A_1796 = arith.select %ge3A_1792, %select_n3A_1785, %select_n3A_1775 : vector<16xi1>, vector<16xi32>
      %ge3A_1797 = arith.cmpf oge, %min3A_1769, %min3A_1779 : vector<16xf32>
      %max3A_1798 = arith.maximumf %min3A_1769, %min3A_1779 : vector<16xf32>
      %min3A_1799 = arith.minimumf %min3A_1769, %min3A_1779 : vector<16xf32>
      %select_n3A_1800 = arith.select %ge3A_1797, %select_n3A_1771, %select_n3A_1781 : vector<16xi1>, vector<16xi32>
      %select_n3A_1801 = arith.select %ge3A_1797, %select_n3A_1781, %select_n3A_1771 : vector<16xi1>, vector<16xi32>
      %ge3A_1802 = arith.cmpf oge, %min3A_1774, %min3A_1784 : vector<16xf32>
      %max3A_1803 = arith.maximumf %min3A_1774, %min3A_1784 : vector<16xf32>
      %min3A_1804 = arith.minimumf %min3A_1774, %min3A_1784 : vector<16xf32>
      %select_n3A_1805 = arith.select %ge3A_1802, %select_n3A_1776, %select_n3A_1786 : vector<16xi1>, vector<16xi32>
      %select_n3A_1806 = arith.select %ge3A_1802, %select_n3A_1786, %select_n3A_1776 : vector<16xi1>, vector<16xi32>
      %ge3A_1807 = arith.cmpf oge, %max3A_1788, %max3A_1793 : vector<16xf32>
      %max3A_1808 = arith.maximumf %max3A_1788, %max3A_1793 : vector<16xf32>
      %min3A_1809 = arith.minimumf %max3A_1788, %max3A_1793 : vector<16xf32>
      %select_n3A_1810 = arith.select %ge3A_1807, %select_n3A_1790, %select_n3A_1795 : vector<16xi1>, vector<16xi32>
      %select_n3A_1811 = arith.select %ge3A_1807, %select_n3A_1795, %select_n3A_1790 : vector<16xi1>, vector<16xi32>
      %ge3A_1812 = arith.cmpf oge, %min3A_1789, %min3A_1794 : vector<16xf32>
      %max3A_1813 = arith.maximumf %min3A_1789, %min3A_1794 : vector<16xf32>
      %min3A_1814 = arith.minimumf %min3A_1789, %min3A_1794 : vector<16xf32>
      %select_n3A_1815 = arith.select %ge3A_1812, %select_n3A_1791, %select_n3A_1796 : vector<16xi1>, vector<16xi32>
      %select_n3A_1816 = arith.select %ge3A_1812, %select_n3A_1796, %select_n3A_1791 : vector<16xi1>, vector<16xi32>
      %ge3A_1817 = arith.cmpf oge, %max3A_1798, %max3A_1803 : vector<16xf32>
      %max3A_1818 = arith.maximumf %max3A_1798, %max3A_1803 : vector<16xf32>
      %min3A_1819 = arith.minimumf %max3A_1798, %max3A_1803 : vector<16xf32>
      %select_n3A_1820 = arith.select %ge3A_1817, %select_n3A_1800, %select_n3A_1805 : vector<16xi1>, vector<16xi32>
      %select_n3A_1821 = arith.select %ge3A_1817, %select_n3A_1805, %select_n3A_1800 : vector<16xi1>, vector<16xi32>
      %ge3A_1822 = arith.cmpf oge, %min3A_1799, %min3A_1804 : vector<16xf32>
      %max3A_1823 = arith.maximumf %min3A_1799, %min3A_1804 : vector<16xf32>
      %min3A_1824 = arith.minimumf %min3A_1799, %min3A_1804 : vector<16xf32>
      %select_n3A_1825 = arith.select %ge3A_1822, %select_n3A_1801, %select_n3A_1806 : vector<16xi1>, vector<16xi32>
      %select_n3A_1826 = arith.select %ge3A_1822, %select_n3A_1806, %select_n3A_1801 : vector<16xi1>, vector<16xi32>
      %get3A_1827 = arith.constant 40 : i32
      %get3A_1828 = arith.index_cast %get3A_1827 : i32 to index
      %get3A_1829 = arith.index_cast %mul3A_47 : i32 to index
      %get3A_1830 = tpu.vector_load %arg5[%get3A_1828, %get3A_1829] {strides = array<i32>} : memref<64x1024xf32, #tpu.memory_space<vmem>>, vector<1x16xf32>,
      %get3A_1831 = vector.shape_cast %get3A_1830 : vector<1x16xf32> to vector<16xf32>
      %get3A_1832 = arith.constant 41 : i32
      %get3A_1833 = arith.index_cast %get3A_1832 : i32 to index
      %get3A_1834 = arith.index_cast %mul3A_47 : i32 to index
      %get3A_1835 = tpu.vector_load %arg5[%get3A_1833, %get3A_1834] {strides = array<i32>} : memref<64x1024xf32, #tpu.memory_space<vmem>>, vector<1x16xf32>,
      %get3A_1836 = vector.shape_cast %get3A_1835 : vector<1x16xf32> to vector<16xf32>
      %get3A_1837 = arith.constant 42 : i32
      %get3A_1838 = arith.index_cast %get3A_1837 : i32 to index
      %get3A_1839 = arith.index_cast %mul3A_47 : i32 to index
      %get3A_1840 = tpu.vector_load %arg5[%get3A_1838, %get3A_1839] {strides = array<i32>} : memref<64x1024xf32, #tpu.memory_space<vmem>>, vector<1x16xf32>,
      %get3A_1841 = vector.shape_cast %get3A_1840 : vector<1x16xf32> to vector<16xf32>
      %get3A_1842 = arith.constant 43 : i32
      %get3A_1843 = arith.index_cast %get3A_1842 : i32 to index
      %get3A_1844 = arith.index_cast %mul3A_47 : i32 to index
      %get3A_1845 = tpu.vector_load %arg5[%get3A_1843, %get3A_1844] {strides = array<i32>} : memref<64x1024xf32, #tpu.memory_space<vmem>>, vector<1x16xf32>,
      %get3A_1846 = vector.shape_cast %get3A_1845 : vector<1x16xf32> to vector<16xf32>
      %get3A_1847 = arith.constant 44 : i32
      %get3A_1848 = arith.index_cast %get3A_1847 : i32 to index
      %get3A_1849 = arith.index_cast %mul3A_47 : i32 to index
      %get3A_1850 = tpu.vector_load %arg5[%get3A_1848, %get3A_1849] {strides = array<i32>} : memref<64x1024xf32, #tpu.memory_space<vmem>>, vector<1x16xf32>,
      %get3A_1851 = vector.shape_cast %get3A_1850 : vector<1x16xf32> to vector<16xf32>
      %get3A_1852 = arith.constant 45 : i32
      %get3A_1853 = arith.index_cast %get3A_1852 : i32 to index
      %get3A_1854 = arith.index_cast %mul3A_47 : i32 to index
      %get3A_1855 = tpu.vector_load %arg5[%get3A_1853, %get3A_1854] {strides = array<i32>} : memref<64x1024xf32, #tpu.memory_space<vmem>>, vector<1x16xf32>,
      %get3A_1856 = vector.shape_cast %get3A_1855 : vector<1x16xf32> to vector<16xf32>
      %get3A_1857 = arith.constant 46 : i32
      %get3A_1858 = arith.index_cast %get3A_1857 : i32 to index
      %get3A_1859 = arith.index_cast %mul3A_47 : i32 to index
      %get3A_1860 = tpu.vector_load %arg5[%get3A_1858, %get3A_1859] {strides = array<i32>} : memref<64x1024xf32, #tpu.memory_space<vmem>>, vector<1x16xf32>,
      %get3A_1861 = vector.shape_cast %get3A_1860 : vector<1x16xf32> to vector<16xf32>
      %get3A_1862 = arith.constant 47 : i32
      %get3A_1863 = arith.index_cast %get3A_1862 : i32 to index
      %get3A_1864 = arith.index_cast %mul3A_47 : i32 to index
      %get3A_1865 = tpu.vector_load %arg5[%get3A_1863, %get3A_1864] {strides = array<i32>} : memref<64x1024xf32, #tpu.memory_space<vmem>>, vector<1x16xf32>,
      %get3A_1866 = vector.shape_cast %get3A_1865 : vector<1x16xf32> to vector<16xf32>
      %broadcast_in_dim3A_1867 = arith.constant 40 : i32
      %broadcast_in_dim3A_1868 = vector.broadcast %broadcast_in_dim3A_1867 : i32 to vector<16xi32>
      %broadcast_in_dim3A_1869 = arith.constant 41 : i32
      %broadcast_in_dim3A_1870 = vector.broadcast %broadcast_in_dim3A_1869 : i32 to vector<16xi32>
      %broadcast_in_dim3A_1871 = arith.constant 42 : i32
      %broadcast_in_dim3A_1872 = vector.broadcast %broadcast_in_dim3A_1871 : i32 to vector<16xi32>
      %broadcast_in_dim3A_1873 = arith.constant 43 : i32
      %broadcast_in_dim3A_1874 = vector.broadcast %broadcast_in_dim3A_1873 : i32 to vector<16xi32>
      %broadcast_in_dim3A_1875 = arith.constant 44 : i32
      %broadcast_in_dim3A_1876 = vector.broadcast %broadcast_in_dim3A_1875 : i32 to vector<16xi32>
      %broadcast_in_dim3A_1877 = arith.constant 45 : i32
      %broadcast_in_dim3A_1878 = vector.broadcast %broadcast_in_dim3A_1877 : i32 to vector<16xi32>
      %broadcast_in_dim3A_1879 = arith.constant 46 : i32
      %broadcast_in_dim3A_1880 = vector.broadcast %broadcast_in_dim3A_1879 : i32 to vector<16xi32>
      %broadcast_in_dim3A_1881 = arith.constant 47 : i32
      %broadcast_in_dim3A_1882 = vector.broadcast %broadcast_in_dim3A_1881 : i32 to vector<16xi32>
      %ge3A_1883 = arith.cmpf oge, %get3A_1831, %get3A_1836 : vector<16xf32>
      %max3A_1884 = arith.maximumf %get3A_1831, %get3A_1836 : vector<16xf32>
      %min3A_1885 = arith.minimumf %get3A_1831, %get3A_1836 : vector<16xf32>
      %select_n3A_1886 = arith.select %ge3A_1883, %broadcast_in_dim3A_1868, %broadcast_in_dim3A_1870 : vector<16xi1>, vector<16xi32>
      %select_n3A_1887 = arith.select %ge3A_1883, %broadcast_in_dim3A_1870, %broadcast_in_dim3A_1868 : vector<16xi1>, vector<16xi32>
      %ge3A_1888 = arith.cmpf oge, %get3A_1841, %get3A_1846 : vector<16xf32>
      %max3A_1889 = arith.maximumf %get3A_1841, %get3A_1846 : vector<16xf32>
      %min3A_1890 = arith.minimumf %get3A_1841, %get3A_1846 : vector<16xf32>
      %select_n3A_1891 = arith.select %ge3A_1888, %broadcast_in_dim3A_1872, %broadcast_in_dim3A_1874 : vector<16xi1>, vector<16xi32>
      %select_n3A_1892 = arith.select %ge3A_1888, %broadcast_in_dim3A_1874, %broadcast_in_dim3A_1872 : vector<16xi1>, vector<16xi32>
      %ge3A_1893 = arith.cmpf oge, %get3A_1851, %get3A_1856 : vector<16xf32>
      %max3A_1894 = arith.maximumf %get3A_1851, %get3A_1856 : vector<16xf32>
      %min3A_1895 = arith.minimumf %get3A_1851, %get3A_1856 : vector<16xf32>
      %select_n3A_1896 = arith.select %ge3A_1893, %broadcast_in_dim3A_1876, %broadcast_in_dim3A_1878 : vector<16xi1>, vector<16xi32>
      %select_n3A_1897 = arith.select %ge3A_1893, %broadcast_in_dim3A_1878, %broadcast_in_dim3A_1876 : vector<16xi1>, vector<16xi32>
      %ge3A_1898 = arith.cmpf oge, %get3A_1861, %get3A_1866 : vector<16xf32>
      %max3A_1899 = arith.maximumf %get3A_1861, %get3A_1866 : vector<16xf32>
      %min3A_1900 = arith.minimumf %get3A_1861, %get3A_1866 : vector<16xf32>
      %select_n3A_1901 = arith.select %ge3A_1898, %broadcast_in_dim3A_1880, %broadcast_in_dim3A_1882 : vector<16xi1>, vector<16xi32>
      %select_n3A_1902 = arith.select %ge3A_1898, %broadcast_in_dim3A_1882, %broadcast_in_dim3A_1880 : vector<16xi1>, vector<16xi32>
      %ge3A_1903 = arith.cmpf oge, %max3A_1884, %max3A_1889 : vector<16xf32>
      %max3A_1904 = arith.maximumf %max3A_1884, %max3A_1889 : vector<16xf32>
      %min3A_1905 = arith.minimumf %max3A_1884, %max3A_1889 : vector<16xf32>
      %select_n3A_1906 = arith.select %ge3A_1903, %select_n3A_1886, %select_n3A_1891 : vector<16xi1>, vector<16xi32>
      %select_n3A_1907 = arith.select %ge3A_1903, %select_n3A_1891, %select_n3A_1886 : vector<16xi1>, vector<16xi32>
      %ge3A_1908 = arith.cmpf oge, %min3A_1885, %min3A_1890 : vector<16xf32>
      %max3A_1909 = arith.maximumf %min3A_1885, %min3A_1890 : vector<16xf32>
      %min3A_1910 = arith.minimumf %min3A_1885, %min3A_1890 : vector<16xf32>
      %select_n3A_1911 = arith.select %ge3A_1908, %select_n3A_1887, %select_n3A_1892 : vector<16xi1>, vector<16xi32>
      %select_n3A_1912 = arith.select %ge3A_1908, %select_n3A_1892, %select_n3A_1887 : vector<16xi1>, vector<16xi32>
      %ge3A_1913 = arith.cmpf oge, %max3A_1894, %max3A_1899 : vector<16xf32>
      %max3A_1914 = arith.maximumf %max3A_1894, %max3A_1899 : vector<16xf32>
      %min3A_1915 = arith.minimumf %max3A_1894, %max3A_1899 : vector<16xf32>
      %select_n3A_1916 = arith.select %ge3A_1913, %select_n3A_1896, %select_n3A_1901 : vector<16xi1>, vector<16xi32>
      %select_n3A_1917 = arith.select %ge3A_1913, %select_n3A_1901, %select_n3A_1896 : vector<16xi1>, vector<16xi32>
      %ge3A_1918 = arith.cmpf oge, %min3A_1895, %min3A_1900 : vector<16xf32>
      %max3A_1919 = arith.maximumf %min3A_1895, %min3A_1900 : vector<16xf32>
      %min3A_1920 = arith.minimumf %min3A_1895, %min3A_1900 : vector<16xf32>
      %select_n3A_1921 = arith.select %ge3A_1918, %select_n3A_1897, %select_n3A_1902 : vector<16xi1>, vector<16xi32>
      %select_n3A_1922 = arith.select %ge3A_1918, %select_n3A_1902, %select_n3A_1897 : vector<16xi1>, vector<16xi32>
      %ge3A_1923 = arith.cmpf oge, %max3A_1909, %min3A_1905 : vector<16xf32>
      %max3A_1924 = arith.maximumf %max3A_1909, %min3A_1905 : vector<16xf32>
      %min3A_1925 = arith.minimumf %max3A_1909, %min3A_1905 : vector<16xf32>
      %select_n3A_1926 = arith.select %ge3A_1923, %select_n3A_1911, %select_n3A_1907 : vector<16xi1>, vector<16xi32>
      %select_n3A_1927 = arith.select %ge3A_1923, %select_n3A_1907, %select_n3A_1911 : vector<16xi1>, vector<16xi32>
      %ge3A_1928 = arith.cmpf oge, %max3A_1919, %min3A_1915 : vector<16xf32>
      %max3A_1929 = arith.maximumf %max3A_1919, %min3A_1915 : vector<16xf32>
      %min3A_1930 = arith.minimumf %max3A_1919, %min3A_1915 : vector<16xf32>
      %select_n3A_1931 = arith.select %ge3A_1928, %select_n3A_1921, %select_n3A_1917 : vector<16xi1>, vector<16xi32>
      %select_n3A_1932 = arith.select %ge3A_1928, %select_n3A_1917, %select_n3A_1921 : vector<16xi1>, vector<16xi32>
      %ge3A_1933 = arith.cmpf oge, %max3A_1904, %max3A_1914 : vector<16xf32>
      %max3A_1934 = arith.maximumf %max3A_1904, %max3A_1914 : vector<16xf32>
      %min3A_1935 = arith.minimumf %max3A_1904, %max3A_1914 : vector<16xf32>
      %select_n3A_1936 = arith.select %ge3A_1933, %select_n3A_1906, %select_n3A_1916 : vector<16xi1>, vector<16xi32>
      %select_n3A_1937 = arith.select %ge3A_1933, %select_n3A_1916, %select_n3A_1906 : vector<16xi1>, vector<16xi32>
      %ge3A_1938 = arith.cmpf oge, %max3A_1924, %max3A_1929 : vector<16xf32>
      %max3A_1939 = arith.maximumf %max3A_1924, %max3A_1929 : vector<16xf32>
      %min3A_1940 = arith.minimumf %max3A_1924, %max3A_1929 : vector<16xf32>
      %select_n3A_1941 = arith.select %ge3A_1938, %select_n3A_1926, %select_n3A_1931 : vector<16xi1>, vector<16xi32>
      %select_n3A_1942 = arith.select %ge3A_1938, %select_n3A_1931, %select_n3A_1926 : vector<16xi1>, vector<16xi32>
      %ge3A_1943 = arith.cmpf oge, %min3A_1925, %min3A_1930 : vector<16xf32>
      %max3A_1944 = arith.maximumf %min3A_1925, %min3A_1930 : vector<16xf32>
      %min3A_1945 = arith.minimumf %min3A_1925, %min3A_1930 : vector<16xf32>
      %select_n3A_1946 = arith.select %ge3A_1943, %select_n3A_1927, %select_n3A_1932 : vector<16xi1>, vector<16xi32>
      %select_n3A_1947 = arith.select %ge3A_1943, %select_n3A_1932, %select_n3A_1927 : vector<16xi1>, vector<16xi32>
      %ge3A_1948 = arith.cmpf oge, %min3A_1910, %min3A_1920 : vector<16xf32>
      %max3A_1949 = arith.maximumf %min3A_1910, %min3A_1920 : vector<16xf32>
      %min3A_1950 = arith.minimumf %min3A_1910, %min3A_1920 : vector<16xf32>
      %select_n3A_1951 = arith.select %ge3A_1948, %select_n3A_1912, %select_n3A_1922 : vector<16xi1>, vector<16xi32>
      %select_n3A_1952 = arith.select %ge3A_1948, %select_n3A_1922, %select_n3A_1912 : vector<16xi1>, vector<16xi32>
      %ge3A_1953 = arith.cmpf oge, %max3A_1944, %min3A_1935 : vector<16xf32>
      %max3A_1954 = arith.maximumf %max3A_1944, %min3A_1935 : vector<16xf32>
      %min3A_1955 = arith.minimumf %max3A_1944, %min3A_1935 : vector<16xf32>
      %select_n3A_1956 = arith.select %ge3A_1953, %select_n3A_1946, %select_n3A_1937 : vector<16xi1>, vector<16xi32>
      %select_n3A_1957 = arith.select %ge3A_1953, %select_n3A_1937, %select_n3A_1946 : vector<16xi1>, vector<16xi32>
      %ge3A_1958 = arith.cmpf oge, %max3A_1949, %min3A_1940 : vector<16xf32>
      %max3A_1959 = arith.maximumf %max3A_1949, %min3A_1940 : vector<16xf32>
      %min3A_1960 = arith.minimumf %max3A_1949, %min3A_1940 : vector<16xf32>
      %select_n3A_1961 = arith.select %ge3A_1958, %select_n3A_1951, %select_n3A_1942 : vector<16xi1>, vector<16xi32>
      %select_n3A_1962 = arith.select %ge3A_1958, %select_n3A_1942, %select_n3A_1951 : vector<16xi1>, vector<16xi32>
      %ge3A_1963 = arith.cmpf oge, %max3A_1939, %max3A_1954 : vector<16xf32>
      %max3A_1964 = arith.maximumf %max3A_1939, %max3A_1954 : vector<16xf32>
      %min3A_1965 = arith.minimumf %max3A_1939, %max3A_1954 : vector<16xf32>
      %select_n3A_1966 = arith.select %ge3A_1963, %select_n3A_1941, %select_n3A_1956 : vector<16xi1>, vector<16xi32>
      %select_n3A_1967 = arith.select %ge3A_1963, %select_n3A_1956, %select_n3A_1941 : vector<16xi1>, vector<16xi32>
      %ge3A_1968 = arith.cmpf oge, %max3A_1959, %min3A_1955 : vector<16xf32>
      %max3A_1969 = arith.maximumf %max3A_1959, %min3A_1955 : vector<16xf32>
      %min3A_1970 = arith.minimumf %max3A_1959, %min3A_1955 : vector<16xf32>
      %select_n3A_1971 = arith.select %ge3A_1968, %select_n3A_1961, %select_n3A_1957 : vector<16xi1>, vector<16xi32>
      %select_n3A_1972 = arith.select %ge3A_1968, %select_n3A_1957, %select_n3A_1961 : vector<16xi1>, vector<16xi32>
      %ge3A_1973 = arith.cmpf oge, %min3A_1960, %min3A_1945 : vector<16xf32>
      %max3A_1974 = arith.maximumf %min3A_1960, %min3A_1945 : vector<16xf32>
      %min3A_1975 = arith.minimumf %min3A_1960, %min3A_1945 : vector<16xf32>
      %select_n3A_1976 = arith.select %ge3A_1973, %select_n3A_1962, %select_n3A_1947 : vector<16xi1>, vector<16xi32>
      %select_n3A_1977 = arith.select %ge3A_1973, %select_n3A_1947, %select_n3A_1962 : vector<16xi1>, vector<16xi32>
      %select_n3A_1978 = arith.select %lt3A_689, %max3A_1934, %broadcast_in_dim3A_35 : vector<16xi1>, vector<16xf32>
      %select_n3A_1979 = arith.select %lt3A_689, %max3A_1964, %broadcast_in_dim3A_35 : vector<16xi1>, vector<16xf32>
      %select_n3A_1980 = arith.select %lt3A_689, %min3A_1965, %broadcast_in_dim3A_35 : vector<16xi1>, vector<16xf32>
      %select_n3A_1981 = arith.select %lt3A_689, %max3A_1969, %broadcast_in_dim3A_35 : vector<16xi1>, vector<16xf32>
      %select_n3A_1982 = arith.select %lt3A_689, %min3A_1970, %broadcast_in_dim3A_35 : vector<16xi1>, vector<16xf32>
      %select_n3A_1983 = arith.select %lt3A_689, %max3A_1974, %broadcast_in_dim3A_35 : vector<16xi1>, vector<16xf32>
      %select_n3A_1984 = arith.select %lt3A_689, %min3A_1975, %broadcast_in_dim3A_35 : vector<16xi1>, vector<16xf32>
      %select_n3A_1985 = arith.select %lt3A_689, %min3A_1950, %broadcast_in_dim3A_35 : vector<16xi1>, vector<16xf32>
      %ge3A_1986 = arith.cmpf oge, %max3A_1808, %select_n3A_1985 : vector<16xf32>
      %max3A_1987 = arith.maximumf %max3A_1808, %select_n3A_1985 : vector<16xf32>
      %select_n3A_1988 = arith.select %ge3A_1986, %select_n3A_1810, %select_n3A_1952 : vector<16xi1>, vector<16xi32>
      %ge3A_1989 = arith.cmpf oge, %min3A_1809, %select_n3A_1984 : vector<16xf32>
      %max3A_1990 = arith.maximumf %min3A_1809, %select_n3A_1984 : vector<16xf32>
      %select_n3A_1991 = arith.select %ge3A_1989, %select_n3A_1811, %select_n3A_1977 : vector<16xi1>, vector<16xi32>
      %ge3A_1992 = arith.cmpf oge, %max3A_1813, %select_n3A_1983 : vector<16xf32>
      %max3A_1993 = arith.maximumf %max3A_1813, %select_n3A_1983 : vector<16xf32>
      %select_n3A_1994 = arith.select %ge3A_1992, %select_n3A_1815, %select_n3A_1976 : vector<16xi1>, vector<16xi32>
      %ge3A_1995 = arith.cmpf oge, %min3A_1814, %select_n3A_1982 : vector<16xf32>
      %max3A_1996 = arith.maximumf %min3A_1814, %select_n3A_1982 : vector<16xf32>
      %select_n3A_1997 = arith.select %ge3A_1995, %select_n3A_1816, %select_n3A_1972 : vector<16xi1>, vector<16xi32>
      %ge3A_1998 = arith.cmpf oge, %max3A_1818, %select_n3A_1981 : vector<16xf32>
      %max3A_1999 = arith.maximumf %max3A_1818, %select_n3A_1981 : vector<16xf32>
      %select_n3A_2000 = arith.select %ge3A_1998, %select_n3A_1820, %select_n3A_1971 : vector<16xi1>, vector<16xi32>
      %ge3A_2001 = arith.cmpf oge, %min3A_1819, %select_n3A_1980 : vector<16xf32>
      %max3A_2002 = arith.maximumf %min3A_1819, %select_n3A_1980 : vector<16xf32>
      %select_n3A_2003 = arith.select %ge3A_2001, %select_n3A_1821, %select_n3A_1967 : vector<16xi1>, vector<16xi32>
      %ge3A_2004 = arith.cmpf oge, %max3A_1823, %select_n3A_1979 : vector<16xf32>
      %max3A_2005 = arith.maximumf %max3A_1823, %select_n3A_1979 : vector<16xf32>
      %select_n3A_2006 = arith.select %ge3A_2004, %select_n3A_1825, %select_n3A_1966 : vector<16xi1>, vector<16xi32>
      %ge3A_2007 = arith.cmpf oge, %min3A_1824, %select_n3A_1978 : vector<16xf32>
      %max3A_2008 = arith.maximumf %min3A_1824, %select_n3A_1978 : vector<16xf32>
      %select_n3A_2009 = arith.select %ge3A_2007, %select_n3A_1826, %select_n3A_1936 : vector<16xi1>, vector<16xi32>
      %ge3A_2010 = arith.cmpf oge, %max3A_1987, %max3A_1999 : vector<16xf32>
      %max3A_2011 = arith.maximumf %max3A_1987, %max3A_1999 : vector<16xf32>
      %min3A_2012 = arith.minimumf %max3A_1987, %max3A_1999 : vector<16xf32>
      %select_n3A_2013 = arith.select %ge3A_2010, %select_n3A_1988, %select_n3A_2000 : vector<16xi1>, vector<16xi32>
      %select_n3A_2014 = arith.select %ge3A_2010, %select_n3A_2000, %select_n3A_1988 : vector<16xi1>, vector<16xi32>
      %ge3A_2015 = arith.cmpf oge, %max3A_1990, %max3A_2002 : vector<16xf32>
      %max3A_2016 = arith.maximumf %max3A_1990, %max3A_2002 : vector<16xf32>
      %min3A_2017 = arith.minimumf %max3A_1990, %max3A_2002 : vector<16xf32>
      %select_n3A_2018 = arith.select %ge3A_2015, %select_n3A_1991, %select_n3A_2003 : vector<16xi1>, vector<16xi32>
      %select_n3A_2019 = arith.select %ge3A_2015, %select_n3A_2003, %select_n3A_1991 : vector<16xi1>, vector<16xi32>
      %ge3A_2020 = arith.cmpf oge, %max3A_1993, %max3A_2005 : vector<16xf32>
      %max3A_2021 = arith.maximumf %max3A_1993, %max3A_2005 : vector<16xf32>
      %min3A_2022 = arith.minimumf %max3A_1993, %max3A_2005 : vector<16xf32>
      %select_n3A_2023 = arith.select %ge3A_2020, %select_n3A_1994, %select_n3A_2006 : vector<16xi1>, vector<16xi32>
      %select_n3A_2024 = arith.select %ge3A_2020, %select_n3A_2006, %select_n3A_1994 : vector<16xi1>, vector<16xi32>
      %ge3A_2025 = arith.cmpf oge, %max3A_1996, %max3A_2008 : vector<16xf32>
      %max3A_2026 = arith.maximumf %max3A_1996, %max3A_2008 : vector<16xf32>
      %min3A_2027 = arith.minimumf %max3A_1996, %max3A_2008 : vector<16xf32>
      %select_n3A_2028 = arith.select %ge3A_2025, %select_n3A_1997, %select_n3A_2009 : vector<16xi1>, vector<16xi32>
      %select_n3A_2029 = arith.select %ge3A_2025, %select_n3A_2009, %select_n3A_1997 : vector<16xi1>, vector<16xi32>
      %ge3A_2030 = arith.cmpf oge, %max3A_2011, %max3A_2021 : vector<16xf32>
      %max3A_2031 = arith.maximumf %max3A_2011, %max3A_2021 : vector<16xf32>
      %min3A_2032 = arith.minimumf %max3A_2011, %max3A_2021 : vector<16xf32>
      %select_n3A_2033 = arith.select %ge3A_2030, %select_n3A_2013, %select_n3A_2023 : vector<16xi1>, vector<16xi32>
      %select_n3A_2034 = arith.select %ge3A_2030, %select_n3A_2023, %select_n3A_2013 : vector<16xi1>, vector<16xi32>
      %ge3A_2035 = arith.cmpf oge, %max3A_2016, %max3A_2026 : vector<16xf32>
      %max3A_2036 = arith.maximumf %max3A_2016, %max3A_2026 : vector<16xf32>
      %min3A_2037 = arith.minimumf %max3A_2016, %max3A_2026 : vector<16xf32>
      %select_n3A_2038 = arith.select %ge3A_2035, %select_n3A_2018, %select_n3A_2028 : vector<16xi1>, vector<16xi32>
      %select_n3A_2039 = arith.select %ge3A_2035, %select_n3A_2028, %select_n3A_2018 : vector<16xi1>, vector<16xi32>
      %ge3A_2040 = arith.cmpf oge, %min3A_2012, %min3A_2022 : vector<16xf32>
      %max3A_2041 = arith.maximumf %min3A_2012, %min3A_2022 : vector<16xf32>
      %min3A_2042 = arith.minimumf %min3A_2012, %min3A_2022 : vector<16xf32>
      %select_n3A_2043 = arith.select %ge3A_2040, %select_n3A_2014, %select_n3A_2024 : vector<16xi1>, vector<16xi32>
      %select_n3A_2044 = arith.select %ge3A_2040, %select_n3A_2024, %select_n3A_2014 : vector<16xi1>, vector<16xi32>
      %ge3A_2045 = arith.cmpf oge, %min3A_2017, %min3A_2027 : vector<16xf32>
      %max3A_2046 = arith.maximumf %min3A_2017, %min3A_2027 : vector<16xf32>
      %min3A_2047 = arith.minimumf %min3A_2017, %min3A_2027 : vector<16xf32>
      %select_n3A_2048 = arith.select %ge3A_2045, %select_n3A_2019, %select_n3A_2029 : vector<16xi1>, vector<16xi32>
      %select_n3A_2049 = arith.select %ge3A_2045, %select_n3A_2029, %select_n3A_2019 : vector<16xi1>, vector<16xi32>
      %ge3A_2050 = arith.cmpf oge, %max3A_2031, %max3A_2036 : vector<16xf32>
      %max3A_2051 = arith.maximumf %max3A_2031, %max3A_2036 : vector<16xf32>
      %min3A_2052 = arith.minimumf %max3A_2031, %max3A_2036 : vector<16xf32>
      %select_n3A_2053 = arith.select %ge3A_2050, %select_n3A_2033, %select_n3A_2038 : vector<16xi1>, vector<16xi32>
      %select_n3A_2054 = arith.select %ge3A_2050, %select_n3A_2038, %select_n3A_2033 : vector<16xi1>, vector<16xi32>
      %ge3A_2055 = arith.cmpf oge, %min3A_2032, %min3A_2037 : vector<16xf32>
      %max3A_2056 = arith.maximumf %min3A_2032, %min3A_2037 : vector<16xf32>
      %min3A_2057 = arith.minimumf %min3A_2032, %min3A_2037 : vector<16xf32>
      %select_n3A_2058 = arith.select %ge3A_2055, %select_n3A_2034, %select_n3A_2039 : vector<16xi1>, vector<16xi32>
      %select_n3A_2059 = arith.select %ge3A_2055, %select_n3A_2039, %select_n3A_2034 : vector<16xi1>, vector<16xi32>
      %ge3A_2060 = arith.cmpf oge, %max3A_2041, %max3A_2046 : vector<16xf32>
      %max3A_2061 = arith.maximumf %max3A_2041, %max3A_2046 : vector<16xf32>
      %min3A_2062 = arith.minimumf %max3A_2041, %max3A_2046 : vector<16xf32>
      %select_n3A_2063 = arith.select %ge3A_2060, %select_n3A_2043, %select_n3A_2048 : vector<16xi1>, vector<16xi32>
      %select_n3A_2064 = arith.select %ge3A_2060, %select_n3A_2048, %select_n3A_2043 : vector<16xi1>, vector<16xi32>
      %ge3A_2065 = arith.cmpf oge, %min3A_2042, %min3A_2047 : vector<16xf32>
      %max3A_2066 = arith.maximumf %min3A_2042, %min3A_2047 : vector<16xf32>
      %min3A_2067 = arith.minimumf %min3A_2042, %min3A_2047 : vector<16xf32>
      %select_n3A_2068 = arith.select %ge3A_2065, %select_n3A_2044, %select_n3A_2049 : vector<16xi1>, vector<16xi32>
      %select_n3A_2069 = arith.select %ge3A_2065, %select_n3A_2049, %select_n3A_2044 : vector<16xi1>, vector<16xi32>
      %get3A_2070 = arith.constant 48 : i32
      %get3A_2071 = arith.index_cast %get3A_2070 : i32 to index
      %get3A_2072 = arith.index_cast %mul3A_47 : i32 to index
      %get3A_2073 = tpu.vector_load %arg5[%get3A_2071, %get3A_2072] {strides = array<i32>} : memref<64x1024xf32, #tpu.memory_space<vmem>>, vector<1x16xf32>,
      %get3A_2074 = vector.shape_cast %get3A_2073 : vector<1x16xf32> to vector<16xf32>
      %get3A_2075 = arith.constant 49 : i32
      %get3A_2076 = arith.index_cast %get3A_2075 : i32 to index
      %get3A_2077 = arith.index_cast %mul3A_47 : i32 to index
      %get3A_2078 = tpu.vector_load %arg5[%get3A_2076, %get3A_2077] {strides = array<i32>} : memref<64x1024xf32, #tpu.memory_space<vmem>>, vector<1x16xf32>,
      %get3A_2079 = vector.shape_cast %get3A_2078 : vector<1x16xf32> to vector<16xf32>
      %get3A_2080 = arith.constant 50 : i32
      %get3A_2081 = arith.index_cast %get3A_2080 : i32 to index
      %get3A_2082 = arith.index_cast %mul3A_47 : i32 to index
      %get3A_2083 = tpu.vector_load %arg5[%get3A_2081, %get3A_2082] {strides = array<i32>} : memref<64x1024xf32, #tpu.memory_space<vmem>>, vector<1x16xf32>,
      %get3A_2084 = vector.shape_cast %get3A_2083 : vector<1x16xf32> to vector<16xf32>
      %get3A_2085 = arith.constant 51 : i32
      %get3A_2086 = arith.index_cast %get3A_2085 : i32 to index
      %get3A_2087 = arith.index_cast %mul3A_47 : i32 to index
      %get3A_2088 = tpu.vector_load %arg5[%get3A_2086, %get3A_2087] {strides = array<i32>} : memref<64x1024xf32, #tpu.memory_space<vmem>>, vector<1x16xf32>,
      %get3A_2089 = vector.shape_cast %get3A_2088 : vector<1x16xf32> to vector<16xf32>
      %get3A_2090 = arith.constant 52 : i32
      %get3A_2091 = arith.index_cast %get3A_2090 : i32 to index
      %get3A_2092 = arith.index_cast %mul3A_47 : i32 to index
      %get3A_2093 = tpu.vector_load %arg5[%get3A_2091, %get3A_2092] {strides = array<i32>} : memref<64x1024xf32, #tpu.memory_space<vmem>>, vector<1x16xf32>,
      %get3A_2094 = vector.shape_cast %get3A_2093 : vector<1x16xf32> to vector<16xf32>
      %get3A_2095 = arith.constant 53 : i32
      %get3A_2096 = arith.index_cast %get3A_2095 : i32 to index
      %get3A_2097 = arith.index_cast %mul3A_47 : i32 to index
      %get3A_2098 = tpu.vector_load %arg5[%get3A_2096, %get3A_2097] {strides = array<i32>} : memref<64x1024xf32, #tpu.memory_space<vmem>>, vector<1x16xf32>,
      %get3A_2099 = vector.shape_cast %get3A_2098 : vector<1x16xf32> to vector<16xf32>
      %get3A_2100 = arith.constant 54 : i32
      %get3A_2101 = arith.index_cast %get3A_2100 : i32 to index
      %get3A_2102 = arith.index_cast %mul3A_47 : i32 to index
      %get3A_2103 = tpu.vector_load %arg5[%get3A_2101, %get3A_2102] {strides = array<i32>} : memref<64x1024xf32, #tpu.memory_space<vmem>>, vector<1x16xf32>,
      %get3A_2104 = vector.shape_cast %get3A_2103 : vector<1x16xf32> to vector<16xf32>
      %get3A_2105 = arith.constant 55 : i32
      %get3A_2106 = arith.index_cast %get3A_2105 : i32 to index
      %get3A_2107 = arith.index_cast %mul3A_47 : i32 to index
      %get3A_2108 = tpu.vector_load %arg5[%get3A_2106, %get3A_2107] {strides = array<i32>} : memref<64x1024xf32, #tpu.memory_space<vmem>>, vector<1x16xf32>,
      %get3A_2109 = vector.shape_cast %get3A_2108 : vector<1x16xf32> to vector<16xf32>
      %broadcast_in_dim3A_2110 = arith.constant 48 : i32
      %broadcast_in_dim3A_2111 = vector.broadcast %broadcast_in_dim3A_2110 : i32 to vector<16xi32>
      %broadcast_in_dim3A_2112 = arith.constant 49 : i32
      %broadcast_in_dim3A_2113 = vector.broadcast %broadcast_in_dim3A_2112 : i32 to vector<16xi32>
      %broadcast_in_dim3A_2114 = arith.constant 50 : i32
      %broadcast_in_dim3A_2115 = vector.broadcast %broadcast_in_dim3A_2114 : i32 to vector<16xi32>
      %broadcast_in_dim3A_2116 = arith.constant 51 : i32
      %broadcast_in_dim3A_2117 = vector.broadcast %broadcast_in_dim3A_2116 : i32 to vector<16xi32>
      %broadcast_in_dim3A_2118 = arith.constant 52 : i32
      %broadcast_in_dim3A_2119 = vector.broadcast %broadcast_in_dim3A_2118 : i32 to vector<16xi32>
      %broadcast_in_dim3A_2120 = arith.constant 53 : i32
      %broadcast_in_dim3A_2121 = vector.broadcast %broadcast_in_dim3A_2120 : i32 to vector<16xi32>
      %broadcast_in_dim3A_2122 = arith.constant 54 : i32
      %broadcast_in_dim3A_2123 = vector.broadcast %broadcast_in_dim3A_2122 : i32 to vector<16xi32>
      %broadcast_in_dim3A_2124 = arith.constant 55 : i32
      %broadcast_in_dim3A_2125 = vector.broadcast %broadcast_in_dim3A_2124 : i32 to vector<16xi32>
      %ge3A_2126 = arith.cmpf oge, %get3A_2074, %get3A_2079 : vector<16xf32>
      %max3A_2127 = arith.maximumf %get3A_2074, %get3A_2079 : vector<16xf32>
      %min3A_2128 = arith.minimumf %get3A_2074, %get3A_2079 : vector<16xf32>
      %select_n3A_2129 = arith.select %ge3A_2126, %broadcast_in_dim3A_2111, %broadcast_in_dim3A_2113 : vector<16xi1>, vector<16xi32>
      %select_n3A_2130 = arith.select %ge3A_2126, %broadcast_in_dim3A_2113, %broadcast_in_dim3A_2111 : vector<16xi1>, vector<16xi32>
      %ge3A_2131 = arith.cmpf oge, %get3A_2084, %get3A_2089 : vector<16xf32>
      %max3A_2132 = arith.maximumf %get3A_2084, %get3A_2089 : vector<16xf32>
      %min3A_2133 = arith.minimumf %get3A_2084, %get3A_2089 : vector<16xf32>
      %select_n3A_2134 = arith.select %ge3A_2131, %broadcast_in_dim3A_2115, %broadcast_in_dim3A_2117 : vector<16xi1>, vector<16xi32>
      %select_n3A_2135 = arith.select %ge3A_2131, %broadcast_in_dim3A_2117, %broadcast_in_dim3A_2115 : vector<16xi1>, vector<16xi32>
      %ge3A_2136 = arith.cmpf oge, %get3A_2094, %get3A_2099 : vector<16xf32>
      %max3A_2137 = arith.maximumf %get3A_2094, %get3A_2099 : vector<16xf32>
      %min3A_2138 = arith.minimumf %get3A_2094, %get3A_2099 : vector<16xf32>
      %select_n3A_2139 = arith.select %ge3A_2136, %broadcast_in_dim3A_2119, %broadcast_in_dim3A_2121 : vector<16xi1>, vector<16xi32>
      %select_n3A_2140 = arith.select %ge3A_2136, %broadcast_in_dim3A_2121, %broadcast_in_dim3A_2119 : vector<16xi1>, vector<16xi32>
      %ge3A_2141 = arith.cmpf oge, %get3A_2104, %get3A_2109 : vector<16xf32>
      %max3A_2142 = arith.maximumf %get3A_2104, %get3A_2109 : vector<16xf32>
      %min3A_2143 = arith.minimumf %get3A_2104, %get3A_2109 : vector<16xf32>
      %select_n3A_2144 = arith.select %ge3A_2141, %broadcast_in_dim3A_2123, %broadcast_in_dim3A_2125 : vector<16xi1>, vector<16xi32>
      %select_n3A_2145 = arith.select %ge3A_2141, %broadcast_in_dim3A_2125, %broadcast_in_dim3A_2123 : vector<16xi1>, vector<16xi32>
      %ge3A_2146 = arith.cmpf oge, %max3A_2127, %max3A_2132 : vector<16xf32>
      %max3A_2147 = arith.maximumf %max3A_2127, %max3A_2132 : vector<16xf32>
      %min3A_2148 = arith.minimumf %max3A_2127, %max3A_2132 : vector<16xf32>
      %select_n3A_2149 = arith.select %ge3A_2146, %select_n3A_2129, %select_n3A_2134 : vector<16xi1>, vector<16xi32>
      %select_n3A_2150 = arith.select %ge3A_2146, %select_n3A_2134, %select_n3A_2129 : vector<16xi1>, vector<16xi32>
      %ge3A_2151 = arith.cmpf oge, %min3A_2128, %min3A_2133 : vector<16xf32>
      %max3A_2152 = arith.maximumf %min3A_2128, %min3A_2133 : vector<16xf32>
      %min3A_2153 = arith.minimumf %min3A_2128, %min3A_2133 : vector<16xf32>
      %select_n3A_2154 = arith.select %ge3A_2151, %select_n3A_2130, %select_n3A_2135 : vector<16xi1>, vector<16xi32>
      %select_n3A_2155 = arith.select %ge3A_2151, %select_n3A_2135, %select_n3A_2130 : vector<16xi1>, vector<16xi32>
      %ge3A_2156 = arith.cmpf oge, %max3A_2137, %max3A_2142 : vector<16xf32>
      %max3A_2157 = arith.maximumf %max3A_2137, %max3A_2142 : vector<16xf32>
      %min3A_2158 = arith.minimumf %max3A_2137, %max3A_2142 : vector<16xf32>
      %select_n3A_2159 = arith.select %ge3A_2156, %select_n3A_2139, %select_n3A_2144 : vector<16xi1>, vector<16xi32>
      %select_n3A_2160 = arith.select %ge3A_2156, %select_n3A_2144, %select_n3A_2139 : vector<16xi1>, vector<16xi32>
      %ge3A_2161 = arith.cmpf oge, %min3A_2138, %min3A_2143 : vector<16xf32>
      %max3A_2162 = arith.maximumf %min3A_2138, %min3A_2143 : vector<16xf32>
      %min3A_2163 = arith.minimumf %min3A_2138, %min3A_2143 : vector<16xf32>
      %select_n3A_2164 = arith.select %ge3A_2161, %select_n3A_2140, %select_n3A_2145 : vector<16xi1>, vector<16xi32>
      %select_n3A_2165 = arith.select %ge3A_2161, %select_n3A_2145, %select_n3A_2140 : vector<16xi1>, vector<16xi32>
      %ge3A_2166 = arith.cmpf oge, %max3A_2152, %min3A_2148 : vector<16xf32>
      %max3A_2167 = arith.maximumf %max3A_2152, %min3A_2148 : vector<16xf32>
      %min3A_2168 = arith.minimumf %max3A_2152, %min3A_2148 : vector<16xf32>
      %select_n3A_2169 = arith.select %ge3A_2166, %select_n3A_2154, %select_n3A_2150 : vector<16xi1>, vector<16xi32>
      %select_n3A_2170 = arith.select %ge3A_2166, %select_n3A_2150, %select_n3A_2154 : vector<16xi1>, vector<16xi32>
      %ge3A_2171 = arith.cmpf oge, %max3A_2162, %min3A_2158 : vector<16xf32>
      %max3A_2172 = arith.maximumf %max3A_2162, %min3A_2158 : vector<16xf32>
      %min3A_2173 = arith.minimumf %max3A_2162, %min3A_2158 : vector<16xf32>
      %select_n3A_2174 = arith.select %ge3A_2171, %select_n3A_2164, %select_n3A_2160 : vector<16xi1>, vector<16xi32>
      %select_n3A_2175 = arith.select %ge3A_2171, %select_n3A_2160, %select_n3A_2164 : vector<16xi1>, vector<16xi32>
      %ge3A_2176 = arith.cmpf oge, %max3A_2147, %max3A_2157 : vector<16xf32>
      %max3A_2177 = arith.maximumf %max3A_2147, %max3A_2157 : vector<16xf32>
      %min3A_2178 = arith.minimumf %max3A_2147, %max3A_2157 : vector<16xf32>
      %select_n3A_2179 = arith.select %ge3A_2176, %select_n3A_2149, %select_n3A_2159 : vector<16xi1>, vector<16xi32>
      %select_n3A_2180 = arith.select %ge3A_2176, %select_n3A_2159, %select_n3A_2149 : vector<16xi1>, vector<16xi32>
      %ge3A_2181 = arith.cmpf oge, %max3A_2167, %max3A_2172 : vector<16xf32>
      %max3A_2182 = arith.maximumf %max3A_2167, %max3A_2172 : vector<16xf32>
      %min3A_2183 = arith.minimumf %max3A_2167, %max3A_2172 : vector<16xf32>
      %select_n3A_2184 = arith.select %ge3A_2181, %select_n3A_2169, %select_n3A_2174 : vector<16xi1>, vector<16xi32>
      %select_n3A_2185 = arith.select %ge3A_2181, %select_n3A_2174, %select_n3A_2169 : vector<16xi1>, vector<16xi32>
      %ge3A_2186 = arith.cmpf oge, %min3A_2168, %min3A_2173 : vector<16xf32>
      %max3A_2187 = arith.maximumf %min3A_2168, %min3A_2173 : vector<16xf32>
      %min3A_2188 = arith.minimumf %min3A_2168, %min3A_2173 : vector<16xf32>
      %select_n3A_2189 = arith.select %ge3A_2186, %select_n3A_2170, %select_n3A_2175 : vector<16xi1>, vector<16xi32>
      %select_n3A_2190 = arith.select %ge3A_2186, %select_n3A_2175, %select_n3A_2170 : vector<16xi1>, vector<16xi32>
      %ge3A_2191 = arith.cmpf oge, %min3A_2153, %min3A_2163 : vector<16xf32>
      %max3A_2192 = arith.maximumf %min3A_2153, %min3A_2163 : vector<16xf32>
      %min3A_2193 = arith.minimumf %min3A_2153, %min3A_2163 : vector<16xf32>
      %select_n3A_2194 = arith.select %ge3A_2191, %select_n3A_2155, %select_n3A_2165 : vector<16xi1>, vector<16xi32>
      %select_n3A_2195 = arith.select %ge3A_2191, %select_n3A_2165, %select_n3A_2155 : vector<16xi1>, vector<16xi32>
      %ge3A_2196 = arith.cmpf oge, %max3A_2187, %min3A_2178 : vector<16xf32>
      %max3A_2197 = arith.maximumf %max3A_2187, %min3A_2178 : vector<16xf32>
      %min3A_2198 = arith.minimumf %max3A_2187, %min3A_2178 : vector<16xf32>
      %select_n3A_2199 = arith.select %ge3A_2196, %select_n3A_2189, %select_n3A_2180 : vector<16xi1>, vector<16xi32>
      %select_n3A_2200 = arith.select %ge3A_2196, %select_n3A_2180, %select_n3A_2189 : vector<16xi1>, vector<16xi32>
      %ge3A_2201 = arith.cmpf oge, %max3A_2192, %min3A_2183 : vector<16xf32>
      %max3A_2202 = arith.maximumf %max3A_2192, %min3A_2183 : vector<16xf32>
      %min3A_2203 = arith.minimumf %max3A_2192, %min3A_2183 : vector<16xf32>
      %select_n3A_2204 = arith.select %ge3A_2201, %select_n3A_2194, %select_n3A_2185 : vector<16xi1>, vector<16xi32>
      %select_n3A_2205 = arith.select %ge3A_2201, %select_n3A_2185, %select_n3A_2194 : vector<16xi1>, vector<16xi32>
      %ge3A_2206 = arith.cmpf oge, %max3A_2182, %max3A_2197 : vector<16xf32>
      %max3A_2207 = arith.maximumf %max3A_2182, %max3A_2197 : vector<16xf32>
      %min3A_2208 = arith.minimumf %max3A_2182, %max3A_2197 : vector<16xf32>
      %select_n3A_2209 = arith.select %ge3A_2206, %select_n3A_2184, %select_n3A_2199 : vector<16xi1>, vector<16xi32>
      %select_n3A_2210 = arith.select %ge3A_2206, %select_n3A_2199, %select_n3A_2184 : vector<16xi1>, vector<16xi32>
      %ge3A_2211 = arith.cmpf oge, %max3A_2202, %min3A_2198 : vector<16xf32>
      %max3A_2212 = arith.maximumf %max3A_2202, %min3A_2198 : vector<16xf32>
      %min3A_2213 = arith.minimumf %max3A_2202, %min3A_2198 : vector<16xf32>
      %select_n3A_2214 = arith.select %ge3A_2211, %select_n3A_2204, %select_n3A_2200 : vector<16xi1>, vector<16xi32>
      %select_n3A_2215 = arith.select %ge3A_2211, %select_n3A_2200, %select_n3A_2204 : vector<16xi1>, vector<16xi32>
      %ge3A_2216 = arith.cmpf oge, %min3A_2203, %min3A_2188 : vector<16xf32>
      %max3A_2217 = arith.maximumf %min3A_2203, %min3A_2188 : vector<16xf32>
      %min3A_2218 = arith.minimumf %min3A_2203, %min3A_2188 : vector<16xf32>
      %select_n3A_2219 = arith.select %ge3A_2216, %select_n3A_2205, %select_n3A_2190 : vector<16xi1>, vector<16xi32>
      %select_n3A_2220 = arith.select %ge3A_2216, %select_n3A_2190, %select_n3A_2205 : vector<16xi1>, vector<16xi32>
      %select_n3A_2221 = arith.select %lt3A_692, %max3A_2177, %broadcast_in_dim3A_35 : vector<16xi1>, vector<16xf32>
      %select_n3A_2222 = arith.select %lt3A_692, %max3A_2207, %broadcast_in_dim3A_35 : vector<16xi1>, vector<16xf32>
      %select_n3A_2223 = arith.select %lt3A_692, %min3A_2208, %broadcast_in_dim3A_35 : vector<16xi1>, vector<16xf32>
      %select_n3A_2224 = arith.select %lt3A_692, %max3A_2212, %broadcast_in_dim3A_35 : vector<16xi1>, vector<16xf32>
      %select_n3A_2225 = arith.select %lt3A_692, %min3A_2213, %broadcast_in_dim3A_35 : vector<16xi1>, vector<16xf32>
      %select_n3A_2226 = arith.select %lt3A_692, %max3A_2217, %broadcast_in_dim3A_35 : vector<16xi1>, vector<16xf32>
      %select_n3A_2227 = arith.select %lt3A_692, %min3A_2218, %broadcast_in_dim3A_35 : vector<16xi1>, vector<16xf32>
      %select_n3A_2228 = arith.select %lt3A_692, %min3A_2193, %broadcast_in_dim3A_35 : vector<16xi1>, vector<16xf32>
      %ge3A_2229 = arith.cmpf oge, %max3A_2051, %select_n3A_2228 : vector<16xf32>
      %max3A_2230 = arith.maximumf %max3A_2051, %select_n3A_2228 : vector<16xf32>
      %select_n3A_2231 = arith.select %ge3A_2229, %select_n3A_2053, %select_n3A_2195 : vector<16xi1>, vector<16xi32>
      %ge3A_2232 = arith.cmpf oge, %min3A_2052, %select_n3A_2227 : vector<16xf32>
      %max3A_2233 = arith.maximumf %min3A_2052, %select_n3A_2227 : vector<16xf32>
      %select_n3A_2234 = arith.select %ge3A_2232, %select_n3A_2054, %select_n3A_2220 : vector<16xi1>, vector<16xi32>
      %ge3A_2235 = arith.cmpf oge, %max3A_2056, %select_n3A_2226 : vector<16xf32>
      %max3A_2236 = arith.maximumf %max3A_2056, %select_n3A_2226 : vector<16xf32>
      %select_n3A_2237 = arith.select %ge3A_2235, %select_n3A_2058, %select_n3A_2219 : vector<16xi1>, vector<16xi32>
      %ge3A_2238 = arith.cmpf oge, %min3A_2057, %select_n3A_2225 : vector<16xf32>
      %max3A_2239 = arith.maximumf %min3A_2057, %select_n3A_2225 : vector<16xf32>
      %select_n3A_2240 = arith.select %ge3A_2238, %select_n3A_2059, %select_n3A_2215 : vector<16xi1>, vector<16xi32>
      %ge3A_2241 = arith.cmpf oge, %max3A_2061, %select_n3A_2224 : vector<16xf32>
      %max3A_2242 = arith.maximumf %max3A_2061, %select_n3A_2224 : vector<16xf32>
      %select_n3A_2243 = arith.select %ge3A_2241, %select_n3A_2063, %select_n3A_2214 : vector<16xi1>, vector<16xi32>
      %ge3A_2244 = arith.cmpf oge, %min3A_2062, %select_n3A_2223 : vector<16xf32>
      %max3A_2245 = arith.maximumf %min3A_2062, %select_n3A_2223 : vector<16xf32>
      %select_n3A_2246 = arith.select %ge3A_2244, %select_n3A_2064, %select_n3A_2210 : vector<16xi1>, vector<16xi32>
      %ge3A_2247 = arith.cmpf oge, %max3A_2066, %select_n3A_2222 : vector<16xf32>
      %max3A_2248 = arith.maximumf %max3A_2066, %select_n3A_2222 : vector<16xf32>
      %select_n3A_2249 = arith.select %ge3A_2247, %select_n3A_2068, %select_n3A_2209 : vector<16xi1>, vector<16xi32>
      %ge3A_2250 = arith.cmpf oge, %min3A_2067, %select_n3A_2221 : vector<16xf32>
      %max3A_2251 = arith.maximumf %min3A_2067, %select_n3A_2221 : vector<16xf32>
      %select_n3A_2252 = arith.select %ge3A_2250, %select_n3A_2069, %select_n3A_2179 : vector<16xi1>, vector<16xi32>
      %ge3A_2253 = arith.cmpf oge, %max3A_2230, %max3A_2242 : vector<16xf32>
      %max3A_2254 = arith.maximumf %max3A_2230, %max3A_2242 : vector<16xf32>
      %min3A_2255 = arith.minimumf %max3A_2230, %max3A_2242 : vector<16xf32>
      %select_n3A_2256 = arith.select %ge3A_2253, %select_n3A_2231, %select_n3A_2243 : vector<16xi1>, vector<16xi32>
      %select_n3A_2257 = arith.select %ge3A_2253, %select_n3A_2243, %select_n3A_2231 : vector<16xi1>, vector<16xi32>
      %ge3A_2258 = arith.cmpf oge, %max3A_2233, %max3A_2245 : vector<16xf32>
      %max3A_2259 = arith.maximumf %max3A_2233, %max3A_2245 : vector<16xf32>
      %min3A_2260 = arith.minimumf %max3A_2233, %max3A_2245 : vector<16xf32>
      %select_n3A_2261 = arith.select %ge3A_2258, %select_n3A_2234, %select_n3A_2246 : vector<16xi1>, vector<16xi32>
      %select_n3A_2262 = arith.select %ge3A_2258, %select_n3A_2246, %select_n3A_2234 : vector<16xi1>, vector<16xi32>
      %ge3A_2263 = arith.cmpf oge, %max3A_2236, %max3A_2248 : vector<16xf32>
      %max3A_2264 = arith.maximumf %max3A_2236, %max3A_2248 : vector<16xf32>
      %min3A_2265 = arith.minimumf %max3A_2236, %max3A_2248 : vector<16xf32>
      %select_n3A_2266 = arith.select %ge3A_2263, %select_n3A_2237, %select_n3A_2249 : vector<16xi1>, vector<16xi32>
      %select_n3A_2267 = arith.select %ge3A_2263, %select_n3A_2249, %select_n3A_2237 : vector<16xi1>, vector<16xi32>
      %ge3A_2268 = arith.cmpf oge, %max3A_2239, %max3A_2251 : vector<16xf32>
      %max3A_2269 = arith.maximumf %max3A_2239, %max3A_2251 : vector<16xf32>
      %min3A_2270 = arith.minimumf %max3A_2239, %max3A_2251 : vector<16xf32>
      %select_n3A_2271 = arith.select %ge3A_2268, %select_n3A_2240, %select_n3A_2252 : vector<16xi1>, vector<16xi32>
      %select_n3A_2272 = arith.select %ge3A_2268, %select_n3A_2252, %select_n3A_2240 : vector<16xi1>, vector<16xi32>
      %ge3A_2273 = arith.cmpf oge, %max3A_2254, %max3A_2264 : vector<16xf32>
      %max3A_2274 = arith.maximumf %max3A_2254, %max3A_2264 : vector<16xf32>
      %min3A_2275 = arith.minimumf %max3A_2254, %max3A_2264 : vector<16xf32>
      %select_n3A_2276 = arith.select %ge3A_2273, %select_n3A_2256, %select_n3A_2266 : vector<16xi1>, vector<16xi32>
      %select_n3A_2277 = arith.select %ge3A_2273, %select_n3A_2266, %select_n3A_2256 : vector<16xi1>, vector<16xi32>
      %ge3A_2278 = arith.cmpf oge, %max3A_2259, %max3A_2269 : vector<16xf32>
      %max3A_2279 = arith.maximumf %max3A_2259, %max3A_2269 : vector<16xf32>
      %min3A_2280 = arith.minimumf %max3A_2259, %max3A_2269 : vector<16xf32>
      %select_n3A_2281 = arith.select %ge3A_2278, %select_n3A_2261, %select_n3A_2271 : vector<16xi1>, vector<16xi32>
      %select_n3A_2282 = arith.select %ge3A_2278, %select_n3A_2271, %select_n3A_2261 : vector<16xi1>, vector<16xi32>
      %ge3A_2283 = arith.cmpf oge, %min3A_2255, %min3A_2265 : vector<16xf32>
      %max3A_2284 = arith.maximumf %min3A_2255, %min3A_2265 : vector<16xf32>
      %min3A_2285 = arith.minimumf %min3A_2255, %min3A_2265 : vector<16xf32>
      %select_n3A_2286 = arith.select %ge3A_2283, %select_n3A_2257, %select_n3A_2267 : vector<16xi1>, vector<16xi32>
      %select_n3A_2287 = arith.select %ge3A_2283, %select_n3A_2267, %select_n3A_2257 : vector<16xi1>, vector<16xi32>
      %ge3A_2288 = arith.cmpf oge, %min3A_2260, %min3A_2270 : vector<16xf32>
      %max3A_2289 = arith.maximumf %min3A_2260, %min3A_2270 : vector<16xf32>
      %min3A_2290 = arith.minimumf %min3A_2260, %min3A_2270 : vector<16xf32>
      %select_n3A_2291 = arith.select %ge3A_2288, %select_n3A_2262, %select_n3A_2272 : vector<16xi1>, vector<16xi32>
      %select_n3A_2292 = arith.select %ge3A_2288, %select_n3A_2272, %select_n3A_2262 : vector<16xi1>, vector<16xi32>
      %ge3A_2293 = arith.cmpf oge, %max3A_2274, %max3A_2279 : vector<16xf32>
      %max3A_2294 = arith.maximumf %max3A_2274, %max3A_2279 : vector<16xf32>
      %min3A_2295 = arith.minimumf %max3A_2274, %max3A_2279 : vector<16xf32>
      %select_n3A_2296 = arith.select %ge3A_2293, %select_n3A_2276, %select_n3A_2281 : vector<16xi1>, vector<16xi32>
      %select_n3A_2297 = arith.select %ge3A_2293, %select_n3A_2281, %select_n3A_2276 : vector<16xi1>, vector<16xi32>
      %ge3A_2298 = arith.cmpf oge, %min3A_2275, %min3A_2280 : vector<16xf32>
      %max3A_2299 = arith.maximumf %min3A_2275, %min3A_2280 : vector<16xf32>
      %min3A_2300 = arith.minimumf %min3A_2275, %min3A_2280 : vector<16xf32>
      %select_n3A_2301 = arith.select %ge3A_2298, %select_n3A_2277, %select_n3A_2282 : vector<16xi1>, vector<16xi32>
      %select_n3A_2302 = arith.select %ge3A_2298, %select_n3A_2282, %select_n3A_2277 : vector<16xi1>, vector<16xi32>
      %ge3A_2303 = arith.cmpf oge, %max3A_2284, %max3A_2289 : vector<16xf32>
      %max3A_2304 = arith.maximumf %max3A_2284, %max3A_2289 : vector<16xf32>
      %min3A_2305 = arith.minimumf %max3A_2284, %max3A_2289 : vector<16xf32>
      %select_n3A_2306 = arith.select %ge3A_2303, %select_n3A_2286, %select_n3A_2291 : vector<16xi1>, vector<16xi32>
      %select_n3A_2307 = arith.select %ge3A_2303, %select_n3A_2291, %select_n3A_2286 : vector<16xi1>, vector<16xi32>
      %ge3A_2308 = arith.cmpf oge, %min3A_2285, %min3A_2290 : vector<16xf32>
      %max3A_2309 = arith.maximumf %min3A_2285, %min3A_2290 : vector<16xf32>
      %min3A_2310 = arith.minimumf %min3A_2285, %min3A_2290 : vector<16xf32>
      %select_n3A_2311 = arith.select %ge3A_2308, %select_n3A_2287, %select_n3A_2292 : vector<16xi1>, vector<16xi32>
      %select_n3A_2312 = arith.select %ge3A_2308, %select_n3A_2292, %select_n3A_2287 : vector<16xi1>, vector<16xi32>
      %get3A_2313 = arith.constant 56 : i32
      %get3A_2314 = arith.index_cast %get3A_2313 : i32 to index
      %get3A_2315 = arith.index_cast %mul3A_47 : i32 to index
      %get3A_2316 = tpu.vector_load %arg5[%get3A_2314, %get3A_2315] {strides = array<i32>} : memref<64x1024xf32, #tpu.memory_space<vmem>>, vector<1x16xf32>,
      %get3A_2317 = vector.shape_cast %get3A_2316 : vector<1x16xf32> to vector<16xf32>
      %get3A_2318 = arith.constant 57 : i32
      %get3A_2319 = arith.index_cast %get3A_2318 : i32 to index
      %get3A_2320 = arith.index_cast %mul3A_47 : i32 to index
      %get3A_2321 = tpu.vector_load %arg5[%get3A_2319, %get3A_2320] {strides = array<i32>} : memref<64x1024xf32, #tpu.memory_space<vmem>>, vector<1x16xf32>,
      %get3A_2322 = vector.shape_cast %get3A_2321 : vector<1x16xf32> to vector<16xf32>
      %get3A_2323 = arith.constant 58 : i32
      %get3A_2324 = arith.index_cast %get3A_2323 : i32 to index
      %get3A_2325 = arith.index_cast %mul3A_47 : i32 to index
      %get3A_2326 = tpu.vector_load %arg5[%get3A_2324, %get3A_2325] {strides = array<i32>} : memref<64x1024xf32, #tpu.memory_space<vmem>>, vector<1x16xf32>,
      %get3A_2327 = vector.shape_cast %get3A_2326 : vector<1x16xf32> to vector<16xf32>
      %get3A_2328 = arith.constant 59 : i32
      %get3A_2329 = arith.index_cast %get3A_2328 : i32 to index
      %get3A_2330 = arith.index_cast %mul3A_47 : i32 to index
      %get3A_2331 = tpu.vector_load %arg5[%get3A_2329, %get3A_2330] {strides = array<i32>} : memref<64x1024xf32, #tpu.memory_space<vmem>>, vector<1x16xf32>,
      %get3A_2332 = vector.shape_cast %get3A_2331 : vector<1x16xf32> to vector<16xf32>
      %get3A_2333 = arith.constant 60 : i32
      %get3A_2334 = arith.index_cast %get3A_2333 : i32 to index
      %get3A_2335 = arith.index_cast %mul3A_47 : i32 to index
      %get3A_2336 = tpu.vector_load %arg5[%get3A_2334, %get3A_2335] {strides = array<i32>} : memref<64x1024xf32, #tpu.memory_space<vmem>>, vector<1x16xf32>,
      %get3A_2337 = vector.shape_cast %get3A_2336 : vector<1x16xf32> to vector<16xf32>
      %get3A_2338 = arith.constant 61 : i32
      %get3A_2339 = arith.index_cast %get3A_2338 : i32 to index
      %get3A_2340 = arith.index_cast %mul3A_47 : i32 to index
      %get3A_2341 = tpu.vector_load %arg5[%get3A_2339, %get3A_2340] {strides = array<i32>} : memref<64x1024xf32, #tpu.memory_space<vmem>>, vector<1x16xf32>,
      %get3A_2342 = vector.shape_cast %get3A_2341 : vector<1x16xf32> to vector<16xf32>
      %get3A_2343 = arith.constant 62 : i32
      %get3A_2344 = arith.index_cast %get3A_2343 : i32 to index
      %get3A_2345 = arith.index_cast %mul3A_47 : i32 to index
      %get3A_2346 = tpu.vector_load %arg5[%get3A_2344, %get3A_2345] {strides = array<i32>} : memref<64x1024xf32, #tpu.memory_space<vmem>>, vector<1x16xf32>,
      %get3A_2347 = vector.shape_cast %get3A_2346 : vector<1x16xf32> to vector<16xf32>
      %get3A_2348 = arith.constant 63 : i32
      %get3A_2349 = arith.index_cast %get3A_2348 : i32 to index
      %get3A_2350 = arith.index_cast %mul3A_47 : i32 to index
      %get3A_2351 = tpu.vector_load %arg5[%get3A_2349, %get3A_2350] {strides = array<i32>} : memref<64x1024xf32, #tpu.memory_space<vmem>>, vector<1x16xf32>,
      %get3A_2352 = vector.shape_cast %get3A_2351 : vector<1x16xf32> to vector<16xf32>
      %broadcast_in_dim3A_2353 = arith.constant 56 : i32
      %broadcast_in_dim3A_2354 = vector.broadcast %broadcast_in_dim3A_2353 : i32 to vector<16xi32>
      %broadcast_in_dim3A_2355 = arith.constant 57 : i32
      %broadcast_in_dim3A_2356 = vector.broadcast %broadcast_in_dim3A_2355 : i32 to vector<16xi32>
      %broadcast_in_dim3A_2357 = arith.constant 58 : i32
      %broadcast_in_dim3A_2358 = vector.broadcast %broadcast_in_dim3A_2357 : i32 to vector<16xi32>
      %broadcast_in_dim3A_2359 = arith.constant 59 : i32
      %broadcast_in_dim3A_2360 = vector.broadcast %broadcast_in_dim3A_2359 : i32 to vector<16xi32>
      %broadcast_in_dim3A_2361 = arith.constant 60 : i32
      %broadcast_in_dim3A_2362 = vector.broadcast %broadcast_in_dim3A_2361 : i32 to vector<16xi32>
      %broadcast_in_dim3A_2363 = arith.constant 61 : i32
      %broadcast_in_dim3A_2364 = vector.broadcast %broadcast_in_dim3A_2363 : i32 to vector<16xi32>
      %broadcast_in_dim3A_2365 = arith.constant 62 : i32
      %broadcast_in_dim3A_2366 = vector.broadcast %broadcast_in_dim3A_2365 : i32 to vector<16xi32>
      %broadcast_in_dim3A_2367 = arith.constant 63 : i32
      %broadcast_in_dim3A_2368 = vector.broadcast %broadcast_in_dim3A_2367 : i32 to vector<16xi32>
      %ge3A_2369 = arith.cmpf oge, %get3A_2317, %get3A_2322 : vector<16xf32>
      %max3A_2370 = arith.maximumf %get3A_2317, %get3A_2322 : vector<16xf32>
      %min3A_2371 = arith.minimumf %get3A_2317, %get3A_2322 : vector<16xf32>
      %select_n3A_2372 = arith.select %ge3A_2369, %broadcast_in_dim3A_2354, %broadcast_in_dim3A_2356 : vector<16xi1>, vector<16xi32>
      %select_n3A_2373 = arith.select %ge3A_2369, %broadcast_in_dim3A_2356, %broadcast_in_dim3A_2354 : vector<16xi1>, vector<16xi32>
      %ge3A_2374 = arith.cmpf oge, %get3A_2327, %get3A_2332 : vector<16xf32>
      %max3A_2375 = arith.maximumf %get3A_2327, %get3A_2332 : vector<16xf32>
      %min3A_2376 = arith.minimumf %get3A_2327, %get3A_2332 : vector<16xf32>
      %select_n3A_2377 = arith.select %ge3A_2374, %broadcast_in_dim3A_2358, %broadcast_in_dim3A_2360 : vector<16xi1>, vector<16xi32>
      %select_n3A_2378 = arith.select %ge3A_2374, %broadcast_in_dim3A_2360, %broadcast_in_dim3A_2358 : vector<16xi1>, vector<16xi32>
      %ge3A_2379 = arith.cmpf oge, %get3A_2337, %get3A_2342 : vector<16xf32>
      %max3A_2380 = arith.maximumf %get3A_2337, %get3A_2342 : vector<16xf32>
      %min3A_2381 = arith.minimumf %get3A_2337, %get3A_2342 : vector<16xf32>
      %select_n3A_2382 = arith.select %ge3A_2379, %broadcast_in_dim3A_2362, %broadcast_in_dim3A_2364 : vector<16xi1>, vector<16xi32>
      %select_n3A_2383 = arith.select %ge3A_2379, %broadcast_in_dim3A_2364, %broadcast_in_dim3A_2362 : vector<16xi1>, vector<16xi32>
      %ge3A_2384 = arith.cmpf oge, %get3A_2347, %get3A_2352 : vector<16xf32>
      %max3A_2385 = arith.maximumf %get3A_2347, %get3A_2352 : vector<16xf32>
      %min3A_2386 = arith.minimumf %get3A_2347, %get3A_2352 : vector<16xf32>
      %select_n3A_2387 = arith.select %ge3A_2384, %broadcast_in_dim3A_2366, %broadcast_in_dim3A_2368 : vector<16xi1>, vector<16xi32>
      %select_n3A_2388 = arith.select %ge3A_2384, %broadcast_in_dim3A_2368, %broadcast_in_dim3A_2366 : vector<16xi1>, vector<16xi32>
      %ge3A_2389 = arith.cmpf oge, %max3A_2370, %max3A_2375 : vector<16xf32>
      %max3A_2390 = arith.maximumf %max3A_2370, %max3A_2375 : vector<16xf32>
      %min3A_2391 = arith.minimumf %max3A_2370, %max3A_2375 : vector<16xf32>
      %select_n3A_2392 = arith.select %ge3A_2389, %select_n3A_2372, %select_n3A_2377 : vector<16xi1>, vector<16xi32>
      %select_n3A_2393 = arith.select %ge3A_2389, %select_n3A_2377, %select_n3A_2372 : vector<16xi1>, vector<16xi32>
      %ge3A_2394 = arith.cmpf oge, %min3A_2371, %min3A_2376 : vector<16xf32>
      %max3A_2395 = arith.maximumf %min3A_2371, %min3A_2376 : vector<16xf32>
      %min3A_2396 = arith.minimumf %min3A_2371, %min3A_2376 : vector<16xf32>
      %select_n3A_2397 = arith.select %ge3A_2394, %select_n3A_2373, %select_n3A_2378 : vector<16xi1>, vector<16xi32>
      %select_n3A_2398 = arith.select %ge3A_2394, %select_n3A_2378, %select_n3A_2373 : vector<16xi1>, vector<16xi32>
      %ge3A_2399 = arith.cmpf oge, %max3A_2380, %max3A_2385 : vector<16xf32>
      %max3A_2400 = arith.maximumf %max3A_2380, %max3A_2385 : vector<16xf32>
      %min3A_2401 = arith.minimumf %max3A_2380, %max3A_2385 : vector<16xf32>
      %select_n3A_2402 = arith.select %ge3A_2399, %select_n3A_2382, %select_n3A_2387 : vector<16xi1>, vector<16xi32>
      %select_n3A_2403 = arith.select %ge3A_2399, %select_n3A_2387, %select_n3A_2382 : vector<16xi1>, vector<16xi32>
      %ge3A_2404 = arith.cmpf oge, %min3A_2381, %min3A_2386 : vector<16xf32>
      %max3A_2405 = arith.maximumf %min3A_2381, %min3A_2386 : vector<16xf32>
      %min3A_2406 = arith.minimumf %min3A_2381, %min3A_2386 : vector<16xf32>
      %select_n3A_2407 = arith.select %ge3A_2404, %select_n3A_2383, %select_n3A_2388 : vector<16xi1>, vector<16xi32>
      %select_n3A_2408 = arith.select %ge3A_2404, %select_n3A_2388, %select_n3A_2383 : vector<16xi1>, vector<16xi32>
      %ge3A_2409 = arith.cmpf oge, %max3A_2395, %min3A_2391 : vector<16xf32>
      %max3A_2410 = arith.maximumf %max3A_2395, %min3A_2391 : vector<16xf32>
      %min3A_2411 = arith.minimumf %max3A_2395, %min3A_2391 : vector<16xf32>
      %select_n3A_2412 = arith.select %ge3A_2409, %select_n3A_2397, %select_n3A_2393 : vector<16xi1>, vector<16xi32>
      %select_n3A_2413 = arith.select %ge3A_2409, %select_n3A_2393, %select_n3A_2397 : vector<16xi1>, vector<16xi32>
      %ge3A_2414 = arith.cmpf oge, %max3A_2405, %min3A_2401 : vector<16xf32>
      %max3A_2415 = arith.maximumf %max3A_2405, %min3A_2401 : vector<16xf32>
      %min3A_2416 = arith.minimumf %max3A_2405, %min3A_2401 : vector<16xf32>
      %select_n3A_2417 = arith.select %ge3A_2414, %select_n3A_2407, %select_n3A_2403 : vector<16xi1>, vector<16xi32>
      %select_n3A_2418 = arith.select %ge3A_2414, %select_n3A_2403, %select_n3A_2407 : vector<16xi1>, vector<16xi32>
      %ge3A_2419 = arith.cmpf oge, %max3A_2390, %max3A_2400 : vector<16xf32>
      %max3A_2420 = arith.maximumf %max3A_2390, %max3A_2400 : vector<16xf32>
      %min3A_2421 = arith.minimumf %max3A_2390, %max3A_2400 : vector<16xf32>
      %select_n3A_2422 = arith.select %ge3A_2419, %select_n3A_2392, %select_n3A_2402 : vector<16xi1>, vector<16xi32>
      %select_n3A_2423 = arith.select %ge3A_2419, %select_n3A_2402, %select_n3A_2392 : vector<16xi1>, vector<16xi32>
      %ge3A_2424 = arith.cmpf oge, %max3A_2410, %max3A_2415 : vector<16xf32>
      %max3A_2425 = arith.maximumf %max3A_2410, %max3A_2415 : vector<16xf32>
      %min3A_2426 = arith.minimumf %max3A_2410, %max3A_2415 : vector<16xf32>
      %select_n3A_2427 = arith.select %ge3A_2424, %select_n3A_2412, %select_n3A_2417 : vector<16xi1>, vector<16xi32>
      %select_n3A_2428 = arith.select %ge3A_2424, %select_n3A_2417, %select_n3A_2412 : vector<16xi1>, vector<16xi32>
      %ge3A_2429 = arith.cmpf oge, %min3A_2411, %min3A_2416 : vector<16xf32>
      %max3A_2430 = arith.maximumf %min3A_2411, %min3A_2416 : vector<16xf32>
      %min3A_2431 = arith.minimumf %min3A_2411, %min3A_2416 : vector<16xf32>
      %select_n3A_2432 = arith.select %ge3A_2429, %select_n3A_2413, %select_n3A_2418 : vector<16xi1>, vector<16xi32>
      %select_n3A_2433 = arith.select %ge3A_2429, %select_n3A_2418, %select_n3A_2413 : vector<16xi1>, vector<16xi32>
      %ge3A_2434 = arith.cmpf oge, %min3A_2396, %min3A_2406 : vector<16xf32>
      %max3A_2435 = arith.maximumf %min3A_2396, %min3A_2406 : vector<16xf32>
      %min3A_2436 = arith.minimumf %min3A_2396, %min3A_2406 : vector<16xf32>
      %select_n3A_2437 = arith.select %ge3A_2434, %select_n3A_2398, %select_n3A_2408 : vector<16xi1>, vector<16xi32>
      %select_n3A_2438 = arith.select %ge3A_2434, %select_n3A_2408, %select_n3A_2398 : vector<16xi1>, vector<16xi32>
      %ge3A_2439 = arith.cmpf oge, %max3A_2430, %min3A_2421 : vector<16xf32>
      %max3A_2440 = arith.maximumf %max3A_2430, %min3A_2421 : vector<16xf32>
      %min3A_2441 = arith.minimumf %max3A_2430, %min3A_2421 : vector<16xf32>
      %select_n3A_2442 = arith.select %ge3A_2439, %select_n3A_2432, %select_n3A_2423 : vector<16xi1>, vector<16xi32>
      %select_n3A_2443 = arith.select %ge3A_2439, %select_n3A_2423, %select_n3A_2432 : vector<16xi1>, vector<16xi32>
      %ge3A_2444 = arith.cmpf oge, %max3A_2435, %min3A_2426 : vector<16xf32>
      %max3A_2445 = arith.maximumf %max3A_2435, %min3A_2426 : vector<16xf32>
      %min3A_2446 = arith.minimumf %max3A_2435, %min3A_2426 : vector<16xf32>
      %select_n3A_2447 = arith.select %ge3A_2444, %select_n3A_2437, %select_n3A_2428 : vector<16xi1>, vector<16xi32>
      %select_n3A_2448 = arith.select %ge3A_2444, %select_n3A_2428, %select_n3A_2437 : vector<16xi1>, vector<16xi32>
      %ge3A_2449 = arith.cmpf oge, %max3A_2425, %max3A_2440 : vector<16xf32>
      %max3A_2450 = arith.maximumf %max3A_2425, %max3A_2440 : vector<16xf32>
      %min3A_2451 = arith.minimumf %max3A_2425, %max3A_2440 : vector<16xf32>
      %select_n3A_2452 = arith.select %ge3A_2449, %select_n3A_2427, %select_n3A_2442 : vector<16xi1>, vector<16xi32>
      %select_n3A_2453 = arith.select %ge3A_2449, %select_n3A_2442, %select_n3A_2427 : vector<16xi1>, vector<16xi32>
      %ge3A_2454 = arith.cmpf oge, %max3A_2445, %min3A_2441 : vector<16xf32>
      %max3A_2455 = arith.maximumf %max3A_2445, %min3A_2441 : vector<16xf32>
      %min3A_2456 = arith.minimumf %max3A_2445, %min3A_2441 : vector<16xf32>
      %select_n3A_2457 = arith.select %ge3A_2454, %select_n3A_2447, %select_n3A_2443 : vector<16xi1>, vector<16xi32>
      %select_n3A_2458 = arith.select %ge3A_2454, %select_n3A_2443, %select_n3A_2447 : vector<16xi1>, vector<16xi32>
      %ge3A_2459 = arith.cmpf oge, %min3A_2446, %min3A_2431 : vector<16xf32>
      %max3A_2460 = arith.maximumf %min3A_2446, %min3A_2431 : vector<16xf32>
      %min3A_2461 = arith.minimumf %min3A_2446, %min3A_2431 : vector<16xf32>
      %select_n3A_2462 = arith.select %ge3A_2459, %select_n3A_2448, %select_n3A_2433 : vector<16xi1>, vector<16xi32>
      %select_n3A_2463 = arith.select %ge3A_2459, %select_n3A_2433, %select_n3A_2448 : vector<16xi1>, vector<16xi32>
      %select_n3A_2464 = arith.select %lt3A_695, %max3A_2420, %broadcast_in_dim3A_35 : vector<16xi1>, vector<16xf32>
      %select_n3A_2465 = arith.select %lt3A_695, %max3A_2450, %broadcast_in_dim3A_35 : vector<16xi1>, vector<16xf32>
      %select_n3A_2466 = arith.select %lt3A_695, %min3A_2451, %broadcast_in_dim3A_35 : vector<16xi1>, vector<16xf32>
      %select_n3A_2467 = arith.select %lt3A_695, %max3A_2455, %broadcast_in_dim3A_35 : vector<16xi1>, vector<16xf32>
      %select_n3A_2468 = arith.select %lt3A_695, %min3A_2456, %broadcast_in_dim3A_35 : vector<16xi1>, vector<16xf32>
      %select_n3A_2469 = arith.select %lt3A_695, %max3A_2460, %broadcast_in_dim3A_35 : vector<16xi1>, vector<16xf32>
      %select_n3A_2470 = arith.select %lt3A_695, %min3A_2461, %broadcast_in_dim3A_35 : vector<16xi1>, vector<16xf32>
      %select_n3A_2471 = arith.select %lt3A_695, %min3A_2436, %broadcast_in_dim3A_35 : vector<16xi1>, vector<16xf32>
      %ge3A_2472 = arith.cmpf oge, %max3A_2294, %select_n3A_2471 : vector<16xf32>
      %max3A_2473 = arith.maximumf %max3A_2294, %select_n3A_2471 : vector<16xf32>
      %select_n3A_2474 = arith.select %ge3A_2472, %select_n3A_2296, %select_n3A_2438 : vector<16xi1>, vector<16xi32>
      %ge3A_2475 = arith.cmpf oge, %min3A_2295, %select_n3A_2470 : vector<16xf32>
      %max3A_2476 = arith.maximumf %min3A_2295, %select_n3A_2470 : vector<16xf32>
      %select_n3A_2477 = arith.select %ge3A_2475, %select_n3A_2297, %select_n3A_2463 : vector<16xi1>, vector<16xi32>
      %ge3A_2478 = arith.cmpf oge, %max3A_2299, %select_n3A_2469 : vector<16xf32>
      %max3A_2479 = arith.maximumf %max3A_2299, %select_n3A_2469 : vector<16xf32>
      %select_n3A_2480 = arith.select %ge3A_2478, %select_n3A_2301, %select_n3A_2462 : vector<16xi1>, vector<16xi32>
      %ge3A_2481 = arith.cmpf oge, %min3A_2300, %select_n3A_2468 : vector<16xf32>
      %max3A_2482 = arith.maximumf %min3A_2300, %select_n3A_2468 : vector<16xf32>
      %select_n3A_2483 = arith.select %ge3A_2481, %select_n3A_2302, %select_n3A_2458 : vector<16xi1>, vector<16xi32>
      %ge3A_2484 = arith.cmpf oge, %max3A_2304, %select_n3A_2467 : vector<16xf32>
      %max3A_2485 = arith.maximumf %max3A_2304, %select_n3A_2467 : vector<16xf32>
      %select_n3A_2486 = arith.select %ge3A_2484, %select_n3A_2306, %select_n3A_2457 : vector<16xi1>, vector<16xi32>
      %ge3A_2487 = arith.cmpf oge, %min3A_2305, %select_n3A_2466 : vector<16xf32>
      %max3A_2488 = arith.maximumf %min3A_2305, %select_n3A_2466 : vector<16xf32>
      %select_n3A_2489 = arith.select %ge3A_2487, %select_n3A_2307, %select_n3A_2453 : vector<16xi1>, vector<16xi32>
      %ge3A_2490 = arith.cmpf oge, %max3A_2309, %select_n3A_2465 : vector<16xf32>
      %max3A_2491 = arith.maximumf %max3A_2309, %select_n3A_2465 : vector<16xf32>
      %select_n3A_2492 = arith.select %ge3A_2490, %select_n3A_2311, %select_n3A_2452 : vector<16xi1>, vector<16xi32>
      %ge3A_2493 = arith.cmpf oge, %min3A_2310, %select_n3A_2464 : vector<16xf32>
      %max3A_2494 = arith.maximumf %min3A_2310, %select_n3A_2464 : vector<16xf32>
      %select_n3A_2495 = arith.select %ge3A_2493, %select_n3A_2312, %select_n3A_2422 : vector<16xi1>, vector<16xi32>
      %ge3A_2496 = arith.cmpf oge, %max3A_2473, %max3A_2485 : vector<16xf32>
      %max3A_2497 = arith.maximumf %max3A_2473, %max3A_2485 : vector<16xf32>
      %min3A_2498 = arith.minimumf %max3A_2473, %max3A_2485 : vector<16xf32>
      %select_n3A_2499 = arith.select %ge3A_2496, %select_n3A_2474, %select_n3A_2486 : vector<16xi1>, vector<16xi32>
      %select_n3A_2500 = arith.select %ge3A_2496, %select_n3A_2486, %select_n3A_2474 : vector<16xi1>, vector<16xi32>
      %ge3A_2501 = arith.cmpf oge, %max3A_2476, %max3A_2488 : vector<16xf32>
      %max3A_2502 = arith.maximumf %max3A_2476, %max3A_2488 : vector<16xf32>
      %min3A_2503 = arith.minimumf %max3A_2476, %max3A_2488 : vector<16xf32>
      %select_n3A_2504 = arith.select %ge3A_2501, %select_n3A_2477, %select_n3A_2489 : vector<16xi1>, vector<16xi32>
      %select_n3A_2505 = arith.select %ge3A_2501, %select_n3A_2489, %select_n3A_2477 : vector<16xi1>, vector<16xi32>
      %ge3A_2506 = arith.cmpf oge, %max3A_2479, %max3A_2491 : vector<16xf32>
      %max3A_2507 = arith.maximumf %max3A_2479, %max3A_2491 : vector<16xf32>
      %min3A_2508 = arith.minimumf %max3A_2479, %max3A_2491 : vector<16xf32>
      %select_n3A_2509 = arith.select %ge3A_2506, %select_n3A_2480, %select_n3A_2492 : vector<16xi1>, vector<16xi32>
      %select_n3A_2510 = arith.select %ge3A_2506, %select_n3A_2492, %select_n3A_2480 : vector<16xi1>, vector<16xi32>
      %ge3A_2511 = arith.cmpf oge, %max3A_2482, %max3A_2494 : vector<16xf32>
      %max3A_2512 = arith.maximumf %max3A_2482, %max3A_2494 : vector<16xf32>
      %min3A_2513 = arith.minimumf %max3A_2482, %max3A_2494 : vector<16xf32>
      %select_n3A_2514 = arith.select %ge3A_2511, %select_n3A_2483, %select_n3A_2495 : vector<16xi1>, vector<16xi32>
      %select_n3A_2515 = arith.select %ge3A_2511, %select_n3A_2495, %select_n3A_2483 : vector<16xi1>, vector<16xi32>
      %ge3A_2516 = arith.cmpf oge, %max3A_2497, %max3A_2507 : vector<16xf32>
      %max3A_2517 = arith.maximumf %max3A_2497, %max3A_2507 : vector<16xf32>
      %min3A_2518 = arith.minimumf %max3A_2497, %max3A_2507 : vector<16xf32>
      %select_n3A_2519 = arith.select %ge3A_2516, %select_n3A_2499, %select_n3A_2509 : vector<16xi1>, vector<16xi32>
      %select_n3A_2520 = arith.select %ge3A_2516, %select_n3A_2509, %select_n3A_2499 : vector<16xi1>, vector<16xi32>
      %ge3A_2521 = arith.cmpf oge, %max3A_2502, %max3A_2512 : vector<16xf32>
      %max3A_2522 = arith.maximumf %max3A_2502, %max3A_2512 : vector<16xf32>
      %min3A_2523 = arith.minimumf %max3A_2502, %max3A_2512 : vector<16xf32>
      %select_n3A_2524 = arith.select %ge3A_2521, %select_n3A_2504, %select_n3A_2514 : vector<16xi1>, vector<16xi32>
      %select_n3A_2525 = arith.select %ge3A_2521, %select_n3A_2514, %select_n3A_2504 : vector<16xi1>, vector<16xi32>
      %ge3A_2526 = arith.cmpf oge, %min3A_2498, %min3A_2508 : vector<16xf32>
      %max3A_2527 = arith.maximumf %min3A_2498, %min3A_2508 : vector<16xf32>
      %min3A_2528 = arith.minimumf %min3A_2498, %min3A_2508 : vector<16xf32>
      %select_n3A_2529 = arith.select %ge3A_2526, %select_n3A_2500, %select_n3A_2510 : vector<16xi1>, vector<16xi32>
      %select_n3A_2530 = arith.select %ge3A_2526, %select_n3A_2510, %select_n3A_2500 : vector<16xi1>, vector<16xi32>
      %ge3A_2531 = arith.cmpf oge, %min3A_2503, %min3A_2513 : vector<16xf32>
      %max3A_2532 = arith.maximumf %min3A_2503, %min3A_2513 : vector<16xf32>
      %min3A_2533 = arith.minimumf %min3A_2503, %min3A_2513 : vector<16xf32>
      %select_n3A_2534 = arith.select %ge3A_2531, %select_n3A_2505, %select_n3A_2515 : vector<16xi1>, vector<16xi32>
      %select_n3A_2535 = arith.select %ge3A_2531, %select_n3A_2515, %select_n3A_2505 : vector<16xi1>, vector<16xi32>
      %ge3A_2536 = arith.cmpf oge, %max3A_2517, %max3A_2522 : vector<16xf32>
      %max3A_2537 = arith.maximumf %max3A_2517, %max3A_2522 : vector<16xf32>
      %min3A_2538 = arith.minimumf %max3A_2517, %max3A_2522 : vector<16xf32>
      %select_n3A_2539 = arith.select %ge3A_2536, %select_n3A_2519, %select_n3A_2524 : vector<16xi1>, vector<16xi32>
      %select_n3A_2540 = arith.select %ge3A_2536, %select_n3A_2524, %select_n3A_2519 : vector<16xi1>, vector<16xi32>
      %ge3A_2541 = arith.cmpf oge, %min3A_2518, %min3A_2523 : vector<16xf32>
      %max3A_2542 = arith.maximumf %min3A_2518, %min3A_2523 : vector<16xf32>
      %min3A_2543 = arith.minimumf %min3A_2518, %min3A_2523 : vector<16xf32>
      %select_n3A_2544 = arith.select %ge3A_2541, %select_n3A_2520, %select_n3A_2525 : vector<16xi1>, vector<16xi32>
      %select_n3A_2545 = arith.select %ge3A_2541, %select_n3A_2525, %select_n3A_2520 : vector<16xi1>, vector<16xi32>
      %ge3A_2546 = arith.cmpf oge, %max3A_2527, %max3A_2532 : vector<16xf32>
      %max3A_2547 = arith.maximumf %max3A_2527, %max3A_2532 : vector<16xf32>
      %min3A_2548 = arith.minimumf %max3A_2527, %max3A_2532 : vector<16xf32>
      %select_n3A_2549 = arith.select %ge3A_2546, %select_n3A_2529, %select_n3A_2534 : vector<16xi1>, vector<16xi32>
      %select_n3A_2550 = arith.select %ge3A_2546, %select_n3A_2534, %select_n3A_2529 : vector<16xi1>, vector<16xi32>
      %ge3A_2551 = arith.cmpf oge, %min3A_2528, %min3A_2533 : vector<16xf32>
      %max3A_2552 = arith.maximumf %min3A_2528, %min3A_2533 : vector<16xf32>
      %min3A_2553 = arith.minimumf %min3A_2528, %min3A_2533 : vector<16xf32>
      %select_n3A_2554 = arith.select %ge3A_2551, %select_n3A_2530, %select_n3A_2535 : vector<16xi1>, vector<16xi32>
      %select_n3A_2555 = arith.select %ge3A_2551, %select_n3A_2535, %select_n3A_2530 : vector<16xi1>, vector<16xi32>
      %add3A_2556 = arith.addf %max3A_2537, %min3A_2538 : vector<16xf32>
      %add3A_2557 = arith.addf %add3A_2556, %max3A_2542 : vector<16xf32>
      %add3A_2558 = arith.addf %add3A_2557, %min3A_2543 : vector<16xf32>
      %add3A_2559 = arith.addf %add3A_2558, %max3A_2547 : vector<16xf32>
      %add3A_2560 = arith.addf %add3A_2559, %min3A_2548 : vector<16xf32>
      %add3A_2561 = arith.addf %add3A_2560, %max3A_2552 : vector<16xf32>
      %add3A_2562 = arith.addf %add3A_2561, %min3A_2553 : vector<16xf32>
      %div3A_2563 = arith.constant 2.500000e+00 : f32
      %div3A_2564 = vector.broadcast %div3A_2563 : f32 to vector<16xf32>
      %div3A_2565 = arith.divf %div3A_2564, %add3A_2562 : vector<16xf32>
      %mul3A_2566 = arith.mulf %max3A_2537, %div3A_2565 : vector<16xf32>
      %swap3A = arith.constant 0 : i32
      %swap3A_2567 = arith.constant 0 : i32
      %swap3A_2568 = arith.index_cast %swap3A : i32 to index
      %swap3A_2569 = arith.index_cast %swap3A_2567 : i32 to index
      %swap3A_2570 = arith.index_cast %mul3A_47 : i32 to index
      %swap3A_2571 = tpu.vector_load %arg6[%swap3A_2568, %swap3A_2569, %swap3A_2570] {strides = array<i32>} : memref<1x8x1024xf32, #tpu.memory_space<vmem>>, vector<1x1x16xf32>,
      %swap3A_2572 = vector.shape_cast %swap3A_2571 : vector<1x1x16xf32> to vector<16xf32>
      %swap3A_2573 = vector.shape_cast %mul3A_2566 : vector<16xf32> to vector<1x1x16xf32>
      tpu.vector_store %arg6[%swap3A_2568, %swap3A_2569, %swap3A_2570], %swap3A_2573 {strides = array<i32>} : memref<1x8x1024xf32, #tpu.memory_space<vmem>>, vector<1x1x16xf32>,
      %swap3A_2574 = arith.constant 0 : i32
      %swap3A_2575 = arith.constant 0 : i32
      %swap3A_2576 = arith.index_cast %swap3A_2574 : i32 to index
      %swap3A_2577 = arith.index_cast %swap3A_2575 : i32 to index
      %swap3A_2578 = arith.index_cast %mul3A_47 : i32 to index
      %swap3A_2579 = tpu.vector_load %arg7[%swap3A_2576, %swap3A_2577, %swap3A_2578] {strides = array<i32>} : memref<1x8x1024xi32, #tpu.memory_space<vmem>>, vector<1x1x16xi32>,
      %swap3A_2580 = vector.shape_cast %swap3A_2579 : vector<1x1x16xi32> to vector<16xi32>
      %swap3A_2581 = vector.shape_cast %select_n3A_2539 : vector<16xi32> to vector<1x1x16xi32>
      tpu.vector_store %arg7[%swap3A_2576, %swap3A_2577, %swap3A_2578], %swap3A_2581 {strides = array<i32>} : memref<1x8x1024xi32, #tpu.memory_space<vmem>>, vector<1x1x16xi32>,
      %mul3A_2582 = arith.mulf %min3A_2538, %div3A_2565 : vector<16xf32>
      %swap3A_2583 = arith.constant 0 : i32
      %swap3A_2584 = arith.constant 1 : i32
      %swap3A_2585 = arith.index_cast %swap3A_2583 : i32 to index
      %swap3A_2586 = arith.index_cast %swap3A_2584 : i32 to index
      %swap3A_2587 = arith.index_cast %mul3A_47 : i32 to index
      %swap3A_2588 = tpu.vector_load %arg6[%swap3A_2585, %swap3A_2586, %swap3A_2587] {strides = array<i32>} : memref<1x8x1024xf32, #tpu.memory_space<vmem>>, vector<1x1x16xf32>,
      %swap3A_2589 = vector.shape_cast %swap3A_2588 : vector<1x1x16xf32> to vector<16xf32>
      %swap3A_2590 = vector.shape_cast %mul3A_2582 : vector<16xf32> to vector<1x1x16xf32>
      tpu.vector_store %arg6[%swap3A_2585, %swap3A_2586, %swap3A_2587], %swap3A_2590 {strides = array<i32>} : memref<1x8x1024xf32, #tpu.memory_space<vmem>>, vector<1x1x16xf32>,
      %swap3A_2591 = arith.constant 0 : i32
      %swap3A_2592 = arith.constant 1 : i32
      %swap3A_2593 = arith.index_cast %swap3A_2591 : i32 to index
      %swap3A_2594 = arith.index_cast %swap3A_2592 : i32 to index
      %swap3A_2595 = arith.index_cast %mul3A_47 : i32 to index
      %swap3A_2596 = tpu.vector_load %arg7[%swap3A_2593, %swap3A_2594, %swap3A_2595] {strides = array<i32>} : memref<1x8x1024xi32, #tpu.memory_space<vmem>>, vector<1x1x16xi32>,
      %swap3A_2597 = vector.shape_cast %swap3A_2596 : vector<1x1x16xi32> to vector<16xi32>
      %swap3A_2598 = vector.shape_cast %select_n3A_2540 : vector<16xi32> to vector<1x1x16xi32>
      tpu.vector_store %arg7[%swap3A_2593, %swap3A_2594, %swap3A_2595], %swap3A_2598 {strides = array<i32>} : memref<1x8x1024xi32, #tpu.memory_space<vmem>>, vector<1x1x16xi32>,
      %mul3A_2599 = arith.mulf %max3A_2542, %div3A_2565 : vector<16xf32>
      %swap3A_2600 = arith.constant 0 : i32
      %swap3A_2601 = arith.constant 2 : i32
      %swap3A_2602 = arith.index_cast %swap3A_2600 : i32 to index
      %swap3A_2603 = arith.index_cast %swap3A_2601 : i32 to index
      %swap3A_2604 = arith.index_cast %mul3A_47 : i32 to index
      %swap3A_2605 = tpu.vector_load %arg6[%swap3A_2602, %swap3A_2603, %swap3A_2604] {strides = array<i32>} : memref<1x8x1024xf32, #tpu.memory_space<vmem>>, vector<1x1x16xf32>,
      %swap3A_2606 = vector.shape_cast %swap3A_2605 : vector<1x1x16xf32> to vector<16xf32>
      %swap3A_2607 = vector.shape_cast %mul3A_2599 : vector<16xf32> to vector<1x1x16xf32>
      tpu.vector_store %arg6[%swap3A_2602, %swap3A_2603, %swap3A_2604], %swap3A_2607 {strides = array<i32>} : memref<1x8x1024xf32, #tpu.memory_space<vmem>>, vector<1x1x16xf32>,
      %swap3A_2608 = arith.constant 0 : i32
      %swap3A_2609 = arith.constant 2 : i32
      %swap3A_2610 = arith.index_cast %swap3A_2608 : i32 to index
      %swap3A_2611 = arith.index_cast %swap3A_2609 : i32 to index
      %swap3A_2612 = arith.index_cast %mul3A_47 : i32 to index
      %swap3A_2613 = tpu.vector_load %arg7[%swap3A_2610, %swap3A_2611, %swap3A_2612] {strides = array<i32>} : memref<1x8x1024xi32, #tpu.memory_space<vmem>>, vector<1x1x16xi32>,
      %swap3A_2614 = vector.shape_cast %swap3A_2613 : vector<1x1x16xi32> to vector<16xi32>
      %swap3A_2615 = vector.shape_cast %select_n3A_2544 : vector<16xi32> to vector<1x1x16xi32>
      tpu.vector_store %arg7[%swap3A_2610, %swap3A_2611, %swap3A_2612], %swap3A_2615 {strides = array<i32>} : memref<1x8x1024xi32, #tpu.memory_space<vmem>>, vector<1x1x16xi32>,
      %mul3A_2616 = arith.mulf %min3A_2543, %div3A_2565 : vector<16xf32>
      %swap3A_2617 = arith.constant 0 : i32
      %swap3A_2618 = arith.constant 3 : i32
      %swap3A_2619 = arith.index_cast %swap3A_2617 : i32 to index
      %swap3A_2620 = arith.index_cast %swap3A_2618 : i32 to index
      %swap3A_2621 = arith.index_cast %mul3A_47 : i32 to index
      %swap3A_2622 = tpu.vector_load %arg6[%swap3A_2619, %swap3A_2620, %swap3A_2621] {strides = array<i32>} : memref<1x8x1024xf32, #tpu.memory_space<vmem>>, vector<1x1x16xf32>,
      %swap3A_2623 = vector.shape_cast %swap3A_2622 : vector<1x1x16xf32> to vector<16xf32>
      %swap3A_2624 = vector.shape_cast %mul3A_2616 : vector<16xf32> to vector<1x1x16xf32>
      tpu.vector_store %arg6[%swap3A_2619, %swap3A_2620, %swap3A_2621], %swap3A_2624 {strides = array<i32>} : memref<1x8x1024xf32, #tpu.memory_space<vmem>>, vector<1x1x16xf32>,
      %swap3A_2625 = arith.constant 0 : i32
      %swap3A_2626 = arith.constant 3 : i32
      %swap3A_2627 = arith.index_cast %swap3A_2625 : i32 to index
      %swap3A_2628 = arith.index_cast %swap3A_2626 : i32 to index
      %swap3A_2629 = arith.index_cast %mul3A_47 : i32 to index
      %swap3A_2630 = tpu.vector_load %arg7[%swap3A_2627, %swap3A_2628, %swap3A_2629] {strides = array<i32>} : memref<1x8x1024xi32, #tpu.memory_space<vmem>>, vector<1x1x16xi32>,
      %swap3A_2631 = vector.shape_cast %swap3A_2630 : vector<1x1x16xi32> to vector<16xi32>
      %swap3A_2632 = vector.shape_cast %select_n3A_2545 : vector<16xi32> to vector<1x1x16xi32>
      tpu.vector_store %arg7[%swap3A_2627, %swap3A_2628, %swap3A_2629], %swap3A_2632 {strides = array<i32>} : memref<1x8x1024xi32, #tpu.memory_space<vmem>>, vector<1x1x16xi32>,
      %mul3A_2633 = arith.mulf %max3A_2547, %div3A_2565 : vector<16xf32>
      %swap3A_2634 = arith.constant 0 : i32
      %swap3A_2635 = arith.constant 4 : i32
      %swap3A_2636 = arith.index_cast %swap3A_2634 : i32 to index
      %swap3A_2637 = arith.index_cast %swap3A_2635 : i32 to index
      %swap3A_2638 = arith.index_cast %mul3A_47 : i32 to index
      %swap3A_2639 = tpu.vector_load %arg6[%swap3A_2636, %swap3A_2637, %swap3A_2638] {strides = array<i32>} : memref<1x8x1024xf32, #tpu.memory_space<vmem>>, vector<1x1x16xf32>,
      %swap3A_2640 = vector.shape_cast %swap3A_2639 : vector<1x1x16xf32> to vector<16xf32>
      %swap3A_2641 = vector.shape_cast %mul3A_2633 : vector<16xf32> to vector<1x1x16xf32>
      tpu.vector_store %arg6[%swap3A_2636, %swap3A_2637, %swap3A_2638], %swap3A_2641 {strides = array<i32>} : memref<1x8x1024xf32, #tpu.memory_space<vmem>>, vector<1x1x16xf32>,
      %swap3A_2642 = arith.constant 0 : i32
      %swap3A_2643 = arith.constant 4 : i32
      %swap3A_2644 = arith.index_cast %swap3A_2642 : i32 to index
      %swap3A_2645 = arith.index_cast %swap3A_2643 : i32 to index
      %swap3A_2646 = arith.index_cast %mul3A_47 : i32 to index
      %swap3A_2647 = tpu.vector_load %arg7[%swap3A_2644, %swap3A_2645, %swap3A_2646] {strides = array<i32>} : memref<1x8x1024xi32, #tpu.memory_space<vmem>>, vector<1x1x16xi32>,
      %swap3A_2648 = vector.shape_cast %swap3A_2647 : vector<1x1x16xi32> to vector<16xi32>
      %swap3A_2649 = vector.shape_cast %select_n3A_2549 : vector<16xi32> to vector<1x1x16xi32>
      tpu.vector_store %arg7[%swap3A_2644, %swap3A_2645, %swap3A_2646], %swap3A_2649 {strides = array<i32>} : memref<1x8x1024xi32, #tpu.memory_space<vmem>>, vector<1x1x16xi32>,
      %mul3A_2650 = arith.mulf %min3A_2548, %div3A_2565 : vector<16xf32>
      %swap3A_2651 = arith.constant 0 : i32
      %swap3A_2652 = arith.constant 5 : i32
      %swap3A_2653 = arith.index_cast %swap3A_2651 : i32 to index
      %swap3A_2654 = arith.index_cast %swap3A_2652 : i32 to index
      %swap3A_2655 = arith.index_cast %mul3A_47 : i32 to index
      %swap3A_2656 = tpu.vector_load %arg6[%swap3A_2653, %swap3A_2654, %swap3A_2655] {strides = array<i32>} : memref<1x8x1024xf32, #tpu.memory_space<vmem>>, vector<1x1x16xf32>,
      %swap3A_2657 = vector.shape_cast %swap3A_2656 : vector<1x1x16xf32> to vector<16xf32>
      %swap3A_2658 = vector.shape_cast %mul3A_2650 : vector<16xf32> to vector<1x1x16xf32>
      tpu.vector_store %arg6[%swap3A_2653, %swap3A_2654, %swap3A_2655], %swap3A_2658 {strides = array<i32>} : memref<1x8x1024xf32, #tpu.memory_space<vmem>>, vector<1x1x16xf32>,
      %swap3A_2659 = arith.constant 0 : i32
      %swap3A_2660 = arith.constant 5 : i32
      %swap3A_2661 = arith.index_cast %swap3A_2659 : i32 to index
      %swap3A_2662 = arith.index_cast %swap3A_2660 : i32 to index
      %swap3A_2663 = arith.index_cast %mul3A_47 : i32 to index
      %swap3A_2664 = tpu.vector_load %arg7[%swap3A_2661, %swap3A_2662, %swap3A_2663] {strides = array<i32>} : memref<1x8x1024xi32, #tpu.memory_space<vmem>>, vector<1x1x16xi32>,
      %swap3A_2665 = vector.shape_cast %swap3A_2664 : vector<1x1x16xi32> to vector<16xi32>
      %swap3A_2666 = vector.shape_cast %select_n3A_2550 : vector<16xi32> to vector<1x1x16xi32>
      tpu.vector_store %arg7[%swap3A_2661, %swap3A_2662, %swap3A_2663], %swap3A_2666 {strides = array<i32>} : memref<1x8x1024xi32, #tpu.memory_space<vmem>>, vector<1x1x16xi32>,
      %mul3A_2667 = arith.mulf %max3A_2552, %div3A_2565 : vector<16xf32>
      %swap3A_2668 = arith.constant 0 : i32
      %swap3A_2669 = arith.constant 6 : i32
      %swap3A_2670 = arith.index_cast %swap3A_2668 : i32 to index
      %swap3A_2671 = arith.index_cast %swap3A_2669 : i32 to index
      %swap3A_2672 = arith.index_cast %mul3A_47 : i32 to index
      %swap3A_2673 = tpu.vector_load %arg6[%swap3A_2670, %swap3A_2671, %swap3A_2672] {strides = array<i32>} : memref<1x8x1024xf32, #tpu.memory_space<vmem>>, vector<1x1x16xf32>,
      %swap3A_2674 = vector.shape_cast %swap3A_2673 : vector<1x1x16xf32> to vector<16xf32>
      %swap3A_2675 = vector.shape_cast %mul3A_2667 : vector<16xf32> to vector<1x1x16xf32>
      tpu.vector_store %arg6[%swap3A_2670, %swap3A_2671, %swap3A_2672], %swap3A_2675 {strides = array<i32>} : memref<1x8x1024xf32, #tpu.memory_space<vmem>>, vector<1x1x16xf32>,
      %swap3A_2676 = arith.constant 0 : i32
      %swap3A_2677 = arith.constant 6 : i32
      %swap3A_2678 = arith.index_cast %swap3A_2676 : i32 to index
      %swap3A_2679 = arith.index_cast %swap3A_2677 : i32 to index
      %swap3A_2680 = arith.index_cast %mul3A_47 : i32 to index
      %swap3A_2681 = tpu.vector_load %arg7[%swap3A_2678, %swap3A_2679, %swap3A_2680] {strides = array<i32>} : memref<1x8x1024xi32, #tpu.memory_space<vmem>>, vector<1x1x16xi32>,
      %swap3A_2682 = vector.shape_cast %swap3A_2681 : vector<1x1x16xi32> to vector<16xi32>
      %swap3A_2683 = vector.shape_cast %select_n3A_2554 : vector<16xi32> to vector<1x1x16xi32>
      tpu.vector_store %arg7[%swap3A_2678, %swap3A_2679, %swap3A_2680], %swap3A_2683 {strides = array<i32>} : memref<1x8x1024xi32, #tpu.memory_space<vmem>>, vector<1x1x16xi32>,
      %mul3A_2684 = arith.mulf %min3A_2553, %div3A_2565 : vector<16xf32>
      %swap3A_2685 = arith.constant 0 : i32
      %swap3A_2686 = arith.constant 7 : i32
      %swap3A_2687 = arith.index_cast %swap3A_2685 : i32 to index
      %swap3A_2688 = arith.index_cast %swap3A_2686 : i32 to index
      %swap3A_2689 = arith.index_cast %mul3A_47 : i32 to index
      %swap3A_2690 = tpu.vector_load %arg6[%swap3A_2687, %swap3A_2688, %swap3A_2689] {strides = array<i32>} : memref<1x8x1024xf32, #tpu.memory_space<vmem>>, vector<1x1x16xf32>,
      %swap3A_2691 = vector.shape_cast %swap3A_2690 : vector<1x1x16xf32> to vector<16xf32>
      %swap3A_2692 = vector.shape_cast %mul3A_2684 : vector<16xf32> to vector<1x1x16xf32>
      tpu.vector_store %arg6[%swap3A_2687, %swap3A_2688, %swap3A_2689], %swap3A_2692 {strides = array<i32>} : memref<1x8x1024xf32, #tpu.memory_space<vmem>>, vector<1x1x16xf32>,
      %swap3A_2693 = arith.constant 0 : i32
      %swap3A_2694 = arith.constant 7 : i32
      %swap3A_2695 = arith.index_cast %swap3A_2693 : i32 to index
      %swap3A_2696 = arith.index_cast %swap3A_2694 : i32 to index
      %swap3A_2697 = arith.index_cast %mul3A_47 : i32 to index
      %swap3A_2698 = tpu.vector_load %arg7[%swap3A_2695, %swap3A_2696, %swap3A_2697] {strides = array<i32>} : memref<1x8x1024xi32, #tpu.memory_space<vmem>>, vector<1x1x16xi32>,
      %swap3A_2699 = vector.shape_cast %swap3A_2698 : vector<1x1x16xi32> to vector<16xi32>
      %swap3A_2700 = vector.shape_cast %select_n3A_2555 : vector<16xi32> to vector<1x1x16xi32>
      tpu.vector_store %arg7[%swap3A_2695, %swap3A_2696, %swap3A_2697], %swap3A_2700 {strides = array<i32>} : memref<1x8x1024xi32, #tpu.memory_space<vmem>>, vector<1x1x16xi32>,
    }
    %scan3A_44 = arith.constant 64 : i32
    "tpu.region"() ({
      %run_scoped3A = tpu.sem_alloc : memref<!tpu.dma_semaphore, #tpu.memory_space<semaphore_mem>>
      %dma_start3A = arith.constant 0 : i32
      %dma_start3A_45 = arith.constant 0 : i32
      %dma_start3A_46 = tpu.memref_slice %arg3[%add3A, %dma_start3A, %dma_start3A_45] : memref<32x8x1024xf32, #tpu.memory_space<hbm>> -> memref<1x8x1024xf32, #tpu.memory_space<hbm>>
      %dma_start3A_47 = arith.constant 0 : i32
      %dma_start3A_48 = arith.constant 0 : i32
      %dma_start3A_49 = tpu.memref_slice %arg3[%add3A, %dma_start3A_47, %dma_start3A_48] : memref<32x8x1024xf32, #tpu.memory_space<hbm>> -> memref<1x8x1024xf32, #tpu.memory_space<hbm>>
      tpu.enqueue_dma source(%arg6 : memref<1x8x1024xf32, #tpu.memory_space<vmem>>) target(%dma_start3A_49 : memref<1x8x1024xf32, #tpu.memory_space<hbm>>) target_semaphore(%run_scoped3A : memref<!tpu.dma_semaphore, #tpu.memory_space<semaphore_mem>>)
      %dma_wait3A = arith.constant 0 : i32
      %dma_wait3A_50 = arith.constant 0 : i32
      %dma_wait3A_51 = tpu.memref_slice %arg3[%add3A, %dma_wait3A, %dma_wait3A_50] : memref<32x8x1024xf32, #tpu.memory_space<hbm>> -> memref<1x8x1024xf32, #tpu.memory_space<hbm>>
      %dma_wait3A_52 = arith.constant 0 : i32
      %dma_wait3A_53 = arith.constant 0 : i32
      %dma_wait3A_54 = tpu.memref_slice %arg3[%add3A, %dma_wait3A_52, %dma_wait3A_53] : memref<32x8x1024xf32, #tpu.memory_space<hbm>> -> memref<1x8x1024xf32, #tpu.memory_space<hbm>>
      tpu.wait_dma2 semaphore(%run_scoped3A : memref<!tpu.dma_semaphore, #tpu.memory_space<semaphore_mem>>) src(%arg6 : memref<1x8x1024xf32, #tpu.memory_space<vmem>>) dst(%dma_wait3A_54 : memref<1x8x1024xf32, #tpu.memory_space<hbm>>)
      tpu.yield
    }) : () -> ()
    "tpu.region"() ({
      %run_scoped3A = tpu.sem_alloc : memref<!tpu.dma_semaphore, #tpu.memory_space<semaphore_mem>>
      %dma_start3A = arith.constant 0 : i32
      %dma_start3A_45 = arith.constant 0 : i32
      %dma_start3A_46 = tpu.memref_slice %arg4[%add3A, %dma_start3A, %dma_start3A_45] : memref<32x8x1024xi32, #tpu.memory_space<hbm>> -> memref<1x8x1024xi32, #tpu.memory_space<hbm>>
      %dma_start3A_47 = arith.constant 0 : i32
      %dma_start3A_48 = arith.constant 0 : i32
      %dma_start3A_49 = tpu.memref_slice %arg4[%add3A, %dma_start3A_47, %dma_start3A_48] : memref<32x8x1024xi32, #tpu.memory_space<hbm>> -> memref<1x8x1024xi32, #tpu.memory_space<hbm>>
      tpu.enqueue_dma source(%arg7 : memref<1x8x1024xi32, #tpu.memory_space<vmem>>) target(%dma_start3A_49 : memref<1x8x1024xi32, #tpu.memory_space<hbm>>) target_semaphore(%run_scoped3A : memref<!tpu.dma_semaphore, #tpu.memory_space<semaphore_mem>>)
      %dma_wait3A = arith.constant 0 : i32
      %dma_wait3A_50 = arith.constant 0 : i32
      %dma_wait3A_51 = tpu.memref_slice %arg4[%add3A, %dma_wait3A, %dma_wait3A_50] : memref<32x8x1024xi32, #tpu.memory_space<hbm>> -> memref<1x8x1024xi32, #tpu.memory_space<hbm>>
      %dma_wait3A_52 = arith.constant 0 : i32
      %dma_wait3A_53 = arith.constant 0 : i32
      %dma_wait3A_54 = tpu.memref_slice %arg4[%add3A, %dma_wait3A_52, %dma_wait3A_53] : memref<32x8x1024xi32, #tpu.memory_space<hbm>> -> memref<1x8x1024xi32, #tpu.memory_space<hbm>>
      tpu.wait_dma2 semaphore(%run_scoped3A : memref<!tpu.dma_semaphore, #tpu.memory_space<semaphore_mem>>) src(%arg7 : memref<1x8x1024xi32, #tpu.memory_space<vmem>>) dst(%dma_wait3A_54 : memref<1x8x1024xi32, #tpu.memory_space<hbm>>)
      tpu.yield
    }) : () -> ()
    return
  }
}

module attributes {stable_mosaic.version = 14 : i64} {
  func.func @_scores_tc_kernel(%arg0: i32, %arg1: memref<4096x768xf32, #tpu.memory_space<vmem>>, %arg2: memref<64x768xf32, #tpu.memory_space<vmem>>, %arg3: memref<64x1xf32, #tpu.memory_space<vmem>>, %arg4: memref<64x4096xf32, #tpu.memory_space<vmem>>) attributes {dimension_semantics = [#tpu.dimension_semantics<arbitrary>], iteration_bounds = array<i64: 8>, scalar_prefetch = 0 : i64, scratch_operands = 0 : i64, tpu.core_type = #tpu.core_type<tc>, window_params = [{transform_indices = @transform_0, window_bounds = array<i64: 4096, 768>}, {pipeline_mode = #tpu.pipeline_mode<synchronous>, transform_indices = @transform_1, window_bounds = array<i64: 64, 768>}, {pipeline_mode = #tpu.pipeline_mode<synchronous>, transform_indices = @transform_2, window_bounds = array<i64: 64, 1>}, {transform_indices = @transform_3, window_bounds = array<i64: 64, 4096>}]} {
    %get3A = arith.constant 0 : index
    %get3A_0 = arith.constant 0 : index
    %get3A_1 = vector.load %arg2[%get3A, %get3A_0] : memref<64x768xf32, #tpu.memory_space<vmem>>, vector<64x768xf32>
    %get3A_2 = arith.constant 0 : index
    %get3A_3 = arith.constant 0 : index
    %get3A_4 = vector.load %arg1[%get3A_2, %get3A_3] : memref<4096x768xf32, #tpu.memory_space<vmem>>, vector<4096x768xf32>
    %dot_general3A = arith.constant dense<0.000000e+00> : vector<64x4096xf32>
    %dot_general3A_5 = tpu.matmul %get3A_1, %get3A_4, %dot_general3A {dimension_numbers = #tpu.dot_dimension_numbers<[1], [1], [0], [0], [0, 0, 1, 0], [], []>, transpose_lhs_hint = false} : vector<64x768xf32>, vector<4096x768xf32>, vector<64x4096xf32> -> vector<64x4096xf32>
    %logistic3A = arith.negf %dot_general3A_5 : vector<64x4096xf32>
    %logistic3A_6 = math.exp %logistic3A : vector<64x4096xf32>
    %logistic3A_7 = arith.constant 1.000000e+00 : f32
    %logistic3A_8 = vector.broadcast %logistic3A_7 : f32 to vector<64x4096xf32>
    %logistic3A_9 = arith.addf %logistic3A_8, %logistic3A_6 : vector<64x4096xf32>
    %logistic3A_10 = arith.divf %logistic3A_8, %logistic3A_9 : vector<64x4096xf32>
    %get3A_11 = arith.constant 0 : index
    %get3A_12 = arith.constant 0 : index
    %get3A_13 = vector.load %arg3[%get3A_11, %get3A_12] : memref<64x1xf32, #tpu.memory_space<vmem>>, vector<64x1xf32>
    %add3A = vector.broadcast %get3A_13 : vector<64x1xf32> to vector<64x4096xf32>
    %add3A_14 = arith.addf %logistic3A_10, %add3A : vector<64x4096xf32>
    %swap3A = arith.constant 0 : index
    %swap3A_15 = arith.constant 0 : index
    %swap3A_16 = vector.load %arg4[%swap3A, %swap3A_15] : memref<64x4096xf32, #tpu.memory_space<vmem>>, vector<64x4096xf32>
    tpu.vector_store %arg4[%swap3A, %swap3A_15], %add3A_14 {strides = array<i32>} : memref<64x4096xf32, #tpu.memory_space<vmem>>, vector<64x4096xf32>,
    return
  }
  func.func @transform_0(%arg0: i32) -> (i32, i32) {
    %c0_i32 = arith.constant 0 : i32
    %c0_i32_0 = arith.constant 0 : i32
    return %arg0, %c0_i32 : i32, i32
  }
  func.func @transform_1(%arg0: i32) -> (i32, i32) {
    %c0_i32 = arith.constant 0 : i32
    %c0_i32_0 = arith.constant 0 : i32
    %c0_i32_1 = arith.constant 0 : i32
    return %c0_i32, %c0_i32_0 : i32, i32
  }
  func.func @transform_2(%arg0: i32) -> (i32, i32) {
    %c0_i32 = arith.constant 0 : i32
    %c0_i32_0 = arith.constant 0 : i32
    %c0_i32_1 = arith.constant 0 : i32
    return %c0_i32, %c0_i32_0 : i32, i32
  }
  func.func @transform_3(%arg0: i32) -> (i32, i32) {
    %c0_i32 = arith.constant 0 : i32
    %c0_i32_0 = arith.constant 0 : i32
    return %arg0, %c0_i32 : i32, i32
  }
}

</mosaic_0001>

<sc_bundles>
// kernel: kernel.4.cloned.1.call-start
scs
__scs_entry_jumppad:
0x0: {  	(pc) =	sbr.rel $0x88, $3  }
0x1: {  	(tag) =	ssettag $0x0;
	lr =	simm.s32 $0x1  }
0x2: {  	[smem:$0x3F9E] =	sst lr;
	_ =	strace $0xD0000000  }
0x3: {  	_ = 	snop  }
0x4: {  	_ = 	snop  }
0x5: {  	_ = 	snop  }
0x6: {  	_ = 	snop  }
0x7: {  	_ = 	snop  }
__scs_overlays_trampoline_lowered:
0x8: {  	[smem:$0x3FAD] =	sst s0  }
0x9: {  	[smem:$0x3FAE] =	sst s1  }
0xa: {  	[smem:$0x3FAF] =	sst s2  }
0xb: {  	[smem:$0x3FB0] =	sst s3  }
0xc: {  	[smem:$0x3FB1] =	sst s4  }
0xd: {  	[smem:$0x3FB2] =	sst s5  }
0xe: {  	[smem:$0x3FB3] =	sst s6  }
0xf: {  	[smem:$0x3FB4] =	sst s7  }
0x10: {  	[smem:$0x3FB5] =	sst s8  }
0x11: {  	[smem:$0x3FB6] =	sst s9;
	s0 =	simm.s32 @!p0 $0x0  }
0x12: {  	s1 =	sld [smem:$0x3F9C];
	s0 =	simm.s32 @p0 $0x1  }
0x13: {  	[smem:$0x3FB7] =	sst s0;
	s0 =	simm.s32 @!p1 $0x0  }
0x14: {  	s2 =	sld [smem:$0x3F9B];
	s0 =	simm.s32 @p1 $0x1  }
0x15: {  	[smem:$0x3FB8] =	sst s0;
	s0 =	simm.s32 @!p2 $0x0  }
0x16: {  	s3 =	sld [smem:$0x3FDB];
	s0 =	simm.s32 @p2 $0x1  }
0x17: {  	s4 =	simm.s32 $0x1BF5;
	[smem:$0x3FBA] =	sst s0  }
0x18: {  	s0 =	sld [smem:$0x3F9D];
	_ =	swait.ge [sflag:s4], $0x0  }
0x19: {  	s7 =	sld [smem:$0x3F9E]  }
0x1a: {  	s8 =	sadd.s32 $0xFFFFE003, lr  }
0x1b: {  	s9 =	sadd.s32 $0xFFFFFEF7, lr;
	s5 =	simm.s32 $0xFFFFFFFF;
	p2 =	slt.u32 s8, $0xFFFFF086  }
0x1c: {  	p1 =	slt.u32 s9, $0xF7A;
	s5 =	simm.s32 @!p2 $0x0  }
0x1d: {  	s5 =	simm.s32 @p1 $0x1;
	p0 =	seq.s32 s7, s2  }
0x1e: {  	s7 =	smul.u32 @!p0 $0xF7A, s2;
	p2 =	seq.s32 @!p0 s5, $0x0  }
0x1f: {  	s9 =	smul.u32 $0xF7A, s1;
	s8 =	simm.s32 @!p0 $0x1BF5;
	p2 =	por !p2, p0  }
0x20: {  	[sflag:s8] =	ssyncset.s32 @!p0 $0xFFFFF086;
	s6 =	sadd.s32 @!p0 s3, s7;
	s7 =	simm.s32 @!p0 $0x108  }
0x21: {  	s3 =	sadd.s32 s3, s9;
	s6 =	sadd.s32 @!p0 $0x88, s6;
	s7 =	simm.s32 @p2 $0x1082  }
0x22: {  	[simem:s7], [sflag:s8] =	dma.local @!p0 [hbm:s6], $0xF7A  }
0x23: {  	s9 =	sor.u32 $0xD0000000, s2;
	s6 =	simm.s32 $0x108;
	_ =	swait.ge @!p0 [sflag:s8], $0x0  }
0x24: {  	s3 =	sadd.s32 $0x88, s3;
	s6 =	simm.s32 @!p1 $0x1082;
	[sflag:s4] =	ssyncset.s32 $0xFFFFF086  }
0x25: {  	[simem:s6], [sflag:s4] =	dma.local [hbm:s3], $0xF7A  }
0x26: {  	[smem:$0x3F9E] =	sst s1;
	(tag) =	ssettag s2;
	_ =	strace s9  }
0x27: {  	s1 =	sld [smem:$0x3FAE]  }
0x28: {  	s2 =	sld [smem:$0x3FAF]  }
0x29: {  	s4 =	sld [smem:$0x3FB1]  }
0x2a: {  	p0 =	seq.s32 s5, $0x0;
	s5 =	sld [smem:$0x3FB2]  }
0x2b: {  	s6 =	sld [smem:$0x3FB3]  }
0x2c: {  	s7 =	sld [smem:$0x3FB4]  }
0x2d: {  	s3 =	simm.s32 $0x108;
	s8 =	sld [smem:$0x3FB5]  }
0x2e: {  	s3 =	simm.s32 @!p0 $0x1082;
	s9 =	sld [smem:$0x3FB6]  }
0x2f: {  	lr =	sadd.s32 s0, s3;
	s0 =	sld [smem:$0x3FAD]  }
0x30: {  	s3 =	sld [smem:$0x3FB0]  }
0x31: {  	[smem:$0x3FB9] =	sst s10  }
0x32: {  	s10 =	sld [smem:$0x3FB7];
	_ =	sdelay $0x3  }
0x33: {  	p0 =	seq.s32 s10, $0x1;
	s10 =	sld [smem:$0x3FB9];
	_ =	sdelay $0x3  }
0x34: {  	[smem:$0x3FB9] =	sst s10  }
0x35: {  	s10 =	sld [smem:$0x3FB8];
	_ =	sdelay $0x3  }
0x36: {  	p1 =	seq.s32 s10, $0x1;
	s10 =	sld [smem:$0x3FB9];
	_ =	sdelay $0x3  }
0x37: {  	[smem:$0x3FB9] =	sst s10  }
0x38: {  	s10 =	sld [smem:$0x3FBA]  }
0x39: {  	_ = 	snop;
	(pc) =	sbr.ind lr, $3  }
0x3a: {  	_ = 	snop  }
0x3b: {  	_ = 	snop  }
0x3c: {  	p2 =	seq.s32 s10, $0x1;
	s10 =	sld [smem:$0x3FB9]  }
0x3d: {  	_ =	shalt  }
0x3e: {  	_ =	shalt  }
0x3f: {  	_ =	shalt  }
0x40: {  	_ =	shalt  }
0x41: {  	_ =	shalt  }
0x42: {  	_ =	shalt  }
0x43: {  	_ =	shalt  }
0x44: {  	_ =	shalt  }
0x45: {  	_ =	shalt  }
0x46: {  	_ =	shalt  }
0x47: {  	_ =	shalt  }
0x48: {  	_ =	shalt  }
0x49: {  	_ =	shalt  }
0x4a: {  	_ =	shalt  }
0x4b: {  	_ =	shalt  }
0x4c: {  	_ =	shalt  }
0x4d: {  	_ =	shalt  }
0x4e: {  	_ =	shalt  }
0x4f: {  	_ =	shalt  }
0x50: {  	_ =	shalt  }
0x51: {  	_ =	shalt  }
0x52: {  	_ =	shalt  }
0x53: {  	_ =	shalt  }
0x54: {  	_ =	shalt  }
0x55: {  	_ =	shalt  }
0x56: {  	_ =	shalt  }
0x57: {  	_ =	shalt  }
0x58: {  	_ =	shalt  }
0x59: {  	_ =	shalt  }
0x5a: {  	_ =	shalt  }
0x5b: {  	_ =	shalt  }
0x5c: {  	_ =	shalt  }
0x5d: {  	_ =	shalt  }
0x5e: {  	_ =	shalt  }
0x5f: {  	_ =	shalt  }
0x60: {  	_ =	shalt  }
0x61: {  	_ =	shalt  }
0x62: {  	_ =	shalt  }
0x63: {  	_ =	shalt  }
0x64: {  	_ =	shalt  }
0x65: {  	_ =	shalt  }
0x66: {  	_ =	shalt  }
0x67: {  	_ =	shalt  }
0x68: {  	_ =	shalt  }
0x69: {  	_ =	shalt  }
0x6a: {  	_ =	shalt  }
0x6b: {  	_ =	shalt  }
0x6c: {  	_ =	shalt  }
0x6d: {  	_ =	shalt  }
0x6e: {  	_ =	shalt  }
0x6f: {  	_ =	shalt  }
0x70: {  	_ =	shalt  }
0x71: {  	_ =	shalt  }
0x72: {  	_ =	shalt  }
0x73: {  	_ =	shalt  }
0x74: {  	_ =	shalt  }
0x75: {  	_ =	shalt  }
0x76: {  	_ =	shalt  }
0x77: {  	_ =	shalt  }
0x78: {  	_ =	shalt  }
0x79: {  	_ =	shalt  }
0x7a: {  	_ =	shalt  }
0x7b: {  	_ =	shalt  }
0x7c: {  	_ =	shalt  }
0x7d: {  	_ =	shalt  }
0x7e: {  	_ =	shalt  }
0x7f: {  	_ =	shalt  }
0x80: {  	_ =	shalt  }
0x81: {  	_ =	shalt  }
0x82: {  	_ =	shalt  }
0x83: {  	_ =	shalt  }
0x84: {  	_ =	shalt  }
0x85: {  	_ =	shalt  }
0x86: {  	_ =	shalt  }
0x87: {  	_ =	shalt  }
.Lfunc_end0:
.L_simem_size_0:
called_computation_lowered:
.L_overlay_start_0:
0x88: {  	s2 =	sld [smem:$0x3FD9]  }
0x89: {  	s3 =	sld [smem:$0x3FFE];
	_ =	sdelay $0x1  }
0x8a: {  	s1 =	srdreg.scid  }
0x8b: {  	s0 =	sand.u32 $0x1, s1  }
0x8c: {  	s14 =	sshll.u32 s0, $0xA;
	s2 =	sadd.s32 s3, s2  }
0x8d: {  	s2 =	sadd.s32 s2, s14  }
0x8e: {  	[smem:$0x3FC5] =	sst s2  }
0x8f: {  	_ = 	snop  }
0x90: {  	s2 =	sld [smem:$0x3FD0];
	_ =	sdelay $0x2  }
0x91: {  	s15 =	simm.s32 $0xA;
	s4 =	simm.s32 $0x10  }
0x92: {  	[smem:s4], [sflag:s15] =	dma.local [hbm:s2], $0x1  }
0x93: {  	_ =	swait.eq [sflag:s15], $0x1  }
0x94: {  	[sflag:s15] =	ssyncset.done $0x0  }
0x95: {  	s16 =	sld [smem:$0x10];
	[sflag:s15] =	ssyncadd.s32 $0xFFFFFFFF  }
0x96: {  	s17 =	sld [smem:$0x11];
	(tm) =	ssettm $0x1  }
0x97: {  	s18 =	sld [smem:$0x3FFB];
	_ =	sdelay $0x3  }
0x98: {  	_ =	strace s18  }
0x99: {  	s4 =	sld [smem:$0x3FFC];
	_ =	sdelay $0x3  }
0x9a: {  	_ =	strace s4  }
0x9b: {  	s4 =	sld [smem:$0x3FFD];
	_ =	sdelay $0x3  }
0x9c: {  	_ =	strace s4  }
0x9d: {  	_ =	strace $0x8FFFFFFF  }
0x9e: {  	s19 =	sld [smem:$0x3FDB];
	_ =	sdelay $0x1  }
0x9f: {  	s5 =	simm.s32 $_scs_section_size  }
0xa0: {  	s6 =	simm.s32 $_size__tile_overlayer_lowered;
	s7 =	simm.s32 $_tile_overlayer_lowered  }
0xa1: {  	s22 =	simm.s32 $0x1BFF;
	s21 =	sshll.u32 s7, $0x1;
	s4 =	sadd.s32 s5, s19  }
0xa2: {  	s8 =	simm.s32 $0x0;
	s20 =	sshll.u32 s6, $0x1;
	s6 =	sadd.s32 s21, s4  }
0xa3: {  	[timem:s8], [sflag:s22] =	dma.local [hbm:s6], s20  }
0xa4: {  	_ =	swait.ge [sflag:s22], s20  }
0xa5: {  	s5 =	ssub.s32 $0x0, s20;
	[sflag:s22] =	ssyncset.done $0x0  }
0xa6: {  	[sflag:s22] =	ssyncadd.s32 s5;
	_ =	sdelay $0x1  }
0xa7: {  	s23 =	simm.s32 $0x1B8B  }
0xa8: {  	_ =	swait.ge [sflag:s23], $0x1  }
0xa9: {  	[sflag:s23] =	ssyncset.done $0x0  }
0xaa: {  	s25 =	simm.s32 $0x1B8E;
	s24 =	sld [smem:$0x3FFE];
	[sflag:s23] =	ssyncadd.s32 $0xFFFFFFFF  }
0xab: {  	s26 =	simm.s32 $execute0_lowered;
	[smem:$0x3FD2] =	sst s25  }
0xac: {  	s6 =	sshll.u32 s26, $0x1;
	_ =	strace $0x80000046;
	[dreg:$0x1] =	wrdreg $0xFFFFFFFF  }
0xad: {  	s28 =	simm.s32 $_size_execute0_lowered;
	s4 =	sadd.s32 s4, s6;
	[dreg:$0x0] =	wrdreg $0x0  }
0xae: {  	s6 =	sshll.u32 s28, $0x1;
	[dreg:$0x2] =	wrdreg s4  }
0xaf: {  	[dreg:$0x3] =	wrdreg s6  }
0xb0: {  	[dreg:$0x4] =	wrdreg $0xC0  }
0xb1: {  	_ =	task [dreg:s8], $0x5FFFF  }
0xb2: {  	[dreg:$0x1] =	wrdreg $0xFFFFFFFF  }
0xb3: {  	[dreg:$0x0] =	wrdreg $0x60  }
0xb4: {  	[dreg:$0x2] =	wrdreg s24  }
0xb5: {  	[dreg:$0x3] =	wrdreg s16  }
0xb6: {  	[dreg:$0x4] =	wrdreg s17  }
0xb7: {  	[dreg:$0x5] =	wrdreg $0x9  }
0xb8: {  	_ =	task.clear_ibuf [dreg:s8], $0x6FFFF;
	_ =	strace $0x90000046  }
0xb9: {  	s29 =	simm.s32 $0x9;
	_ =	strace $0x80000048  }
0xba: {  	_ =	swait.ge [sflag:s29], $0x1  }
0xbb: {  	[sflag:s29] =	ssyncadd.s32 $0xFFFFFFFF  }
0xbc: {  	_ =	strace $0x90000048  }
0xbd: {  	_ =	sfence  }
0xbe: {  	s30 =	sld [smem:$0x0];
	_ =	sdelay $0x2  }
0xbf: {  	s31 =	sshll.u32 s1, $0xD;
	s1 =	sshrl.u32 s1, $0x2  }
0xc0: {  	s3 =	sand.u32 $0x4000, s31;
	s1 =	sadd.s32 s1, s30  }
0xc1: {  	s0 =	sor.u32 s3, s0;
	s1 =	sshll.u32 s1, $0x11  }
0xc2: {  	s0 =	sor.u32 s1, s0  }
0xc3: {  	s0 =	sadd.s32 $0x8F2B, s0  }
0xc4: {  	[sflag:s0] =	ssyncadd.remote.s32 $0x1  }
0xc5: {  	_ =	sfence.sel $0xFFFF  }
0xc6: {  	[dreg:$0x0] =	wrdreg $0xFFFFFFFF;
	(pc) =	sbr.abs _section_cstart, $3  }
0xc7: {  	[dreg:$0x1] =	wrdreg $0xFFFFFFFF  }
0xc8: {  	_ =	task.clear_ibuf [dreg:s8], $0x2FFFF;
	_ =	strace $0x9FFFFFFF  }
0xc9: {  	(tm) =	ssettm $0x7FFFFFFF  }
tec
execute0_lowered:
.L_overlay_start_1:
0x0: {  	(tag) =	ssettag $0x1  }
0x1: {  	s3 =	rddreg [dreg:$0x0]  }
0x2: {  	s4 =	rddreg [dreg:$0x1]  }
0x3: {  	s5 =	rddreg [dreg:$0x2];
	s2 =	srdreg.scid  }
0x4: {  	s0 =	rddreg [dreg:$0x3];
	s1 =	stileid.u32;
	s10 =	simm.s32 $0x10000  }
0x5: {  	s11 =	simm.s32 $0x12000;
	s12 =	simm.s32 $0x0;
	s6 =	sand.u32 $0x1, s2  }
0x6: {  	s7 =	sshll.u32 s1, $0xE;
	s8 =	sshll.u32 s1, $0xB;
	s2 =	simm.s32 $0x0  }
0x7: {  	s9 =	sshll.u32 s6, $0xA;
	s7 =	sand.u32 $0x38000, s7;
	s6 =	ssub.s32 $0x2, s6  }
0x8: {  	[smem:$0x7FF] =	sst s2;
	s8 =	sor.u32 s9, s8;
	s3 =	sadd.s32 s7, s3  }
0x9: {  	s31 =	sshrl.u32 s6, $0x1;
	_ =	strace $0x80000047;
	s7 =	simm.s32 $0x2000  }
0xa: {  	s9 =	simm.s32 $0x1;
	s30 =	sand.u32 $0xC00, s8;
	s6 =	ssub.s32 s6, s31  }
0xb: {  	s4 =	sadd.s32 s4, s8;
	s5 =	sadd.s32 s5, s8;
	s3 =	sadd.s32 s30, s3  }
0xc: {  	v54 =	vimm.s32 $0x0;
	s8 =	simm.s32 $0x8000;
	s6 =	smax.u32 s6, $0x1;
	s3 =	sadd.s32 $0xC00, s3  }
.LBB2_1:
0xd: {  	[tilespmem:s2], [sflag:$0x1] =	stream.strided.gather [hbm4b:s3+s7], $0x10000, s8, s7, $0x38;
	[tilespmem:$0x14000] =	vst v63  }
0xe: {  	_ =	swait.ge [sflag:s9], $0x10000  }
0xf: {  	[sflag:s9] =	ssyncset.done $0x0  }
0x10: {  	s13 =	simm.s32 $0x0;
	s14 =	simm.s32 $0x0;
	[sflag:s9] =	ssyncadd.s32 $0xFFFF0000  }
.LBB2_2:
0x11: {  	s15 =	sand.u32 $0x70, s14;
	s16 =	sand.u32 $0x1C00, s13  }
0x12: {  	s15 =	sor.u32 s15, s16  }
0x13: {  	v15 =	vld [tilespmem:s15+$0x0]  }
0x14: {  	v14 =	vld [tilespmem:s15+$0x80]  }
0x15: {  	v5 =	vld [tilespmem:s15+$0x100]  }
0x16: {  	v3 =	vld [tilespmem:s15+$0x180]  }
0x17: {  	v7 =	vld [tilespmem:s15+$0x200]  }
0x18: {  	s31 =	sor.u32 s13, s14;
	v6 =	vld [tilespmem:s15+$0x280]  }
0x19: {  	s16 =	sor.u32 $0x380, s31;
	v8 =	vld [tilespmem:s15+$0x300]  }
0x1a: {  	v4 =	vld [tilespmem:s16+$0x0]  }
0x1b: {  	v13 =	vld [tilespmem:s15+$0x2000]  }
0x1c: {  	v12 =	vld [tilespmem:s15+$0x2080]  }
0x1d: {  	v11 =	vld [tilespmem:s15+$0x4000]  }
0x1e: {  	v10 =	vld [tilespmem:s15+$0x4080]  }
0x1f: {  	v58 =	vld [tilespmem:s15+$0x2100]  }
0x20: {  	v48 =	vld [tilespmem:s15+$0x4100]  }
0x21: {  	v60 =	vld [tilespmem:s15+$0x2180];
	v2 =	vmax.f32 v15, v14  }
0x22: {  	v49 =	vld [tilespmem:s15+$0x4180];
	v17 =	vmin.f32 v15, v14;
	v16 =	vmax.f32 v13, v12;
	v62 =	vmin.f32 v13, v12  }
0x23: {  	v56 =	vld [tilespmem:s15+$0x2200];
	v55 =	vmax.f32 v11, v10;
	v37 =	vmin.f32 v11, v10;
	v0 =	vmax.f32 v2, v5  }
0x24: {  	v50 =	vld [tilespmem:s15+$0x4200];
	v1 =	vmin.f32 v2, v5;
	v31 =	vmax.f32 v16, v58;
	v32 =	vmin.f32 v16, v58  }
0x25: {  	v59 =	vld [tilespmem:s15+$0x2280];
	v38 =	vmax.f32 v55, v48;
	v39 =	vmin.f32 v55, v48;
	v1 =	vmax.f32 v17, v1  }
0x26: {  	v51 =	vld [tilespmem:s15+$0x4280];
	v9 =	vmax.f32 v0, v3;
	v0 =	vmin.f32 v0, v3;
	v20 =	vmax.f32 v31, v60  }
0x27: {  	v57 =	vld [tilespmem:s15+$0x2300];
	v40 =	vmax.f32 v38, v49;
	v0 =	vmax.f32 v1, v0;
	v28 =	vmax.f32 v9, v7  }
0x28: {  	v52 =	vld [tilespmem:s15+$0x4300];
	v9 =	vmin.f32 v9, v7;
	v33 =	vmax.f32 v20, v56;
	v20 =	vmin.f32 v20, v56  }
0x29: {  	v61 =	vld [tilespmem:s15+$0x2380];
	v41 =	vmax.f32 v40, v50;
	v0 =	vmax.f32 v0, v9;
	v29 =	vmax.f32 v28, v6  }
0x2a: {  	v53 =	vld [tilespmem:s15+$0x4380];
	v1 =	vmin.f32 v28, v6;
	v9 =	vmax.f32 v62, v32;
	v34 =	vmax.f32 v33, v59  }
0x2b: {  	v23 =	vld [tilespmem:s15+$0x6100];
	v21 =	vmin.f32 v33, v59;
	v42 =	vmax.f32 v41, v51;
	v0 =	vmax.f32 v0, v1  }
0x2c: {  	v24 =	vld [tilespmem:s15+$0x6180];
	v18 =	vmax.f32 v29, v8;
	v30 =	vmin.f32 v29, v8;
	v1 =	vmin.f32 v31, v60  }
0x2d: {  	v26 =	vld [tilespmem:s15+$0x8000];
	v22 =	vmax.f32 v34, v57;
	v43 =	vmax.f32 v42, v52;
	v0 =	vmax.f32 v0, v30  }
0x2e: {  	v27 =	vld [tilespmem:s15+$0x8080];
	v19 =	vmax.f32 v18, v4;
	v1 =	vmax.f32 v9, v1;
	v18 =	vmin.f32 v18, v4  }
0x2f: {  	v9 =	vld [tilespmem:s15+$0x6000];
	v35 =	vmin.f32 v22, v61;
	v36 =	vmax.f32 v22, v61;
	v1 =	vmax.f32 v1, v20  }
0x30: {  	v44 =	vmax.f32 v43, v53;
	v20 =	vmin.f32 v34, v57;
	v21 =	vmax.f32 v1, v21;
	v1 =	vld [tilespmem:s15+$0x6080]  }
0x31: {  	[tilespmem:$0x1FD30] =	vst v23;
	v32 =	vld [tilespmem:s15+$0x6380];
	v0 =	vmax.f32 v0, v18;
	v18 =	vmin.f32 v38, v49;
	v20 =	vmax.f32 v21, v20  }
0x32: {  	[tilespmem:$0x1FD40] =	vst v24;
	v28 =	vld [tilespmem:s15+$0x8100];
	v63 =	vadd.f32 v0, v19;
	v19 =	vmax.f32 v37, v39;
	v20 =	vmax.f32 v20, v35  }
0x33: {  	v33 =	vld [tilespmem:s15+$0x8200];
	v39 =	vmovc v26;
	v18 =	vmax.f32 v19, v18;
	v0 =	vadd.f32 v20, v36;
	v20 =	vmin.f32 v40, v50  }
0x34: {  	[tilespmem:$0x1FDC0] =	vst v26;
	v29 =	vld [tilespmem:s15+$0x6200];
	v19 =	vmin.f32 v41, v51;
	v41 =	vmin.f32 v39, v27;
	v18 =	vmax.f32 v18, v20  }
0x35: {  	[tilespmem:$0x1FDB0] =	vst v27;
	v31 =	vld [tilespmem:s15+$0x6280];
	v20 =	vmin.f32 v42, v52;
	v18 =	vmax.f32 v18, v19;
	v45 =	vmax.f32 v9, v1  }
0x36: {  	[tilespmem:$0x1FD20] =	vst v37;
	v25 =	vmin.f32 v9, v1;
	v19 =	vmin.f32 v43, v53;
	vm0 =	vge.f32 v63, v0  }
0x37: {  	v30 =	vld [tilespmem:s15+$0x6300];
	[tilespmem:$0x1FD80] =	vst v32;
	v18 =	vmax.f32 v18, v20;
	v46 =	vmax.f32 v45, v23;
	v22 =	vmin.f32 v45, v23  }
0x38: {  	[tilespmem:$0x1FDD0] =	vst v28;
	v22 =	vmax.f32 v25, v22;
	v47 =	vmax.f32 v46, v24;
	v21 =	vmin.f32 v46, v24  }
0x39: {  	v34 =	vld [tilespmem:s15+$0x8180];
	[tilespmem:$0x1FDF0] =	vst v33;
	v21 =	vmax.f32 v22, v21;
	v24 =	vmax.f32 v47, v29;
	v23 =	vmin.f32 v47, v29  }
0x3a: {  	[tilespmem:$0x1FD50] =	vst v29;
	v35 =	vld [tilespmem:s15+$0x8280];
	vm11 =	vmneg vm0;
	v21 =	vmax.f32 v21, v23;
	v22 =	vmin.f32 v24, v31  }
0x3b: {  	v36 =	vld [tilespmem:s15+$0x8380];
	[tilespmem:$0x1FDA0] =	vst v25;
	v18 =	vmax.f32 v18, v19;
	v25 =	vmax.f32 v24, v31;
	v21 =	vmax.f32 v21, v22  }
0x3c: {  	[tilespmem:$0x1FD70] =	vst v30;
	v40 =	vld [tilespmem:s15+$0xA100];
	v29 =	vmax.f32 v25, v30;
	v23 =	vmin.f32 v25, v30;
	v30 =	vadd.f32 v18, v44  }
0x3d: {  	[tilespmem:$0x1FD60] =	vst v31;
	v24 =	vld [tilespmem:s15+$0xA000];
	v22 =	vmax.f32 v26, v27;
	v21 =	vmax.f32 v21, v23;
	v37 =	vmin.f32 v29, v32  }
0x3e: {  	[tilespmem:$0x1FE30] =	vst v41;
	v25 =	vld [tilespmem:s15+$0xA080];
	v38 =	vmax.f32 v29, v32;
	v42 =	vmax.f32 v22, v28;
	v43 =	vmin.f32 v22, v28  }
0x3f: {  	[tilespmem:$0x1FD90] =	vst v45;
	v21 =	vmax.f32 v21, v37;
	v19 =	vmax.f32 v41, v43;
	v45 =	vmax.f32 v42, v34  }
0x40: {  	[tilespmem:$0x1FDE0] =	vst v34;
	v46 =	vld [tilespmem:s15+$0xA200];
	v18 =	vmin.f32 v42, v34;
	vm4 =	vge.f32 v63, v30;
	vm8 =	vge.f32 v0, v30  }
0x41: {  	[tilespmem:$0x1FE00] =	vst v35;
	v31 =	vld [tilespmem:s15+$0x8300];
	v32 =	vadd.f32 v21, v38;
	v18 =	vmax.f32 v19, v18;
	v20 =	vmin.f32 v45, v33  }
0x42: {  	[tilespmem:$0x1FE60] =	vst v40;
	v44 =	vld [tilespmem:s15+$0xA180];
	v47 =	vmax.f32 v45, v33;
	vm14 =	vmneg vm4;
	v18 =	vmax.f32 v18, v20  }
0x43: {  	[tilespmem:$0x1FE20] =	vst v36;
	v26 =	vld [tilespmem:s15+$0xC000];
	v37 =	vmin.f32 v47, v35;
	v19 =	vmax.f32 v47, v35;
	v38 =	vmax.f32 v24, v25  }
0x44: {  	v34 =	vld [tilespmem:s15+$0xA280];
	[tilespmem:$0x1FE40] =	vst v25;
	v25 =	vmin.f32 v24, v25;
	v18 =	vmax.f32 v18, v37;
	vm10 =	vge.f32 v63, v32  }
0x45: {  	v27 =	vld [tilespmem:s15+$0xC080];
	[tilespmem:$0x1FE80] =	vst v46;
	vm7 =	vge.f32 v0, v32;
	v39 =	vmax.f32 v38, v40;
	v40 =	vmin.f32 v38, v40  }
0x46: {  	v33 =	vld [tilespmem:s15+$0xA300];
	[tilespmem:$0x1FEB0] =	vst v38;
	v38 =	vmin.f32 v19, v31;
	vm15 =	vmneg vm10;
	v41 =	vmax.f32 v25, v40  }
0x47: {  	v23 =	vld [tilespmem:s15+$0xA380];
	[tilespmem:$0x1FE70] =	vst v44;
	v42 =	vmin.f32 v39, v44;
	v21 =	vmax.f32 v39, v44;
	v18 =	vmax.f32 v18, v38  }
0x48: {  	v28 =	vld [tilespmem:s15+$0xE100];
	v44 =	vmovc v31;
	v20 =	vmax.f32 v41, v42;
	v43 =	vmax.f32 v21, v46;
	v21 =	vmin.f32 v21, v46  }
0x49: {  	v45 =	vld [tilespmem:s15+$0xC100];
	[tilespmem:$0x1FE50] =	vst v24;
	v19 =	vmax.f32 v19, v44;
	v20 =	vmax.f32 v20, v21;
	v46 =	vmin.f32 v43, v34  }
0x4a: {  	[tilespmem:$0x1FEC0] =	vst v25;
	v42 =	vld [tilespmem:s15+$0xE080];
	v39 =	vmax.f32 v43, v34;
	v25 =	vmin.f32 v19, v36;
	v19 =	vmax.f32 v19, v36  }
0x4b: {  	[tilespmem:$0x1FEE0] =	vst v26;
	v21 =	vld [tilespmem:s15+$0xE000];
	v20 =	vmax.f32 v20, v46;
	v24 =	vmax.f32 v39, v33;
	v40 =	vmin.f32 v39, v33  }
0x4c: {  	v47 =	vld [tilespmem:s15+$0xC180];
	[tilespmem:$0x1FED0] =	vst v27;
	v18 =	vmax.f32 v18, v25;
	v20 =	vmax.f32 v20, v40;
	v41 =	vmin.f32 v24, v23  }
0x4d: {  	[tilespmem:$0x1FE90] =	vst v34;
	v34 =	vld [tilespmem:s15+$0xC200];
	v24 =	vmax.f32 v24, v23;
	v25 =	vadd.f32 v18, v19;
	v20 =	vmax.f32 v20, v41  }
0x4e: {  	v37 =	vld [tilespmem:s15+$0xC280];
	[tilespmem:$0x1FF60] =	vst v28;
	v24 =	vadd.f32 v20, v24;
	v20 =	vmax.f32 v26, v27;
	v27 =	vmin.f32 v26, v27  }
0x4f: {  	[tilespmem:$0x1FEA0] =	vst v33;
	vm12 =	vge.f32 v63, v25;
	vm6 =	vge.f32 v0, v25;
	v43 =	vmax.f32 v20, v45  }
0x50: {  	v33 =	vld [tilespmem:s15+$0xE180];
	[tilespmem:$0x1FF40] =	vst v42;
	v44 =	vmin.f32 v20, v45;
	v41 =	vmax.f32 v21, v42;
	v42 =	vmin.f32 v21, v42  }
0x51: {  	[tilespmem:$0x1FEF0] =	vst v45;
	v18 =	vld [tilespmem:s15+$0xC300];
	v19 =	vmax.f32 v27, v44;
	v45 =	vmax.f32 v43, v47;
	v46 =	vmin.f32 v43, v47  }
0x52: {  	[tilespmem:$0x1FF00] =	vst v47;
	vm13 =	vge.f32 v63, v24;
	v19 =	vmax.f32 v19, v46;
	v38 =	vmin.f32 v45, v34  }
0x53: {  	v35 =	vld [tilespmem:s15+$0xE200];
	[tilespmem:$0x1FF20] =	vst v37;
	vm5 =	vge.f32 v0, v24;
	v47 =	vmax.f32 v45, v34;
	v38 =	vmax.f32 v19, v38  }
0x54: {  	v36 =	vld [tilespmem:s15+$0xE280];
	v40 =	vmin.f32 v47, v37;
	v43 =	vmovc v28;
	v28 =	vmax.f32 v41, v28;
	v26 =	vmax.f32 v47, v37  }
0x55: {  	[tilespmem:$0x1FF30] =	vst v27;
	v46 =	vld [tilespmem:s15+$0xE300];
	v37 =	vsel vm8, $0x1, v54;
	v44 =	vmin.f32 v41, v43;
	v27 =	vmax.f32 v38, v40  }
0x56: {  	[tilespmem:$0x1FF10] =	vst v34;
	v19 =	vld [tilespmem:s15+$0xC380];
	v45 =	vmin.f32 v28, v33;
	v28 =	vmax.f32 v28, v33;
	v39 =	vmin.f32 v26, v18  }
0x57: {  	[tilespmem:$0x1FF70] =	vst v33;
	v47 =	vld [tilespmem:s15+$0xE380];
	v26 =	vmax.f32 v26, v18;
	v38 =	vsel vm10, $0x1, v54;
	v33 =	vsel vm13, $0x1, v54  }
0x58: {  	[tilespmem:$0x1FF50] =	vst v21;
	v29 =	vmax.f32 v42, v44;
	v34 =	vmax.f32 v28, v35;
	v28 =	vmin.f32 v28, v35  }
0x59: {  	[tilespmem:$0x1FFD0] =	vst v42;
	v21 =	vmax.f32 v27, v39;
	v29 =	vmax.f32 v29, v45;
	v42 =	vmax.f32 v34, v36  }
0x5a: {  	[tilespmem:$0x1FFC0] =	vst v41;
	v41 =	vmin.f32 v34, v36;
	v40 =	vmax.f32 v29, v28;
	v43 =	vmax.f32 v42, v46  }
0x5b: {  	v28 =	vmin.f32 v42, v46;
	v29 =	vsel vm14, $0x1, v54;
	v42 =	vsel vm6, $0x1, v54  }
0x5c: {  	[tilespmem:$0x1FFA0] =	vst v46;
	v27 =	vmax.f32 v40, v41;
	v44 =	vmin.f32 v26, v19;
	v45 =	vmin.f32 v43, v47  }
0x5d: {  	[tilespmem:$0x1FFB0] =	vst v47;
	v26 =	vmax.f32 v26, v19;
	v46 =	vmax.f32 v43, v47;
	v47 =	vimm.s32 $0x0  }
0x5e: {  	v40 =	vsel vm7, $0x1, v54;
	v21 =	vmax.f32 v21, v44;
	v27 =	vmax.f32 v27, v28  }
0x5f: {  	v43 =	vsel vm5, $0x1, v54;
	v27 =	vmax.f32 v27, v45;
	v21 =	vadd.f32 v21, v26  }
0x60: {  	v28 =	vsel vm4, $0x1, v54;
	vm4 =	vge.f32 v30, v24;
	v26 =	vadd.f32 v27, v46  }
0x61: {  	v43 =	vadd.s32 v43, v33;
	vm2 =	vge.f32 v63, v21;
	vm3 =	vge.f32 v0, v21  }
0x62: {  	vm14 =	vge.f32 v30, v21;
	vm9 =	vge.f32 v63, v26;
	vm1 =	vge.f32 v0, v26  }
0x63: {  	v63 =	vimm.s32 $0x0;
	vm10 =	vge.f32 v30, v26;
	v46 =	vsel vm2, $0x1, v54  }
0x64: {  	v45 =	vsel vm3, $0x1, v54;
	v33 =	vsel vm14, $0x1, v54;
	vm14 =	vmneg vm14  }
0x65: {  	[tilespmem:$0x1FF90] =	vst v36;
	v0 =	vsel vm1, $0xFFFFFFFF, v47;
	vm1 =	vmneg vm12;
	v36 =	vsel vm9, $0x1, v54  }
0x66: {  	v46 =	vadd.s32 v45, v46;
	[tilespmem:$0x1FCF0] =	vst v0;
	v0 =	vsel vm0, $0x1, v54;
	vm0 =	vge.f32 v30, v32  }
0x67: {  	[tilespmem:$0x1FE10] =	vst v31;
	v31 =	vsel vm1, $0x1, v54;
	vm1 =	vmneg vm9;
	vm9 =	vge.f32 v32, v26  }
0x68: {  	v27 =	vsel vm0, $0xFFFFFFFF, v63;
	v63 =	vsel vm12, $0x1, v54;
	vm12 =	vmneg vm13  }
0x69: {  	vm0 =	vmneg vm2;
	vm13 =	vge.f32 v32, v24;
	vm2 =	vmneg vm3  }
0x6a: {  	vm3 =	vge.f32 v21, v26;
	[tilespmem:$0x1FD00] =	vst v27;
	v27 =	vsel vm11, $0x1, v54;
	vm11 =	vge.f32 v30, v25  }
0x6b: {  	v30 =	vsel vm15, $0x1, v54;
	v34 =	vsel vm12, $0x1, v54;
	vm15 =	vge.f32 v32, v25  }
0x6c: {  	[tilespmem:$0x1FF80] =	vst v35;
	v35 =	vsel vm0, $0x1, v54;
	vm0 =	vge.f32 v32, v21;
	v32 =	vsel vm1, $0x1, v54  }
0x6d: {  	vm12 =	vmneg vm8;
	vm8 =	vmneg vm7;
	vm1 =	vmneg vm6  }
0x6e: {  	vm6 =	vge.f32 v25, v26;
	vm7 =	vmneg vm5;
	vm5 =	vge.f32 v24, v26  }
0x6f: {  	v26 =	vimm.s32 $0x0;
	v42 =	vadd.s32 v42, v63;
	v39 =	vsel vm12, $0x1, v54  }
0x70: {  	v47 =	vld [tilespmem:$0x1FCF0];
	vm12 =	vge.f32 v25, v24;
	v41 =	vsel vm8, $0x1, v54;
	vm8 =	vge.f32 v25, v21  }
0x71: {  	v25 =	vsel vm1, $0x1, v54;
	v44 =	vsel vm7, $0x1, v54;
	vm7 =	vge.f32 v24, v21  }
0x72: {  	v24 =	vsel vm2, $0x1, v54;
	v29 =	vadd.s32 v27, v29;
	v45 =	vsel vm0, $0x1, v54  }
0x73: {  	vm0 =	vmneg vm0;
	v0 =	vadd.s32 v0, v39;
	v39 =	vadd.s32 v37, v28  }
0x74: {  	v37 =	vsel vm10, $0x1, v54;
	v28 =	vsel vm8, $0x1, v54;
	v0 =	vadd.s32 v41, v0  }
0x75: {  	v41 =	vadd.s32 v40, v38;
	v40 =	vsel vm15, $0x1, v54;
	vm2 =	vnez.u8 v47  }
0x76: {  	v0 =	vadd.s32 v25, v0;
	v25 =	vsel vm12, $0x1, v54;
	vm1 =	vmneg vm2  }
0x77: {  	v47 =	vsel vm2, $0x1, v54;
	v0 =	vadd.s32 v44, v0;
	vm2 =	vmneg vm10  }
0x78: {  	vm10 =	vmneg vm13;
	v21 =	vsel vm1, $0x1, v54;
	vm1 =	vge.f32 v15, v14  }
0x79: {  	v0 =	vadd.s32 v24, v0;
	v63 =	vadd.s32 v47, v36;
	v14 =	vsel vm1, $0xFFFFFFFF, v26;
	v26 =	vld [tilespmem:$0x1FD00]  }
0x7a: {  	v36 =	vsel vm14, $0x1, v54;
	vm14 =	vmneg vm15;
	v44 =	vsel vm10, $0x1, v54  }
0x7b: {  	v47 =	vsel vm0, $0x1, v54;
	vm15 =	vmneg vm12;
	vm10 =	vmneg vm6  }
0x7c: {  	vm12 =	vmneg vm7;
	vm0 =	vge.f32 v5, v3;
	v0 =	vadd.s32 v21, v0  }
0x7d: {  	v38 =	vadd.s32 v37, v63;
	v63 =	vsel vm9, $0x1, v54;
	v37 =	vsel vm6, $0x1, v54  }
0x7e: {  	v21 =	vadd.s32 v63, v38;
	v63 =	vmax.f32 v8, v4;
	vm1 =	vnez.u8 v26  }
0x7f: {  	[tilespmem:$0x1FD10] =	vst v14;
	v38 =	vadd.s32 v37, v21;
	v14 =	vsel vm1, $0x1, v54;
	vm1 =	vmneg vm1  }
0x80: {  	v15 =	vsel vm1, $0x1, v54;
	vm1 =	vge.f32 v13, v12;
	v12 =	vadd.s32 v30, v29  }
0x81: {  	v13 =	vsel vm11, $0x1, v54;
	vm11 =	vmneg vm11;
	v30 =	vimm.s32 $0x3  }
0x82: {  	v29 =	vimm.s32 $0x4;
	v26 =	vsel vm11, $0x1, v54;
	vm11 =	vge.f32 v11, v10  }
0x83: {  	v31 =	vadd.s32 v31, v12;
	v11 =	vsel vm4, $0x1, v54;
	vm4 =	vmneg vm4  }
0x84: {  	v10 =	vadd.s32 v34, v31;
	v12 =	vsel vm4, $0x1, v54;
	vm4 =	vge.f32 v9, v1  }
0x85: {  	v34 =	vimm.s32 $0x7;
	v31 =	vimm.s32 $0x2;
	v9 =	vadd.s32 v14, v41  }
0x86: {  	v1 =	vadd.s32 v15, v39;
	v11 =	vadd.s32 v11, v43;
	v39 =	vsel vm2, $0x1, v54  }
0x87: {  	v43 =	vsel vm13, $0x1, v54;
	vm13 =	vmneg vm5;
	v10 =	vadd.s32 v35, v10  }
0x88: {  	v35 =	vimm.s32 $0x6;
	v1 =	vadd.s32 v26, v1;
	v26 =	vsel vm15, $0x1, v54  }
0x89: {  	v27 =	vadd.s32 v32, v10;
	v32 =	vimm.s32 $0x5;
	v10 =	vadd.s32 v13, v42  }
0x8a: {  	v1 =	vadd.s32 v12, v1;
	v12 =	vadd.s32 v33, v46;
	v42 =	vsel vm14, $0x1, v54  }
0x8b: {  	vm14 =	vmneg vm9;
	vm9 =	vmneg vm8;
	vm8 =	vge.f32 v8, v4  }
0x8c: {  	v4 =	vmin.f32 v8, v4;
	v1 =	vadd.s32 v36, v1;
	v41 =	vadd.s32 v40, v10  }
0x8d: {  	v9 =	vadd.s32 v42, v9;
	v10 =	vadd.s32 v43, v11;
	v46 =	vadd.s32 v45, v12  }
0x8e: {  	v24 =	vsel vm14, $0x1, v54;
	v36 =	vsel vm9, $0x1, v54;
	v40 =	vsel vm7, $0x1, v54  }
0x8f: {  	v42 =	vsel vm5, $0x1, v54;
	vm14 =	vmneg vm3;
	v43 =	vsel vm13, $0x1, v54  }
0x90: {  	vm2 =	vlt.u32 v27, $0x4;
	vm7 =	vlt.u32 v0, $0x4;
	vm5 =	vge.f32 v7, v6  }
0x91: {  	v14 =	vadd.s32 v39, v1;
	v9 =	vadd.s32 v44, v9;
	v1 =	vadd.s32 v26, v41  }
0x92: {  	v33 =	vadd.s32 v28, v46;
	v39 =	vsel vm10, $0x1, v54;
	v41 =	vsel vm12, $0x1, v54  }
0x93: {  	v11 =	vadd.s32 v42, v38;
	v44 =	vsel vm3, $0x1, v54;
	v45 =	vsel vm14, $0x1, v54  }
0x94: {  	v46 =	vmax.f32 v5, v3;
	v3 =	vmin.f32 v5, v3;
	v9 =	vadd.s32 v47, v9  }
0x95: {  	v1 =	vadd.s32 v36, v1;
	v11 =	vadd.s32 v44, v11;
	vm6 =	vlt.u32 v14, $0x4  }
0x96: {  	v47 =	vmax.f32 v7, v6;
	v6 =	vmin.f32 v7, v6;
	vm13 =	vge.f32 v2, v46  }
0x97: {  	v36 =	vsel vm0, $0x2, v30;
	v37 =	vmax.f32 v2, v46;
	v0 =	vmin.f32 v2, v46  }
0x98: {  	vm14 =	vge.f32 v17, v3;
	v14 =	vmin.f32 v17, v3;
	v44 =	vsel vm8, $0x6, v34  }
0x99: {  	v13 =	vadd.s32 v24, v9;
	v9 =	vadd.s32 v25, v10;
	v1 =	vadd.s32 v39, v1  }
0x9a: {  	v28 =	vld [tilespmem:$0x1FD10];
	v10 =	vadd.s32 v40, v33;
	v39 =	vmax.f32 v17, v3;
	v5 =	vmin.f32 v47, v63  }
0x9b: {  	vm9 =	vge.f32 v6, v4;
	v9 =	vadd.s32 v41, v9;
	v10 =	vadd.s32 v45, v10  }
0x9c: {  	vm3 =	vlt.u32 v13, $0x4;
	v41 =	vsel vm0, $0x3, v31;
	v45 =	vmax.f32 v47, v63  }
0x9d: {  	vm10 =	vge.f32 v39, v0;
	v30 =	vmax.f32 v39, v0;
	v0 =	vmin.f32 v39, v0  }
0x9e: {  	vm0 =	vlt.u32 v11, $0x4;
	v9 =	vadd.s32 v43, v9;
	v43 =	vsel vm5, $0x4, v32  }
0x9f: {  	v13 =	vmin.f32 v37, v45;
	vm12 =	vnez.u8 v28;
	v28 =	vmax.f32 v6, v4  }
0xa0: {  	v6 =	vmin.f32 v6, v4;
	v4 =	vmax.f32 v37, v45;
	vm15 =	vmneg vm12  }
0xa1: {  	v40 =	vsel vm12, $0x1, v54;
	vm12 =	vge.f32 v28, v5;
	v32 =	vmax.f32 v28, v5  }
0xa2: {  	v5 =	vmin.f32 v28, v5;
	v39 =	vmax.f32 v14, v6;
	v2 =	vmin.f32 v14, v6  }
0xa3: {  	v28 =	vmax.f32 v56, v59;
	v4 =	vnsel vm2, $0xFF800000, v4;
	v33 =	vsel vm15, $0x1, v54  }
0xa4: {  	v42 =	vsel vm14, v40, v41;
	v15 =	vsel vm14, v41, v40;
	vm15 =	vge.f32 v47, v63  }
0xa5: {  	v47 =	vsel vm5, $0x5, v29;
	v63 =	vsel vm8, $0x7, v35;
	vm14 =	vge.f32 v30, v32  }
0xa6: {  	v35 =	vmax.f32 v30, v32;
	v17 =	vmin.f32 v30, v32;
	vm5 =	vge.f32 v14, v6  }
0xa7: {  	v2 =	vnsel vm2, $0xFF800000, v2;
	v38 =	vsel vm13, v33, v36;
	v8 =	vsel vm13, v36, v33  }
0xa8: {  	v46 =	vsel vm15, v43, v44;
	v3 =	vsel vm15, v44, v43;
	v29 =	vsel vm9, v47, v63  }
0xa9: {  	v21 =	vsel vm9, v63, v47;
	vm13 =	vge.f32 v37, v45;
	vm15 =	vge.f32 v0, v5  }
0xaa: {  	v37 =	vmax.f32 v0, v5;
	v5 =	vmin.f32 v0, v5;
	vm9 =	vge.f32 v39, v17  }
0xab: {  	v43 =	vmax.f32 v39, v17;
	v17 =	vmin.f32 v39, v17;
	v45 =	vmax.f32 v58, v60  }
0xac: {  	v39 =	vimm.s32 $0xF;
	v47 =	vimm.s32 $0xA;
	v63 =	vmin.f32 v57, v61  }
0xad: {  	v31 =	vsel vm10, v42, v8;
	v8 =	vsel vm10, v8, v42;
	v33 =	vsel vm12, v29, v3  }
0xae: {  	v34 =	vsel vm12, v3, v29;
	v3 =	vsel vm13, v38, v46;
	v7 =	vsel vm13, v46, v38  }
0xaf: {  	v40 =	vsel vm5, v15, v21;
	v0 =	vsel vm5, v21, v15;
	vm8 =	vge.f32 v37, v13  }
0xb0: {  	v41 =	vmax.f32 v37, v13;
	v13 =	vmin.f32 v37, v13;
	vm13 =	vge.f32 v17, v5  }
0xb1: {  	v26 =	vmax.f32 v17, v5;
	v17 =	vmin.f32 v17, v5;
	v46 =	vmin.f32 v58, v60  }
0xb2: {  	vm5 =	vge.f32 v56, v59;
	v29 =	vmin.f32 v56, v59;
	v56 =	vimm.s32 $0xB  }
0xb3: {  	v59 =	vimm.s32 $0x9;
	v36 =	vsel vm14, v31, v33;
	v12 =	vsel vm14, v33, v31  }
0xb4: {  	v38 =	vsel vm15, v8, v34;
	v8 =	vsel vm15, v34, v8;
	vm10 =	vge.f32 v35, v41  }
0xb5: {  	v14 =	vmin.f32 v35, v41;
	vm12 =	vge.f32 v43, v13;
	v25 =	vmax.f32 v43, v13  }
0xb6: {  	v13 =	vmin.f32 v43, v13;
	vm14 =	vge.f32 v58, v60;
	v58 =	vimm.s32 $0x8  }
0xb7: {  	v60 =	vmax.f32 v57, v61;
	vm15 =	vge.f32 v16, v45;
	v32 =	vsel vm1, $0x8, v59  }
0xb8: {  	v34 =	vmax.f32 v16, v45;
	v17 =	vnsel vm2, $0xFF800000, v17;
	v42 =	vsel vm8, v38, v7  }
0xb9: {  	v7 =	vsel vm8, v7, v38;
	v44 =	vsel vm9, v40, v12;
	v6 =	vsel vm9, v12, v40  }
0xba: {  	v12 =	vmax.f32 v35, v41;
	v41 =	vimm.s32 $0xE;
	v40 =	vimm.s32 $0xC  }
0xbb: {  	vm8 =	vge.f32 v57, v61;
	v33 =	vsel vm14, $0xA, v56;
	v43 =	vsel vm1, $0x9, v58  }
0xbc: {  	v13 =	vnsel vm2, $0xFF800000, v13;
	vm1 =	vlt.u32 v9, $0x4;
	v24 =	vsel vm10, v36, v42  }
0xbd: {  	v15 =	vsel vm10, v42, v36;
	v21 =	vsel vm12, v44, v7;
	v7 =	vsel vm12, v7, v44  }
0xbe: {  	v27 =	vsel vm13, v6, v8;
	v5 =	vsel vm13, v8, v6;
	v42 =	vimm.s32 $0xD  }
0xbf: {  	v6 =	vmin.f32 v16, v45;
	v16 =	vsel vm15, v32, v33;
	v32 =	vsel vm15, v33, v32  }
0xc0: {  	vm12 =	vge.f32 v62, v46;
	v44 =	vsel vm14, $0xB, v47;
	v45 =	vmax.f32 v62, v46  }
0xc1: {  	v8 =	vmin.f32 v62, v46;
	vm13 =	vge.f32 v28, v60;
	v47 =	vmax.f32 v28, v60  }
0xc2: {  	v28 =	vmin.f32 v28, v60;
	v57 =	vsel vm8, $0xE, v39;
	vm14 =	vge.f32 v29, v63  }
0xc3: {  	v58 =	vsel vm5, $0xD, v40;
	v59 =	vsel vm8, $0xF, v41;
	v60 =	vmax.f32 v29, v63  }
0xc4: {  	v29 =	vmin.f32 v29, v63;
	v12 =	vnsel vm2, $0xFF800000, v12;
	v46 =	vsel vm12, v43, v44  }
0xc5: {  	v33 =	vsel vm12, v44, v43;
	v56 =	vsel vm5, $0xC, v42;
	v61 =	vsel vm14, v58, v59  }
0xc6: {  	v38 =	vsel vm14, v59, v58;
	vm15 =	vge.f32 v45, v6;
	v62 =	vmax.f32 v45, v6  }
0xc7: {  	v6 =	vmin.f32 v45, v6;
	vm5 =	vge.f32 v60, v28;
	v44 =	vmax.f32 v60, v28  }
0xc8: {  	v28 =	vmin.f32 v60, v28;
	vm8 =	vge.f32 v34, v47;
	v31 =	vmax.f32 v34, v47  }
0xc9: {  	v34 =	vmin.f32 v34, v47;
	vm12 =	vge.f32 v8, v29;
	v58 =	vmax.f32 v8, v29  }
0xca: {  	v8 =	vmin.f32 v8, v29;
	v39 =	vsel vm13, v56, v57;
	v30 =	vsel vm13, v57, v56  }
0xcb: {  	v63 =	vsel vm15, v46, v32;
	v32 =	vsel vm15, v32, v46;
	vm9 =	vge.f32 v62, v44  }
0xcc: {  	v46 =	vmax.f32 v62, v44;
	v37 =	vmin.f32 v62, v44;
	vm10 =	vge.f32 v6, v28  }
0xcd: {  	v56 =	vmax.f32 v6, v28;
	v6 =	vmin.f32 v6, v28;
	v59 =	vsel vm12, v33, v38  }
0xce: {  	v33 =	vsel vm12, v38, v33;
	v8 =	vnsel vm7, $0xFF800000, v8;
	v45 =	vsel vm5, v61, v30  }
0xcf: {  	v30 =	vsel vm5, v30, v61;
	v35 =	vsel vm8, v16, v39;
	v16 =	vsel vm8, v39, v16  }
0xd0: {  	vm13 =	vge.f32 v56, v34;
	v60 =	vmax.f32 v56, v34;
	v34 =	vmin.f32 v56, v34  }
0xd1: {  	vm14 =	vge.f32 v58, v37;
	v62 =	vmax.f32 v58, v37;
	v47 =	vsel vm9, v63, v45  }
0xd2: {  	v36 =	vsel vm9, v45, v63;
	v57 =	vsel vm10, v32, v30;
	v30 =	vsel vm10, v30, v32  }
0xd3: {  	v32 =	vmin.f32 v58, v37;
	vm15 =	vge.f32 v46, v60;
	v38 =	vmin.f32 v46, v60  }
0xd4: {  	vm5 =	vge.f32 v62, v34;
	v45 =	vmax.f32 v62, v34;
	v28 =	vmin.f32 v62, v34  }
0xd5: {  	vm9 =	vge.f32 v4, v8;
	v4 =	vmax.f32 v4, v8;
	v61 =	vsel vm13, v57, v16  }
0xd6: {  	v16 =	vsel vm13, v16, v57;
	v63 =	vsel vm14, v59, v36;
	v29 =	vsel vm14, v36, v59  }
0xd7: {  	v36 =	vmax.f32 v46, v60;
	vm8 =	vge.f32 v32, v6;
	v3 =	vsel vm9, v3, v33  }
0xd8: {  	v57 =	vnsel vm2, $0xFF800000, v14;
	v62 =	vnsel vm7, $0xFF800000, v28;
	v44 =	vsel vm15, v47, v61  }
0xd9: {  	v40 =	vsel vm15, v61, v47;
	v46 =	vsel vm5, v63, v16;
	v16 =	vsel vm5, v16, v63  }
0xda: {  	v47 =	vmax.f32 v32, v6;
	v6 =	vmin.f32 v32, v6;
	v56 =	vsel vm8, v29, v30  }
0xdb: {  	v29 =	vsel vm8, v30, v29;
	v61 =	vnsel vm2, $0xFF800000, v25;
	v63 =	vnsel vm7, $0xFF800000, v45  }
0xdc: {  	vm5 =	vlt.u32 v1, $0x4;
	v25 =	vnsel vm2, $0xFF800000, v26;
	v26 =	vnsel vm7, $0xFF800000, v38  }
0xdd: {  	v28 =	vnsel vm7, $0xFF800000, v36;
	v30 =	vnsel vm7, $0xFF800000, v31;
	vm2 =	vge.f32 v50, v51  }
0xde: {  	v6 =	vnsel vm7, $0xFF800000, v6;
	v58 =	vnsel vm7, $0xFF800000, v47;
	vm13 =	vge.f32 v61, v62  }
0xdf: {  	vm14 =	vge.f32 v13, v63;
	vm15 =	vge.f32 v25, v26;
	v9 =	vmax.f32 v25, v26  }
0xe0: {  	vm8 =	vge.f32 v17, v28;
	v17 =	vmax.f32 v17, v28;
	vm9 =	vge.f32 v2, v30  }
0xe1: {  	v2 =	vmax.f32 v2, v30;
	v47 =	vmax.f32 v48, v49;
	v25 =	vmax.f32 v50, v51  }
0xe2: {  	v26 =	vmin.f32 v50, v51;
	v28 =	vmin.f32 v52, v53;
	v51 =	vimm.s32 $0x22  }
0xe3: {  	v50 =	vimm.s32 $0x23;
	vm10 =	vge.f32 v12, v6;
	v6 =	vmax.f32 v12, v6  }
0xe4: {  	vm12 =	vge.f32 v57, v58;
	v8 =	vmax.f32 v57, v58;
	v16 =	vsel vm13, v21, v16  }
0xe5: {  	v7 =	vsel vm14, v7, v46;
	v5 =	vsel vm8, v5, v44;
	v0 =	vsel vm9, v0, v35  }
0xe6: {  	v57 =	vimm.s32 $0x13;
	v58 =	vimm.s32 $0x10;
	v59 =	vsel vm10, v24, v29  }
0xe7: {  	v60 =	vsel vm12, v15, v56;
	v15 =	vmax.f32 v61, v62;
	v24 =	vmax.f32 v13, v63  }
0xe8: {  	v29 =	vsel vm15, v27, v40;
	vm12 =	vge.f32 v6, v9;
	v33 =	vmax.f32 v6, v9  }
0xe9: {  	v6 =	vmin.f32 v6, v9;
	vm13 =	vge.f32 v8, v17;
	v35 =	vmax.f32 v8, v17  }
0xea: {  	v8 =	vmin.f32 v8, v17;
	v27 =	vmax.f32 v52, v53;
	v56 =	vimm.s32 $0x12  }
0xeb: {  	v61 =	vsel vm11, $0x11, v58;
	vm10 =	vge.f32 v4, v24;
	v31 =	vmax.f32 v4, v24  }
0xec: {  	v1 =	vmin.f32 v4, v24;
	v34 =	vsel vm12, v59, v29;
	v13 =	vsel vm12, v29, v59  }
0xed: {  	v36 =	vsel vm13, v60, v5;
	v5 =	vsel vm13, v5, v60;
	vm14 =	vge.f32 v15, v2  }
0xee: {  	v37 =	vmax.f32 v15, v2;
	v2 =	vmin.f32 v15, v2;
	v24 =	vmin.f32 v48, v49  }
0xef: {  	v29 =	vmax.f32 v55, v47;
	v59 =	vimm.s32 $0x11;
	v32 =	vsel vm10, v3, v7  }
0xf0: {  	v3 =	vsel vm10, v7, v3;
	v38 =	vsel vm14, v16, v0;
	v0 =	vsel vm14, v0, v16  }
0xf1: {  	vm15 =	vge.f32 v31, v35;
	v39 =	vmax.f32 v31, v35;
	v14 =	vmin.f32 v31, v35  }
0xf2: {  	vm7 =	vge.f32 v33, v37;
	v41 =	vmax.f32 v33, v37;
	v7 =	vmin.f32 v33, v37  }
0xf3: {  	vm8 =	vge.f32 v1, v8;
	v43 =	vmax.f32 v1, v8;
	v1 =	vmin.f32 v1, v8  }
0xf4: {  	vm9 =	vge.f32 v6, v2;
	v45 =	vmax.f32 v6, v2;
	v2 =	vmin.f32 v6, v2  }
0xf5: {  	v37 =	vimm.s32 $0x17;
	v30 =	vsel vm11, $0x10, v59;
	v59 =	vmax.f32 v26, v28  }
0xf6: {  	v40 =	vsel vm15, v32, v36;
	v4 =	vsel vm15, v36, v32;
	v42 =	vsel vm7, v34, v38  }
0xf7: {  	v9 =	vsel vm7, v38, v34;
	v44 =	vsel vm8, v3, v5;
	v3 =	vsel vm8, v5, v3  }
0xf8: {  	v46 =	vsel vm9, v13, v0;
	v0 =	vsel vm9, v0, v13;
	vm10 =	vge.f32 v39, v41  }
0xf9: {  	v13 =	vmax.f32 v39, v41;
	v16 =	vmin.f32 v39, v41;
	vm12 =	vge.f32 v14, v7  }
0xfa: {  	v21 =	vmax.f32 v14, v7;
	v7 =	vmin.f32 v14, v7;
	vm13 =	vge.f32 v43, v45  }
0xfb: {  	v5 =	vmin.f32 v43, v45;
	vm14 =	vge.f32 v1, v2;
	v8 =	vmax.f32 v1, v2  }
0xfc: {  	v1 =	vmin.f32 v1, v2;
	vm15 =	vge.f32 v48, v49;
	vm7 =	vge.f32 v52, v53  }
0xfd: {  	v53 =	vimm.s32 $0x24;
	v52 =	vimm.s32 $0x25;
	v49 =	vimm.s32 $0x20  }
0xfe: {  	v48 =	vimm.s32 $0x21;
	v41 =	vimm.s32 $0x18;
	v39 =	vimm.s32 $0x16  }
0xff: {  	v38 =	vimm.s32 $0x14;
	v36 =	vimm.s32 $0x15;
	v17 =	vsel vm10, v40, v42  }
0x100: {  	v12 =	vsel vm10, v42, v40;
	v14 =	vsel vm12, v4, v9;
	v4 =	vsel vm12, v9, v4  }
0x101: {  	v9 =	vmax.f32 v43, v45;
	v15 =	vsel vm13, v44, v46;
	v6 =	vsel vm13, v46, v44  }
0x102: {  	v2 =	vsel vm14, v3, v0;
	v0 =	vsel vm14, v0, v3;
	vm12 =	vge.f32 v55, v47  }
0x103: {  	v3 =	vmin.f32 v55, v47;
	v55 =	vimm.s32 $0x27;
	v47 =	vimm.s32 $0x1E  }
0x104: {  	v46 =	vimm.s32 $0x1F;
	v45 =	vimm.s32 $0x1C;
	v44 =	vimm.s32 $0x1D  }
0x105: {  	v43 =	vimm.s32 $0x1A;
	v42 =	vimm.s32 $0x1B;
	v40 =	vimm.s32 $0x19  }
0x106: {  	v60 =	vld [tilespmem:$0x1FD20];
	v31 =	vsel vm15, $0x12, v57;
	v62 =	vsel vm15, $0x13, v56;
	vm14 =	vge.f32 v25, v27  }
0x107: {  	v56 =	vsel vm2, $0x14, v36;
	v57 =	vsel vm7, $0x16, v37;
	v37 =	vmax.f32 v25, v27  }
0x108: {  	v25 =	vmin.f32 v25, v27;
	vm15 =	vge.f32 v26, v28;
	v26 =	vmin.f32 v26, v28  }
0x109: {  	v32 =	vsel vm12, v30, v31;
	v30 =	vsel vm12, v31, v30;
	v58 =	vsel vm14, v56, v57  }
0x10a: {  	v33 =	vsel vm14, v57, v56;
	vm8 =	vge.f32 v59, v25;
	v56 =	vmax.f32 v59, v25  }
0x10b: {  	v25 =	vmin.f32 v59, v25;
	vm9 =	vge.f32 v29, v37;
	vm13 =	vge.f32 v60, v24  }
0x10c: {  	v63 =	vmax.f32 v60, v24;
	v24 =	vmin.f32 v60, v24;
	v60 =	vsel vm2, $0x15, v38  }
0x10d: {  	v27 =	vsel vm9, v58, v32;
	vm2 =	vlt.u32 v10, $0x4;
	v35 =	vsel vm13, v61, v62  }
0x10e: {  	v31 =	vsel vm13, v62, v61;
	v61 =	vsel vm7, $0x17, v39;
	vm7 =	vge.f32 v63, v3  }
0x10f: {  	v62 =	vmax.f32 v63, v3;
	v3 =	vmin.f32 v63, v3;
	vm12 =	vge.f32 v24, v26  }
0x110: {  	v39 =	vsel vm15, v60, v61;
	v28 =	vsel vm15, v61, v60;
	v63 =	vsel vm7, v35, v30  }
0x111: {  	v30 =	vsel vm7, v30, v35;
	vm10 =	vge.f32 v62, v56;
	v35 =	vmin.f32 v62, v56  }
0x112: {  	vm11 =	vge.f32 v3, v25;
	v60 =	vmax.f32 v24, v26;
	v24 =	vmin.f32 v24, v26  }
0x113: {  	v57 =	vsel vm8, v39, v33;
	v33 =	vsel vm8, v33, v39;
	v39 =	vmax.f32 v29, v37  }
0x114: {  	v29 =	vmin.f32 v29, v37;
	v37 =	vsel vm9, v32, v58;
	v32 =	vmax.f32 v62, v56  }
0x115: {  	v58 =	vmax.f32 v3, v25;
	v3 =	vmin.f32 v3, v25;
	v61 =	vsel vm12, v31, v28  }
0x116: {  	v28 =	vsel vm12, v28, v31;
	vm14 =	vge.f32 v60, v35;
	v56 =	vmax.f32 v60, v35  }
0x117: {  	v24 =	vnsel vm6, $0xFF800000, v24;
	v38 =	vsel vm10, v63, v57;
	v34 =	vsel vm10, v57, v63  }
0x118: {  	v59 =	vsel vm11, v30, v33;
	v30 =	vsel vm11, v33, v30;
	vm13 =	vge.f32 v58, v29  }
0x119: {  	v62 =	vmax.f32 v58, v29;
	v29 =	vmin.f32 v58, v29;
	v33 =	vmin.f32 v60, v35  }
0x11a: {  	vm9 =	vge.f32 v13, v24;
	v13 =	vmax.f32 v13, v24;
	v63 =	vsel vm13, v59, v27  }
0x11b: {  	v25 =	vsel vm13, v27, v59;
	v57 =	vsel vm14, v61, v34;
	v26 =	vsel vm14, v34, v61  }
0x11c: {  	vm15 =	vge.f32 v32, v62;
	v58 =	vmax.f32 v32, v62;
	v31 =	vmin.f32 v32, v62  }
0x11d: {  	vm7 =	vge.f32 v56, v29;
	v60 =	vmax.f32 v56, v29;
	v27 =	vmin.f32 v56, v29  }
0x11e: {  	vm8 =	vge.f32 v33, v3;
	v62 =	vmax.f32 v33, v3;
	v3 =	vmin.f32 v33, v3  }
0x11f: {  	v17 =	vsel vm9, v17, v28;
	v56 =	vnsel vm6, $0xFF800000, v39;
	v59 =	vsel vm15, v38, v63  }
0x120: {  	v36 =	vsel vm15, v63, v38;
	v61 =	vsel vm7, v57, v25;
	v25 =	vsel vm7, v25, v57  }
0x121: {  	v63 =	vsel vm8, v26, v30;
	v26 =	vsel vm8, v30, v26;
	v3 =	vnsel vm6, $0xFF800000, v3  }
0x122: {  	v28 =	vnsel vm6, $0xFF800000, v27;
	v30 =	vnsel vm6, $0xFF800000, v60;
	v33 =	vnsel vm6, $0xFF800000, v31  }
0x123: {  	v38 =	vnsel vm6, $0xFF800000, v58;
	vm10 =	vge.f32 v16, v3;
	v3 =	vmax.f32 v16, v3  }
0x124: {  	vm12 =	vge.f32 v7, v28;
	v7 =	vmax.f32 v7, v28;
	vm13 =	vge.f32 v9, v30  }
0x125: {  	v9 =	vmax.f32 v9, v30;
	vm14 =	vge.f32 v5, v33;
	v5 =	vmax.f32 v5, v33  }
0x126: {  	vm15 =	vge.f32 v8, v38;
	v8 =	vmax.f32 v8, v38;
	v12 =	vsel vm10, v12, v26  }
0x127: {  	v26 =	vnsel vm6, $0xFF800000, v62;
	v4 =	vsel vm12, v4, v25;
	v35 =	vsel vm13, v15, v61  }
0x128: {  	v6 =	vsel vm14, v6, v36;
	v2 =	vsel vm15, v2, v59;
	vm6 =	vge.f32 v1, v56  }
0x129: {  	v1 =	vmax.f32 v1, v56;
	vm9 =	vge.f32 v13, v9;
	v57 =	vmax.f32 v13, v9  }
0x12a: {  	v9 =	vmin.f32 v13, v9;
	vm10 =	vge.f32 v3, v5;
	v59 =	vmax.f32 v3, v5  }
0x12b: {  	v3 =	vmin.f32 v3, v5;
	vm11 =	vge.f32 v21, v26;
	v16 =	vmax.f32 v21, v26  }
0x12c: {  	v0 =	vsel vm6, v0, v37;
	v58 =	vsel vm9, v17, v35;
	v11 =	vsel vm9, v35, v17  }
0x12d: {  	v60 =	vsel vm10, v12, v6;
	v6 =	vsel vm10, v6, v12;
	vm12 =	vge.f32 v7, v1  }
0x12e: {  	v14 =	vsel vm11, v14, v63;
	vm11 =	vge.f32 v16, v8;
	v61 =	vmax.f32 v16, v8  }
0x12f: {  	v8 =	vmin.f32 v16, v8;
	v63 =	vmax.f32 v7, v1;
	v1 =	vmin.f32 v7, v1  }
0x130: {  	v21 =	vsel vm12, v4, v0;
	v0 =	vsel vm12, v0, v4;
	v62 =	vsel vm11, v14, v2  }
0x131: {  	v2 =	vsel vm11, v2, v14;
	vm13 =	vge.f32 v57, v61;
	v24 =	vmax.f32 v57, v61  }
0x132: {  	v10 =	vmin.f32 v57, v61;
	vm14 =	vge.f32 v59, v63;
	v26 =	vmax.f32 v59, v63  }
0x133: {  	v14 =	vmin.f32 v59, v63;
	vm15 =	vge.f32 v9, v8;
	v28 =	vmax.f32 v9, v8  }
0x134: {  	v8 =	vmin.f32 v9, v8;
	vm9 =	vge.f32 v3, v1;
	v30 =	vmax.f32 v3, v1  }
0x135: {  	v32 =	vld [tilespmem:$0x1FD30];
	v1 =	vmin.f32 v3, v1;
	v61 =	vsel vm4, $0x19, v41;
	v25 =	vsel vm13, v58, v62  }
0x136: {  	v39 =	vld [tilespmem:$0x1FD80];
	v13 =	vsel vm13, v62, v58;
	v27 =	vsel vm14, v60, v21;
	v5 =	vsel vm14, v21, v60  }
0x137: {  	v33 =	vld [tilespmem:$0x1FD40];
	v29 =	vsel vm15, v11, v2;
	v2 =	vsel vm15, v2, v11;
	v31 =	vsel vm9, v6, v0  }
0x138: {  	v38 =	vld [tilespmem:$0x1FD70];
	v0 =	vsel vm9, v0, v6;
	vm10 =	vge.f32 v24, v26;
	v6 =	vmax.f32 v24, v26  }
0x139: {  	v4 =	vmin.f32 v24, v26;
	vm11 =	vge.f32 v10, v14;
	v15 =	vmax.f32 v10, v14  }
0x13a: {  	v10 =	vmin.f32 v10, v14;
	vm12 =	vge.f32 v28, v30;
	v7 =	vmin.f32 v28, v30  }
0x13b: {  	vm13 =	vge.f32 v8, v1;
	v9 =	vmax.f32 v8, v1;
	v1 =	vmin.f32 v8, v1  }
0x13c: {  	v36 =	vld [tilespmem:$0x1FD60];
	vm14 =	vge.f32 v32, v33;
	v34 =	vmax.f32 v32, v33;
	v17 =	vmin.f32 v32, v33  }
0x13d: {  	v35 =	vld [tilespmem:$0x1FD50];
	vm8 =	vge.f32 v38, v39;
	v56 =	vmax.f32 v38, v39;
	v26 =	vmin.f32 v38, v39  }
0x13e: {  	v58 =	vsel vm4, $0x18, v40;
	v16 =	vsel vm10, v25, v27;
	v12 =	vsel vm10, v27, v25  }
0x13f: {  	v14 =	vsel vm11, v13, v5;
	v5 =	vsel vm11, v5, v13;
	v13 =	vmax.f32 v28, v30  }
0x140: {  	v11 =	vsel vm12, v29, v31;
	v3 =	vsel vm12, v31, v29;
	v8 =	vsel vm13, v2, v0  }
0x141: {  	v57 =	vld [tilespmem:$0x1FD90];
	v0 =	vsel vm13, v0, v2;
	v59 =	vsel vm14, $0x1A, v42;
	v62 =	vsel vm14, $0x1B, v43  }
0x142: {  	v42 =	vsel vm8, $0x1E, v46;
	vm7 =	vge.f32 v35, v36;
	v37 =	vmax.f32 v35, v36  }
0x143: {  	v24 =	vmin.f32 v35, v36;
	vm13 =	vge.f32 v37, v56;
	v41 =	vsel vm7, $0x1C, v44  }
0x144: {  	v60 =	vld [tilespmem:$0x1FDA0];
	v43 =	vmax.f32 v37, v56;
	v21 =	vmin.f32 v37, v56;
	vm14 =	vge.f32 v24, v26  }
0x145: {  	v46 =	vmax.f32 v24, v26;
	v24 =	vmin.f32 v24, v26;
	v56 =	vsel vm7, $0x1D, v45  }
0x146: {  	vm15 =	vge.f32 v57, v34;
	v27 =	vmax.f32 v57, v34;
	v2 =	vmin.f32 v57, v34  }
0x147: {  	v44 =	vsel vm13, v41, v42;
	v31 =	vsel vm13, v42, v41;
	v57 =	vsel vm8, $0x1F, v47  }
0x148: {  	vm8 =	vge.f32 v46, v21;
	v30 =	vsel vm15, v58, v59;
	v28 =	vsel vm15, v59, v58  }
0x149: {  	vm12 =	vge.f32 v60, v17;
	v63 =	vmax.f32 v60, v17;
	v17 =	vmin.f32 v60, v17  }
0x14a: {  	v58 =	vsel vm14, v56, v57;
	v26 =	vsel vm14, v57, v56;
	vm9 =	vge.f32 v27, v43  }
0x14b: {  	v37 =	vmax.f32 v27, v43;
	v27 =	vmin.f32 v27, v43;
	v40 =	vsel vm12, v61, v62  }
0x14c: {  	v29 =	vsel vm12, v62, v61;
	vm15 =	vge.f32 v63, v2;
	v59 =	vmax.f32 v63, v2  }
0x14d: {  	v2 =	vmin.f32 v63, v2;
	v61 =	vmax.f32 v46, v21;
	v21 =	vmin.f32 v46, v21  }
0x14e: {  	v62 =	vsel vm8, v58, v31;
	v31 =	vsel vm8, v31, v58;
	v35 =	vsel vm9, v30, v44  }
0x14f: {  	v25 =	vsel vm9, v44, v30;
	vm12 =	vge.f32 v17, v24;
	v43 =	vmax.f32 v17, v24  }
0x150: {  	v17 =	vmin.f32 v17, v24;
	v60 =	vsel vm15, v40, v28;
	v28 =	vsel vm15, v28, v40  }
0x151: {  	vm10 =	vge.f32 v59, v61;
	v63 =	vmax.f32 v59, v61;
	v33 =	vmin.f32 v59, v61  }
0x152: {  	vm11 =	vge.f32 v2, v21;
	v41 =	vmax.f32 v2, v21;
	v2 =	vmin.f32 v2, v21  }
0x153: {  	v44 =	vsel vm12, v29, v26;
	v26 =	vsel vm12, v26, v29;
	v17 =	vnsel vm3, $0xFF800000, v17  }
0x154: {  	v40 =	vsel vm10, v60, v62;
	v32 =	vsel vm10, v62, v60;
	v42 =	vsel vm11, v28, v31  }
0x155: {  	v28 =	vsel vm11, v31, v28;
	vm13 =	vge.f32 v41, v27;
	v45 =	vmax.f32 v41, v27  }
0x156: {  	v27 =	vmin.f32 v41, v27;
	vm14 =	vge.f32 v43, v33;
	v47 =	vmax.f32 v43, v33  }
0x157: {  	v31 =	vmin.f32 v43, v33;
	vm10 =	vge.f32 v6, v17;
	v6 =	vmax.f32 v6, v17  }
0x158: {  	v46 =	vsel vm13, v42, v25;
	v21 =	vsel vm13, v25, v42;
	v56 =	vsel vm14, v44, v32  }
0x159: {  	v24 =	vsel vm14, v32, v44;
	vm15 =	vge.f32 v63, v45;
	v57 =	vmax.f32 v63, v45  }
0x15a: {  	v29 =	vmin.f32 v63, v45;
	vm8 =	vge.f32 v47, v27;
	v59 =	vmax.f32 v47, v27  }
0x15b: {  	v25 =	vmin.f32 v47, v27;
	vm9 =	vge.f32 v31, v2;
	v61 =	vmax.f32 v31, v2  }
0x15c: {  	v2 =	vmin.f32 v31, v2;
	v16 =	vsel vm10, v16, v26;
	v58 =	vsel vm15, v40, v46  }
0x15d: {  	v34 =	vsel vm15, v46, v40;
	v60 =	vsel vm8, v56, v21;
	v21 =	vsel vm8, v21, v56  }
0x15e: {  	v62 =	vsel vm9, v24, v28;
	v24 =	vsel vm9, v28, v24;
	v2 =	vnsel vm3, $0xFF800000, v2  }
0x15f: {  	v25 =	vnsel vm3, $0xFF800000, v25;
	v26 =	vnsel vm3, $0xFF800000, v59;
	v28 =	vnsel vm3, $0xFF800000, v37  }
0x160: {  	v31 =	vnsel vm3, $0xFF800000, v29;
	v33 =	vnsel vm3, $0xFF800000, v57;
	vm11 =	vge.f32 v4, v2  }
0x161: {  	v2 =	vmax.f32 v4, v2;
	vm13 =	vge.f32 v10, v25;
	v10 =	vmax.f32 v10, v25  }
0x162: {  	vm14 =	vge.f32 v13, v26;
	v13 =	vmax.f32 v13, v26;
	vm15 =	vge.f32 v7, v31  }
0x163: {  	v7 =	vmax.f32 v7, v31;
	vm6 =	vge.f32 v9, v33;
	v9 =	vmax.f32 v9, v33  }
0x164: {  	vm7 =	vge.f32 v1, v28;
	v1 =	vmax.f32 v1, v28;
	v63 =	vsel vm11, v12, v24  }
0x165: {  	v24 =	vnsel vm3, $0xFF800000, v61;
	v5 =	vsel vm13, v5, v21;
	v11 =	vsel vm14, v11, v60  }
0x166: {  	v3 =	vsel vm15, v3, v34;
	v8 =	vsel vm6, v8, v58;
	v0 =	vsel vm7, v0, v35  }
0x167: {  	vm8 =	vge.f32 v6, v13;
	v35 =	vmax.f32 v6, v13;
	v6 =	vmin.f32 v6, v13  }
0x168: {  	vm9 =	vge.f32 v2, v7;
	v37 =	vmax.f32 v2, v7;
	v2 =	vmin.f32 v2, v7  }
0x169: {  	vm11 =	vge.f32 v10, v1;
	v41 =	vmax.f32 v10, v1;
	v1 =	vmin.f32 v10, v1  }
0x16a: {  	vm12 =	vge.f32 v15, v24;
	v12 =	vmax.f32 v15, v24;
	v36 =	vsel vm8, v16, v11  }
0x16b: {  	v11 =	vsel vm8, v11, v16;
	v38 =	vsel vm9, v63, v3;
	v3 =	vsel vm9, v3, v63  }
0x16c: {  	v42 =	vsel vm11, v5, v0;
	v0 =	vsel vm11, v0, v5;
	vm13 =	vge.f32 v37, v41  }
0x16d: {  	v45 =	vmax.f32 v37, v41;
	vm15 =	vge.f32 v2, v1;
	v57 =	vmax.f32 v2, v1  }
0x16e: {  	v1 =	vmin.f32 v2, v1;
	v14 =	vsel vm12, v14, v62;
	vm10 =	vge.f32 v12, v9  }
0x16f: {  	v39 =	vmax.f32 v12, v9;
	v9 =	vmin.f32 v12, v9;
	v46 =	vsel vm13, v38, v42  }
0x170: {  	v7 =	vsel vm13, v42, v38;
	v58 =	vsel vm15, v3, v0;
	v0 =	vsel vm15, v0, v3  }
0x171: {  	v42 =	vimm.s32 $0x2C;
	v38 =	vimm.s32 $0x28;
	v40 =	vsel vm10, v14, v8  }
0x172: {  	v8 =	vsel vm10, v8, v14;
	vm12 =	vge.f32 v35, v39;
	v43 =	vmax.f32 v35, v39  }
0x173: {  	v4 =	vmin.f32 v35, v39;
	v14 =	vmin.f32 v37, v41;
	vm14 =	vge.f32 v6, v9  }
0x174: {  	v47 =	vmax.f32 v6, v9;
	v6 =	vmin.f32 v6, v9;
	v41 =	vimm.s32 $0x2D  }
0x175: {  	v39 =	vimm.s32 $0x2B;
	v37 =	vimm.s32 $0x29;
	v44 =	vsel vm12, v36, v40  }
0x176: {  	v12 =	vsel vm12, v40, v36;
	v56 =	vsel vm14, v11, v8;
	v8 =	vsel vm14, v8, v11  }
0x177: {  	vm6 =	vge.f32 v43, v45;
	v3 =	vmax.f32 v43, v45;
	v5 =	vmin.f32 v43, v45  }
0x178: {  	v59 =	vld [tilespmem:$0x1FDB0];
	vm7 =	vge.f32 v4, v14;
	v16 =	vmax.f32 v4, v14;
	v4 =	vmin.f32 v4, v14  }
0x179: {  	v60 =	vld [tilespmem:$0x1FDC0];
	vm8 =	vge.f32 v47, v57;
	v10 =	vmin.f32 v47, v57;
	vm9 =	vge.f32 v6, v1  }
0x17a: {  	v9 =	vmax.f32 v6, v1;
	v1 =	vmin.f32 v6, v1;
	v45 =	vimm.s32 $0x31  }
0x17b: {  	v61 =	vld [tilespmem:$0x1FDD0];
	v43 =	vimm.s32 $0x2F;
	v40 =	vimm.s32 $0x2A;
	v13 =	vsel vm6, v44, v46  }
0x17c: {  	v62 =	vld [tilespmem:$0x1FDE0];
	v15 =	vsel vm6, v46, v44;
	v14 =	vsel vm7, v12, v7;
	v7 =	vsel vm7, v7, v12  }
0x17d: {  	v12 =	vmax.f32 v47, v57;
	v11 =	vsel vm8, v56, v58;
	v2 =	vsel vm8, v58, v56  }
0x17e: {  	v6 =	vsel vm9, v8, v0;
	v0 =	vsel vm9, v0, v8;
	vm10 =	vge.f32 v60, v59;
	v56 =	vld [tilespmem:$0x1FDF0]  }
0x17f: {  	v57 =	vld [tilespmem:$0x1FE00];
	v47 =	vimm.s32 $0x33;
	v46 =	vimm.s32 $0x30;
	v44 =	vimm.s32 $0x2E  }
0x180: {  	v58 =	vld [tilespmem:$0x1FE10];
	v8 =	vsel vm10, $0x20, v48;
	v17 =	vsel vm10, $0x21, v49;
	v49 =	vimm.s32 $0x35  }
0x181: {  	v59 =	vld [tilespmem:$0x1FE20];
	v48 =	vimm.s32 $0x32;
	vm11 =	vge.f32 v61, v62;
	v21 =	vmax.f32 v61, v62  }
0x182: {  	v24 =	vmin.f32 v61, v62;
	v62 =	vimm.s32 $0x26;
	v63 =	vsel vm11, $0x22, v50  }
0x183: {  	v26 =	vsel vm11, $0x23, v51;
	v51 =	vimm.s32 $0x37;
	v50 =	vimm.s32 $0x34  }
0x184: {  	vm14 =	vge.f32 v22, v21;
	v35 =	vmax.f32 v22, v21;
	v21 =	vmin.f32 v22, v21  }
0x185: {  	v22 =	vsel vm14, v8, v63;
	v8 =	vsel vm14, v63, v8;
	vm12 =	vge.f32 v56, v57  }
0x186: {  	v27 =	vmax.f32 v56, v57;
	v28 =	vmin.f32 v56, v57;
	vm13 =	vge.f32 v58, v59  }
0x187: {  	v60 =	vmax.f32 v58, v59;
	v32 =	vmin.f32 v58, v59;
	v29 =	vsel vm12, $0x24, v52  }
0x188: {  	v30 =	vsel vm12, $0x25, v53;
	v61 =	vsel vm13, $0x26, v55;
	v55 =	vimm.s32 $0x38  }
0x189: {  	v63 =	vld [tilespmem:$0x1FE30];
	v53 =	vimm.s32 $0x39;
	v52 =	vimm.s32 $0x36;
	v34 =	vsel vm13, $0x27, v62  }
0x18a: {  	vm6 =	vge.f32 v27, v60;
	v58 =	vmax.f32 v27, v60;
	v27 =	vmin.f32 v27, v60  }
0x18b: {  	vm7 =	vge.f32 v28, v32;
	v60 =	vmax.f32 v28, v32;
	v28 =	vmin.f32 v28, v32  }
0x18c: {  	v59 =	vsel vm6, v29, v61;
	v29 =	vsel vm6, v61, v29;
	v61 =	vsel vm7, v30, v34  }
0x18d: {  	v30 =	vsel vm7, v34, v30;
	vm9 =	vge.f32 v60, v27;
	vm10 =	vge.f32 v35, v58  }
0x18e: {  	v32 =	vmax.f32 v35, v58;
	vm15 =	vge.f32 v63, v24;
	v56 =	vmax.f32 v63, v24  }
0x18f: {  	v24 =	vmin.f32 v63, v24;
	v57 =	vsel vm15, v17, v26;
	v17 =	vsel vm15, v26, v17  }
0x190: {  	vm8 =	vge.f32 v56, v21;
	v62 =	vmax.f32 v56, v21;
	v21 =	vmin.f32 v56, v21  }
0x191: {  	v56 =	vmax.f32 v60, v27;
	v27 =	vmin.f32 v60, v27;
	v26 =	vmin.f32 v35, v58  }
0x192: {  	v35 =	vsel vm10, v22, v59;
	v22 =	vsel vm10, v59, v22;
	vm13 =	vge.f32 v24, v28  }
0x193: {  	v60 =	vmax.f32 v24, v28;
	v24 =	vmin.f32 v24, v28;
	v63 =	vsel vm8, v57, v8  }
0x194: {  	v8 =	vsel vm8, v8, v57;
	v57 =	vsel vm9, v61, v29;
	v29 =	vsel vm9, v29, v61  }
0x195: {  	vm11 =	vge.f32 v62, v56;
	v31 =	vmax.f32 v62, v56;
	v34 =	vmin.f32 v62, v56  }
0x196: {  	vm12 =	vge.f32 v21, v27;
	v58 =	vmax.f32 v21, v27;
	v21 =	vmin.f32 v21, v27  }
0x197: {  	v61 =	vsel vm13, v17, v30;
	v17 =	vsel vm13, v30, v17;
	v24 =	vnsel vm5, $0xFF800000, v24  }
0x198: {  	v36 =	vsel vm11, v63, v57;
	v25 =	vsel vm11, v57, v63;
	v59 =	vsel vm12, v8, v29  }
0x199: {  	v8 =	vsel vm12, v29, v8;
	vm14 =	vge.f32 v58, v26;
	v62 =	vmax.f32 v58, v26  }
0x19a: {  	v26 =	vmin.f32 v58, v26;
	vm15 =	vge.f32 v60, v34;
	v56 =	vmax.f32 v60, v34  }
0x19b: {  	v29 =	vmin.f32 v60, v34;
	vm9 =	vge.f32 v3, v24;
	v3 =	vmax.f32 v3, v24  }
0x19c: {  	v34 =	vnsel vm5, $0xFF800000, v32;
	v63 =	vsel vm14, v59, v22;
	v22 =	vsel vm14, v22, v59  }
0x19d: {  	v57 =	vsel vm15, v61, v25;
	v25 =	vsel vm15, v25, v61;
	vm6 =	vge.f32 v31, v62  }
0x19e: {  	v58 =	vmax.f32 v31, v62;
	v30 =	vmin.f32 v31, v62;
	vm7 =	vge.f32 v56, v26  }
0x19f: {  	v60 =	vmax.f32 v56, v26;
	v26 =	vmin.f32 v56, v26;
	vm8 =	vge.f32 v29, v21  }
0x1a0: {  	v62 =	vmax.f32 v29, v21;
	v21 =	vmin.f32 v29, v21;
	v13 =	vsel vm9, v13, v17  }
0x1a1: {  	v59 =	vsel vm6, v36, v63;
	v33 =	vsel vm6, v63, v36;
	v61 =	vsel vm7, v57, v22  }
0x1a2: {  	v22 =	vsel vm7, v22, v57;
	v63 =	vsel vm8, v25, v8;
	v8 =	vsel vm8, v8, v25  }
0x1a3: {  	v21 =	vnsel vm5, $0xFF800000, v21;
	v25 =	vnsel vm5, $0xFF800000, v26;
	v26 =	vnsel vm5, $0xFF800000, v62  }
0x1a4: {  	v56 =	vnsel vm5, $0xFF800000, v58;
	v57 =	vnsel vm5, $0xFF800000, v60;
	v58 =	vnsel vm5, $0xFF800000, v30  }
0x1a5: {  	vm6 =	vge.f32 v1, v34;
	v1 =	vmax.f32 v1, v34;
	vm10 =	vge.f32 v5, v21  }
0x1a6: {  	v5 =	vmax.f32 v5, v21;
	vm11 =	vge.f32 v16, v26;
	v16 =	vmax.f32 v16, v26  }
0x1a7: {  	vm12 =	vge.f32 v4, v25;
	v4 =	vmax.f32 v4, v25;
	vm13 =	vge.f32 v12, v57  }
0x1a8: {  	v12 =	vmax.f32 v12, v57;
	vm14 =	vge.f32 v10, v58;
	v10 =	vmax.f32 v10, v58  }
0x1a9: {  	vm15 =	vge.f32 v9, v56;
	v9 =	vmax.f32 v9, v56;
	v0 =	vsel vm6, v0, v35  }
0x1aa: {  	v8 =	vsel vm10, v15, v8;
	v14 =	vsel vm11, v14, v63;
	v7 =	vsel vm12, v7, v22  }
0x1ab: {  	v11 =	vsel vm13, v11, v61;
	v2 =	vsel vm14, v2, v33;
	v6 =	vsel vm15, v6, v59  }
0x1ac: {  	vm7 =	vge.f32 v3, v12;
	v59 =	vmax.f32 v3, v12;
	v3 =	vmin.f32 v3, v12  }
0x1ad: {  	vm8 =	vge.f32 v5, v10;
	v61 =	vmax.f32 v5, v10;
	v5 =	vmin.f32 v5, v10  }
0x1ae: {  	vm9 =	vge.f32 v16, v9;
	v63 =	vmax.f32 v16, v9;
	v9 =	vmin.f32 v16, v9  }
0x1af: {  	vm10 =	vge.f32 v4, v1;
	v22 =	vmax.f32 v4, v1;
	v1 =	vmin.f32 v4, v1  }
0x1b0: {  	v60 =	vsel vm7, v13, v11;
	v11 =	vsel vm7, v11, v13;
	v62 =	vsel vm8, v8, v2  }
0x1b1: {  	v2 =	vsel vm8, v2, v8;
	v21 =	vsel vm9, v14, v6;
	v6 =	vsel vm9, v6, v14  }
0x1b2: {  	v24 =	vsel vm10, v7, v0;
	v0 =	vsel vm10, v0, v7;
	vm11 =	vge.f32 v59, v63  }
0x1b3: {  	v25 =	vmax.f32 v59, v63;
	v8 =	vmin.f32 v59, v63;
	vm12 =	vge.f32 v61, v22  }
0x1b4: {  	v27 =	vmax.f32 v61, v22;
	v13 =	vmin.f32 v61, v22;
	vm13 =	vge.f32 v3, v9  }
0x1b5: {  	v29 =	vmax.f32 v3, v9;
	v3 =	vmin.f32 v3, v9;
	vm14 =	vge.f32 v5, v1  }
0x1b6: {  	v31 =	vmax.f32 v5, v1;
	v1 =	vmin.f32 v5, v1;
	v26 =	vsel vm11, v60, v21  }
0x1b7: {  	v34 =	vld [tilespmem:$0x1FE50];
	v12 =	vsel vm11, v21, v60;
	v28 =	vsel vm12, v62, v24;
	v4 =	vsel vm12, v24, v62  }
0x1b8: {  	v36 =	vld [tilespmem:$0x1FE70];
	v30 =	vsel vm13, v11, v6;
	v6 =	vsel vm13, v6, v11;
	v32 =	vsel vm14, v2, v0  }
0x1b9: {  	v35 =	vld [tilespmem:$0x1FE60];
	v0 =	vsel vm14, v0, v2;
	vm15 =	vge.f32 v25, v27;
	v2 =	vmax.f32 v25, v27  }
0x1ba: {  	v33 =	vld [tilespmem:$0x1FE40];
	v7 =	vmin.f32 v25, v27;
	vm6 =	vge.f32 v8, v13;
	v15 =	vmax.f32 v8, v13  }
0x1bb: {  	v8 =	vmin.f32 v8, v13;
	vm7 =	vge.f32 v29, v31;
	v10 =	vmin.f32 v29, v31  }
0x1bc: {  	vm8 =	vge.f32 v3, v1;
	v9 =	vmax.f32 v3, v1;
	v1 =	vmin.f32 v3, v1  }
0x1bd: {  	v62 =	vld [tilespmem:$0x1FEB0];
	v16 =	vsel vm15, v26, v28;
	v14 =	vsel vm15, v28, v26;
	v13 =	vsel vm6, v12, v4  }
0x1be: {  	v58 =	vld [tilespmem:$0x1FEA0];
	v4 =	vsel vm6, v4, v12;
	v12 =	vmax.f32 v29, v31;
	v11 =	vsel vm7, v30, v32  }
0x1bf: {  	v3 =	vsel vm8, v6, v0;
	vm10 =	vge.f32 v35, v36;
	vm9 =	vge.f32 v34, v33  }
0x1c0: {  	v0 =	vsel vm8, v0, v6;
	v25 =	vsel vm10, $0x2B, v40;
	v40 =	vld [tilespmem:$0x1FE90];
	v6 =	vsel vm9, $0x28, v37  }
0x1c1: {  	v17 =	vsel vm9, $0x29, v38;
	v37 =	vmax.f32 v35, v36;
	v38 =	vsel vm10, $0x2A, v39;
	v39 =	vld [tilespmem:$0x1FE80]  }
0x1c2: {  	vm13 =	vge.f32 v62, v37;
	v63 =	vmax.f32 v62, v37;
	v21 =	vmin.f32 v62, v37;
	v37 =	vld [tilespmem:$0x1FEC0]  }
0x1c3: {  	v5 =	vsel vm7, v32, v30;
	v22 =	vmin.f32 v35, v36;
	vm12 =	vge.f32 v58, v23  }
0x1c4: {  	v59 =	vmax.f32 v58, v23;
	v23 =	vmin.f32 v58, v23;
	v60 =	vsel vm12, $0x2E, v43  }
0x1c5: {  	v61 =	vsel vm12, $0x2F, v44;
	v36 =	vsel vm13, v6, v38;
	v6 =	vsel vm13, v38, v6  }
0x1c6: {  	vm11 =	vge.f32 v39, v40;
	v26 =	vmax.f32 v39, v40;
	v27 =	vmin.f32 v39, v40  }
0x1c7: {  	v56 =	vsel vm11, $0x2C, v41;
	v57 =	vsel vm11, $0x2D, v42;
	vm14 =	vge.f32 v37, v22  }
0x1c8: {  	v38 =	vmax.f32 v37, v22;
	v22 =	vmin.f32 v37, v22;
	vm15 =	vge.f32 v26, v59  }
0x1c9: {  	v40 =	vmax.f32 v26, v59;
	v26 =	vmin.f32 v26, v59;
	vm6 =	vge.f32 v27, v23  }
0x1ca: {  	v42 =	vmax.f32 v27, v23;
	v23 =	vmin.f32 v27, v23;
	v39 =	vsel vm14, v17, v25  }
0x1cb: {  	v17 =	vsel vm14, v25, v17;
	v41 =	vsel vm15, v56, v60;
	v28 =	vsel vm15, v60, v56  }
0x1cc: {  	v43 =	vsel vm6, v57, v61;
	v29 =	vsel vm6, v61, v57;
	vm7 =	vge.f32 v38, v21  }
0x1cd: {  	v44 =	vmax.f32 v38, v21;
	v21 =	vmin.f32 v38, v21;
	vm8 =	vge.f32 v42, v26  }
0x1ce: {  	v57 =	vmax.f32 v42, v26;
	v26 =	vmin.f32 v42, v26;
	vm9 =	vge.f32 v63, v40  }
0x1cf: {  	v59 =	vmax.f32 v63, v40;
	v25 =	vmin.f32 v63, v40;
	vm12 =	vge.f32 v22, v23  }
0x1d0: {  	v56 =	vsel vm7, v39, v6;
	v6 =	vsel vm7, v6, v39;
	v58 =	vsel vm8, v43, v28  }
0x1d1: {  	v27 =	vsel vm8, v28, v43;
	v33 =	vsel vm9, v36, v41;
	v30 =	vsel vm9, v41, v36  }
0x1d2: {  	vm10 =	vge.f32 v44, v57;
	v60 =	vmax.f32 v44, v57;
	v32 =	vmin.f32 v44, v57  }
0x1d3: {  	vm11 =	vge.f32 v21, v26;
	v62 =	vmax.f32 v21, v26;
	v21 =	vmin.f32 v21, v26  }
0x1d4: {  	v36 =	vmax.f32 v22, v23;
	v22 =	vmin.f32 v22, v23;
	v37 =	vsel vm12, v17, v29  }
0x1d5: {  	v17 =	vsel vm12, v29, v17;
	v59 =	vnsel vm1, $0xFF800000, v59;
	v61 =	vsel vm10, v56, v58  }
0x1d6: {  	v24 =	vsel vm10, v58, v56;
	v63 =	vsel vm11, v6, v27;
	v6 =	vsel vm11, v27, v6  }
0x1d7: {  	vm13 =	vge.f32 v62, v25;
	v38 =	vmax.f32 v62, v25;
	v25 =	vmin.f32 v62, v25  }
0x1d8: {  	vm14 =	vge.f32 v36, v32;
	v40 =	vmax.f32 v36, v32;
	v27 =	vmin.f32 v36, v32  }
0x1d9: {  	v22 =	vnsel vm1, $0xFF800000, v22;
	v39 =	vsel vm13, v63, v30;
	v26 =	vsel vm13, v30, v63  }
0x1da: {  	v41 =	vsel vm14, v37, v24;
	v23 =	vsel vm14, v24, v37;
	vm15 =	vge.f32 v60, v38  }
0x1db: {  	v42 =	vmax.f32 v60, v38;
	v29 =	vmin.f32 v60, v38;
	vm6 =	vge.f32 v40, v25  }
0x1dc: {  	v44 =	vmax.f32 v40, v25;
	v25 =	vmin.f32 v40, v25;
	vm7 =	vge.f32 v27, v21  }
0x1dd: {  	v57 =	vmax.f32 v27, v21;
	v21 =	vmin.f32 v27, v21;
	vm14 =	vge.f32 v1, v59  }
0x1de: {  	v1 =	vmax.f32 v1, v59;
	v43 =	vsel vm15, v61, v39;
	v31 =	vsel vm15, v39, v61  }
0x1df: {  	v56 =	vsel vm6, v41, v26;
	v26 =	vsel vm6, v26, v41;
	v58 =	vsel vm7, v23, v6  }
0x1e0: {  	v6 =	vsel vm7, v6, v23;
	v24 =	vnsel vm1, $0xFF800000, v42;
	v60 =	vnsel vm1, $0xFF800000, v29  }
0x1e1: {  	v61 =	vnsel vm1, $0xFF800000, v44;
	v25 =	vnsel vm1, $0xFF800000, v25;
	v32 =	vnsel vm1, $0xFF800000, v57  }
0x1e2: {  	v21 =	vnsel vm1, $0xFF800000, v21;
	vm1 =	vge.f32 v2, v22;
	v2 =	vmax.f32 v2, v22  }
0x1e3: {  	v0 =	vsel vm14, v0, v33;
	vm8 =	vge.f32 v7, v21;
	v16 =	vsel vm1, v16, v17  }
0x1e4: {  	v7 =	vmax.f32 v7, v21;
	vm9 =	vge.f32 v15, v32;
	v62 =	vmax.f32 v15, v32  }
0x1e5: {  	vm10 =	vge.f32 v8, v25;
	v8 =	vmax.f32 v8, v25;
	vm11 =	vge.f32 v12, v61  }
0x1e6: {  	v12 =	vmax.f32 v12, v61;
	vm12 =	vge.f32 v10, v60;
	v10 =	vmax.f32 v10, v60  }
0x1e7: {  	vm13 =	vge.f32 v9, v24;
	v9 =	vmax.f32 v9, v24;
	v6 =	vsel vm8, v14, v6  }
0x1e8: {  	v13 =	vsel vm9, v13, v58;
	v4 =	vsel vm10, v4, v26;
	v11 =	vsel vm11, v11, v56  }
0x1e9: {  	v5 =	vsel vm12, v5, v31;
	v3 =	vsel vm13, v3, v43;
	vm15 =	vge.f32 v2, v12  }
0x1ea: {  	v63 =	vmax.f32 v2, v12;
	v2 =	vmin.f32 v2, v12;
	vm4 =	vge.f32 v7, v10  }
0x1eb: {  	v22 =	vmax.f32 v7, v10;
	v7 =	vmin.f32 v7, v10;
	vm5 =	vge.f32 v62, v9  }
0x1ec: {  	v24 =	vmax.f32 v62, v9;
	v9 =	vmin.f32 v62, v9;
	vm6 =	vge.f32 v8, v1  }
0x1ed: {  	v26 =	vmax.f32 v8, v1;
	v1 =	vmin.f32 v8, v1;
	v21 =	vsel vm15, v16, v11  }
0x1ee: {  	v11 =	vsel vm15, v11, v16;
	v23 =	vsel vm4, v6, v5;
	v5 =	vsel vm4, v5, v6  }
0x1ef: {  	v25 =	vsel vm5, v13, v3;
	v3 =	vsel vm5, v3, v13;
	v27 =	vsel vm6, v4, v0  }
0x1f0: {  	v0 =	vsel vm6, v0, v4;
	vm7 =	vge.f32 v63, v24;
	v28 =	vmax.f32 v63, v24  }
0x1f1: {  	v6 =	vmin.f32 v63, v24;
	vm8 =	vge.f32 v22, v26;
	v30 =	vmax.f32 v22, v26  }
0x1f2: {  	v13 =	vmin.f32 v22, v26;
	vm9 =	vge.f32 v2, v9;
	v32 =	vmax.f32 v2, v9  }
0x1f3: {  	v2 =	vmin.f32 v2, v9;
	vm10 =	vge.f32 v7, v1;
	v34 =	vmax.f32 v7, v1  }
0x1f4: {  	v36 =	vld [tilespmem:$0x1FED0];
	v1 =	vmin.f32 v7, v1;
	v29 =	vsel vm7, v21, v25;
	v12 =	vsel vm7, v25, v21  }
0x1f5: {  	v37 =	vld [tilespmem:$0x1FEE0];
	v31 =	vsel vm8, v23, v27;
	v8 =	vsel vm8, v27, v23;
	v33 =	vsel vm9, v11, v3  }
0x1f6: {  	v3 =	vsel vm9, v3, v11;
	v35 =	vsel vm10, v5, v0;
	v0 =	vsel vm10, v0, v5  }
0x1f7: {  	vm11 =	vge.f32 v28, v30;
	v5 =	vmax.f32 v28, v30;
	v4 =	vmin.f32 v28, v30  }
0x1f8: {  	vm12 =	vge.f32 v6, v13;
	v16 =	vmax.f32 v6, v13;
	v6 =	vmin.f32 v6, v13  }
0x1f9: {  	v40 =	vld [tilespmem:$0x1FF00];
	vm13 =	vge.f32 v32, v34;
	v10 =	vmin.f32 v32, v34;
	vm14 =	vge.f32 v2, v1  }
0x1fa: {  	v39 =	vld [tilespmem:$0x1FEF0];
	v9 =	vmax.f32 v2, v1;
	v1 =	vmin.f32 v2, v1;
	vm15 =	vge.f32 v37, v36  }
0x1fb: {  	vm8 =	vge.f32 v18, v19;
	v14 =	vsel vm11, v29, v31;
	v15 =	vsel vm11, v31, v29  }
0x1fc: {  	v57 =	vld [tilespmem:$0x1FF30];
	v13 =	vsel vm12, v12, v8;
	v8 =	vsel vm12, v8, v12;
	v12 =	vmax.f32 v32, v34  }
0x1fd: {  	v44 =	vld [tilespmem:$0x1FF10];
	v11 =	vsel vm13, v33, v35;
	v7 =	vsel vm13, v35, v33;
	v2 =	vsel vm14, v3, v0  }
0x1fe: {  	v0 =	vsel vm14, v0, v3;
	v38 =	vsel vm15, $0x30, v45;
	v17 =	vsel vm15, $0x31, v46;
	v45 =	vld [tilespmem:$0x1FF20]  }
0x1ff: {  	vm6 =	vge.f32 v39, v40;
	v41 =	vmax.f32 v39, v40;
	v22 =	vmin.f32 v39, v40  }
0x200: {  	v42 =	vsel vm6, $0x32, v47;
	v43 =	vsel vm6, $0x33, v48;
	vm9 =	vge.f32 v20, v41  }
0x201: {  	vm10 =	vge.f32 v57, v22;
	v58 =	vmax.f32 v57, v22;
	v22 =	vmin.f32 v57, v22  }
0x202: {  	v56 =	vsel vm9, v38, v42;
	v3 =	vsel vm9, v42, v38;
	v59 =	vsel vm10, v17, v43  }
0x203: {  	v17 =	vsel vm10, v43, v17;
	vm7 =	vge.f32 v44, v45;
	v46 =	vmax.f32 v44, v45  }
0x204: {  	v26 =	vmin.f32 v44, v45;
	v47 =	vsel vm7, $0x34, v49;
	v48 =	vsel vm7, $0x35, v50  }
0x205: {  	v49 =	vmax.f32 v18, v19;
	v18 =	vmin.f32 v18, v19;
	v50 =	vsel vm8, $0x36, v51  }
0x206: {  	v51 =	vsel vm8, $0x37, v52;
	v52 =	vmax.f32 v20, v41;
	v20 =	vmin.f32 v20, v41  }
0x207: {  	vm11 =	vge.f32 v46, v49;
	v60 =	vmax.f32 v46, v49;
	v25 =	vmin.f32 v46, v49  }
0x208: {  	vm12 =	vge.f32 v26, v18;
	v62 =	vmax.f32 v26, v18;
	v18 =	vmin.f32 v26, v18  }
0x209: {  	vm13 =	vge.f32 v58, v20;
	v36 =	vmax.f32 v58, v20;
	v20 =	vmin.f32 v58, v20  }
0x20a: {  	v61 =	vsel vm11, v47, v50;
	v19 =	vsel vm11, v50, v47;
	v63 =	vsel vm12, v48, v51  }
0x20b: {  	v28 =	vsel vm12, v51, v48;
	v37 =	vsel vm13, v59, v3;
	v3 =	vsel vm13, v3, v59  }
0x20c: {  	vm14 =	vge.f32 v62, v25;
	v38 =	vmax.f32 v62, v25;
	v25 =	vmin.f32 v62, v25  }
0x20d: {  	vm15 =	vge.f32 v52, v60;
	v40 =	vmax.f32 v52, v60;
	v24 =	vmin.f32 v52, v60  }
0x20e: {  	vm6 =	vge.f32 v22, v18;
	v46 =	vmax.f32 v22, v18;
	v18 =	vmin.f32 v22, v18  }
0x20f: {  	v39 =	vsel vm14, v63, v19;
	v19 =	vsel vm14, v19, v63;
	v41 =	vsel vm15, v56, v61  }
0x210: {  	v21 =	vsel vm15, v61, v56;
	vm4 =	vge.f32 v36, v38;
	v42 =	vmax.f32 v36, v38  }
0x211: {  	v30 =	vmin.f32 v36, v38;
	vm5 =	vge.f32 v20, v25;
	v44 =	vmax.f32 v20, v25  }
0x212: {  	v20 =	vmin.f32 v20, v25;
	v47 =	vsel vm6, v17, v28;
	v17 =	vsel vm6, v28, v17  }
0x213: {  	v61 =	vnsel vm2, $0xFF800000, v40;
	v18 =	vnsel vm2, $0xFF800000, v18;
	v43 =	vsel vm4, v37, v39  }
0x214: {  	v23 =	vsel vm4, v39, v37;
	v45 =	vsel vm5, v3, v19;
	v3 =	vsel vm5, v19, v3  }
0x215: {  	vm7 =	vge.f32 v44, v24;
	v48 =	vmax.f32 v44, v24;
	v24 =	vmin.f32 v44, v24  }
0x216: {  	vm8 =	vge.f32 v46, v30;
	v50 =	vmax.f32 v46, v30;
	v19 =	vmin.f32 v46, v30  }
0x217: {  	vm12 =	vge.f32 v5, v18;
	v5 =	vmax.f32 v5, v18;
	v49 =	vsel vm7, v45, v21  }
0x218: {  	v21 =	vsel vm7, v21, v45;
	v51 =	vsel vm8, v47, v23;
	v22 =	vsel vm8, v23, v47  }
0x219: {  	vm9 =	vge.f32 v42, v48;
	v52 =	vmax.f32 v42, v48;
	v28 =	vmin.f32 v42, v48  }
0x21a: {  	vm10 =	vge.f32 v50, v24;
	v57 =	vmax.f32 v50, v24;
	v24 =	vmin.f32 v50, v24  }
0x21b: {  	vm11 =	vge.f32 v19, v20;
	v59 =	vmax.f32 v19, v20;
	v19 =	vmin.f32 v19, v20  }
0x21c: {  	v14 =	vsel vm12, v14, v17;
	vm7 =	vge.f32 v1, v61;
	v1 =	vmax.f32 v1, v61  }
0x21d: {  	v56 =	vsel vm9, v43, v49;
	v27 =	vsel vm9, v49, v43;
	v58 =	vsel vm10, v51, v21  }
0x21e: {  	v21 =	vsel vm10, v21, v51;
	v60 =	vsel vm11, v22, v3;
	v3 =	vsel vm11, v3, v22  }
0x21f: {  	v23 =	vnsel vm2, $0xFF800000, v52;
	v62 =	vnsel vm2, $0xFF800000, v28;
	v63 =	vnsel vm2, $0xFF800000, v57  }
0x220: {  	v24 =	vnsel vm2, $0xFF800000, v24;
	v30 =	vnsel vm2, $0xFF800000, v59;
	v19 =	vnsel vm2, $0xFF800000, v19  }
0x221: {  	v0 =	vsel vm7, v0, v41;
	v57 =	vimm.s32 $0x3F;
	v59 =	vimm.s32 $0x3A  }
0x222: {  	vm13 =	vge.f32 v4, v19;
	v4 =	vmax.f32 v4, v19;
	vm14 =	vge.f32 v16, v30  }
0x223: {  	v32 =	vmax.f32 v16, v30;
	vm15 =	vge.f32 v6, v24;
	v6 =	vmax.f32 v6, v24  }
0x224: {  	vm4 =	vge.f32 v12, v63;
	v12 =	vmax.f32 v12, v63;
	vm5 =	vge.f32 v10, v62  }
0x225: {  	v10 =	vmax.f32 v10, v62;
	vm6 =	vge.f32 v9, v23;
	v9 =	vmax.f32 v9, v23  }
0x226: {  	v3 =	vsel vm13, v15, v3;
	v13 =	vsel vm14, v13, v60;
	v8 =	vsel vm15, v8, v21  }
0x227: {  	v11 =	vsel vm4, v11, v58;
	v7 =	vsel vm5, v7, v27;
	v2 =	vsel vm6, v2, v56  }
0x228: {  	vm8 =	vge.f32 v5, v12;
	v33 =	vmax.f32 v5, v12;
	v5 =	vmin.f32 v5, v12  }
0x229: {  	vm9 =	vge.f32 v4, v10;
	v35 =	vmax.f32 v4, v10;
	v4 =	vmin.f32 v4, v10  }
0x22a: {  	vm10 =	vge.f32 v32, v9;
	v37 =	vmax.f32 v32, v9;
	v9 =	vmin.f32 v32, v9  }
0x22b: {  	vm11 =	vge.f32 v6, v1;
	v39 =	vmax.f32 v6, v1;
	v1 =	vmin.f32 v6, v1  }
0x22c: {  	v58 =	vimm.s32 $0x3D;
	v60 =	vimm.s32 $0x3B;
	v34 =	vsel vm8, v14, v11  }
0x22d: {  	v11 =	vsel vm8, v11, v14;
	v36 =	vsel vm9, v3, v7;
	v3 =	vsel vm9, v7, v3  }
0x22e: {  	v38 =	vsel vm10, v13, v2;
	v2 =	vsel vm10, v2, v13;
	v40 =	vsel vm11, v8, v0  }
0x22f: {  	v0 =	vsel vm11, v0, v8;
	vm12 =	vge.f32 v33, v37;
	v41 =	vmax.f32 v33, v37  }
0x230: {  	v7 =	vmin.f32 v33, v37;
	vm13 =	vge.f32 v35, v39;
	v43 =	vmax.f32 v35, v39  }
0x231: {  	v13 =	vmin.f32 v35, v39;
	vm14 =	vge.f32 v5, v9;
	v45 =	vmax.f32 v5, v9  }
0x232: {  	v46 =	vmin.f32 v5, v9;
	vm15 =	vge.f32 v4, v1;
	v48 =	vmax.f32 v4, v1  }
0x233: {  	v49 =	vmin.f32 v4, v1;
	v42 =	vsel vm12, v34, v38;
	v12 =	vsel vm12, v38, v34  }
0x234: {  	v44 =	vsel vm13, v36, v40;
	v6 =	vsel vm13, v40, v36;
	v47 =	vsel vm14, v11, v2  }
0x235: {  	v31 =	vld [tilespmem:$0x1FF80];
	v11 =	vsel vm14, v2, v11;
	v50 =	vsel vm15, v3, v0;
	v51 =	vsel vm15, v0, v3  }
0x236: {  	v61 =	vld [tilespmem:$0x1FF60];
	vm4 =	vge.f32 v41, v43;
	v21 =	vmax.f32 v41, v43;
	v15 =	vmin.f32 v41, v43  }
0x237: {  	v52 =	vld [tilespmem:$0x1FF40];
	vm5 =	vge.f32 v7, v13;
	v14 =	vmax.f32 v7, v13;
	v13 =	vmin.f32 v7, v13  }
0x238: {  	v62 =	vld [tilespmem:$0x1FF70];
	vm6 =	vge.f32 v45, v48;
	v9 =	vmin.f32 v45, v48;
	vm7 =	vge.f32 v46, v49  }
0x239: {  	v56 =	vld [tilespmem:$0x1FF50];
	v10 =	vmax.f32 v46, v49;
	v8 =	vmin.f32 v46, v49;
	v49 =	vimm.s32 $0x0  }
0x23a: {  	v32 =	vld [tilespmem:$0x1FF90];
	v0 =	vsel vm4, v42, v44;
	v1 =	vsel vm4, v44, v42;
	v2 =	vsel vm5, v12, v6  }
0x23b: {  	v3 =	vsel vm5, v6, v12;
	v12 =	vmax.f32 v45, v48;
	v4 =	vsel vm6, v47, v50  }
0x23c: {  	v35 =	vld [tilespmem:$0x1FFB0];
	v5 =	vsel vm6, v50, v47;
	v6 =	vsel vm7, v11, v51;
	v7 =	vsel vm7, v51, v11  }
0x23d: {  	v37 =	vld [tilespmem:$0x1FFC0];
	vm9 =	vge.f32 v61, v62;
	v63 =	vmax.f32 v61, v62;
	v18 =	vmin.f32 v61, v62  }
0x23e: {  	v39 =	vld [tilespmem:$0x1FFD0];
	v61 =	vimm.s32 $0x0;
	vm8 =	vge.f32 v56, v52;
	v19 =	vsel vm9, $0x3A, v60  }
0x23f: {  	v34 =	vld [tilespmem:$0x1FFA0];
	v20 =	vsel vm9, $0x3B, v59;
	vm1 =	vge.f32 v31, v32;
	v33 =	vmax.f32 v31, v32  }
0x240: {  	v23 =	vmin.f32 v31, v32;
	v11 =	vsel vm8, $0x38, v53;
	v16 =	vsel vm8, $0x39, v55  }
0x241: {  	v55 =	vimm.s32 $0x3E;
	v53 =	vimm.s32 $0x3C;
	v24 =	vsel vm1, $0x3C, v58  }
0x242: {  	vm10 =	vge.f32 v37, v63;
	v38 =	vmax.f32 v37, v63;
	v17 =	vmin.f32 v37, v63  }
0x243: {  	vm11 =	vge.f32 v39, v18;
	v40 =	vmax.f32 v39, v18;
	v18 =	vmin.f32 v39, v18  }
0x244: {  	vm2 =	vge.f32 v34, v35;
	v36 =	vmax.f32 v34, v35;
	v26 =	vmin.f32 v34, v35  }
0x245: {  	v29 =	vsel vm10, v11, v19;
	v11 =	vsel vm10, v19, v11;
	v30 =	vsel vm11, v16, v20  }
0x246: {  	v16 =	vsel vm11, v20, v16;
	vm11 =	vge.f32 v40, v17;
	v43 =	vmax.f32 v40, v17  }
0x247: {  	v17 =	vmin.f32 v40, v17;
	v53 =	vsel vm1, $0x3D, v53;
	v27 =	vsel vm2, $0x3E, v57  }
0x248: {  	vm12 =	vge.f32 v33, v36;
	v41 =	vmax.f32 v33, v36;
	v22 =	vmin.f32 v33, v36  }
0x249: {  	v42 =	vmax.f32 v23, v26;
	v63 =	vsel vm2, $0x3F, v55;
	v25 =	vsel vm12, v24, v27  }
0x24a: {  	v24 =	vsel vm12, v27, v24;
	vm12 =	vge.f32 v23, v26;
	v23 =	vmin.f32 v23, v26  }
0x24b: {  	vm9 =	vge.f32 v42, v22;
	v44 =	vmax.f32 v42, v22;
	v22 =	vmin.f32 v42, v22  }
0x24c: {  	vm6 =	vge.f32 v38, v41;
	v45 =	vmax.f32 v38, v41;
	v20 =	vmin.f32 v38, v41  }
0x24d: {  	vm7 =	vge.f32 v43, v44;
	v46 =	vmax.f32 v43, v44;
	v19 =	vmin.f32 v43, v44  }
0x24e: {  	vm3 =	vge.f32 v17, v22;
	v47 =	vmax.f32 v17, v22;
	v17 =	vmin.f32 v17, v22  }
0x24f: {  	vm14 =	vge.f32 v18, v23;
	v48 =	vmax.f32 v18, v23;
	v18 =	vmin.f32 v18, v23  }
0x250: {  	v27 =	vnsel vm0, $0xFF800000, v45;
	vm13 =	vge.f32 v47, v20;
	v50 =	vmax.f32 v47, v20  }
0x251: {  	v20 =	vmin.f32 v47, v20;
	vm8 =	vge.f32 v48, v19;
	v51 =	vmax.f32 v48, v19  }
0x252: {  	v19 =	vmin.f32 v48, v19;
	v18 =	vnsel vm0, $0xFF800000, v18;
	v41 =	vmax.f32 v8, v27  }
0x253: {  	v23 =	vsel vm13, $0xFFFFFFFF, v49;
	vm10 =	vge.f32 v46, v50;
	v52 =	vmax.f32 v46, v50  }
0x254: {  	v56 =	vmax.f32 v51, v20;
	v57 =	vmin.f32 v51, v20;
	v58 =	vmax.f32 v19, v17  }
0x255: {  	v59 =	vmin.f32 v19, v17;
	v34 =	vmax.f32 v21, v18;
	vm13 =	vge.f32 v19, v17  }
0x256: {  	vm15 =	vge.f32 v21, v18;
	[tilespmem:$0x1FFE0] =	vst v23;
	v23 =	vmin.f32 v46, v50;
	v22 =	vnsel vm0, $0xFF800000, v52  }
0x257: {  	v28 =	vnsel vm0, $0xFF800000, v56;
	v31 =	vnsel vm0, $0xFF800000, v57;
	v32 =	vnsel vm0, $0xFF800000, v58  }
0x258: {  	v33 =	vnsel vm0, $0xFF800000, v59;
	v17 =	vsel vm15, $0xFFFFFFFF, v61;
	v56 =	vsel vm12, v53, v63  }
0x259: {  	v57 =	vsel vm11, v30, v11;
	v11 =	vsel vm11, v11, v30;
	v61 =	vsel vm6, v25, v29  }
0x25a: {  	v23 =	vnsel vm0, $0xFF800000, v23;
	v35 =	vmax.f32 v15, v33;
	v36 =	vmax.f32 v14, v32  }
0x25b: {  	v37 =	vmax.f32 v13, v31;
	v38 =	vmax.f32 v12, v28;
	v40 =	vmax.f32 v10, v22  }
0x25c: {  	vm0 =	vge.f32 v51, v20;
	vm15 =	vge.f32 v15, v33;
	vm5 =	vge.f32 v14, v32  }
0x25d: {  	vm4 =	vge.f32 v13, v31;
	v33 =	vsel vm12, v63, v53;
	vm12 =	vge.f32 v12, v28  }
0x25e: {  	v58 =	vsel vm9, v56, v24;
	v39 =	vmax.f32 v9, v23;
	v42 =	vmax.f32 v34, v38  }
0x25f: {  	v44 =	vmax.f32 v36, v40;
	v45 =	vmax.f32 v37, v41;
	v18 =	vmin.f32 v34, v38  }
0x260: {  	v48 =	vmin.f32 v36, v40;
	v49 =	vmin.f32 v37, v41;
	vm11 =	vge.f32 v9, v23  }
0x261: {  	v9 =	vsel vm7, v58, v57;
	vm1 =	vge.f32 v34, v38;
	v28 =	vsel vm14, v16, v33  }
0x262: {  	v16 =	vsel vm14, v33, v16;
	v43 =	vmax.f32 v35, v39;
	v20 =	vmax.f32 v42, v44  }
0x263: {  	v46 =	vmin.f32 v42, v44;
	v19 =	vmin.f32 v35, v39;
	v51 =	vmax.f32 v18, v48  }
0x264: {  	v31 =	vmin.f32 v18, v48;
	vm2 =	vge.f32 v35, v39;
	v26 =	vmax.f32 v43, v45  }
0x265: {  	v30 =	vsel vm8, v28, v9;
	v47 =	vmin.f32 v43, v45;
	v60 =	vadd.f32 v26, v20  }
0x266: {  	[tilespmem:$0x1FFF0] =	vst v17;
	v9 =	vsel vm8, v9, v28;
	v52 =	vmax.f32 v19, v49;
	v17 =	vmax.f32 v46, v47  }
0x267: {  	v32 =	vmin.f32 v19, v49;
	v62 =	vadd.f32 v17, v60;
	v60 =	vsel vm6, v29, v25;
	v29 =	vld [tilespmem:$0x1FFE0]  }
0x268: {  	v50 =	vmin.f32 v46, v47;
	v15 =	vmax.f32 v51, v52;
	v13 =	vmin.f32 v51, v52  }
0x269: {  	v12 =	vmax.f32 v31, v32;
	vm6 =	vge.f32 v8, v27;
	v21 =	vadd.f32 v62, v50  }
0x26a: {  	v23 =	vmin.f32 v31, v32;
	v7 =	vsel vm6, v7, v60;
	v62 =	vsel vm7, v57, v58  }
0x26b: {  	v55 =	vadd.f32 v21, v15;
	v21 =	vsel vm9, v24, v56;
	vm9 =	vge.f32 v10, v22  }
0x26c: {  	v63 =	vsel vm3, v11, v21;
	v11 =	vsel vm3, v21, v11;
	vm14 =	vnez.u8 v29  }
0x26d: {  	vm3 =	vge.f32 v36, v40;
	v14 =	vadd.f32 v55, v13;
	v24 =	vsel vm14, v63, v61  }
0x26e: {  	v10 =	vsel vm14, v61, v63;
	v35 =	vsel vm13, v9, v11;
	v9 =	vsel vm13, v11, v9  }
0x26f: {  	vm14 =	vge.f32 v37, v41;
	v33 =	vsel vm10, v62, v24;
	v14 =	vadd.f32 v14, v12  }
0x270: {  	v36 =	vld [tilespmem:$0x1FFF0];
	v8 =	vsel vm10, v24, v62;
	v34 =	vsel vm0, v30, v10;
	v10 =	vsel vm0, v10, v30  }
0x271: {  	v1 =	vsel vm15, v1, v9;
	v2 =	vsel vm5, v2, v35;
	v59 =	vadd.f32 v14, v23  }
0x272: {  	vm15 =	vge.f32 v42, v44;
	v42 =	vmax.f32 v20, v26;
	vm10 =	vge.f32 v20, v26  }
0x273: {  	v3 =	vsel vm4, v3, v10;
	v4 =	vsel vm12, v4, v34;
	(erf) = vrcp.f32 v59  }
0x274: {  	v5 =	vsel vm11, v5, v8;
	v6 =	vsel vm9, v6, v33;
	vm9 =	vge.f32 v43, v45  }
0x275: {  	vm11 =	vge.f32 v18, v48;
	vm12 =	vge.f32 v46, v47;
	vm13 =	vnez.u8 v36  }
0x276: {  	v40 =	vsel vm2, v1, v5;
	v41 =	vsel vm3, v2, v6;
	v0 =	vsel vm13, v0, v16  }
0x277: {  	v43 =	vsel vm14, v3, v7;
	v1 =	vsel vm2, v5, v1;
	v38 =	vsel vm1, v0, v4  }
0x278: {  	v2 =	vsel vm3, v6, v2;
	v45 =	vsel vm9, v40, v43;
	v44 =	vsel vm15, v38, v41  }
0x279: {  	v3 =	vsel vm14, v7, v3;
	vm14 =	vge.f32 v51, v52;
	v53 =	vsel vm10, v44, v45  }
0x27a: {  	v10 =	vsel vm9, v43, v40;
	v8 =	vsel vm15, v41, v38;
	v55 =	vsel vm10, v45, v44;
	[tilespmem:s15+$0x12000] =	vst v53  }
0x27b: {  	vm13 =	vge.f32 v19, v49;
	v0 =	vsel vm1, v4, v0;
	v11 =	vsel vm12, v8, v10;
	[tilespmem:s15+$0x12080] =	vst v55  }
0x27c: {  	v59 =	vsel vm13, v1, v3;
	v6 =	vsel vm11, v0, v2;
	v57 =	vsel vm12, v10, v8;
	[tilespmem:s15+$0x12100] =	vst v11;
	v39 =	vpop (erf)  }
0x27d: {  	v1 =	vsel vm13, v3, v1;
	v60 =	vsel vm14, v6, v59;
	[tilespmem:s15+$0x12180] =	vst v57;
	v9 =	vmul.f32 $2.500000000e+00, v39  }
0x27e: {  	vm15 =	vge.f32 v31, v32;
	v0 =	vsel vm11, v2, v0;
	v4 =	vsel vm14, v59, v6;
	[tilespmem:s15+$0x12200] =	vst v60  }
0x27f: {  	v20 =	vmin.f32 v20, v26;
	v3 =	vsel vm15, v0, v1;
	[tilespmem:s15+$0x12280] =	vst v4;
	v14 =	vmul.f32 v9, v42  }
0x280: {  	[tilespmem:s15+$0x12300] =	vst v3;
	v20 =	vmul.f32 v9, v20  }
0x281: {  	v17 =	vmul.f32 v9, v17;
	[tilespmem:s15+$0x10000] =	vst v14  }
0x282: {  	v56 =	vmul.f32 v9, v50;
	[tilespmem:s15+$0x10080] =	vst v20  }
0x283: {  	v58 =	vmul.f32 v9, v15;
	[tilespmem:s15+$0x10100] =	vst v17  }
0x284: {  	p0 =	sne.s32 s14, $0x3F0;
	v61 =	vmul.f32 v9, v13;
	[tilespmem:s15+$0x10180] =	vst v56  }
.Ltmp0:
0x285: {  	v62 =	vmul.f32 v9, v12;
	[tilespmem:s15+$0x10200] =	vst v58;
	(pc) =	sbr.rel @p0 .LBB2_2-.Ltmp0, $4  }
0x286: {  	v63 =	vmul.f32 v9, v23;
	[tilespmem:s15+$0x10280] =	vst v61  }
0x287: {  	[tilespmem:s15+$0x10300] =	vst v62  }
0x288: {  	v0 =	vsel vm15, v1, v0;
	[tilespmem:s16+$0x10000] =	vst v63  }
0x289: {  	s13 =	sadd.s32 $0x80, s13;
	s14 =	sadd.s32 $0x10, s14;
	[tilespmem:s16+$0x12000] =	vst v0  }
0x28a: {  	[hbm4b:s4+s2] =	stream.linear.scatter [tilespmem:s10], [sflag:$0x1], $0x2000, $0x38;
	[tilespmem:$0x14000] =	vst v63  }
0x28b: {  	s12 =	sadd.s32 $0x1, s12;
	_ =	swait.ge [sflag:s9], $0x2000  }
0x28c: {  	p0 =	sne.s32 s12, s6;
	[sflag:s9] =	ssyncset.done $0x0  }
.Ltmp1:
0x28d: {  	[sflag:s9] =	ssyncadd.s32 $0xFFFFE000;
	(pc) =	sbr.rel @p0 .LBB2_1-.Ltmp1, $4  }
0x28e: {  	[hbm4b:s5+s2] =	stream.linear.scatter [tilespmem:s11], [sflag:$0x1], $0x2000, $0x38;
	[tilespmem:$0x14000] =	vst v63  }
0x28f: {  	_ =	swait.ge [sflag:s9], $0x2000  }
0x290: {  	[sflag:s9] =	ssyncset.done $0x0  }
0x291: {  	[sflag:s9] =	ssyncadd.s32 $0xFFFFE000  }
0x292: {  	_ =	sfence.sel $0x180000  }
0x293: {  	[bflag:$0x0] =	sbarrier.arrive $0xFFFF  }
0x294: {  	p0 =	sne.s32 s1, $0x0;
	_ =	strace $0x90000047  }
0x295: {  	s0 =	sadd.s32 @!p0 $0x100000, s0;
	[bflag:$0x2] =	sbarrier.arrive $0xFFFF  }
0x296: {  	[sflag:s0] =	ssyncadd.tile.s32 @!p0 $0x1;
	_ =	shalt  }
.Lfunc_end2:
_tile_overlayer_lowered:
.L_overlay_start_2:
0x297: {  	(tag) =	ssettag $0x2  }
0x298: {  	s0 =	rddreg [dreg:$0x0];
	s2 =	stileid.u32  }
0x299: {  	s1 =	rddreg [dreg:$0x1];
	p0 =	sne.s32 s2, $0x0  }
0x29a: {  	s3 =	rddreg [dreg:$0x2];
	[bflag:$0x3] =	sbarrier.arrive $0xFFFF;
	s2 =	simm.s32 @!p0 $0x1C01  }
0x29b: {  	[timem:s3], [sflag:s2] =	dma.local @!p0 [hbm:s0], s1  }
0x29c: {  	s0 =	simm.s32 @!p0 $0x1  }
0x29d: {  	_ =	swait.ge @!p0 [sflag:s0], s1  }
0x29e: {  	s1 =	ssub.s32 @!p0 $0x0, s1;
	[sflag:s0] =	ssyncset.done @!p0 $0x0  }
0x29f: {  	[sflag:s0] =	ssyncadd.s32 @!p0 s1  }
0x2a0: {  	[bflag:$0x3] =	sbarrier.arrive $0xFFFF  }
0x2a1: {  	_ =	shalt  }

</sc_bundles>
